<compile_context>
chip_gen: v7x
topology: tpu7x:2x2x1
jax: 0.10.2.dev20260603
libtpu: 0.0.44.dev20260713+nightly
codegen_flags: <defaults>
</compile_context>

<pallas_src>
import functools

import jax
import jax.numpy as jnp
from jax import lax
from jax.experimental import pallas as pl
from jax.experimental.pallas import tpu as pltpu
from jax.experimental.pallas import tpu_sc as plsc

NP = 10240
EP = 327680
NC = 2
NS = 16
CHUNK = 128
CPT0 = 64
CPT1 = 96
CPTMAX = CPT1
ROWS_PER_TILE = NP // NS
RCH = 160
D = 16
NB = 4

_mesh = plsc.VectorSubcoreMesh(
    core_axis_name="c", subcore_axis_name="s", num_cores=NC, num_subcores=NS
)


@functools.partial(
    pl.kernel,
    out_type=jax.ShapeDtypeStruct((NC, NP, D), jnp.float32),
    mesh=_mesh,
    scratch_types=[
        pltpu.VMEM((CPTMAX, CHUNK), jnp.int32),
        pltpu.VMEM((CHUNK, D), jnp.float32),
        pltpu.VMEM((RCH, D), jnp.float32),
        pltpu.VMEM_SHARED((NP, D), jnp.float32),
        pltpu.SemaphoreType.DMA,
    ],
    compiler_params=pltpu.CompilerParams(use_tc_tiling_on_sc=False),
)
def _deg_kernel(col3_hbm, out_hbm, colv, ones_v, zv, acc, sem):
    cid = lax.axis_index("c")
    sid = lax.axis_index("s")
    wid = cid * NS + sid
    cpt = jnp.where(cid == 0, CPT0, CPT1)

    def obody(i, _):
        ones_v[i, :] = jnp.ones((D,), jnp.float32)
        return 0
    lax.fori_loop(0, CHUNK, obody, 0)

    def zbody(i, _):
        zv[i, :] = jnp.zeros((D,), jnp.float32)
        return 0
    lax.fori_loop(0, RCH, zbody, 0)

    pltpu.sync_copy(col3_hbm.at[wid], colv)
    for ch in range(ROWS_PER_TILE // RCH):
        base = sid * ROWS_PER_TILE + ch * RCH
        pltpu.sync_copy(zv, acc.at[pl.ds(base, RCH)])
    plsc.subcore_barrier()

    def gbody(g, _):
        for b in range(8):
            pltpu.async_copy(ones_v, acc.at[colv.at[g * 8 + b]], sem, add=True)
        for b in range(8):
            pltpu.make_async_copy(ones_v, acc.at[colv.at[g * 8 + b]], sem).wait()
        return 0
    lax.fori_loop(0, cpt // 8, gbody, 0)

    plsc.subcore_barrier()
    for ch in range(ROWS_PER_TILE // RCH):
        base = sid * ROWS_PER_TILE + ch * RCH
        pltpu.sync_copy(acc.at[pl.ds(base, RCH)], out_hbm.at[cid, pl.ds(base, RCH)])


@functools.partial(
    pl.kernel,
    out_type=jax.ShapeDtypeStruct((NC, NP, D), jnp.float32),
    mesh=_mesh,
    scratch_types=[
        pltpu.VMEM((CPTMAX, CHUNK), jnp.int32),
        pltpu.VMEM((CPTMAX, CHUNK), jnp.int32),
        pltpu.VMEM((CHUNK, D), jnp.float32),
        pltpu.VMEM((CHUNK, D), jnp.float32),
        pltpu.VMEM((CHUNK, D), jnp.float32),
        pltpu.VMEM((CHUNK, D), jnp.float32),
        pltpu.VMEM((RCH, D), jnp.float32),
        pltpu.VMEM_SHARED((NP, D), jnp.float32),
        pltpu.SemaphoreType.DMA,
        pltpu.SemaphoreType.DMA,
        pltpu.SemaphoreType.DMA,
        pltpu.SemaphoreType.DMA,
        pltpu.SemaphoreType.DMA,
        pltpu.SemaphoreType.DMA,
        pltpu.SemaphoreType.DMA,
        pltpu.SemaphoreType.DMA,
    ],
    compiler_params=pltpu.CompilerParams(use_tc_tiling_on_sc=False),
)
def _agg_kernel(g_hbm, row3_hbm, col3_hbm, out_hbm,
                rowv, colv, m0, m1, m2, m3, zv, acc,
                sg0, sg1, sg2, sg3, ss0, ss1, ss2, ss3):
    cid = lax.axis_index("c")
    sid = lax.axis_index("s")
    wid = cid * NS + sid
    cpt = jnp.where(cid == 0, CPT0, CPT1)

    msgs = (m0, m1, m2, m3)
    sg = (sg0, sg1, sg2, sg3)
    ss = (ss0, ss1, ss2, ss3)

    pltpu.sync_copy(row3_hbm.at[wid], rowv)
    pltpu.sync_copy(col3_hbm.at[wid], colv)

    def zbody(i, _):
        zv[i, :] = jnp.zeros((D,), jnp.float32)
        return 0
    lax.fori_loop(0, RCH, zbody, 0)
    for ch in range(ROWS_PER_TILE // RCH):
        base = sid * ROWS_PER_TILE + ch * RCH
        pltpu.sync_copy(zv, acc.at[pl.ds(base, RCH)])
    plsc.subcore_barrier()

    def start_gather(j, b):
        pltpu.async_copy(g_hbm.at[rowv.at[j]], msgs[b], sg[b])

    def wait_gather(j, b):
        pltpu.make_async_copy(g_hbm.at[rowv.at[j]], msgs[b], sg[b]).wait()

    def start_scatter(j, b):
        pltpu.async_copy(msgs[b], acc.at[colv.at[j]], ss[b], add=True)

    def wait_scatter(j, b):
        pltpu.make_async_copy(msgs[b], acc.at[colv.at[j]], ss[b]).wait()

    start_gather(0, 0)
    start_gather(1, 1)

    def body(k, _):
        for d in range(NB):
            b = d
            bf = (d + 2) % NB
            j = k * NB + d
            jf = j + 2
            wait_gather(j, b)
            start_scatter(j, b)
            if d < 2:
                @pl.when(k > 0)
                def _():
                    wait_scatter(jf - NB, bf)
                start_gather(jf, bf)
            else:
                @pl.when(k < cpt // NB - 1)
                def _():
                    wait_scatter(jf - NB, bf)
                    start_gather(jf, bf)
        return 0
    lax.fori_loop(0, cpt // NB, body, 0)

    for b in range(NB):
        wait_scatter(cpt - NB + b, b)

    plsc.subcore_barrier()
    for ch in range(ROWS_PER_TILE // RCH):
        base = sid * ROWS_PER_TILE + ch * RCH
        pltpu.sync_copy(acc.at[pl.ds(base, RCH)], out_hbm.at[cid, pl.ds(base, RCH)])



_BLK = 1024
_GRID = NP // _BLK


def _tc_a_body(x_ref, w_ref, d_ref, g_ref, dinv_ref):
    deg = d_ref[0] + d_ref[1] + 1.0
    dinv = lax.rsqrt(deg)
    h = lax.dot_general(x_ref[...], w_ref[...], (((1,), (1,)), ((), ())),
                        preferred_element_type=jnp.float32)
    g_ref[...] = h * dinv
    dinv_ref[...] = dinv


def _tc_a(xp, W1, degp):
    return pl.pallas_call(
        _tc_a_body,
        grid=(_GRID,),
        in_specs=[
            pl.BlockSpec((_BLK, 128), lambda i: (i, 0)),
            pl.BlockSpec((D, 128), lambda i: (0, 0)),
            pl.BlockSpec((NC, _BLK, D), lambda i: (0, i, 0)),
        ],
        out_specs=[
            pl.BlockSpec((_BLK, D), lambda i: (i, 0)),
            pl.BlockSpec((_BLK, D), lambda i: (i, 0)),
        ],
        out_shape=[
            jax.ShapeDtypeStruct((NP, D), jnp.float32),
            jax.ShapeDtypeStruct((NP, D), jnp.float32),
        ],
    )(xp, W1, degp)


def _tc_b_body(p_ref, g1_ref, dinv_ref, b1_ref, w2_ref, g2_ref):
    out1 = (p_ref[0] + p_ref[1] + g1_ref[...]) * dinv_ref[...] + b1_ref[0:1, :]
    h2 = jnp.maximum(out1, 0.0)
    h2w = lax.dot_general(h2, w2_ref[...], (((1,), (1,)), ((), ())),
                          preferred_element_type=jnp.float32)
    g2_ref[...] = h2w * dinv_ref[...]


def _tc_b(p, g1, dinv, b1p, W2p):
    return pl.pallas_call(
        _tc_b_body,
        grid=(_GRID,),
        in_specs=[
            pl.BlockSpec((NC, _BLK, D), lambda i: (0, i, 0)),
            pl.BlockSpec((_BLK, D), lambda i: (i, 0)),
            pl.BlockSpec((_BLK, D), lambda i: (i, 0)),
            pl.BlockSpec((8, D), lambda i: (0, 0)),
            pl.BlockSpec((D, D), lambda i: (0, 0)),
        ],
        out_specs=pl.BlockSpec((_BLK, D), lambda i: (i, 0)),
        out_shape=jax.ShapeDtypeStruct((NP, D), jnp.float32),
    )(p, g1, dinv, b1p, W2p)


def _tc_c_body(q_ref, g2_ref, dinv_ref, b2_ref, out_ref):
    out_ref[...] = (q_ref[0] + q_ref[1] + g2_ref[...]) * dinv_ref[...] + b2_ref[0:1, :]


def _tc_c(q, g2, dinv, b2p):
    return pl.pallas_call(
        _tc_c_body,
        grid=(_GRID,),
        in_specs=[
            pl.BlockSpec((NC, _BLK, D), lambda i: (0, i, 0)),
            pl.BlockSpec((_BLK, D), lambda i: (i, 0)),
            pl.BlockSpec((_BLK, D), lambda i: (i, 0)),
            pl.BlockSpec((8, D), lambda i: (0, 0)),
        ],
        out_specs=pl.BlockSpec((_BLK, D), lambda i: (i, 0)),
        out_shape=jax.ShapeDtypeStruct((NP, D), jnp.float32),
    )(q, g2, dinv, b2p)


def kernel(x, edge_index, W1, b1, W2, b2):
    n, e = x.shape[0], edge_index.shape[1]

    row = edge_index[0].astype(jnp.int32)
    col = edge_index[1].astype(jnp.int32)
    pad_dst = n + jax.lax.rem(jnp.arange(EP, dtype=jnp.int32), jnp.int32(NP - n))
    rowf = jnp.zeros((EP,), jnp.int32).at[:e].set(row)
    colf = pad_dst.at[:e].set(col)
    e0 = NS * CPT0 * CHUNK
    rowp = (jnp.zeros((NC * NS, CPTMAX, CHUNK), jnp.int32)
            .at[:NS, :CPT0].set(rowf[:e0].reshape(NS, CPT0, CHUNK))
            .at[NS:, :].set(rowf[e0:].reshape(NS, CPT1, CHUNK)))
    colp = (jnp.full((NC * NS, CPTMAX, CHUNK), NP - 1, jnp.int32)
            .at[:NS, :CPT0].set(colf[:e0].reshape(NS, CPT0, CHUNK))
            .at[NS:, :].set(colf[e0:].reshape(NS, CPT1, CHUNK)))
    xp = jnp.zeros((NP, 128), jnp.float32).at[:n].set(x)
    W2p = jnp.zeros((D, D), jnp.float32).at[: W2.shape[0]].set(W2)
    b1p = jnp.zeros((8, D), jnp.float32).at[0, :].set(b1)
    b2p = jnp.zeros((8, D), jnp.float32).at[0, : b2.shape[0]].set(b2)

    degp = _deg_kernel(colp)
    g1, dinv = _tc_a(xp, W1, degp)
    p = _agg_kernel(g1, rowp, colp)
    g2 = _tc_b(p, g1, dinv, b1p, W2p)
    q = _agg_kernel(g2, rowp, colp)
    out = _tc_c(q, g2, dinv, b2p)
    return out[:n, : b2.shape[0]]

# --- scband reference (transcript-rebuilt; emitter-appended) ---
"""Pipeline reference for scband-basic-gnn-23330262351896 (READ-ONLY COPY).

The authoritative reference and input builder live on the scoring server;
editing this copy changes nothing except your own understanding.
"""

import jax, jax.numpy as jnp
import numpy as np

N_NODES = 10000
N_EDGES = 320000
D_IN = 128
D_HID = 16
N_CLASSES = 10


def setup_inputs(seed: int = 0) -> dict:
    key = jax.random.key(seed)
    kx, ke, kw1, kb1, kw2, kb2 = jax.random.split(key, 6)
    x = jax.random.normal(kx, (N_NODES, D_IN), dtype=jnp.float32)
    edge_index = jax.random.randint(ke, (2, N_EDGES), 0, N_NODES, dtype=jnp.int64)
    s1 = 1.0 / np.sqrt(D_IN)
    W1 = jax.random.uniform(kw1, (D_HID, D_IN), dtype=jnp.float32, minval=-s1, maxval=s1)
    b1 = jax.random.uniform(kb1, (D_HID,), dtype=jnp.float32, minval=-s1, maxval=s1)
    s2 = 1.0 / np.sqrt(D_HID)
    W2 = jax.random.uniform(kw2, (N_CLASSES, D_HID), dtype=jnp.float32, minval=-s2, maxval=s2)
    b2 = jax.random.uniform(kb2, (N_CLASSES,), dtype=jnp.float32, minval=-s2, maxval=s2)
    return {"x": x, "edge_index": edge_index, "W1": W1, "b1": b1, "W2": W2, "b2": b2}


def _gcn_conv(x, edge_index, W, b, n_nodes):
    # linear transform first (as in PyG GCNConv)
    h = x @ W.T
    row = edge_index[0]
    col = edge_index[1]
    # add self-loops
    loop = jnp.arange(n_nodes, dtype=row.dtype)
    row = jnp.concatenate([row, loop])
    col = jnp.concatenate([col, loop])
    # symmetric normalization D^{-1/2} (A+I) D^{-1/2}
    ones = jnp.ones(row.shape[0], dtype=h.dtype)
    deg = jax.ops.segment_sum(ones, col, num_segments=n_nodes)
    deg_inv_sqrt = jnp.where(deg > 0, jax.lax.rsqrt(deg), 0.0)
    norm = deg_inv_sqrt[row] * deg_inv_sqrt[col]
    # gather source features, scale, scatter-add into destination nodes
    msgs = h[row] * norm[:, None]
    out = jax.ops.segment_sum(msgs, col, num_segments=n_nodes)
    return out + b


def reference(x, edge_index, W1, b1, W2, b2):
    n_nodes = x.shape[0]
    h = _gcn_conv(x, edge_index, W1, b1, n_nodes)
    h = jax.nn.relu(h)
    out = _gcn_conv(h, edge_index, W2, b2, n_nodes)
    return out

if __name__ == "__main__":
    import jax
    _d = setup_inputs()
    print(jax.jit(kernel)(*tuple(_d.values())))

</pallas_src>

<mosaic_0001>
#map = affine_map<(d0, d1) -> (0, 0)>
#map1 = affine_map<(d0, d1) -> (0, 0, 0)>
module attributes {stable_mosaic.version = 14 : i64} {
  func.func @_agg_kernel(%arg0: i32, %arg1: i32, %arg2: memref<10240x16xf32, #tpu.memory_space<hbm>>, %arg3: memref<32x96x128xi32, #tpu.memory_space<hbm>>, %arg4: memref<32x96x128xi32, #tpu.memory_space<hbm>>, %arg5: memref<2x10240x16xf32, #tpu.memory_space<hbm>>, %arg6: memref<96x128xi32, #tpu.memory_space<vmem>>, %arg7: memref<96x128xi32, #tpu.memory_space<vmem>>, %arg8: memref<128x16xf32, #tpu.memory_space<vmem>>, %arg9: memref<128x16xf32, #tpu.memory_space<vmem>>, %arg10: memref<128x16xf32, #tpu.memory_space<vmem>>, %arg11: memref<128x16xf32, #tpu.memory_space<vmem>>, %arg12: memref<160x16xf32, #tpu.memory_space<vmem>>, %arg13: memref<10240x16xf32, #tpu.memory_space<vmem_shared>>, %arg14: memref<!tpu.dma_semaphore, #tpu.memory_space<semaphore_mem>>, %arg15: memref<!tpu.dma_semaphore, #tpu.memory_space<semaphore_mem>>, %arg16: memref<!tpu.dma_semaphore, #tpu.memory_space<semaphore_mem>>, %arg17: memref<!tpu.dma_semaphore, #tpu.memory_space<semaphore_mem>>, %arg18: memref<!tpu.dma_semaphore, #tpu.memory_space<semaphore_mem>>, %arg19: memref<!tpu.dma_semaphore, #tpu.memory_space<semaphore_mem>>, %arg20: memref<!tpu.dma_semaphore, #tpu.memory_space<semaphore_mem>>, %arg21: memref<!tpu.dma_semaphore, #tpu.memory_space<semaphore_mem>>) attributes {dimension_semantics = [#tpu.dimension_semantics<core_parallel>, #tpu.dimension_semantics<subcore_parallel>], iteration_bounds = array<i64: 2, 16>, scalar_prefetch = 0 : i64, scratch_operands = 16 : i64, tpu.core_type = #tpu.core_type<sc_vector_subcore>, window_params = [{transform_indices = #map}, {transform_indices = #map1}, {transform_indices = #map1}, {transform_indices = #map1}]} {
    %mul3A = arith.constant 16 : i32
    %mul3A_0 = arith.muli %arg0, %mul3A : i32
    %add3A = arith.addi %mul3A_0, %arg1 : i32
    %eq3A = arith.constant 0 : i32
    %eq3A_1 = arith.cmpi eq, %arg0, %eq3A : i32
    %jit3A = arith.constant 64 : i32
    %jit3A_2 = arith.constant 96 : i32
    %select_n3A = arith.select %eq3A_1, %jit3A, %jit3A_2 : i32
    "tpu.region"() ({
      %run_scoped3A = tpu.sem_alloc : memref<!tpu.dma_semaphore, #tpu.memory_space<semaphore_mem>>
      %dma_start3A_123 = arith.constant 0 : i32
      %dma_start3A_124 = arith.constant 0 : i32
      %dma_start3A_125 = tpu.memref_slice %arg3[%add3A, %dma_start3A_123, %dma_start3A_124] : memref<32x96x128xi32, #tpu.memory_space<hbm>> -> memref<1x96x128xi32, #tpu.memory_space<hbm>>
      %dma_start3A_126 = tpu.memref_squeeze %dma_start3A_125 : memref<1x96x128xi32, #tpu.memory_space<hbm>> -> memref<96x128xi32, #tpu.memory_space<hbm>>
      %dma_start3A_127 = arith.constant 0 : i32
      %dma_start3A_128 = arith.constant 0 : i32
      %dma_start3A_129 = tpu.memref_slice %arg3[%add3A, %dma_start3A_127, %dma_start3A_128] : memref<32x96x128xi32, #tpu.memory_space<hbm>> -> memref<1x96x128xi32, #tpu.memory_space<hbm>>
      %dma_start3A_130 = tpu.memref_squeeze %dma_start3A_129 : memref<1x96x128xi32, #tpu.memory_space<hbm>> -> memref<96x128xi32, #tpu.memory_space<hbm>>
      tpu.enqueue_dma source(%dma_start3A_130 : memref<96x128xi32, #tpu.memory_space<hbm>>) target(%arg6 : memref<96x128xi32, #tpu.memory_space<vmem>>) target_semaphore(%run_scoped3A : memref<!tpu.dma_semaphore, #tpu.memory_space<semaphore_mem>>)
      %dma_wait3A_131 = arith.constant 0 : i32
      %dma_wait3A_132 = arith.constant 0 : i32
      %dma_wait3A_133 = tpu.memref_slice %arg3[%add3A, %dma_wait3A_131, %dma_wait3A_132] : memref<32x96x128xi32, #tpu.memory_space<hbm>> -> memref<1x96x128xi32, #tpu.memory_space<hbm>>
      %dma_wait3A_134 = tpu.memref_squeeze %dma_wait3A_133 : memref<1x96x128xi32, #tpu.memory_space<hbm>> -> memref<96x128xi32, #tpu.memory_space<hbm>>
      %dma_wait3A_135 = arith.constant 0 : i32
      %dma_wait3A_136 = arith.constant 0 : i32
      %dma_wait3A_137 = tpu.memref_slice %arg3[%add3A, %dma_wait3A_135, %dma_wait3A_136] : memref<32x96x128xi32, #tpu.memory_space<hbm>> -> memref<1x96x128xi32, #tpu.memory_space<hbm>>
      %dma_wait3A_138 = tpu.memref_squeeze %dma_wait3A_137 : memref<1x96x128xi32, #tpu.memory_space<hbm>> -> memref<96x128xi32, #tpu.memory_space<hbm>>
      tpu.wait_dma2 semaphore(%run_scoped3A : memref<!tpu.dma_semaphore, #tpu.memory_space<semaphore_mem>>) src(%dma_wait3A_138 : memref<96x128xi32, #tpu.memory_space<hbm>>) dst(%arg6 : memref<96x128xi32, #tpu.memory_space<vmem>>)
      tpu.yield
    }) : () -> ()
    "tpu.region"() ({
      %run_scoped3A = tpu.sem_alloc : memref<!tpu.dma_semaphore, #tpu.memory_space<semaphore_mem>>
      %dma_start3A_123 = arith.constant 0 : i32
      %dma_start3A_124 = arith.constant 0 : i32
      %dma_start3A_125 = tpu.memref_slice %arg4[%add3A, %dma_start3A_123, %dma_start3A_124] : memref<32x96x128xi32, #tpu.memory_space<hbm>> -> memref<1x96x128xi32, #tpu.memory_space<hbm>>
      %dma_start3A_126 = tpu.memref_squeeze %dma_start3A_125 : memref<1x96x128xi32, #tpu.memory_space<hbm>> -> memref<96x128xi32, #tpu.memory_space<hbm>>
      %dma_start3A_127 = arith.constant 0 : i32
      %dma_start3A_128 = arith.constant 0 : i32
      %dma_start3A_129 = tpu.memref_slice %arg4[%add3A, %dma_start3A_127, %dma_start3A_128] : memref<32x96x128xi32, #tpu.memory_space<hbm>> -> memref<1x96x128xi32, #tpu.memory_space<hbm>>
      %dma_start3A_130 = tpu.memref_squeeze %dma_start3A_129 : memref<1x96x128xi32, #tpu.memory_space<hbm>> -> memref<96x128xi32, #tpu.memory_space<hbm>>
      tpu.enqueue_dma source(%dma_start3A_130 : memref<96x128xi32, #tpu.memory_space<hbm>>) target(%arg7 : memref<96x128xi32, #tpu.memory_space<vmem>>) target_semaphore(%run_scoped3A : memref<!tpu.dma_semaphore, #tpu.memory_space<semaphore_mem>>)
      %dma_wait3A_131 = arith.constant 0 : i32
      %dma_wait3A_132 = arith.constant 0 : i32
      %dma_wait3A_133 = tpu.memref_slice %arg4[%add3A, %dma_wait3A_131, %dma_wait3A_132] : memref<32x96x128xi32, #tpu.memory_space<hbm>> -> memref<1x96x128xi32, #tpu.memory_space<hbm>>
      %dma_wait3A_134 = tpu.memref_squeeze %dma_wait3A_133 : memref<1x96x128xi32, #tpu.memory_space<hbm>> -> memref<96x128xi32, #tpu.memory_space<hbm>>
      %dma_wait3A_135 = arith.constant 0 : i32
      %dma_wait3A_136 = arith.constant 0 : i32
      %dma_wait3A_137 = tpu.memref_slice %arg4[%add3A, %dma_wait3A_135, %dma_wait3A_136] : memref<32x96x128xi32, #tpu.memory_space<hbm>> -> memref<1x96x128xi32, #tpu.memory_space<hbm>>
      %dma_wait3A_138 = tpu.memref_squeeze %dma_wait3A_137 : memref<1x96x128xi32, #tpu.memory_space<hbm>> -> memref<96x128xi32, #tpu.memory_space<hbm>>
      tpu.wait_dma2 semaphore(%run_scoped3A : memref<!tpu.dma_semaphore, #tpu.memory_space<semaphore_mem>>) src(%dma_wait3A_138 : memref<96x128xi32, #tpu.memory_space<hbm>>) dst(%arg7 : memref<96x128xi32, #tpu.memory_space<vmem>>)
      tpu.yield
    }) : () -> ()
    %scan3A = arith.constant 0 : i32
    %scan3A_3 = arith.constant 0 : i32
    %scan3A_4 = arith.constant 160 : i32
    %scan3A_5 = arith.addi %scan3A_3, %scan3A_4 : i32
    %scan3A_6 = arith.constant 1 : i32
    %scan3A_7 = scf.for %scan3A_123 = %scan3A_3 to %scan3A_5 step %scan3A_6 iter_args(%scan3A_124 = %scan3A) -> (i32)  : i32 {
      %broadcast_in_dim3A = arith.constant 0.000000e+00 : f32
      %broadcast_in_dim3A_125 = vector.broadcast %broadcast_in_dim3A : f32 to vector<16xf32>
      %swap3A = arith.index_cast %scan3A_123 : i32 to index
      %swap3A_126 = arith.constant 0 : index
      %swap3A_127 = tpu.vector_load %arg12[%swap3A, %swap3A_126] {strides = array<i32>} : memref<160x16xf32, #tpu.memory_space<vmem>>, vector<1x16xf32>,
      %swap3A_128 = vector.shape_cast %swap3A_127 : vector<1x16xf32> to vector<16xf32>
      %swap3A_129 = vector.shape_cast %broadcast_in_dim3A_125 : vector<16xf32> to vector<1x16xf32>
      tpu.vector_store %arg12[%swap3A, %swap3A_126], %swap3A_129 {strides = array<i32>} : memref<160x16xf32, #tpu.memory_space<vmem>>, vector<1x16xf32>,
      %scan3A_130 = arith.constant 0 : i32
      scf.yield %scan3A_130 : i32
    }
    %scan3A_8 = arith.constant 160 : i32
    %mul3A_9 = arith.constant 640 : i32
    %mul3A_10 = arith.muli %arg1, %mul3A_9 : i32
    %add3A_11 = arith.constant 0 : i32
    %add3A_12 = arith.addi %mul3A_10, %add3A_11 : i32
    "tpu.region"() ({
      %run_scoped3A = tpu.sem_alloc : memref<!tpu.dma_semaphore, #tpu.memory_space<semaphore_mem>>
      %dma_start3A_123 = arith.constant 0 : i32
      %dma_start3A_124 = tpu.memref_slice %arg13[%add3A_12, %dma_start3A_123] : memref<10240x16xf32, #tpu.memory_space<vmem_shared>> -> memref<160x16xf32, #tpu.memory_space<vmem_shared>>
      %dma_start3A_125 = arith.constant 0 : i32
      %dma_start3A_126 = tpu.memref_slice %arg13[%add3A_12, %dma_start3A_125] : memref<10240x16xf32, #tpu.memory_space<vmem_shared>> -> memref<160x16xf32, #tpu.memory_space<vmem_shared>>
      tpu.enqueue_dma source(%arg12 : memref<160x16xf32, #tpu.memory_space<vmem>>) target(%dma_start3A_126 : memref<160x16xf32, #tpu.memory_space<vmem_shared>>) target_semaphore(%run_scoped3A : memref<!tpu.dma_semaphore, #tpu.memory_space<semaphore_mem>>)
      %dma_wait3A_127 = arith.constant 0 : i32
      %dma_wait3A_128 = tpu.memref_slice %arg13[%add3A_12, %dma_wait3A_127] : memref<10240x16xf32, #tpu.memory_space<vmem_shared>> -> memref<160x16xf32, #tpu.memory_space<vmem_shared>>
      %dma_wait3A_129 = arith.constant 0 : i32
      %dma_wait3A_130 = tpu.memref_slice %arg13[%add3A_12, %dma_wait3A_129] : memref<10240x16xf32, #tpu.memory_space<vmem_shared>> -> memref<160x16xf32, #tpu.memory_space<vmem_shared>>
      tpu.wait_dma2 semaphore(%run_scoped3A : memref<!tpu.dma_semaphore, #tpu.memory_space<semaphore_mem>>) src(%arg12 : memref<160x16xf32, #tpu.memory_space<vmem>>) dst(%dma_wait3A_130 : memref<160x16xf32, #tpu.memory_space<vmem_shared>>)
      tpu.yield
    }) : () -> ()
    %mul3A_13 = arith.constant 640 : i32
    %mul3A_14 = arith.muli %arg1, %mul3A_13 : i32
    %add3A_15 = arith.constant 160 : i32
    %add3A_16 = arith.addi %mul3A_14, %add3A_15 : i32
    "tpu.region"() ({
      %run_scoped3A = tpu.sem_alloc : memref<!tpu.dma_semaphore, #tpu.memory_space<semaphore_mem>>
      %dma_start3A_123 = arith.constant 0 : i32
      %dma_start3A_124 = tpu.memref_slice %arg13[%add3A_16, %dma_start3A_123] : memref<10240x16xf32, #tpu.memory_space<vmem_shared>> -> memref<160x16xf32, #tpu.memory_space<vmem_shared>>
      %dma_start3A_125 = arith.constant 0 : i32
      %dma_start3A_126 = tpu.memref_slice %arg13[%add3A_16, %dma_start3A_125] : memref<10240x16xf32, #tpu.memory_space<vmem_shared>> -> memref<160x16xf32, #tpu.memory_space<vmem_shared>>
      tpu.enqueue_dma source(%arg12 : memref<160x16xf32, #tpu.memory_space<vmem>>) target(%dma_start3A_126 : memref<160x16xf32, #tpu.memory_space<vmem_shared>>) target_semaphore(%run_scoped3A : memref<!tpu.dma_semaphore, #tpu.memory_space<semaphore_mem>>)
      %dma_wait3A_127 = arith.constant 0 : i32
      %dma_wait3A_128 = tpu.memref_slice %arg13[%add3A_16, %dma_wait3A_127] : memref<10240x16xf32, #tpu.memory_space<vmem_shared>> -> memref<160x16xf32, #tpu.memory_space<vmem_shared>>
      %dma_wait3A_129 = arith.constant 0 : i32
      %dma_wait3A_130 = tpu.memref_slice %arg13[%add3A_16, %dma_wait3A_129] : memref<10240x16xf32, #tpu.memory_space<vmem_shared>> -> memref<160x16xf32, #tpu.memory_space<vmem_shared>>
      tpu.wait_dma2 semaphore(%run_scoped3A : memref<!tpu.dma_semaphore, #tpu.memory_space<semaphore_mem>>) src(%arg12 : memref<160x16xf32, #tpu.memory_space<vmem>>) dst(%dma_wait3A_130 : memref<160x16xf32, #tpu.memory_space<vmem_shared>>)
      tpu.yield
    }) : () -> ()
    %mul3A_17 = arith.constant 640 : i32
    %mul3A_18 = arith.muli %arg1, %mul3A_17 : i32
    %add3A_19 = arith.constant 320 : i32
    %add3A_20 = arith.addi %mul3A_18, %add3A_19 : i32
    "tpu.region"() ({
      %run_scoped3A = tpu.sem_alloc : memref<!tpu.dma_semaphore, #tpu.memory_space<semaphore_mem>>
      %dma_start3A_123 = arith.constant 0 : i32
      %dma_start3A_124 = tpu.memref_slice %arg13[%add3A_20, %dma_start3A_123] : memref<10240x16xf32, #tpu.memory_space<vmem_shared>> -> memref<160x16xf32, #tpu.memory_space<vmem_shared>>
      %dma_start3A_125 = arith.constant 0 : i32
      %dma_start3A_126 = tpu.memref_slice %arg13[%add3A_20, %dma_start3A_125] : memref<10240x16xf32, #tpu.memory_space<vmem_shared>> -> memref<160x16xf32, #tpu.memory_space<vmem_shared>>
      tpu.enqueue_dma source(%arg12 : memref<160x16xf32, #tpu.memory_space<vmem>>) target(%dma_start3A_126 : memref<160x16xf32, #tpu.memory_space<vmem_shared>>) target_semaphore(%run_scoped3A : memref<!tpu.dma_semaphore, #tpu.memory_space<semaphore_mem>>)
      %dma_wait3A_127 = arith.constant 0 : i32
      %dma_wait3A_128 = tpu.memref_slice %arg13[%add3A_20, %dma_wait3A_127] : memref<10240x16xf32, #tpu.memory_space<vmem_shared>> -> memref<160x16xf32, #tpu.memory_space<vmem_shared>>
      %dma_wait3A_129 = arith.constant 0 : i32
      %dma_wait3A_130 = tpu.memref_slice %arg13[%add3A_20, %dma_wait3A_129] : memref<10240x16xf32, #tpu.memory_space<vmem_shared>> -> memref<160x16xf32, #tpu.memory_space<vmem_shared>>
      tpu.wait_dma2 semaphore(%run_scoped3A : memref<!tpu.dma_semaphore, #tpu.memory_space<semaphore_mem>>) src(%arg12 : memref<160x16xf32, #tpu.memory_space<vmem>>) dst(%dma_wait3A_130 : memref<160x16xf32, #tpu.memory_space<vmem_shared>>)
      tpu.yield
    }) : () -> ()
    %mul3A_21 = arith.constant 640 : i32
    %mul3A_22 = arith.muli %arg1, %mul3A_21 : i32
    %add3A_23 = arith.constant 480 : i32
    %add3A_24 = arith.addi %mul3A_22, %add3A_23 : i32
    "tpu.region"() ({
      %run_scoped3A = tpu.sem_alloc : memref<!tpu.dma_semaphore, #tpu.memory_space<semaphore_mem>>
      %dma_start3A_123 = arith.constant 0 : i32
      %dma_start3A_124 = tpu.memref_slice %arg13[%add3A_24, %dma_start3A_123] : memref<10240x16xf32, #tpu.memory_space<vmem_shared>> -> memref<160x16xf32, #tpu.memory_space<vmem_shared>>
      %dma_start3A_125 = arith.constant 0 : i32
      %dma_start3A_126 = tpu.memref_slice %arg13[%add3A_24, %dma_start3A_125] : memref<10240x16xf32, #tpu.memory_space<vmem_shared>> -> memref<160x16xf32, #tpu.memory_space<vmem_shared>>
      tpu.enqueue_dma source(%arg12 : memref<160x16xf32, #tpu.memory_space<vmem>>) target(%dma_start3A_126 : memref<160x16xf32, #tpu.memory_space<vmem_shared>>) target_semaphore(%run_scoped3A : memref<!tpu.dma_semaphore, #tpu.memory_space<semaphore_mem>>)
      %dma_wait3A_127 = arith.constant 0 : i32
      %dma_wait3A_128 = tpu.memref_slice %arg13[%add3A_24, %dma_wait3A_127] : memref<10240x16xf32, #tpu.memory_space<vmem_shared>> -> memref<160x16xf32, #tpu.memory_space<vmem_shared>>
      %dma_wait3A_129 = arith.constant 0 : i32
      %dma_wait3A_130 = tpu.memref_slice %arg13[%add3A_24, %dma_wait3A_129] : memref<10240x16xf32, #tpu.memory_space<vmem_shared>> -> memref<160x16xf32, #tpu.memory_space<vmem_shared>>
      tpu.wait_dma2 semaphore(%run_scoped3A : memref<!tpu.dma_semaphore, #tpu.memory_space<semaphore_mem>>) src(%arg12 : memref<160x16xf32, #tpu.memory_space<vmem>>) dst(%dma_wait3A_130 : memref<160x16xf32, #tpu.memory_space<vmem_shared>>)
      tpu.yield
    }) : () -> ()
    %barrier3A = arith.constant 0 : index
    tpu.barrier barrier_id(%barrier3A)
    %dma_start3A = arith.constant 0 : i32
    %dma_start3A_25 = arith.constant 0 : i32
    %dma_start3A_26 = tpu.memref_slice %arg6[%dma_start3A, %dma_start3A_25] : memref<96x128xi32, #tpu.memory_space<vmem>> -> memref<1x128xi32, #tpu.memory_space<vmem>>
    %dma_start3A_27 = tpu.memref_squeeze %dma_start3A_26 : memref<1x128xi32, #tpu.memory_space<vmem>> -> memref<128xi32, #tpu.memory_space<vmem>>
    %dma_start3A_28 = arith.constant 0 : i32
    %dma_start3A_29 = arith.constant 0 : i32
    %dma_start3A_30 = tpu.memref_slice %arg2[%dma_start3A_28, %dma_start3A_29] : memref<10240x16xf32, #tpu.memory_space<hbm>> -> memref<10240x16xf32, #tpu.memory_space<hbm>>
    tpu.enqueue_indirect_dma source(%dma_start3A_30 : memref<10240x16xf32, #tpu.memory_space<hbm>>) target(%arg8 : memref<128x16xf32, #tpu.memory_space<vmem>>) offsets(%dma_start3A_27 : memref<128xi32, #tpu.memory_space<vmem>>) semaphore(%arg14 : memref<!tpu.dma_semaphore, #tpu.memory_space<semaphore_mem>>)
    %dma_start3A_31 = arith.constant 1 : i32
    %dma_start3A_32 = arith.constant 0 : i32
    %dma_start3A_33 = tpu.memref_slice %arg6[%dma_start3A_31, %dma_start3A_32] : memref<96x128xi32, #tpu.memory_space<vmem>> -> memref<1x128xi32, #tpu.memory_space<vmem>>
    %dma_start3A_34 = tpu.memref_squeeze %dma_start3A_33 : memref<1x128xi32, #tpu.memory_space<vmem>> -> memref<128xi32, #tpu.memory_space<vmem>>
    %dma_start3A_35 = arith.constant 0 : i32
    %dma_start3A_36 = arith.constant 0 : i32
    %dma_start3A_37 = tpu.memref_slice %arg2[%dma_start3A_35, %dma_start3A_36] : memref<10240x16xf32, #tpu.memory_space<hbm>> -> memref<10240x16xf32, #tpu.memory_space<hbm>>
    tpu.enqueue_indirect_dma source(%dma_start3A_37 : memref<10240x16xf32, #tpu.memory_space<hbm>>) target(%arg9 : memref<128x16xf32, #tpu.memory_space<vmem>>) offsets(%dma_start3A_34 : memref<128xi32, #tpu.memory_space<vmem>>) semaphore(%arg15 : memref<!tpu.dma_semaphore, #tpu.memory_space<semaphore_mem>>)
    %jit3A_38 = arith.constant 4 : i32
    %div3A = arith.divsi %select_n3A, %jit3A_38 : i32
    %sign3A = arith.constant 0 : i32
    %sign3A_39 = arith.cmpi sgt, %select_n3A, %sign3A : i32
    %sign3A_40 = arith.extui %sign3A_39 : i1 to i32
    %sign3A_41 = arith.constant 0 : i32
    %sign3A_42 = arith.cmpi slt, %select_n3A, %sign3A_41 : i32
    %sign3A_43 = arith.extui %sign3A_42 : i1 to i32
    %sign3A_44 = arith.subi %sign3A_40, %sign3A_43 : i32
    %sign3A_45 = arith.constant 0 : i32
    %sign3A_46 = arith.cmpi sgt, %jit3A_38, %sign3A_45 : i32
    %sign3A_47 = arith.extui %sign3A_46 : i1 to i32
    %sign3A_48 = arith.constant 0 : i32
    %sign3A_49 = arith.cmpi slt, %jit3A_38, %sign3A_48 : i32
    %sign3A_50 = arith.extui %sign3A_49 : i1 to i32
    %sign3A_51 = arith.subi %sign3A_47, %sign3A_50 : i32
    %ne3A = arith.cmpi ne, %sign3A_44, %sign3A_51 : i32
    %rem3A = arith.remsi %select_n3A, %jit3A_38 : i32
    %ne3A_52 = arith.constant 0 : i32
    %ne3A_53 = arith.cmpi ne, %rem3A, %ne3A_52 : i32
    %and3A = arith.andi %ne3A, %ne3A_53 : i1
    %sub3A = arith.constant 1 : i32
    %sub3A_54 = arith.subi %div3A, %sub3A : i32
    %select_n3A_55 = arith.select %and3A, %sub3A_54, %div3A : i32
    %while3A = arith.constant 0 : i32
    %while3A_56 = arith.constant 0 : i32
    %while3A_57 = arith.subi %select_n3A_55, %while3A : i32
    %while3A_58 = arith.addi %while3A, %while3A_57 : i32
    %while3A_59 = arith.constant 1 : i32
    %while3A_60 = arith.divsi %while3A_57, %while3A_59 : i32
    %while3A_61 = arith.muli %while3A_60, %while3A_59 : i32
    %while3A_62 = arith.addi %while3A, %while3A_61 : i32
    %while3A_63 = arith.constant 1 : i32
    %while3A_64 = scf.for %while3A_123 = %while3A to %while3A_62 step %while3A_63 iter_args(%while3A_124 = %while3A_56) -> (i32)  : i32 {
      %mul3A_125 = arith.constant 4 : i32
      %mul3A_126 = arith.muli %while3A_123, %mul3A_125 : i32
      %add3A_127 = arith.constant 0 : i32
      %add3A_128 = arith.addi %mul3A_126, %add3A_127 : i32
      %add3A_129 = arith.constant 2 : i32
      %add3A_130 = arith.addi %add3A_128, %add3A_129 : i32
      %dma_wait3A_131 = arith.constant 0 : i32
      %dma_wait3A_132 = tpu.memref_slice %arg6[%add3A_128, %dma_wait3A_131] : memref<96x128xi32, #tpu.memory_space<vmem>> -> memref<1x128xi32, #tpu.memory_space<vmem>>
      %dma_wait3A_133 = tpu.memref_squeeze %dma_wait3A_132 : memref<1x128xi32, #tpu.memory_space<vmem>> -> memref<128xi32, #tpu.memory_space<vmem>>
      %dma_wait3A_134 = arith.constant 0 : i32
      %dma_wait3A_135 = arith.constant 0 : i32
      %dma_wait3A_136 = tpu.memref_slice %arg2[%dma_wait3A_134, %dma_wait3A_135] : memref<10240x16xf32, #tpu.memory_space<hbm>> -> memref<10240x16xf32, #tpu.memory_space<hbm>>
      tpu.wait_indirect_dma semaphore(%arg14 : memref<!tpu.dma_semaphore, #tpu.memory_space<semaphore_mem>>) src(%dma_wait3A_136 : memref<10240x16xf32, #tpu.memory_space<hbm>>) dst(%arg8 : memref<128x16xf32, #tpu.memory_space<vmem>>)
      %dma_start3A_137 = arith.constant 0 : i32
      %dma_start3A_138 = tpu.memref_slice %arg7[%add3A_128, %dma_start3A_137] : memref<96x128xi32, #tpu.memory_space<vmem>> -> memref<1x128xi32, #tpu.memory_space<vmem>>
      %dma_start3A_139 = tpu.memref_squeeze %dma_start3A_138 : memref<1x128xi32, #tpu.memory_space<vmem>> -> memref<128xi32, #tpu.memory_space<vmem>>
      %dma_start3A_140 = arith.constant 0 : i32
      %dma_start3A_141 = arith.constant 0 : i32
      %dma_start3A_142 = tpu.memref_slice %arg13[%dma_start3A_140, %dma_start3A_141] : memref<10240x16xf32, #tpu.memory_space<vmem_shared>> -> memref<10240x16xf32, #tpu.memory_space<vmem_shared>>
      tpu.enqueue_indirect_dma source(%arg8 : memref<128x16xf32, #tpu.memory_space<vmem>>) target(%dma_start3A_142 : memref<10240x16xf32, #tpu.memory_space<vmem_shared>>) offsets(%dma_start3A_139 : memref<128xi32, #tpu.memory_space<vmem>>) semaphore(%arg18 : memref<!tpu.dma_semaphore, #tpu.memory_space<semaphore_mem>>) {add = true}
      %gt3A = arith.constant 0 : i32
      %gt3A_143 = arith.cmpi sgt, %while3A_123, %gt3A : i32
      %convert_element_type3A = arith.extui %gt3A_143 : i1 to i32
      %cond3A = arith.constant 0 : i32
      %cond3A_144 = arith.cmpi ne, %convert_element_type3A, %cond3A : i32
      scf.if %cond3A_144 {
        %sub3A_276 = arith.constant 4 : i32
        %sub3A_277 = arith.subi %add3A_130, %sub3A_276 : i32
        %dma_wait3A_278 = arith.constant 0 : i32
        %dma_wait3A_279 = tpu.memref_slice %arg7[%sub3A_277, %dma_wait3A_278] : memref<96x128xi32, #tpu.memory_space<vmem>> -> memref<1x128xi32, #tpu.memory_space<vmem>>
        %dma_wait3A_280 = tpu.memref_squeeze %dma_wait3A_279 : memref<1x128xi32, #tpu.memory_space<vmem>> -> memref<128xi32, #tpu.memory_space<vmem>>
        %dma_wait3A_281 = arith.constant 0 : i32
        %dma_wait3A_282 = arith.constant 0 : i32
        %dma_wait3A_283 = tpu.memref_slice %arg13[%dma_wait3A_281, %dma_wait3A_282] : memref<10240x16xf32, #tpu.memory_space<vmem_shared>> -> memref<10240x16xf32, #tpu.memory_space<vmem_shared>>
        tpu.wait_indirect_dma semaphore(%arg20 : memref<!tpu.dma_semaphore, #tpu.memory_space<semaphore_mem>>) src(%arg10 : memref<128x16xf32, #tpu.memory_space<vmem>>) dst(%dma_wait3A_283 : memref<10240x16xf32, #tpu.memory_space<vmem_shared>>)
      } else {
      }
      %dma_start3A_145 = arith.constant 0 : i32
      %dma_start3A_146 = tpu.memref_slice %arg6[%add3A_130, %dma_start3A_145] : memref<96x128xi32, #tpu.memory_space<vmem>> -> memref<1x128xi32, #tpu.memory_space<vmem>>
      %dma_start3A_147 = tpu.memref_squeeze %dma_start3A_146 : memref<1x128xi32, #tpu.memory_space<vmem>> -> memref<128xi32, #tpu.memory_space<vmem>>
      %dma_start3A_148 = arith.constant 0 : i32
      %dma_start3A_149 = arith.constant 0 : i32
      %dma_start3A_150 = tpu.memref_slice %arg2[%dma_start3A_148, %dma_start3A_149] : memref<10240x16xf32, #tpu.memory_space<hbm>> -> memref<10240x16xf32, #tpu.memory_space<hbm>>
      tpu.enqueue_indirect_dma source(%dma_start3A_150 : memref<10240x16xf32, #tpu.memory_space<hbm>>) target(%arg10 : memref<128x16xf32, #tpu.memory_space<vmem>>) offsets(%dma_start3A_147 : memref<128xi32, #tpu.memory_space<vmem>>) semaphore(%arg16 : memref<!tpu.dma_semaphore, #tpu.memory_space<semaphore_mem>>)
      %mul3A_151 = arith.constant 4 : i32
      %mul3A_152 = arith.muli %while3A_123, %mul3A_151 : i32
      %add3A_153 = arith.constant 1 : i32
      %add3A_154 = arith.addi %mul3A_152, %add3A_153 : i32
      %add3A_155 = arith.constant 2 : i32
      %add3A_156 = arith.addi %add3A_154, %add3A_155 : i32
      %dma_wait3A_157 = arith.constant 0 : i32
      %dma_wait3A_158 = tpu.memref_slice %arg6[%add3A_154, %dma_wait3A_157] : memref<96x128xi32, #tpu.memory_space<vmem>> -> memref<1x128xi32, #tpu.memory_space<vmem>>
      %dma_wait3A_159 = tpu.memref_squeeze %dma_wait3A_158 : memref<1x128xi32, #tpu.memory_space<vmem>> -> memref<128xi32, #tpu.memory_space<vmem>>
      %dma_wait3A_160 = arith.constant 0 : i32
      %dma_wait3A_161 = arith.constant 0 : i32
      %dma_wait3A_162 = tpu.memref_slice %arg2[%dma_wait3A_160, %dma_wait3A_161] : memref<10240x16xf32, #tpu.memory_space<hbm>> -> memref<10240x16xf32, #tpu.memory_space<hbm>>
      tpu.wait_indirect_dma semaphore(%arg15 : memref<!tpu.dma_semaphore, #tpu.memory_space<semaphore_mem>>) src(%dma_wait3A_162 : memref<10240x16xf32, #tpu.memory_space<hbm>>) dst(%arg9 : memref<128x16xf32, #tpu.memory_space<vmem>>)
      %dma_start3A_163 = arith.constant 0 : i32
      %dma_start3A_164 = tpu.memref_slice %arg7[%add3A_154, %dma_start3A_163] : memref<96x128xi32, #tpu.memory_space<vmem>> -> memref<1x128xi32, #tpu.memory_space<vmem>>
      %dma_start3A_165 = tpu.memref_squeeze %dma_start3A_164 : memref<1x128xi32, #tpu.memory_space<vmem>> -> memref<128xi32, #tpu.memory_space<vmem>>
      %dma_start3A_166 = arith.constant 0 : i32
      %dma_start3A_167 = arith.constant 0 : i32
      %dma_start3A_168 = tpu.memref_slice %arg13[%dma_start3A_166, %dma_start3A_167] : memref<10240x16xf32, #tpu.memory_space<vmem_shared>> -> memref<10240x16xf32, #tpu.memory_space<vmem_shared>>
      tpu.enqueue_indirect_dma source(%arg9 : memref<128x16xf32, #tpu.memory_space<vmem>>) target(%dma_start3A_168 : memref<10240x16xf32, #tpu.memory_space<vmem_shared>>) offsets(%dma_start3A_165 : memref<128xi32, #tpu.memory_space<vmem>>) semaphore(%arg19 : memref<!tpu.dma_semaphore, #tpu.memory_space<semaphore_mem>>) {add = true}
      %gt3A_169 = arith.constant 0 : i32
      %gt3A_170 = arith.cmpi sgt, %while3A_123, %gt3A_169 : i32
      %convert_element_type3A_171 = arith.extui %gt3A_170 : i1 to i32
      %cond3A_172 = arith.constant 0 : i32
      %cond3A_173 = arith.cmpi ne, %convert_element_type3A_171, %cond3A_172 : i32
      scf.if %cond3A_173 {
        %sub3A_276 = arith.constant 4 : i32
        %sub3A_277 = arith.subi %add3A_156, %sub3A_276 : i32
        %dma_wait3A_278 = arith.constant 0 : i32
        %dma_wait3A_279 = tpu.memref_slice %arg7[%sub3A_277, %dma_wait3A_278] : memref<96x128xi32, #tpu.memory_space<vmem>> -> memref<1x128xi32, #tpu.memory_space<vmem>>
        %dma_wait3A_280 = tpu.memref_squeeze %dma_wait3A_279 : memref<1x128xi32, #tpu.memory_space<vmem>> -> memref<128xi32, #tpu.memory_space<vmem>>
        %dma_wait3A_281 = arith.constant 0 : i32
        %dma_wait3A_282 = arith.constant 0 : i32
        %dma_wait3A_283 = tpu.memref_slice %arg13[%dma_wait3A_281, %dma_wait3A_282] : memref<10240x16xf32, #tpu.memory_space<vmem_shared>> -> memref<10240x16xf32, #tpu.memory_space<vmem_shared>>
        tpu.wait_indirect_dma semaphore(%arg21 : memref<!tpu.dma_semaphore, #tpu.memory_space<semaphore_mem>>) src(%arg11 : memref<128x16xf32, #tpu.memory_space<vmem>>) dst(%dma_wait3A_283 : memref<10240x16xf32, #tpu.memory_space<vmem_shared>>)
      } else {
      }
      %dma_start3A_174 = arith.constant 0 : i32
      %dma_start3A_175 = tpu.memref_slice %arg6[%add3A_156, %dma_start3A_174] : memref<96x128xi32, #tpu.memory_space<vmem>> -> memref<1x128xi32, #tpu.memory_space<vmem>>
      %dma_start3A_176 = tpu.memref_squeeze %dma_start3A_175 : memref<1x128xi32, #tpu.memory_space<vmem>> -> memref<128xi32, #tpu.memory_space<vmem>>
      %dma_start3A_177 = arith.constant 0 : i32
      %dma_start3A_178 = arith.constant 0 : i32
      %dma_start3A_179 = tpu.memref_slice %arg2[%dma_start3A_177, %dma_start3A_178] : memref<10240x16xf32, #tpu.memory_space<hbm>> -> memref<10240x16xf32, #tpu.memory_space<hbm>>
      tpu.enqueue_indirect_dma source(%dma_start3A_179 : memref<10240x16xf32, #tpu.memory_space<hbm>>) target(%arg11 : memref<128x16xf32, #tpu.memory_space<vmem>>) offsets(%dma_start3A_176 : memref<128xi32, #tpu.memory_space<vmem>>) semaphore(%arg17 : memref<!tpu.dma_semaphore, #tpu.memory_space<semaphore_mem>>)
      %mul3A_180 = arith.constant 4 : i32
      %mul3A_181 = arith.muli %while3A_123, %mul3A_180 : i32
      %add3A_182 = arith.constant 2 : i32
      %add3A_183 = arith.addi %mul3A_181, %add3A_182 : i32
      %add3A_184 = arith.constant 2 : i32
      %add3A_185 = arith.addi %add3A_183, %add3A_184 : i32
      %dma_wait3A_186 = arith.constant 0 : i32
      %dma_wait3A_187 = tpu.memref_slice %arg6[%add3A_183, %dma_wait3A_186] : memref<96x128xi32, #tpu.memory_space<vmem>> -> memref<1x128xi32, #tpu.memory_space<vmem>>
      %dma_wait3A_188 = tpu.memref_squeeze %dma_wait3A_187 : memref<1x128xi32, #tpu.memory_space<vmem>> -> memref<128xi32, #tpu.memory_space<vmem>>
      %dma_wait3A_189 = arith.constant 0 : i32
      %dma_wait3A_190 = arith.constant 0 : i32
      %dma_wait3A_191 = tpu.memref_slice %arg2[%dma_wait3A_189, %dma_wait3A_190] : memref<10240x16xf32, #tpu.memory_space<hbm>> -> memref<10240x16xf32, #tpu.memory_space<hbm>>
      tpu.wait_indirect_dma semaphore(%arg16 : memref<!tpu.dma_semaphore, #tpu.memory_space<semaphore_mem>>) src(%dma_wait3A_191 : memref<10240x16xf32, #tpu.memory_space<hbm>>) dst(%arg10 : memref<128x16xf32, #tpu.memory_space<vmem>>)
      %dma_start3A_192 = arith.constant 0 : i32
      %dma_start3A_193 = tpu.memref_slice %arg7[%add3A_183, %dma_start3A_192] : memref<96x128xi32, #tpu.memory_space<vmem>> -> memref<1x128xi32, #tpu.memory_space<vmem>>
      %dma_start3A_194 = tpu.memref_squeeze %dma_start3A_193 : memref<1x128xi32, #tpu.memory_space<vmem>> -> memref<128xi32, #tpu.memory_space<vmem>>
      %dma_start3A_195 = arith.constant 0 : i32
      %dma_start3A_196 = arith.constant 0 : i32
      %dma_start3A_197 = tpu.memref_slice %arg13[%dma_start3A_195, %dma_start3A_196] : memref<10240x16xf32, #tpu.memory_space<vmem_shared>> -> memref<10240x16xf32, #tpu.memory_space<vmem_shared>>
      tpu.enqueue_indirect_dma source(%arg10 : memref<128x16xf32, #tpu.memory_space<vmem>>) target(%dma_start3A_197 : memref<10240x16xf32, #tpu.memory_space<vmem_shared>>) offsets(%dma_start3A_194 : memref<128xi32, #tpu.memory_space<vmem>>) semaphore(%arg20 : memref<!tpu.dma_semaphore, #tpu.memory_space<semaphore_mem>>) {add = true}
      %jit3A_198 = arith.constant 4 : i32
      %div3A_199 = arith.divsi %select_n3A, %jit3A_198 : i32
      %sign3A_200 = arith.constant 0 : i32
      %sign3A_201 = arith.cmpi sgt, %select_n3A, %sign3A_200 : i32
      %sign3A_202 = arith.extui %sign3A_201 : i1 to i32
      %sign3A_203 = arith.constant 0 : i32
      %sign3A_204 = arith.cmpi slt, %select_n3A, %sign3A_203 : i32
      %sign3A_205 = arith.extui %sign3A_204 : i1 to i32
      %sign3A_206 = arith.subi %sign3A_202, %sign3A_205 : i32
      %sign3A_207 = arith.constant 0 : i32
      %sign3A_208 = arith.cmpi sgt, %jit3A_198, %sign3A_207 : i32
      %sign3A_209 = arith.extui %sign3A_208 : i1 to i32
      %sign3A_210 = arith.constant 0 : i32
      %sign3A_211 = arith.cmpi slt, %jit3A_198, %sign3A_210 : i32
      %sign3A_212 = arith.extui %sign3A_211 : i1 to i32
      %sign3A_213 = arith.subi %sign3A_209, %sign3A_212 : i32
      %ne3A_214 = arith.cmpi ne, %sign3A_206, %sign3A_213 : i32
      %rem3A_215 = arith.remsi %select_n3A, %jit3A_198 : i32
      %ne3A_216 = arith.constant 0 : i32
      %ne3A_217 = arith.cmpi ne, %rem3A_215, %ne3A_216 : i32
      %and3A_218 = arith.andi %ne3A_214, %ne3A_217 : i1
      %sub3A_219 = arith.constant 1 : i32
      %sub3A_220 = arith.subi %div3A_199, %sub3A_219 : i32
      %select_n3A_221 = arith.select %and3A_218, %sub3A_220, %div3A_199 : i32
      %sub3A_222 = arith.constant 1 : i32
      %sub3A_223 = arith.subi %select_n3A_221, %sub3A_222 : i32
      %lt3A = arith.cmpi slt, %while3A_123, %sub3A_223 : i32
      %convert_element_type3A_224 = arith.extui %lt3A : i1 to i32
      %cond3A_225 = arith.constant 0 : i32
      %cond3A_226 = arith.cmpi ne, %convert_element_type3A_224, %cond3A_225 : i32
      scf.if %cond3A_226 {
        %sub3A_276 = arith.constant 4 : i32
        %sub3A_277 = arith.subi %add3A_185, %sub3A_276 : i32
        %dma_wait3A_278 = arith.constant 0 : i32
        %dma_wait3A_279 = tpu.memref_slice %arg7[%sub3A_277, %dma_wait3A_278] : memref<96x128xi32, #tpu.memory_space<vmem>> -> memref<1x128xi32, #tpu.memory_space<vmem>>
        %dma_wait3A_280 = tpu.memref_squeeze %dma_wait3A_279 : memref<1x128xi32, #tpu.memory_space<vmem>> -> memref<128xi32, #tpu.memory_space<vmem>>
        %dma_wait3A_281 = arith.constant 0 : i32
        %dma_wait3A_282 = arith.constant 0 : i32
        %dma_wait3A_283 = tpu.memref_slice %arg13[%dma_wait3A_281, %dma_wait3A_282] : memref<10240x16xf32, #tpu.memory_space<vmem_shared>> -> memref<10240x16xf32, #tpu.memory_space<vmem_shared>>
        tpu.wait_indirect_dma semaphore(%arg18 : memref<!tpu.dma_semaphore, #tpu.memory_space<semaphore_mem>>) src(%arg8 : memref<128x16xf32, #tpu.memory_space<vmem>>) dst(%dma_wait3A_283 : memref<10240x16xf32, #tpu.memory_space<vmem_shared>>)
        %dma_start3A_284 = arith.constant 0 : i32
        %dma_start3A_285 = tpu.memref_slice %arg6[%add3A_185, %dma_start3A_284] : memref<96x128xi32, #tpu.memory_space<vmem>> -> memref<1x128xi32, #tpu.memory_space<vmem>>
        %dma_start3A_286 = tpu.memref_squeeze %dma_start3A_285 : memref<1x128xi32, #tpu.memory_space<vmem>> -> memref<128xi32, #tpu.memory_space<vmem>>
        %dma_start3A_287 = arith.constant 0 : i32
        %dma_start3A_288 = arith.constant 0 : i32
        %dma_start3A_289 = tpu.memref_slice %arg2[%dma_start3A_287, %dma_start3A_288] : memref<10240x16xf32, #tpu.memory_space<hbm>> -> memref<10240x16xf32, #tpu.memory_space<hbm>>
        tpu.enqueue_indirect_dma source(%dma_start3A_289 : memref<10240x16xf32, #tpu.memory_space<hbm>>) target(%arg8 : memref<128x16xf32, #tpu.memory_space<vmem>>) offsets(%dma_start3A_286 : memref<128xi32, #tpu.memory_space<vmem>>) semaphore(%arg14 : memref<!tpu.dma_semaphore, #tpu.memory_space<semaphore_mem>>)
      } else {
      }
      %mul3A_227 = arith.constant 4 : i32
      %mul3A_228 = arith.muli %while3A_123, %mul3A_227 : i32
      %add3A_229 = arith.constant 3 : i32
      %add3A_230 = arith.addi %mul3A_228, %add3A_229 : i32
      %add3A_231 = arith.constant 2 : i32
      %add3A_232 = arith.addi %add3A_230, %add3A_231 : i32
      %dma_wait3A_233 = arith.constant 0 : i32
      %dma_wait3A_234 = tpu.memref_slice %arg6[%add3A_230, %dma_wait3A_233] : memref<96x128xi32, #tpu.memory_space<vmem>> -> memref<1x128xi32, #tpu.memory_space<vmem>>
      %dma_wait3A_235 = tpu.memref_squeeze %dma_wait3A_234 : memref<1x128xi32, #tpu.memory_space<vmem>> -> memref<128xi32, #tpu.memory_space<vmem>>
      %dma_wait3A_236 = arith.constant 0 : i32
      %dma_wait3A_237 = arith.constant 0 : i32
      %dma_wait3A_238 = tpu.memref_slice %arg2[%dma_wait3A_236, %dma_wait3A_237] : memref<10240x16xf32, #tpu.memory_space<hbm>> -> memref<10240x16xf32, #tpu.memory_space<hbm>>
      tpu.wait_indirect_dma semaphore(%arg17 : memref<!tpu.dma_semaphore, #tpu.memory_space<semaphore_mem>>) src(%dma_wait3A_238 : memref<10240x16xf32, #tpu.memory_space<hbm>>) dst(%arg11 : memref<128x16xf32, #tpu.memory_space<vmem>>)
      %dma_start3A_239 = arith.constant 0 : i32
      %dma_start3A_240 = tpu.memref_slice %arg7[%add3A_230, %dma_start3A_239] : memref<96x128xi32, #tpu.memory_space<vmem>> -> memref<1x128xi32, #tpu.memory_space<vmem>>
      %dma_start3A_241 = tpu.memref_squeeze %dma_start3A_240 : memref<1x128xi32, #tpu.memory_space<vmem>> -> memref<128xi32, #tpu.memory_space<vmem>>
      %dma_start3A_242 = arith.constant 0 : i32
      %dma_start3A_243 = arith.constant 0 : i32
      %dma_start3A_244 = tpu.memref_slice %arg13[%dma_start3A_242, %dma_start3A_243] : memref<10240x16xf32, #tpu.memory_space<vmem_shared>> -> memref<10240x16xf32, #tpu.memory_space<vmem_shared>>
      tpu.enqueue_indirect_dma source(%arg11 : memref<128x16xf32, #tpu.memory_space<vmem>>) target(%dma_start3A_244 : memref<10240x16xf32, #tpu.memory_space<vmem_shared>>) offsets(%dma_start3A_241 : memref<128xi32, #tpu.memory_space<vmem>>) semaphore(%arg21 : memref<!tpu.dma_semaphore, #tpu.memory_space<semaphore_mem>>) {add = true}
      %jit3A_245 = arith.constant 4 : i32
      %div3A_246 = arith.divsi %select_n3A, %jit3A_245 : i32
      %sign3A_247 = arith.constant 0 : i32
      %sign3A_248 = arith.cmpi sgt, %select_n3A, %sign3A_247 : i32
      %sign3A_249 = arith.extui %sign3A_248 : i1 to i32
      %sign3A_250 = arith.constant 0 : i32
      %sign3A_251 = arith.cmpi slt, %select_n3A, %sign3A_250 : i32
      %sign3A_252 = arith.extui %sign3A_251 : i1 to i32
      %sign3A_253 = arith.subi %sign3A_249, %sign3A_252 : i32
      %sign3A_254 = arith.constant 0 : i32
      %sign3A_255 = arith.cmpi sgt, %jit3A_245, %sign3A_254 : i32
      %sign3A_256 = arith.extui %sign3A_255 : i1 to i32
      %sign3A_257 = arith.constant 0 : i32
      %sign3A_258 = arith.cmpi slt, %jit3A_245, %sign3A_257 : i32
      %sign3A_259 = arith.extui %sign3A_258 : i1 to i32
      %sign3A_260 = arith.subi %sign3A_256, %sign3A_259 : i32
      %ne3A_261 = arith.cmpi ne, %sign3A_253, %sign3A_260 : i32
      %rem3A_262 = arith.remsi %select_n3A, %jit3A_245 : i32
      %ne3A_263 = arith.constant 0 : i32
      %ne3A_264 = arith.cmpi ne, %rem3A_262, %ne3A_263 : i32
      %and3A_265 = arith.andi %ne3A_261, %ne3A_264 : i1
      %sub3A_266 = arith.constant 1 : i32
      %sub3A_267 = arith.subi %div3A_246, %sub3A_266 : i32
      %select_n3A_268 = arith.select %and3A_265, %sub3A_267, %div3A_246 : i32
      %sub3A_269 = arith.constant 1 : i32
      %sub3A_270 = arith.subi %select_n3A_268, %sub3A_269 : i32
      %lt3A_271 = arith.cmpi slt, %while3A_123, %sub3A_270 : i32
      %convert_element_type3A_272 = arith.extui %lt3A_271 : i1 to i32
      %cond3A_273 = arith.constant 0 : i32
      %cond3A_274 = arith.cmpi ne, %convert_element_type3A_272, %cond3A_273 : i32
      scf.if %cond3A_274 {
        %sub3A_276 = arith.constant 4 : i32
        %sub3A_277 = arith.subi %add3A_232, %sub3A_276 : i32
        %dma_wait3A_278 = arith.constant 0 : i32
        %dma_wait3A_279 = tpu.memref_slice %arg7[%sub3A_277, %dma_wait3A_278] : memref<96x128xi32, #tpu.memory_space<vmem>> -> memref<1x128xi32, #tpu.memory_space<vmem>>
        %dma_wait3A_280 = tpu.memref_squeeze %dma_wait3A_279 : memref<1x128xi32, #tpu.memory_space<vmem>> -> memref<128xi32, #tpu.memory_space<vmem>>
        %dma_wait3A_281 = arith.constant 0 : i32
        %dma_wait3A_282 = arith.constant 0 : i32
        %dma_wait3A_283 = tpu.memref_slice %arg13[%dma_wait3A_281, %dma_wait3A_282] : memref<10240x16xf32, #tpu.memory_space<vmem_shared>> -> memref<10240x16xf32, #tpu.memory_space<vmem_shared>>
        tpu.wait_indirect_dma semaphore(%arg19 : memref<!tpu.dma_semaphore, #tpu.memory_space<semaphore_mem>>) src(%arg9 : memref<128x16xf32, #tpu.memory_space<vmem>>) dst(%dma_wait3A_283 : memref<10240x16xf32, #tpu.memory_space<vmem_shared>>)
        %dma_start3A_284 = arith.constant 0 : i32
        %dma_start3A_285 = tpu.memref_slice %arg6[%add3A_232, %dma_start3A_284] : memref<96x128xi32, #tpu.memory_space<vmem>> -> memref<1x128xi32, #tpu.memory_space<vmem>>
        %dma_start3A_286 = tpu.memref_squeeze %dma_start3A_285 : memref<1x128xi32, #tpu.memory_space<vmem>> -> memref<128xi32, #tpu.memory_space<vmem>>
        %dma_start3A_287 = arith.constant 0 : i32
        %dma_start3A_288 = arith.constant 0 : i32
        %dma_start3A_289 = tpu.memref_slice %arg2[%dma_start3A_287, %dma_start3A_288] : memref<10240x16xf32, #tpu.memory_space<hbm>> -> memref<10240x16xf32, #tpu.memory_space<hbm>>
        tpu.enqueue_indirect_dma source(%dma_start3A_289 : memref<10240x16xf32, #tpu.memory_space<hbm>>) target(%arg9 : memref<128x16xf32, #tpu.memory_space<vmem>>) offsets(%dma_start3A_286 : memref<128xi32, #tpu.memory_space<vmem>>) semaphore(%arg15 : memref<!tpu.dma_semaphore, #tpu.memory_space<semaphore_mem>>)
      } else {
      }
      %while3A_275 = arith.constant 0 : i32
      scf.yield %while3A_275 : i32
    }
    %while3A_65 = arith.constant 1 : i32
    %while3A_66 = scf.for %while3A_123 = %while3A_62 to %while3A_58 step %while3A_65 iter_args(%while3A_124 = %while3A_64) -> (i32)  : i32 {
      %mul3A_125 = arith.constant 4 : i32
      %mul3A_126 = arith.muli %while3A_123, %mul3A_125 : i32
      %add3A_127 = arith.constant 0 : i32
      %add3A_128 = arith.addi %mul3A_126, %add3A_127 : i32
      %add3A_129 = arith.constant 2 : i32
      %add3A_130 = arith.addi %add3A_128, %add3A_129 : i32
      %dma_wait3A_131 = arith.constant 0 : i32
      %dma_wait3A_132 = tpu.memref_slice %arg6[%add3A_128, %dma_wait3A_131] : memref<96x128xi32, #tpu.memory_space<vmem>> -> memref<1x128xi32, #tpu.memory_space<vmem>>
      %dma_wait3A_133 = tpu.memref_squeeze %dma_wait3A_132 : memref<1x128xi32, #tpu.memory_space<vmem>> -> memref<128xi32, #tpu.memory_space<vmem>>
      %dma_wait3A_134 = arith.constant 0 : i32
      %dma_wait3A_135 = arith.constant 0 : i32
      %dma_wait3A_136 = tpu.memref_slice %arg2[%dma_wait3A_134, %dma_wait3A_135] : memref<10240x16xf32, #tpu.memory_space<hbm>> -> memref<10240x16xf32, #tpu.memory_space<hbm>>
      tpu.wait_indirect_dma semaphore(%arg14 : memref<!tpu.dma_semaphore, #tpu.memory_space<semaphore_mem>>) src(%dma_wait3A_136 : memref<10240x16xf32, #tpu.memory_space<hbm>>) dst(%arg8 : memref<128x16xf32, #tpu.memory_space<vmem>>)
      %dma_start3A_137 = arith.constant 0 : i32
      %dma_start3A_138 = tpu.memref_slice %arg7[%add3A_128, %dma_start3A_137] : memref<96x128xi32, #tpu.memory_space<vmem>> -> memref<1x128xi32, #tpu.memory_space<vmem>>
      %dma_start3A_139 = tpu.memref_squeeze %dma_start3A_138 : memref<1x128xi32, #tpu.memory_space<vmem>> -> memref<128xi32, #tpu.memory_space<vmem>>
      %dma_start3A_140 = arith.constant 0 : i32
      %dma_start3A_141 = arith.constant 0 : i32
      %dma_start3A_142 = tpu.memref_slice %arg13[%dma_start3A_140, %dma_start3A_141] : memref<10240x16xf32, #tpu.memory_space<vmem_shared>> -> memref<10240x16xf32, #tpu.memory_space<vmem_shared>>
      tpu.enqueue_indirect_dma source(%arg8 : memref<128x16xf32, #tpu.memory_space<vmem>>) target(%dma_start3A_142 : memref<10240x16xf32, #tpu.memory_space<vmem_shared>>) offsets(%dma_start3A_139 : memref<128xi32, #tpu.memory_space<vmem>>) semaphore(%arg18 : memref<!tpu.dma_semaphore, #tpu.memory_space<semaphore_mem>>) {add = true}
      %gt3A = arith.constant 0 : i32
      %gt3A_143 = arith.cmpi sgt, %while3A_123, %gt3A : i32
      %convert_element_type3A = arith.extui %gt3A_143 : i1 to i32
      %cond3A = arith.constant 0 : i32
      %cond3A_144 = arith.cmpi ne, %convert_element_type3A, %cond3A : i32
      scf.if %cond3A_144 {
        %sub3A_276 = arith.constant 4 : i32
        %sub3A_277 = arith.subi %add3A_130, %sub3A_276 : i32
        %dma_wait3A_278 = arith.constant 0 : i32
        %dma_wait3A_279 = tpu.memref_slice %arg7[%sub3A_277, %dma_wait3A_278] : memref<96x128xi32, #tpu.memory_space<vmem>> -> memref<1x128xi32, #tpu.memory_space<vmem>>
        %dma_wait3A_280 = tpu.memref_squeeze %dma_wait3A_279 : memref<1x128xi32, #tpu.memory_space<vmem>> -> memref<128xi32, #tpu.memory_space<vmem>>
        %dma_wait3A_281 = arith.constant 0 : i32
        %dma_wait3A_282 = arith.constant 0 : i32
        %dma_wait3A_283 = tpu.memref_slice %arg13[%dma_wait3A_281, %dma_wait3A_282] : memref<10240x16xf32, #tpu.memory_space<vmem_shared>> -> memref<10240x16xf32, #tpu.memory_space<vmem_shared>>
        tpu.wait_indirect_dma semaphore(%arg20 : memref<!tpu.dma_semaphore, #tpu.memory_space<semaphore_mem>>) src(%arg10 : memref<128x16xf32, #tpu.memory_space<vmem>>) dst(%dma_wait3A_283 : memref<10240x16xf32, #tpu.memory_space<vmem_shared>>)
      } else {
      }
      %dma_start3A_145 = arith.constant 0 : i32
      %dma_start3A_146 = tpu.memref_slice %arg6[%add3A_130, %dma_start3A_145] : memref<96x128xi32, #tpu.memory_space<vmem>> -> memref<1x128xi32, #tpu.memory_space<vmem>>
      %dma_start3A_147 = tpu.memref_squeeze %dma_start3A_146 : memref<1x128xi32, #tpu.memory_space<vmem>> -> memref<128xi32, #tpu.memory_space<vmem>>
      %dma_start3A_148 = arith.constant 0 : i32
      %dma_start3A_149 = arith.constant 0 : i32
      %dma_start3A_150 = tpu.memref_slice %arg2[%dma_start3A_148, %dma_start3A_149] : memref<10240x16xf32, #tpu.memory_space<hbm>> -> memref<10240x16xf32, #tpu.memory_space<hbm>>
      tpu.enqueue_indirect_dma source(%dma_start3A_150 : memref<10240x16xf32, #tpu.memory_space<hbm>>) target(%arg10 : memref<128x16xf32, #tpu.memory_space<vmem>>) offsets(%dma_start3A_147 : memref<128xi32, #tpu.memory_space<vmem>>) semaphore(%arg16 : memref<!tpu.dma_semaphore, #tpu.memory_space<semaphore_mem>>)
      %mul3A_151 = arith.constant 4 : i32
      %mul3A_152 = arith.muli %while3A_123, %mul3A_151 : i32
      %add3A_153 = arith.constant 1 : i32
      %add3A_154 = arith.addi %mul3A_152, %add3A_153 : i32
      %add3A_155 = arith.constant 2 : i32
      %add3A_156 = arith.addi %add3A_154, %add3A_155 : i32
      %dma_wait3A_157 = arith.constant 0 : i32
      %dma_wait3A_158 = tpu.memref_slice %arg6[%add3A_154, %dma_wait3A_157] : memref<96x128xi32, #tpu.memory_space<vmem>> -> memref<1x128xi32, #tpu.memory_space<vmem>>
      %dma_wait3A_159 = tpu.memref_squeeze %dma_wait3A_158 : memref<1x128xi32, #tpu.memory_space<vmem>> -> memref<128xi32, #tpu.memory_space<vmem>>
      %dma_wait3A_160 = arith.constant 0 : i32
      %dma_wait3A_161 = arith.constant 0 : i32
      %dma_wait3A_162 = tpu.memref_slice %arg2[%dma_wait3A_160, %dma_wait3A_161] : memref<10240x16xf32, #tpu.memory_space<hbm>> -> memref<10240x16xf32, #tpu.memory_space<hbm>>
      tpu.wait_indirect_dma semaphore(%arg15 : memref<!tpu.dma_semaphore, #tpu.memory_space<semaphore_mem>>) src(%dma_wait3A_162 : memref<10240x16xf32, #tpu.memory_space<hbm>>) dst(%arg9 : memref<128x16xf32, #tpu.memory_space<vmem>>)
      %dma_start3A_163 = arith.constant 0 : i32
      %dma_start3A_164 = tpu.memref_slice %arg7[%add3A_154, %dma_start3A_163] : memref<96x128xi32, #tpu.memory_space<vmem>> -> memref<1x128xi32, #tpu.memory_space<vmem>>
      %dma_start3A_165 = tpu.memref_squeeze %dma_start3A_164 : memref<1x128xi32, #tpu.memory_space<vmem>> -> memref<128xi32, #tpu.memory_space<vmem>>
      %dma_start3A_166 = arith.constant 0 : i32
      %dma_start3A_167 = arith.constant 0 : i32
      %dma_start3A_168 = tpu.memref_slice %arg13[%dma_start3A_166, %dma_start3A_167] : memref<10240x16xf32, #tpu.memory_space<vmem_shared>> -> memref<10240x16xf32, #tpu.memory_space<vmem_shared>>
      tpu.enqueue_indirect_dma source(%arg9 : memref<128x16xf32, #tpu.memory_space<vmem>>) target(%dma_start3A_168 : memref<10240x16xf32, #tpu.memory_space<vmem_shared>>) offsets(%dma_start3A_165 : memref<128xi32, #tpu.memory_space<vmem>>) semaphore(%arg19 : memref<!tpu.dma_semaphore, #tpu.memory_space<semaphore_mem>>) {add = true}
      %gt3A_169 = arith.constant 0 : i32
      %gt3A_170 = arith.cmpi sgt, %while3A_123, %gt3A_169 : i32
      %convert_element_type3A_171 = arith.extui %gt3A_170 : i1 to i32
      %cond3A_172 = arith.constant 0 : i32
      %cond3A_173 = arith.cmpi ne, %convert_element_type3A_171, %cond3A_172 : i32
      scf.if %cond3A_173 {
        %sub3A_276 = arith.constant 4 : i32
        %sub3A_277 = arith.subi %add3A_156, %sub3A_276 : i32
        %dma_wait3A_278 = arith.constant 0 : i32
        %dma_wait3A_279 = tpu.memref_slice %arg7[%sub3A_277, %dma_wait3A_278] : memref<96x128xi32, #tpu.memory_space<vmem>> -> memref<1x128xi32, #tpu.memory_space<vmem>>
        %dma_wait3A_280 = tpu.memref_squeeze %dma_wait3A_279 : memref<1x128xi32, #tpu.memory_space<vmem>> -> memref<128xi32, #tpu.memory_space<vmem>>
        %dma_wait3A_281 = arith.constant 0 : i32
        %dma_wait3A_282 = arith.constant 0 : i32
        %dma_wait3A_283 = tpu.memref_slice %arg13[%dma_wait3A_281, %dma_wait3A_282] : memref<10240x16xf32, #tpu.memory_space<vmem_shared>> -> memref<10240x16xf32, #tpu.memory_space<vmem_shared>>
        tpu.wait_indirect_dma semaphore(%arg21 : memref<!tpu.dma_semaphore, #tpu.memory_space<semaphore_mem>>) src(%arg11 : memref<128x16xf32, #tpu.memory_space<vmem>>) dst(%dma_wait3A_283 : memref<10240x16xf32, #tpu.memory_space<vmem_shared>>)
      } else {
      }
      %dma_start3A_174 = arith.constant 0 : i32
      %dma_start3A_175 = tpu.memref_slice %arg6[%add3A_156, %dma_start3A_174] : memref<96x128xi32, #tpu.memory_space<vmem>> -> memref<1x128xi32, #tpu.memory_space<vmem>>
      %dma_start3A_176 = tpu.memref_squeeze %dma_start3A_175 : memref<1x128xi32, #tpu.memory_space<vmem>> -> memref<128xi32, #tpu.memory_space<vmem>>
      %dma_start3A_177 = arith.constant 0 : i32
      %dma_start3A_178 = arith.constant 0 : i32
      %dma_start3A_179 = tpu.memref_slice %arg2[%dma_start3A_177, %dma_start3A_178] : memref<10240x16xf32, #tpu.memory_space<hbm>> -> memref<10240x16xf32, #tpu.memory_space<hbm>>
      tpu.enqueue_indirect_dma source(%dma_start3A_179 : memref<10240x16xf32, #tpu.memory_space<hbm>>) target(%arg11 : memref<128x16xf32, #tpu.memory_space<vmem>>) offsets(%dma_start3A_176 : memref<128xi32, #tpu.memory_space<vmem>>) semaphore(%arg17 : memref<!tpu.dma_semaphore, #tpu.memory_space<semaphore_mem>>)
      %mul3A_180 = arith.constant 4 : i32
      %mul3A_181 = arith.muli %while3A_123, %mul3A_180 : i32
      %add3A_182 = arith.constant 2 : i32
      %add3A_183 = arith.addi %mul3A_181, %add3A_182 : i32
      %add3A_184 = arith.constant 2 : i32
      %add3A_185 = arith.addi %add3A_183, %add3A_184 : i32
      %dma_wait3A_186 = arith.constant 0 : i32
      %dma_wait3A_187 = tpu.memref_slice %arg6[%add3A_183, %dma_wait3A_186] : memref<96x128xi32, #tpu.memory_space<vmem>> -> memref<1x128xi32, #tpu.memory_space<vmem>>
      %dma_wait3A_188 = tpu.memref_squeeze %dma_wait3A_187 : memref<1x128xi32, #tpu.memory_space<vmem>> -> memref<128xi32, #tpu.memory_space<vmem>>
      %dma_wait3A_189 = arith.constant 0 : i32
      %dma_wait3A_190 = arith.constant 0 : i32
      %dma_wait3A_191 = tpu.memref_slice %arg2[%dma_wait3A_189, %dma_wait3A_190] : memref<10240x16xf32, #tpu.memory_space<hbm>> -> memref<10240x16xf32, #tpu.memory_space<hbm>>
      tpu.wait_indirect_dma semaphore(%arg16 : memref<!tpu.dma_semaphore, #tpu.memory_space<semaphore_mem>>) src(%dma_wait3A_191 : memref<10240x16xf32, #tpu.memory_space<hbm>>) dst(%arg10 : memref<128x16xf32, #tpu.memory_space<vmem>>)
      %dma_start3A_192 = arith.constant 0 : i32
      %dma_start3A_193 = tpu.memref_slice %arg7[%add3A_183, %dma_start3A_192] : memref<96x128xi32, #tpu.memory_space<vmem>> -> memref<1x128xi32, #tpu.memory_space<vmem>>
      %dma_start3A_194 = tpu.memref_squeeze %dma_start3A_193 : memref<1x128xi32, #tpu.memory_space<vmem>> -> memref<128xi32, #tpu.memory_space<vmem>>
      %dma_start3A_195 = arith.constant 0 : i32
      %dma_start3A_196 = arith.constant 0 : i32
      %dma_start3A_197 = tpu.memref_slice %arg13[%dma_start3A_195, %dma_start3A_196] : memref<10240x16xf32, #tpu.memory_space<vmem_shared>> -> memref<10240x16xf32, #tpu.memory_space<vmem_shared>>
      tpu.enqueue_indirect_dma source(%arg10 : memref<128x16xf32, #tpu.memory_space<vmem>>) target(%dma_start3A_197 : memref<10240x16xf32, #tpu.memory_space<vmem_shared>>) offsets(%dma_start3A_194 : memref<128xi32, #tpu.memory_space<vmem>>) semaphore(%arg20 : memref<!tpu.dma_semaphore, #tpu.memory_space<semaphore_mem>>) {add = true}
      %jit3A_198 = arith.constant 4 : i32
      %div3A_199 = arith.divsi %select_n3A, %jit3A_198 : i32
      %sign3A_200 = arith.constant 0 : i32
      %sign3A_201 = arith.cmpi sgt, %select_n3A, %sign3A_200 : i32
      %sign3A_202 = arith.extui %sign3A_201 : i1 to i32
      %sign3A_203 = arith.constant 0 : i32
      %sign3A_204 = arith.cmpi slt, %select_n3A, %sign3A_203 : i32
      %sign3A_205 = arith.extui %sign3A_204 : i1 to i32
      %sign3A_206 = arith.subi %sign3A_202, %sign3A_205 : i32
      %sign3A_207 = arith.constant 0 : i32
      %sign3A_208 = arith.cmpi sgt, %jit3A_198, %sign3A_207 : i32
      %sign3A_209 = arith.extui %sign3A_208 : i1 to i32
      %sign3A_210 = arith.constant 0 : i32
      %sign3A_211 = arith.cmpi slt, %jit3A_198, %sign3A_210 : i32
      %sign3A_212 = arith.extui %sign3A_211 : i1 to i32
      %sign3A_213 = arith.subi %sign3A_209, %sign3A_212 : i32
      %ne3A_214 = arith.cmpi ne, %sign3A_206, %sign3A_213 : i32
      %rem3A_215 = arith.remsi %select_n3A, %jit3A_198 : i32
      %ne3A_216 = arith.constant 0 : i32
      %ne3A_217 = arith.cmpi ne, %rem3A_215, %ne3A_216 : i32
      %and3A_218 = arith.andi %ne3A_214, %ne3A_217 : i1
      %sub3A_219 = arith.constant 1 : i32
      %sub3A_220 = arith.subi %div3A_199, %sub3A_219 : i32
      %select_n3A_221 = arith.select %and3A_218, %sub3A_220, %div3A_199 : i32
      %sub3A_222 = arith.constant 1 : i32
      %sub3A_223 = arith.subi %select_n3A_221, %sub3A_222 : i32
      %lt3A = arith.cmpi slt, %while3A_123, %sub3A_223 : i32
      %convert_element_type3A_224 = arith.extui %lt3A : i1 to i32
      %cond3A_225 = arith.constant 0 : i32
      %cond3A_226 = arith.cmpi ne, %convert_element_type3A_224, %cond3A_225 : i32
      scf.if %cond3A_226 {
        %sub3A_276 = arith.constant 4 : i32
        %sub3A_277 = arith.subi %add3A_185, %sub3A_276 : i32
        %dma_wait3A_278 = arith.constant 0 : i32
        %dma_wait3A_279 = tpu.memref_slice %arg7[%sub3A_277, %dma_wait3A_278] : memref<96x128xi32, #tpu.memory_space<vmem>> -> memref<1x128xi32, #tpu.memory_space<vmem>>
        %dma_wait3A_280 = tpu.memref_squeeze %dma_wait3A_279 : memref<1x128xi32, #tpu.memory_space<vmem>> -> memref<128xi32, #tpu.memory_space<vmem>>
        %dma_wait3A_281 = arith.constant 0 : i32
        %dma_wait3A_282 = arith.constant 0 : i32
        %dma_wait3A_283 = tpu.memref_slice %arg13[%dma_wait3A_281, %dma_wait3A_282] : memref<10240x16xf32, #tpu.memory_space<vmem_shared>> -> memref<10240x16xf32, #tpu.memory_space<vmem_shared>>
        tpu.wait_indirect_dma semaphore(%arg18 : memref<!tpu.dma_semaphore, #tpu.memory_space<semaphore_mem>>) src(%arg8 : memref<128x16xf32, #tpu.memory_space<vmem>>) dst(%dma_wait3A_283 : memref<10240x16xf32, #tpu.memory_space<vmem_shared>>)
        %dma_start3A_284 = arith.constant 0 : i32
        %dma_start3A_285 = tpu.memref_slice %arg6[%add3A_185, %dma_start3A_284] : memref<96x128xi32, #tpu.memory_space<vmem>> -> memref<1x128xi32, #tpu.memory_space<vmem>>
        %dma_start3A_286 = tpu.memref_squeeze %dma_start3A_285 : memref<1x128xi32, #tpu.memory_space<vmem>> -> memref<128xi32, #tpu.memory_space<vmem>>
        %dma_start3A_287 = arith.constant 0 : i32
        %dma_start3A_288 = arith.constant 0 : i32
        %dma_start3A_289 = tpu.memref_slice %arg2[%dma_start3A_287, %dma_start3A_288] : memref<10240x16xf32, #tpu.memory_space<hbm>> -> memref<10240x16xf32, #tpu.memory_space<hbm>>
        tpu.enqueue_indirect_dma source(%dma_start3A_289 : memref<10240x16xf32, #tpu.memory_space<hbm>>) target(%arg8 : memref<128x16xf32, #tpu.memory_space<vmem>>) offsets(%dma_start3A_286 : memref<128xi32, #tpu.memory_space<vmem>>) semaphore(%arg14 : memref<!tpu.dma_semaphore, #tpu.memory_space<semaphore_mem>>)
      } else {
      }
      %mul3A_227 = arith.constant 4 : i32
      %mul3A_228 = arith.muli %while3A_123, %mul3A_227 : i32
      %add3A_229 = arith.constant 3 : i32
      %add3A_230 = arith.addi %mul3A_228, %add3A_229 : i32
      %add3A_231 = arith.constant 2 : i32
      %add3A_232 = arith.addi %add3A_230, %add3A_231 : i32
      %dma_wait3A_233 = arith.constant 0 : i32
      %dma_wait3A_234 = tpu.memref_slice %arg6[%add3A_230, %dma_wait3A_233] : memref<96x128xi32, #tpu.memory_space<vmem>> -> memref<1x128xi32, #tpu.memory_space<vmem>>
      %dma_wait3A_235 = tpu.memref_squeeze %dma_wait3A_234 : memref<1x128xi32, #tpu.memory_space<vmem>> -> memref<128xi32, #tpu.memory_space<vmem>>
      %dma_wait3A_236 = arith.constant 0 : i32
      %dma_wait3A_237 = arith.constant 0 : i32
      %dma_wait3A_238 = tpu.memref_slice %arg2[%dma_wait3A_236, %dma_wait3A_237] : memref<10240x16xf32, #tpu.memory_space<hbm>> -> memref<10240x16xf32, #tpu.memory_space<hbm>>
      tpu.wait_indirect_dma semaphore(%arg17 : memref<!tpu.dma_semaphore, #tpu.memory_space<semaphore_mem>>) src(%dma_wait3A_238 : memref<10240x16xf32, #tpu.memory_space<hbm>>) dst(%arg11 : memref<128x16xf32, #tpu.memory_space<vmem>>)
      %dma_start3A_239 = arith.constant 0 : i32
      %dma_start3A_240 = tpu.memref_slice %arg7[%add3A_230, %dma_start3A_239] : memref<96x128xi32, #tpu.memory_space<vmem>> -> memref<1x128xi32, #tpu.memory_space<vmem>>
      %dma_start3A_241 = tpu.memref_squeeze %dma_start3A_240 : memref<1x128xi32, #tpu.memory_space<vmem>> -> memref<128xi32, #tpu.memory_space<vmem>>
      %dma_start3A_242 = arith.constant 0 : i32
      %dma_start3A_243 = arith.constant 0 : i32
      %dma_start3A_244 = tpu.memref_slice %arg13[%dma_start3A_242, %dma_start3A_243] : memref<10240x16xf32, #tpu.memory_space<vmem_shared>> -> memref<10240x16xf32, #tpu.memory_space<vmem_shared>>
      tpu.enqueue_indirect_dma source(%arg11 : memref<128x16xf32, #tpu.memory_space<vmem>>) target(%dma_start3A_244 : memref<10240x16xf32, #tpu.memory_space<vmem_shared>>) offsets(%dma_start3A_241 : memref<128xi32, #tpu.memory_space<vmem>>) semaphore(%arg21 : memref<!tpu.dma_semaphore, #tpu.memory_space<semaphore_mem>>) {add = true}
      %jit3A_245 = arith.constant 4 : i32
      %div3A_246 = arith.divsi %select_n3A, %jit3A_245 : i32
      %sign3A_247 = arith.constant 0 : i32
      %sign3A_248 = arith.cmpi sgt, %select_n3A, %sign3A_247 : i32
      %sign3A_249 = arith.extui %sign3A_248 : i1 to i32
      %sign3A_250 = arith.constant 0 : i32
      %sign3A_251 = arith.cmpi slt, %select_n3A, %sign3A_250 : i32
      %sign3A_252 = arith.extui %sign3A_251 : i1 to i32
      %sign3A_253 = arith.subi %sign3A_249, %sign3A_252 : i32
      %sign3A_254 = arith.constant 0 : i32
      %sign3A_255 = arith.cmpi sgt, %jit3A_245, %sign3A_254 : i32
      %sign3A_256 = arith.extui %sign3A_255 : i1 to i32
      %sign3A_257 = arith.constant 0 : i32
      %sign3A_258 = arith.cmpi slt, %jit3A_245, %sign3A_257 : i32
      %sign3A_259 = arith.extui %sign3A_258 : i1 to i32
      %sign3A_260 = arith.subi %sign3A_256, %sign3A_259 : i32
      %ne3A_261 = arith.cmpi ne, %sign3A_253, %sign3A_260 : i32
      %rem3A_262 = arith.remsi %select_n3A, %jit3A_245 : i32
      %ne3A_263 = arith.constant 0 : i32
      %ne3A_264 = arith.cmpi ne, %rem3A_262, %ne3A_263 : i32
      %and3A_265 = arith.andi %ne3A_261, %ne3A_264 : i1
      %sub3A_266 = arith.constant 1 : i32
      %sub3A_267 = arith.subi %div3A_246, %sub3A_266 : i32
      %select_n3A_268 = arith.select %and3A_265, %sub3A_267, %div3A_246 : i32
      %sub3A_269 = arith.constant 1 : i32
      %sub3A_270 = arith.subi %select_n3A_268, %sub3A_269 : i32
      %lt3A_271 = arith.cmpi slt, %while3A_123, %sub3A_270 : i32
      %convert_element_type3A_272 = arith.extui %lt3A_271 : i1 to i32
      %cond3A_273 = arith.constant 0 : i32
      %cond3A_274 = arith.cmpi ne, %convert_element_type3A_272, %cond3A_273 : i32
      scf.if %cond3A_274 {
        %sub3A_276 = arith.constant 4 : i32
        %sub3A_277 = arith.subi %add3A_232, %sub3A_276 : i32
        %dma_wait3A_278 = arith.constant 0 : i32
        %dma_wait3A_279 = tpu.memref_slice %arg7[%sub3A_277, %dma_wait3A_278] : memref<96x128xi32, #tpu.memory_space<vmem>> -> memref<1x128xi32, #tpu.memory_space<vmem>>
        %dma_wait3A_280 = tpu.memref_squeeze %dma_wait3A_279 : memref<1x128xi32, #tpu.memory_space<vmem>> -> memref<128xi32, #tpu.memory_space<vmem>>
        %dma_wait3A_281 = arith.constant 0 : i32
        %dma_wait3A_282 = arith.constant 0 : i32
        %dma_wait3A_283 = tpu.memref_slice %arg13[%dma_wait3A_281, %dma_wait3A_282] : memref<10240x16xf32, #tpu.memory_space<vmem_shared>> -> memref<10240x16xf32, #tpu.memory_space<vmem_shared>>
        tpu.wait_indirect_dma semaphore(%arg19 : memref<!tpu.dma_semaphore, #tpu.memory_space<semaphore_mem>>) src(%arg9 : memref<128x16xf32, #tpu.memory_space<vmem>>) dst(%dma_wait3A_283 : memref<10240x16xf32, #tpu.memory_space<vmem_shared>>)
        %dma_start3A_284 = arith.constant 0 : i32
        %dma_start3A_285 = tpu.memref_slice %arg6[%add3A_232, %dma_start3A_284] : memref<96x128xi32, #tpu.memory_space<vmem>> -> memref<1x128xi32, #tpu.memory_space<vmem>>
        %dma_start3A_286 = tpu.memref_squeeze %dma_start3A_285 : memref<1x128xi32, #tpu.memory_space<vmem>> -> memref<128xi32, #tpu.memory_space<vmem>>
        %dma_start3A_287 = arith.constant 0 : i32
        %dma_start3A_288 = arith.constant 0 : i32
        %dma_start3A_289 = tpu.memref_slice %arg2[%dma_start3A_287, %dma_start3A_288] : memref<10240x16xf32, #tpu.memory_space<hbm>> -> memref<10240x16xf32, #tpu.memory_space<hbm>>
        tpu.enqueue_indirect_dma source(%dma_start3A_289 : memref<10240x16xf32, #tpu.memory_space<hbm>>) target(%arg9 : memref<128x16xf32, #tpu.memory_space<vmem>>) offsets(%dma_start3A_286 : memref<128xi32, #tpu.memory_space<vmem>>) semaphore(%arg15 : memref<!tpu.dma_semaphore, #tpu.memory_space<semaphore_mem>>)
      } else {
      }
      %while3A_275 = arith.constant 0 : i32
      scf.yield %while3A_275 : i32
    }
    %sub3A_67 = arith.constant 4 : i32
    %sub3A_68 = arith.subi %select_n3A, %sub3A_67 : i32
    %add3A_69 = arith.constant 0 : i32
    %add3A_70 = arith.addi %sub3A_68, %add3A_69 : i32
    %dma_wait3A = arith.constant 0 : i32
    %dma_wait3A_71 = tpu.memref_slice %arg7[%add3A_70, %dma_wait3A] : memref<96x128xi32, #tpu.memory_space<vmem>> -> memref<1x128xi32, #tpu.memory_space<vmem>>
    %dma_wait3A_72 = tpu.memref_squeeze %dma_wait3A_71 : memref<1x128xi32, #tpu.memory_space<vmem>> -> memref<128xi32, #tpu.memory_space<vmem>>
    %dma_wait3A_73 = arith.constant 0 : i32
    %dma_wait3A_74 = arith.constant 0 : i32
    %dma_wait3A_75 = tpu.memref_slice %arg13[%dma_wait3A_73, %dma_wait3A_74] : memref<10240x16xf32, #tpu.memory_space<vmem_shared>> -> memref<10240x16xf32, #tpu.memory_space<vmem_shared>>
    tpu.wait_indirect_dma semaphore(%arg18 : memref<!tpu.dma_semaphore, #tpu.memory_space<semaphore_mem>>) src(%arg8 : memref<128x16xf32, #tpu.memory_space<vmem>>) dst(%dma_wait3A_75 : memref<10240x16xf32, #tpu.memory_space<vmem_shared>>)
    %sub3A_76 = arith.constant 4 : i32
    %sub3A_77 = arith.subi %select_n3A, %sub3A_76 : i32
    %add3A_78 = arith.constant 1 : i32
    %add3A_79 = arith.addi %sub3A_77, %add3A_78 : i32
    %dma_wait3A_80 = arith.constant 0 : i32
    %dma_wait3A_81 = tpu.memref_slice %arg7[%add3A_79, %dma_wait3A_80] : memref<96x128xi32, #tpu.memory_space<vmem>> -> memref<1x128xi32, #tpu.memory_space<vmem>>
    %dma_wait3A_82 = tpu.memref_squeeze %dma_wait3A_81 : memref<1x128xi32, #tpu.memory_space<vmem>> -> memref<128xi32, #tpu.memory_space<vmem>>
    %dma_wait3A_83 = arith.constant 0 : i32
    %dma_wait3A_84 = arith.constant 0 : i32
    %dma_wait3A_85 = tpu.memref_slice %arg13[%dma_wait3A_83, %dma_wait3A_84] : memref<10240x16xf32, #tpu.memory_space<vmem_shared>> -> memref<10240x16xf32, #tpu.memory_space<vmem_shared>>
    tpu.wait_indirect_dma semaphore(%arg19 : memref<!tpu.dma_semaphore, #tpu.memory_space<semaphore_mem>>) src(%arg9 : memref<128x16xf32, #tpu.memory_space<vmem>>) dst(%dma_wait3A_85 : memref<10240x16xf32, #tpu.memory_space<vmem_shared>>)
    %sub3A_86 = arith.constant 4 : i32
    %sub3A_87 = arith.subi %select_n3A, %sub3A_86 : i32
    %add3A_88 = arith.constant 2 : i32
    %add3A_89 = arith.addi %sub3A_87, %add3A_88 : i32
    %dma_wait3A_90 = arith.constant 0 : i32
    %dma_wait3A_91 = tpu.memref_slice %arg7[%add3A_89, %dma_wait3A_90] : memref<96x128xi32, #tpu.memory_space<vmem>> -> memref<1x128xi32, #tpu.memory_space<vmem>>
    %dma_wait3A_92 = tpu.memref_squeeze %dma_wait3A_91 : memref<1x128xi32, #tpu.memory_space<vmem>> -> memref<128xi32, #tpu.memory_space<vmem>>
    %dma_wait3A_93 = arith.constant 0 : i32
    %dma_wait3A_94 = arith.constant 0 : i32
    %dma_wait3A_95 = tpu.memref_slice %arg13[%dma_wait3A_93, %dma_wait3A_94] : memref<10240x16xf32, #tpu.memory_space<vmem_shared>> -> memref<10240x16xf32, #tpu.memory_space<vmem_shared>>
    tpu.wait_indirect_dma semaphore(%arg20 : memref<!tpu.dma_semaphore, #tpu.memory_space<semaphore_mem>>) src(%arg10 : memref<128x16xf32, #tpu.memory_space<vmem>>) dst(%dma_wait3A_95 : memref<10240x16xf32, #tpu.memory_space<vmem_shared>>)
    %sub3A_96 = arith.constant 4 : i32
    %sub3A_97 = arith.subi %select_n3A, %sub3A_96 : i32
    %add3A_98 = arith.constant 3 : i32
    %add3A_99 = arith.addi %sub3A_97, %add3A_98 : i32
    %dma_wait3A_100 = arith.constant 0 : i32
    %dma_wait3A_101 = tpu.memref_slice %arg7[%add3A_99, %dma_wait3A_100] : memref<96x128xi32, #tpu.memory_space<vmem>> -> memref<1x128xi32, #tpu.memory_space<vmem>>
    %dma_wait3A_102 = tpu.memref_squeeze %dma_wait3A_101 : memref<1x128xi32, #tpu.memory_space<vmem>> -> memref<128xi32, #tpu.memory_space<vmem>>
    %dma_wait3A_103 = arith.constant 0 : i32
    %dma_wait3A_104 = arith.constant 0 : i32
    %dma_wait3A_105 = tpu.memref_slice %arg13[%dma_wait3A_103, %dma_wait3A_104] : memref<10240x16xf32, #tpu.memory_space<vmem_shared>> -> memref<10240x16xf32, #tpu.memory_space<vmem_shared>>
    tpu.wait_indirect_dma semaphore(%arg21 : memref<!tpu.dma_semaphore, #tpu.memory_space<semaphore_mem>>) src(%arg11 : memref<128x16xf32, #tpu.memory_space<vmem>>) dst(%dma_wait3A_105 : memref<10240x16xf32, #tpu.memory_space<vmem_shared>>)
    %barrier3A_106 = arith.constant 0 : index
    tpu.barrier barrier_id(%barrier3A_106)
    %mul3A_107 = arith.constant 640 : i32
    %mul3A_108 = arith.muli %arg1, %mul3A_107 : i32
    %add3A_109 = arith.constant 0 : i32
    %add3A_110 = arith.addi %mul3A_108, %add3A_109 : i32
    "tpu.region"() ({
      %run_scoped3A = tpu.sem_alloc : memref<!tpu.dma_semaphore, #tpu.memory_space<semaphore_mem>>
      %dma_start3A_123 = arith.constant 0 : i32
      %dma_start3A_124 = tpu.memref_slice %arg5[%arg0, %add3A_110, %dma_start3A_123] : memref<2x10240x16xf32, #tpu.memory_space<hbm>> -> memref<1x160x16xf32, #tpu.memory_space<hbm>>
      %dma_start3A_125 = tpu.memref_squeeze %dma_start3A_124 : memref<1x160x16xf32, #tpu.memory_space<hbm>> -> memref<160x16xf32, #tpu.memory_space<hbm>>
      %dma_start3A_126 = arith.constant 0 : i32
      %dma_start3A_127 = tpu.memref_slice %arg13[%add3A_110, %dma_start3A_126] : memref<10240x16xf32, #tpu.memory_space<vmem_shared>> -> memref<160x16xf32, #tpu.memory_space<vmem_shared>>
      tpu.enqueue_dma source(%dma_start3A_127 : memref<160x16xf32, #tpu.memory_space<vmem_shared>>) target(%dma_start3A_125 : memref<160x16xf32, #tpu.memory_space<hbm>>) target_semaphore(%run_scoped3A : memref<!tpu.dma_semaphore, #tpu.memory_space<semaphore_mem>>)
      %dma_wait3A_128 = arith.constant 0 : i32
      %dma_wait3A_129 = tpu.memref_slice %arg5[%arg0, %add3A_110, %dma_wait3A_128] : memref<2x10240x16xf32, #tpu.memory_space<hbm>> -> memref<1x160x16xf32, #tpu.memory_space<hbm>>
      %dma_wait3A_130 = tpu.memref_squeeze %dma_wait3A_129 : memref<1x160x16xf32, #tpu.memory_space<hbm>> -> memref<160x16xf32, #tpu.memory_space<hbm>>
      %dma_wait3A_131 = arith.constant 0 : i32
      %dma_wait3A_132 = tpu.memref_slice %arg13[%add3A_110, %dma_wait3A_131] : memref<10240x16xf32, #tpu.memory_space<vmem_shared>> -> memref<160x16xf32, #tpu.memory_space<vmem_shared>>
      tpu.wait_dma2 semaphore(%run_scoped3A : memref<!tpu.dma_semaphore, #tpu.memory_space<semaphore_mem>>) src(%dma_wait3A_132 : memref<160x16xf32, #tpu.memory_space<vmem_shared>>) dst(%dma_wait3A_130 : memref<160x16xf32, #tpu.memory_space<hbm>>)
      tpu.yield
    }) : () -> ()
    %mul3A_111 = arith.constant 640 : i32
    %mul3A_112 = arith.muli %arg1, %mul3A_111 : i32
    %add3A_113 = arith.constant 160 : i32
    %add3A_114 = arith.addi %mul3A_112, %add3A_113 : i32
    "tpu.region"() ({
      %run_scoped3A = tpu.sem_alloc : memref<!tpu.dma_semaphore, #tpu.memory_space<semaphore_mem>>
      %dma_start3A_123 = arith.constant 0 : i32
      %dma_start3A_124 = tpu.memref_slice %arg5[%arg0, %add3A_114, %dma_start3A_123] : memref<2x10240x16xf32, #tpu.memory_space<hbm>> -> memref<1x160x16xf32, #tpu.memory_space<hbm>>
      %dma_start3A_125 = tpu.memref_squeeze %dma_start3A_124 : memref<1x160x16xf32, #tpu.memory_space<hbm>> -> memref<160x16xf32, #tpu.memory_space<hbm>>
      %dma_start3A_126 = arith.constant 0 : i32
      %dma_start3A_127 = tpu.memref_slice %arg13[%add3A_114, %dma_start3A_126] : memref<10240x16xf32, #tpu.memory_space<vmem_shared>> -> memref<160x16xf32, #tpu.memory_space<vmem_shared>>
      tpu.enqueue_dma source(%dma_start3A_127 : memref<160x16xf32, #tpu.memory_space<vmem_shared>>) target(%dma_start3A_125 : memref<160x16xf32, #tpu.memory_space<hbm>>) target_semaphore(%run_scoped3A : memref<!tpu.dma_semaphore, #tpu.memory_space<semaphore_mem>>)
      %dma_wait3A_128 = arith.constant 0 : i32
      %dma_wait3A_129 = tpu.memref_slice %arg5[%arg0, %add3A_114, %dma_wait3A_128] : memref<2x10240x16xf32, #tpu.memory_space<hbm>> -> memref<1x160x16xf32, #tpu.memory_space<hbm>>
      %dma_wait3A_130 = tpu.memref_squeeze %dma_wait3A_129 : memref<1x160x16xf32, #tpu.memory_space<hbm>> -> memref<160x16xf32, #tpu.memory_space<hbm>>
      %dma_wait3A_131 = arith.constant 0 : i32
      %dma_wait3A_132 = tpu.memref_slice %arg13[%add3A_114, %dma_wait3A_131] : memref<10240x16xf32, #tpu.memory_space<vmem_shared>> -> memref<160x16xf32, #tpu.memory_space<vmem_shared>>
      tpu.wait_dma2 semaphore(%run_scoped3A : memref<!tpu.dma_semaphore, #tpu.memory_space<semaphore_mem>>) src(%dma_wait3A_132 : memref<160x16xf32, #tpu.memory_space<vmem_shared>>) dst(%dma_wait3A_130 : memref<160x16xf32, #tpu.memory_space<hbm>>)
      tpu.yield
    }) : () -> ()
    %mul3A_115 = arith.constant 640 : i32
    %mul3A_116 = arith.muli %arg1, %mul3A_115 : i32
    %add3A_117 = arith.constant 320 : i32
    %add3A_118 = arith.addi %mul3A_116, %add3A_117 : i32
    "tpu.region"() ({
      %run_scoped3A = tpu.sem_alloc : memref<!tpu.dma_semaphore, #tpu.memory_space<semaphore_mem>>
      %dma_start3A_123 = arith.constant 0 : i32
      %dma_start3A_124 = tpu.memref_slice %arg5[%arg0, %add3A_118, %dma_start3A_123] : memref<2x10240x16xf32, #tpu.memory_space<hbm>> -> memref<1x160x16xf32, #tpu.memory_space<hbm>>
      %dma_start3A_125 = tpu.memref_squeeze %dma_start3A_124 : memref<1x160x16xf32, #tpu.memory_space<hbm>> -> memref<160x16xf32, #tpu.memory_space<hbm>>
      %dma_start3A_126 = arith.constant 0 : i32
      %dma_start3A_127 = tpu.memref_slice %arg13[%add3A_118, %dma_start3A_126] : memref<10240x16xf32, #tpu.memory_space<vmem_shared>> -> memref<160x16xf32, #tpu.memory_space<vmem_shared>>
      tpu.enqueue_dma source(%dma_start3A_127 : memref<160x16xf32, #tpu.memory_space<vmem_shared>>) target(%dma_start3A_125 : memref<160x16xf32, #tpu.memory_space<hbm>>) target_semaphore(%run_scoped3A : memref<!tpu.dma_semaphore, #tpu.memory_space<semaphore_mem>>)
      %dma_wait3A_128 = arith.constant 0 : i32
      %dma_wait3A_129 = tpu.memref_slice %arg5[%arg0, %add3A_118, %dma_wait3A_128] : memref<2x10240x16xf32, #tpu.memory_space<hbm>> -> memref<1x160x16xf32, #tpu.memory_space<hbm>>
      %dma_wait3A_130 = tpu.memref_squeeze %dma_wait3A_129 : memref<1x160x16xf32, #tpu.memory_space<hbm>> -> memref<160x16xf32, #tpu.memory_space<hbm>>
      %dma_wait3A_131 = arith.constant 0 : i32
      %dma_wait3A_132 = tpu.memref_slice %arg13[%add3A_118, %dma_wait3A_131] : memref<10240x16xf32, #tpu.memory_space<vmem_shared>> -> memref<160x16xf32, #tpu.memory_space<vmem_shared>>
      tpu.wait_dma2 semaphore(%run_scoped3A : memref<!tpu.dma_semaphore, #tpu.memory_space<semaphore_mem>>) src(%dma_wait3A_132 : memref<160x16xf32, #tpu.memory_space<vmem_shared>>) dst(%dma_wait3A_130 : memref<160x16xf32, #tpu.memory_space<hbm>>)
      tpu.yield
    }) : () -> ()
    %mul3A_119 = arith.constant 640 : i32
    %mul3A_120 = arith.muli %arg1, %mul3A_119 : i32
    %add3A_121 = arith.constant 480 : i32
    %add3A_122 = arith.addi %mul3A_120, %add3A_121 : i32
    "tpu.region"() ({
      %run_scoped3A = tpu.sem_alloc : memref<!tpu.dma_semaphore, #tpu.memory_space<semaphore_mem>>
      %dma_start3A_123 = arith.constant 0 : i32
      %dma_start3A_124 = tpu.memref_slice %arg5[%arg0, %add3A_122, %dma_start3A_123] : memref<2x10240x16xf32, #tpu.memory_space<hbm>> -> memref<1x160x16xf32, #tpu.memory_space<hbm>>
      %dma_start3A_125 = tpu.memref_squeeze %dma_start3A_124 : memref<1x160x16xf32, #tpu.memory_space<hbm>> -> memref<160x16xf32, #tpu.memory_space<hbm>>
      %dma_start3A_126 = arith.constant 0 : i32
      %dma_start3A_127 = tpu.memref_slice %arg13[%add3A_122, %dma_start3A_126] : memref<10240x16xf32, #tpu.memory_space<vmem_shared>> -> memref<160x16xf32, #tpu.memory_space<vmem_shared>>
      tpu.enqueue_dma source(%dma_start3A_127 : memref<160x16xf32, #tpu.memory_space<vmem_shared>>) target(%dma_start3A_125 : memref<160x16xf32, #tpu.memory_space<hbm>>) target_semaphore(%run_scoped3A : memref<!tpu.dma_semaphore, #tpu.memory_space<semaphore_mem>>)
      %dma_wait3A_128 = arith.constant 0 : i32
      %dma_wait3A_129 = tpu.memref_slice %arg5[%arg0, %add3A_122, %dma_wait3A_128] : memref<2x10240x16xf32, #tpu.memory_space<hbm>> -> memref<1x160x16xf32, #tpu.memory_space<hbm>>
      %dma_wait3A_130 = tpu.memref_squeeze %dma_wait3A_129 : memref<1x160x16xf32, #tpu.memory_space<hbm>> -> memref<160x16xf32, #tpu.memory_space<hbm>>
      %dma_wait3A_131 = arith.constant 0 : i32
      %dma_wait3A_132 = tpu.memref_slice %arg13[%add3A_122, %dma_wait3A_131] : memref<10240x16xf32, #tpu.memory_space<vmem_shared>> -> memref<160x16xf32, #tpu.memory_space<vmem_shared>>
      tpu.wait_dma2 semaphore(%run_scoped3A : memref<!tpu.dma_semaphore, #tpu.memory_space<semaphore_mem>>) src(%dma_wait3A_132 : memref<160x16xf32, #tpu.memory_space<vmem_shared>>) dst(%dma_wait3A_130 : memref<160x16xf32, #tpu.memory_space<hbm>>)
      tpu.yield
    }) : () -> ()
    return
  }
}

#map = affine_map<(d0, d1) -> (0, 0, 0)>
module attributes {stable_mosaic.version = 14 : i64} {
  func.func @_deg_kernel(%arg0: i32, %arg1: i32, %arg2: memref<32x96x128xi32, #tpu.memory_space<hbm>>, %arg3: memref<2x10240x16xf32, #tpu.memory_space<hbm>>, %arg4: memref<96x128xi32, #tpu.memory_space<vmem>>, %arg5: memref<128x16xf32, #tpu.memory_space<vmem>>, %arg6: memref<160x16xf32, #tpu.memory_space<vmem>>, %arg7: memref<10240x16xf32, #tpu.memory_space<vmem_shared>>, %arg8: memref<!tpu.dma_semaphore, #tpu.memory_space<semaphore_mem>>) attributes {dimension_semantics = [#tpu.dimension_semantics<core_parallel>, #tpu.dimension_semantics<subcore_parallel>], iteration_bounds = array<i64: 2, 16>, scalar_prefetch = 0 : i64, scratch_operands = 5 : i64, tpu.core_type = #tpu.core_type<sc_vector_subcore>, window_params = [{transform_indices = #map}, {transform_indices = #map}]} {
    %mul3A = arith.constant 16 : i32
    %mul3A_0 = arith.muli %arg0, %mul3A : i32
    %add3A = arith.addi %mul3A_0, %arg1 : i32
    %eq3A = arith.constant 0 : i32
    %eq3A_1 = arith.cmpi eq, %arg0, %eq3A : i32
    %jit3A = arith.constant 64 : i32
    %jit3A_2 = arith.constant 96 : i32
    %select_n3A = arith.select %eq3A_1, %jit3A, %jit3A_2 : i32
    %scan3A = arith.constant 0 : i32
    %scan3A_3 = arith.constant 0 : i32
    %scan3A_4 = arith.constant 128 : i32
    %scan3A_5 = arith.addi %scan3A_3, %scan3A_4 : i32
    %scan3A_6 = arith.constant 1 : i32
    %scan3A_7 = scf.for %scan3A_78 = %scan3A_3 to %scan3A_5 step %scan3A_6 iter_args(%scan3A_79 = %scan3A) -> (i32)  : i32 {
      %broadcast_in_dim3A = arith.constant 1.000000e+00 : f32
      %broadcast_in_dim3A_80 = vector.broadcast %broadcast_in_dim3A : f32 to vector<16xf32>
      %swap3A = arith.index_cast %scan3A_78 : i32 to index
      %swap3A_81 = arith.constant 0 : index
      %swap3A_82 = tpu.vector_load %arg5[%swap3A, %swap3A_81] {strides = array<i32>} : memref<128x16xf32, #tpu.memory_space<vmem>>, vector<1x16xf32>,
      %swap3A_83 = vector.shape_cast %swap3A_82 : vector<1x16xf32> to vector<16xf32>
      %swap3A_84 = vector.shape_cast %broadcast_in_dim3A_80 : vector<16xf32> to vector<1x16xf32>
      tpu.vector_store %arg5[%swap3A, %swap3A_81], %swap3A_84 {strides = array<i32>} : memref<128x16xf32, #tpu.memory_space<vmem>>, vector<1x16xf32>,
      %scan3A_85 = arith.constant 0 : i32
      scf.yield %scan3A_85 : i32
    }
    %scan3A_8 = arith.constant 128 : i32
    %scan3A_9 = arith.constant 0 : i32
    %scan3A_10 = arith.constant 0 : i32
    %scan3A_11 = arith.constant 160 : i32
    %scan3A_12 = arith.addi %scan3A_10, %scan3A_11 : i32
    %scan3A_13 = arith.constant 1 : i32
    %scan3A_14 = scf.for %scan3A_78 = %scan3A_10 to %scan3A_12 step %scan3A_13 iter_args(%scan3A_79 = %scan3A_9) -> (i32)  : i32 {
      %broadcast_in_dim3A = arith.constant 0.000000e+00 : f32
      %broadcast_in_dim3A_80 = vector.broadcast %broadcast_in_dim3A : f32 to vector<16xf32>
      %swap3A = arith.index_cast %scan3A_78 : i32 to index
      %swap3A_81 = arith.constant 0 : index
      %swap3A_82 = tpu.vector_load %arg6[%swap3A, %swap3A_81] {strides = array<i32>} : memref<160x16xf32, #tpu.memory_space<vmem>>, vector<1x16xf32>,
      %swap3A_83 = vector.shape_cast %swap3A_82 : vector<1x16xf32> to vector<16xf32>
      %swap3A_84 = vector.shape_cast %broadcast_in_dim3A_80 : vector<16xf32> to vector<1x16xf32>
      tpu.vector_store %arg6[%swap3A, %swap3A_81], %swap3A_84 {strides = array<i32>} : memref<160x16xf32, #tpu.memory_space<vmem>>, vector<1x16xf32>,
      %scan3A_85 = arith.constant 0 : i32
      scf.yield %scan3A_85 : i32
    }
    %scan3A_15 = arith.constant 160 : i32
    "tpu.region"() ({
      %run_scoped3A = tpu.sem_alloc : memref<!tpu.dma_semaphore, #tpu.memory_space<semaphore_mem>>
      %dma_start3A = arith.constant 0 : i32
      %dma_start3A_78 = arith.constant 0 : i32
      %dma_start3A_79 = tpu.memref_slice %arg2[%add3A, %dma_start3A, %dma_start3A_78] : memref<32x96x128xi32, #tpu.memory_space<hbm>> -> memref<1x96x128xi32, #tpu.memory_space<hbm>>
      %dma_start3A_80 = tpu.memref_squeeze %dma_start3A_79 : memref<1x96x128xi32, #tpu.memory_space<hbm>> -> memref<96x128xi32, #tpu.memory_space<hbm>>
      %dma_start3A_81 = arith.constant 0 : i32
      %dma_start3A_82 = arith.constant 0 : i32
      %dma_start3A_83 = tpu.memref_slice %arg2[%add3A, %dma_start3A_81, %dma_start3A_82] : memref<32x96x128xi32, #tpu.memory_space<hbm>> -> memref<1x96x128xi32, #tpu.memory_space<hbm>>
      %dma_start3A_84 = tpu.memref_squeeze %dma_start3A_83 : memref<1x96x128xi32, #tpu.memory_space<hbm>> -> memref<96x128xi32, #tpu.memory_space<hbm>>
      tpu.enqueue_dma source(%dma_start3A_84 : memref<96x128xi32, #tpu.memory_space<hbm>>) target(%arg4 : memref<96x128xi32, #tpu.memory_space<vmem>>) target_semaphore(%run_scoped3A : memref<!tpu.dma_semaphore, #tpu.memory_space<semaphore_mem>>)
      %dma_wait3A = arith.constant 0 : i32
      %dma_wait3A_85 = arith.constant 0 : i32
      %dma_wait3A_86 = tpu.memref_slice %arg2[%add3A, %dma_wait3A, %dma_wait3A_85] : memref<32x96x128xi32, #tpu.memory_space<hbm>> -> memref<1x96x128xi32, #tpu.memory_space<hbm>>
      %dma_wait3A_87 = tpu.memref_squeeze %dma_wait3A_86 : memref<1x96x128xi32, #tpu.memory_space<hbm>> -> memref<96x128xi32, #tpu.memory_space<hbm>>
      %dma_wait3A_88 = arith.constant 0 : i32
      %dma_wait3A_89 = arith.constant 0 : i32
      %dma_wait3A_90 = tpu.memref_slice %arg2[%add3A, %dma_wait3A_88, %dma_wait3A_89] : memref<32x96x128xi32, #tpu.memory_space<hbm>> -> memref<1x96x128xi32, #tpu.memory_space<hbm>>
      %dma_wait3A_91 = tpu.memref_squeeze %dma_wait3A_90 : memref<1x96x128xi32, #tpu.memory_space<hbm>> -> memref<96x128xi32, #tpu.memory_space<hbm>>
      tpu.wait_dma2 semaphore(%run_scoped3A : memref<!tpu.dma_semaphore, #tpu.memory_space<semaphore_mem>>) src(%dma_wait3A_91 : memref<96x128xi32, #tpu.memory_space<hbm>>) dst(%arg4 : memref<96x128xi32, #tpu.memory_space<vmem>>)
      tpu.yield
    }) : () -> ()
    %mul3A_16 = arith.constant 640 : i32
    %mul3A_17 = arith.muli %arg1, %mul3A_16 : i32
    %add3A_18 = arith.constant 0 : i32
    %add3A_19 = arith.addi %mul3A_17, %add3A_18 : i32
    "tpu.region"() ({
      %run_scoped3A = tpu.sem_alloc : memref<!tpu.dma_semaphore, #tpu.memory_space<semaphore_mem>>
      %dma_start3A = arith.constant 0 : i32
      %dma_start3A_78 = tpu.memref_slice %arg7[%add3A_19, %dma_start3A] : memref<10240x16xf32, #tpu.memory_space<vmem_shared>> -> memref<160x16xf32, #tpu.memory_space<vmem_shared>>
      %dma_start3A_79 = arith.constant 0 : i32
      %dma_start3A_80 = tpu.memref_slice %arg7[%add3A_19, %dma_start3A_79] : memref<10240x16xf32, #tpu.memory_space<vmem_shared>> -> memref<160x16xf32, #tpu.memory_space<vmem_shared>>
      tpu.enqueue_dma source(%arg6 : memref<160x16xf32, #tpu.memory_space<vmem>>) target(%dma_start3A_80 : memref<160x16xf32, #tpu.memory_space<vmem_shared>>) target_semaphore(%run_scoped3A : memref<!tpu.dma_semaphore, #tpu.memory_space<semaphore_mem>>)
      %dma_wait3A = arith.constant 0 : i32
      %dma_wait3A_81 = tpu.memref_slice %arg7[%add3A_19, %dma_wait3A] : memref<10240x16xf32, #tpu.memory_space<vmem_shared>> -> memref<160x16xf32, #tpu.memory_space<vmem_shared>>
      %dma_wait3A_82 = arith.constant 0 : i32
      %dma_wait3A_83 = tpu.memref_slice %arg7[%add3A_19, %dma_wait3A_82] : memref<10240x16xf32, #tpu.memory_space<vmem_shared>> -> memref<160x16xf32, #tpu.memory_space<vmem_shared>>
      tpu.wait_dma2 semaphore(%run_scoped3A : memref<!tpu.dma_semaphore, #tpu.memory_space<semaphore_mem>>) src(%arg6 : memref<160x16xf32, #tpu.memory_space<vmem>>) dst(%dma_wait3A_83 : memref<160x16xf32, #tpu.memory_space<vmem_shared>>)
      tpu.yield
    }) : () -> ()
    %mul3A_20 = arith.constant 640 : i32
    %mul3A_21 = arith.muli %arg1, %mul3A_20 : i32
    %add3A_22 = arith.constant 160 : i32
    %add3A_23 = arith.addi %mul3A_21, %add3A_22 : i32
    "tpu.region"() ({
      %run_scoped3A = tpu.sem_alloc : memref<!tpu.dma_semaphore, #tpu.memory_space<semaphore_mem>>
      %dma_start3A = arith.constant 0 : i32
      %dma_start3A_78 = tpu.memref_slice %arg7[%add3A_23, %dma_start3A] : memref<10240x16xf32, #tpu.memory_space<vmem_shared>> -> memref<160x16xf32, #tpu.memory_space<vmem_shared>>
      %dma_start3A_79 = arith.constant 0 : i32
      %dma_start3A_80 = tpu.memref_slice %arg7[%add3A_23, %dma_start3A_79] : memref<10240x16xf32, #tpu.memory_space<vmem_shared>> -> memref<160x16xf32, #tpu.memory_space<vmem_shared>>
      tpu.enqueue_dma source(%arg6 : memref<160x16xf32, #tpu.memory_space<vmem>>) target(%dma_start3A_80 : memref<160x16xf32, #tpu.memory_space<vmem_shared>>) target_semaphore(%run_scoped3A : memref<!tpu.dma_semaphore, #tpu.memory_space<semaphore_mem>>)
      %dma_wait3A = arith.constant 0 : i32
      %dma_wait3A_81 = tpu.memref_slice %arg7[%add3A_23, %dma_wait3A] : memref<10240x16xf32, #tpu.memory_space<vmem_shared>> -> memref<160x16xf32, #tpu.memory_space<vmem_shared>>
      %dma_wait3A_82 = arith.constant 0 : i32
      %dma_wait3A_83 = tpu.memref_slice %arg7[%add3A_23, %dma_wait3A_82] : memref<10240x16xf32, #tpu.memory_space<vmem_shared>> -> memref<160x16xf32, #tpu.memory_space<vmem_shared>>
      tpu.wait_dma2 semaphore(%run_scoped3A : memref<!tpu.dma_semaphore, #tpu.memory_space<semaphore_mem>>) src(%arg6 : memref<160x16xf32, #tpu.memory_space<vmem>>) dst(%dma_wait3A_83 : memref<160x16xf32, #tpu.memory_space<vmem_shared>>)
      tpu.yield
    }) : () -> ()
    %mul3A_24 = arith.constant 640 : i32
    %mul3A_25 = arith.muli %arg1, %mul3A_24 : i32
    %add3A_26 = arith.constant 320 : i32
    %add3A_27 = arith.addi %mul3A_25, %add3A_26 : i32
    "tpu.region"() ({
      %run_scoped3A = tpu.sem_alloc : memref<!tpu.dma_semaphore, #tpu.memory_space<semaphore_mem>>
      %dma_start3A = arith.constant 0 : i32
      %dma_start3A_78 = tpu.memref_slice %arg7[%add3A_27, %dma_start3A] : memref<10240x16xf32, #tpu.memory_space<vmem_shared>> -> memref<160x16xf32, #tpu.memory_space<vmem_shared>>
      %dma_start3A_79 = arith.constant 0 : i32
      %dma_start3A_80 = tpu.memref_slice %arg7[%add3A_27, %dma_start3A_79] : memref<10240x16xf32, #tpu.memory_space<vmem_shared>> -> memref<160x16xf32, #tpu.memory_space<vmem_shared>>
      tpu.enqueue_dma source(%arg6 : memref<160x16xf32, #tpu.memory_space<vmem>>) target(%dma_start3A_80 : memref<160x16xf32, #tpu.memory_space<vmem_shared>>) target_semaphore(%run_scoped3A : memref<!tpu.dma_semaphore, #tpu.memory_space<semaphore_mem>>)
      %dma_wait3A = arith.constant 0 : i32
      %dma_wait3A_81 = tpu.memref_slice %arg7[%add3A_27, %dma_wait3A] : memref<10240x16xf32, #tpu.memory_space<vmem_shared>> -> memref<160x16xf32, #tpu.memory_space<vmem_shared>>
      %dma_wait3A_82 = arith.constant 0 : i32
      %dma_wait3A_83 = tpu.memref_slice %arg7[%add3A_27, %dma_wait3A_82] : memref<10240x16xf32, #tpu.memory_space<vmem_shared>> -> memref<160x16xf32, #tpu.memory_space<vmem_shared>>
      tpu.wait_dma2 semaphore(%run_scoped3A : memref<!tpu.dma_semaphore, #tpu.memory_space<semaphore_mem>>) src(%arg6 : memref<160x16xf32, #tpu.memory_space<vmem>>) dst(%dma_wait3A_83 : memref<160x16xf32, #tpu.memory_space<vmem_shared>>)
      tpu.yield
    }) : () -> ()
    %mul3A_28 = arith.constant 640 : i32
    %mul3A_29 = arith.muli %arg1, %mul3A_28 : i32
    %add3A_30 = arith.constant 480 : i32
    %add3A_31 = arith.addi %mul3A_29, %add3A_30 : i32
    "tpu.region"() ({
      %run_scoped3A = tpu.sem_alloc : memref<!tpu.dma_semaphore, #tpu.memory_space<semaphore_mem>>
      %dma_start3A = arith.constant 0 : i32
      %dma_start3A_78 = tpu.memref_slice %arg7[%add3A_31, %dma_start3A] : memref<10240x16xf32, #tpu.memory_space<vmem_shared>> -> memref<160x16xf32, #tpu.memory_space<vmem_shared>>
      %dma_start3A_79 = arith.constant 0 : i32
      %dma_start3A_80 = tpu.memref_slice %arg7[%add3A_31, %dma_start3A_79] : memref<10240x16xf32, #tpu.memory_space<vmem_shared>> -> memref<160x16xf32, #tpu.memory_space<vmem_shared>>
      tpu.enqueue_dma source(%arg6 : memref<160x16xf32, #tpu.memory_space<vmem>>) target(%dma_start3A_80 : memref<160x16xf32, #tpu.memory_space<vmem_shared>>) target_semaphore(%run_scoped3A : memref<!tpu.dma_semaphore, #tpu.memory_space<semaphore_mem>>)
      %dma_wait3A = arith.constant 0 : i32
      %dma_wait3A_81 = tpu.memref_slice %arg7[%add3A_31, %dma_wait3A] : memref<10240x16xf32, #tpu.memory_space<vmem_shared>> -> memref<160x16xf32, #tpu.memory_space<vmem_shared>>
      %dma_wait3A_82 = arith.constant 0 : i32
      %dma_wait3A_83 = tpu.memref_slice %arg7[%add3A_31, %dma_wait3A_82] : memref<10240x16xf32, #tpu.memory_space<vmem_shared>> -> memref<160x16xf32, #tpu.memory_space<vmem_shared>>
      tpu.wait_dma2 semaphore(%run_scoped3A : memref<!tpu.dma_semaphore, #tpu.memory_space<semaphore_mem>>) src(%arg6 : memref<160x16xf32, #tpu.memory_space<vmem>>) dst(%dma_wait3A_83 : memref<160x16xf32, #tpu.memory_space<vmem_shared>>)
      tpu.yield
    }) : () -> ()
    %barrier3A = arith.constant 0 : index
    tpu.barrier barrier_id(%barrier3A)
    %jit3A_32 = arith.constant 8 : i32
    %div3A = arith.divsi %select_n3A, %jit3A_32 : i32
    %sign3A = arith.constant 0 : i32
    %sign3A_33 = arith.cmpi sgt, %select_n3A, %sign3A : i32
    %sign3A_34 = arith.extui %sign3A_33 : i1 to i32
    %sign3A_35 = arith.constant 0 : i32
    %sign3A_36 = arith.cmpi slt, %select_n3A, %sign3A_35 : i32
    %sign3A_37 = arith.extui %sign3A_36 : i1 to i32
    %sign3A_38 = arith.subi %sign3A_34, %sign3A_37 : i32
    %sign3A_39 = arith.constant 0 : i32
    %sign3A_40 = arith.cmpi sgt, %jit3A_32, %sign3A_39 : i32
    %sign3A_41 = arith.extui %sign3A_40 : i1 to i32
    %sign3A_42 = arith.constant 0 : i32
    %sign3A_43 = arith.cmpi slt, %jit3A_32, %sign3A_42 : i32
    %sign3A_44 = arith.extui %sign3A_43 : i1 to i32
    %sign3A_45 = arith.subi %sign3A_41, %sign3A_44 : i32
    %ne3A = arith.cmpi ne, %sign3A_38, %sign3A_45 : i32
    %rem3A = arith.remsi %select_n3A, %jit3A_32 : i32
    %ne3A_46 = arith.constant 0 : i32
    %ne3A_47 = arith.cmpi ne, %rem3A, %ne3A_46 : i32
    %and3A = arith.andi %ne3A, %ne3A_47 : i1
    %sub3A = arith.constant 1 : i32
    %sub3A_48 = arith.subi %div3A, %sub3A : i32
    %select_n3A_49 = arith.select %and3A, %sub3A_48, %div3A : i32
    %while3A = arith.constant 0 : i32
    %while3A_50 = arith.constant 0 : i32
    %while3A_51 = arith.subi %select_n3A_49, %while3A : i32
    %while3A_52 = arith.addi %while3A, %while3A_51 : i32
    %while3A_53 = arith.constant 1 : i32
    %while3A_54 = arith.divsi %while3A_51, %while3A_53 : i32
    %while3A_55 = arith.muli %while3A_54, %while3A_53 : i32
    %while3A_56 = arith.addi %while3A, %while3A_55 : i32
    %while3A_57 = arith.constant 1 : i32
    %while3A_58 = scf.for %while3A_78 = %while3A to %while3A_56 step %while3A_57 iter_args(%while3A_79 = %while3A_50) -> (i32)  : i32 {
      %mul3A_80 = arith.constant 8 : i32
      %mul3A_81 = arith.muli %while3A_78, %mul3A_80 : i32
      %add3A_82 = arith.constant 0 : i32
      %add3A_83 = arith.addi %mul3A_81, %add3A_82 : i32
      %dma_start3A = arith.constant 0 : i32
      %dma_start3A_84 = tpu.memref_slice %arg4[%add3A_83, %dma_start3A] : memref<96x128xi32, #tpu.memory_space<vmem>> -> memref<1x128xi32, #tpu.memory_space<vmem>>
      %dma_start3A_85 = tpu.memref_squeeze %dma_start3A_84 : memref<1x128xi32, #tpu.memory_space<vmem>> -> memref<128xi32, #tpu.memory_space<vmem>>
      %dma_start3A_86 = arith.constant 0 : i32
      %dma_start3A_87 = arith.constant 0 : i32
      %dma_start3A_88 = tpu.memref_slice %arg7[%dma_start3A_86, %dma_start3A_87] : memref<10240x16xf32, #tpu.memory_space<vmem_shared>> -> memref<10240x16xf32, #tpu.memory_space<vmem_shared>>
      tpu.enqueue_indirect_dma source(%arg5 : memref<128x16xf32, #tpu.memory_space<vmem>>) target(%dma_start3A_88 : memref<10240x16xf32, #tpu.memory_space<vmem_shared>>) offsets(%dma_start3A_85 : memref<128xi32, #tpu.memory_space<vmem>>) semaphore(%arg8 : memref<!tpu.dma_semaphore, #tpu.memory_space<semaphore_mem>>) {add = true}
      %mul3A_89 = arith.constant 8 : i32
      %mul3A_90 = arith.muli %while3A_78, %mul3A_89 : i32
      %add3A_91 = arith.constant 1 : i32
      %add3A_92 = arith.addi %mul3A_90, %add3A_91 : i32
      %dma_start3A_93 = arith.constant 0 : i32
      %dma_start3A_94 = tpu.memref_slice %arg4[%add3A_92, %dma_start3A_93] : memref<96x128xi32, #tpu.memory_space<vmem>> -> memref<1x128xi32, #tpu.memory_space<vmem>>
      %dma_start3A_95 = tpu.memref_squeeze %dma_start3A_94 : memref<1x128xi32, #tpu.memory_space<vmem>> -> memref<128xi32, #tpu.memory_space<vmem>>
      %dma_start3A_96 = arith.constant 0 : i32
      %dma_start3A_97 = arith.constant 0 : i32
      %dma_start3A_98 = tpu.memref_slice %arg7[%dma_start3A_96, %dma_start3A_97] : memref<10240x16xf32, #tpu.memory_space<vmem_shared>> -> memref<10240x16xf32, #tpu.memory_space<vmem_shared>>
      tpu.enqueue_indirect_dma source(%arg5 : memref<128x16xf32, #tpu.memory_space<vmem>>) target(%dma_start3A_98 : memref<10240x16xf32, #tpu.memory_space<vmem_shared>>) offsets(%dma_start3A_95 : memref<128xi32, #tpu.memory_space<vmem>>) semaphore(%arg8 : memref<!tpu.dma_semaphore, #tpu.memory_space<semaphore_mem>>) {add = true}
      %mul3A_99 = arith.constant 8 : i32
      %mul3A_100 = arith.muli %while3A_78, %mul3A_99 : i32
      %add3A_101 = arith.constant 2 : i32
      %add3A_102 = arith.addi %mul3A_100, %add3A_101 : i32
      %dma_start3A_103 = arith.constant 0 : i32
      %dma_start3A_104 = tpu.memref_slice %arg4[%add3A_102, %dma_start3A_103] : memref<96x128xi32, #tpu.memory_space<vmem>> -> memref<1x128xi32, #tpu.memory_space<vmem>>
      %dma_start3A_105 = tpu.memref_squeeze %dma_start3A_104 : memref<1x128xi32, #tpu.memory_space<vmem>> -> memref<128xi32, #tpu.memory_space<vmem>>
      %dma_start3A_106 = arith.constant 0 : i32
      %dma_start3A_107 = arith.constant 0 : i32
      %dma_start3A_108 = tpu.memref_slice %arg7[%dma_start3A_106, %dma_start3A_107] : memref<10240x16xf32, #tpu.memory_space<vmem_shared>> -> memref<10240x16xf32, #tpu.memory_space<vmem_shared>>
      tpu.enqueue_indirect_dma source(%arg5 : memref<128x16xf32, #tpu.memory_space<vmem>>) target(%dma_start3A_108 : memref<10240x16xf32, #tpu.memory_space<vmem_shared>>) offsets(%dma_start3A_105 : memref<128xi32, #tpu.memory_space<vmem>>) semaphore(%arg8 : memref<!tpu.dma_semaphore, #tpu.memory_space<semaphore_mem>>) {add = true}
      %mul3A_109 = arith.constant 8 : i32
      %mul3A_110 = arith.muli %while3A_78, %mul3A_109 : i32
      %add3A_111 = arith.constant 3 : i32
      %add3A_112 = arith.addi %mul3A_110, %add3A_111 : i32
      %dma_start3A_113 = arith.constant 0 : i32
      %dma_start3A_114 = tpu.memref_slice %arg4[%add3A_112, %dma_start3A_113] : memref<96x128xi32, #tpu.memory_space<vmem>> -> memref<1x128xi32, #tpu.memory_space<vmem>>
      %dma_start3A_115 = tpu.memref_squeeze %dma_start3A_114 : memref<1x128xi32, #tpu.memory_space<vmem>> -> memref<128xi32, #tpu.memory_space<vmem>>
      %dma_start3A_116 = arith.constant 0 : i32
      %dma_start3A_117 = arith.constant 0 : i32
      %dma_start3A_118 = tpu.memref_slice %arg7[%dma_start3A_116, %dma_start3A_117] : memref<10240x16xf32, #tpu.memory_space<vmem_shared>> -> memref<10240x16xf32, #tpu.memory_space<vmem_shared>>
      tpu.enqueue_indirect_dma source(%arg5 : memref<128x16xf32, #tpu.memory_space<vmem>>) target(%dma_start3A_118 : memref<10240x16xf32, #tpu.memory_space<vmem_shared>>) offsets(%dma_start3A_115 : memref<128xi32, #tpu.memory_space<vmem>>) semaphore(%arg8 : memref<!tpu.dma_semaphore, #tpu.memory_space<semaphore_mem>>) {add = true}
      %mul3A_119 = arith.constant 8 : i32
      %mul3A_120 = arith.muli %while3A_78, %mul3A_119 : i32
      %add3A_121 = arith.constant 4 : i32
      %add3A_122 = arith.addi %mul3A_120, %add3A_121 : i32
      %dma_start3A_123 = arith.constant 0 : i32
      %dma_start3A_124 = tpu.memref_slice %arg4[%add3A_122, %dma_start3A_123] : memref<96x128xi32, #tpu.memory_space<vmem>> -> memref<1x128xi32, #tpu.memory_space<vmem>>
      %dma_start3A_125 = tpu.memref_squeeze %dma_start3A_124 : memref<1x128xi32, #tpu.memory_space<vmem>> -> memref<128xi32, #tpu.memory_space<vmem>>
      %dma_start3A_126 = arith.constant 0 : i32
      %dma_start3A_127 = arith.constant 0 : i32
      %dma_start3A_128 = tpu.memref_slice %arg7[%dma_start3A_126, %dma_start3A_127] : memref<10240x16xf32, #tpu.memory_space<vmem_shared>> -> memref<10240x16xf32, #tpu.memory_space<vmem_shared>>
      tpu.enqueue_indirect_dma source(%arg5 : memref<128x16xf32, #tpu.memory_space<vmem>>) target(%dma_start3A_128 : memref<10240x16xf32, #tpu.memory_space<vmem_shared>>) offsets(%dma_start3A_125 : memref<128xi32, #tpu.memory_space<vmem>>) semaphore(%arg8 : memref<!tpu.dma_semaphore, #tpu.memory_space<semaphore_mem>>) {add = true}
      %mul3A_129 = arith.constant 8 : i32
      %mul3A_130 = arith.muli %while3A_78, %mul3A_129 : i32
      %add3A_131 = arith.constant 5 : i32
      %add3A_132 = arith.addi %mul3A_130, %add3A_131 : i32
      %dma_start3A_133 = arith.constant 0 : i32
      %dma_start3A_134 = tpu.memref_slice %arg4[%add3A_132, %dma_start3A_133] : memref<96x128xi32, #tpu.memory_space<vmem>> -> memref<1x128xi32, #tpu.memory_space<vmem>>
      %dma_start3A_135 = tpu.memref_squeeze %dma_start3A_134 : memref<1x128xi32, #tpu.memory_space<vmem>> -> memref<128xi32, #tpu.memory_space<vmem>>
      %dma_start3A_136 = arith.constant 0 : i32
      %dma_start3A_137 = arith.constant 0 : i32
      %dma_start3A_138 = tpu.memref_slice %arg7[%dma_start3A_136, %dma_start3A_137] : memref<10240x16xf32, #tpu.memory_space<vmem_shared>> -> memref<10240x16xf32, #tpu.memory_space<vmem_shared>>
      tpu.enqueue_indirect_dma source(%arg5 : memref<128x16xf32, #tpu.memory_space<vmem>>) target(%dma_start3A_138 : memref<10240x16xf32, #tpu.memory_space<vmem_shared>>) offsets(%dma_start3A_135 : memref<128xi32, #tpu.memory_space<vmem>>) semaphore(%arg8 : memref<!tpu.dma_semaphore, #tpu.memory_space<semaphore_mem>>) {add = true}
      %mul3A_139 = arith.constant 8 : i32
      %mul3A_140 = arith.muli %while3A_78, %mul3A_139 : i32
      %add3A_141 = arith.constant 6 : i32
      %add3A_142 = arith.addi %mul3A_140, %add3A_141 : i32
      %dma_start3A_143 = arith.constant 0 : i32
      %dma_start3A_144 = tpu.memref_slice %arg4[%add3A_142, %dma_start3A_143] : memref<96x128xi32, #tpu.memory_space<vmem>> -> memref<1x128xi32, #tpu.memory_space<vmem>>
      %dma_start3A_145 = tpu.memref_squeeze %dma_start3A_144 : memref<1x128xi32, #tpu.memory_space<vmem>> -> memref<128xi32, #tpu.memory_space<vmem>>
      %dma_start3A_146 = arith.constant 0 : i32
      %dma_start3A_147 = arith.constant 0 : i32
      %dma_start3A_148 = tpu.memref_slice %arg7[%dma_start3A_146, %dma_start3A_147] : memref<10240x16xf32, #tpu.memory_space<vmem_shared>> -> memref<10240x16xf32, #tpu.memory_space<vmem_shared>>
      tpu.enqueue_indirect_dma source(%arg5 : memref<128x16xf32, #tpu.memory_space<vmem>>) target(%dma_start3A_148 : memref<10240x16xf32, #tpu.memory_space<vmem_shared>>) offsets(%dma_start3A_145 : memref<128xi32, #tpu.memory_space<vmem>>) semaphore(%arg8 : memref<!tpu.dma_semaphore, #tpu.memory_space<semaphore_mem>>) {add = true}
      %mul3A_149 = arith.constant 8 : i32
      %mul3A_150 = arith.muli %while3A_78, %mul3A_149 : i32
      %add3A_151 = arith.constant 7 : i32
      %add3A_152 = arith.addi %mul3A_150, %add3A_151 : i32
      %dma_start3A_153 = arith.constant 0 : i32
      %dma_start3A_154 = tpu.memref_slice %arg4[%add3A_152, %dma_start3A_153] : memref<96x128xi32, #tpu.memory_space<vmem>> -> memref<1x128xi32, #tpu.memory_space<vmem>>
      %dma_start3A_155 = tpu.memref_squeeze %dma_start3A_154 : memref<1x128xi32, #tpu.memory_space<vmem>> -> memref<128xi32, #tpu.memory_space<vmem>>
      %dma_start3A_156 = arith.constant 0 : i32
      %dma_start3A_157 = arith.constant 0 : i32
      %dma_start3A_158 = tpu.memref_slice %arg7[%dma_start3A_156, %dma_start3A_157] : memref<10240x16xf32, #tpu.memory_space<vmem_shared>> -> memref<10240x16xf32, #tpu.memory_space<vmem_shared>>
      tpu.enqueue_indirect_dma source(%arg5 : memref<128x16xf32, #tpu.memory_space<vmem>>) target(%dma_start3A_158 : memref<10240x16xf32, #tpu.memory_space<vmem_shared>>) offsets(%dma_start3A_155 : memref<128xi32, #tpu.memory_space<vmem>>) semaphore(%arg8 : memref<!tpu.dma_semaphore, #tpu.memory_space<semaphore_mem>>) {add = true}
      %mul3A_159 = arith.constant 8 : i32
      %mul3A_160 = arith.muli %while3A_78, %mul3A_159 : i32
      %add3A_161 = arith.constant 0 : i32
      %add3A_162 = arith.addi %mul3A_160, %add3A_161 : i32
      %dma_wait3A = arith.constant 0 : i32
      %dma_wait3A_163 = tpu.memref_slice %arg4[%add3A_162, %dma_wait3A] : memref<96x128xi32, #tpu.memory_space<vmem>> -> memref<1x128xi32, #tpu.memory_space<vmem>>
      %dma_wait3A_164 = tpu.memref_squeeze %dma_wait3A_163 : memref<1x128xi32, #tpu.memory_space<vmem>> -> memref<128xi32, #tpu.memory_space<vmem>>
      %dma_wait3A_165 = arith.constant 0 : i32
      %dma_wait3A_166 = arith.constant 0 : i32
      %dma_wait3A_167 = tpu.memref_slice %arg7[%dma_wait3A_165, %dma_wait3A_166] : memref<10240x16xf32, #tpu.memory_space<vmem_shared>> -> memref<10240x16xf32, #tpu.memory_space<vmem_shared>>
      tpu.wait_indirect_dma semaphore(%arg8 : memref<!tpu.dma_semaphore, #tpu.memory_space<semaphore_mem>>) src(%arg5 : memref<128x16xf32, #tpu.memory_space<vmem>>) dst(%dma_wait3A_167 : memref<10240x16xf32, #tpu.memory_space<vmem_shared>>)
      %mul3A_168 = arith.constant 8 : i32
      %mul3A_169 = arith.muli %while3A_78, %mul3A_168 : i32
      %add3A_170 = arith.constant 1 : i32
      %add3A_171 = arith.addi %mul3A_169, %add3A_170 : i32
      %dma_wait3A_172 = arith.constant 0 : i32
      %dma_wait3A_173 = tpu.memref_slice %arg4[%add3A_171, %dma_wait3A_172] : memref<96x128xi32, #tpu.memory_space<vmem>> -> memref<1x128xi32, #tpu.memory_space<vmem>>
      %dma_wait3A_174 = tpu.memref_squeeze %dma_wait3A_173 : memref<1x128xi32, #tpu.memory_space<vmem>> -> memref<128xi32, #tpu.memory_space<vmem>>
      %dma_wait3A_175 = arith.constant 0 : i32
      %dma_wait3A_176 = arith.constant 0 : i32
      %dma_wait3A_177 = tpu.memref_slice %arg7[%dma_wait3A_175, %dma_wait3A_176] : memref<10240x16xf32, #tpu.memory_space<vmem_shared>> -> memref<10240x16xf32, #tpu.memory_space<vmem_shared>>
      tpu.wait_indirect_dma semaphore(%arg8 : memref<!tpu.dma_semaphore, #tpu.memory_space<semaphore_mem>>) src(%arg5 : memref<128x16xf32, #tpu.memory_space<vmem>>) dst(%dma_wait3A_177 : memref<10240x16xf32, #tpu.memory_space<vmem_shared>>)
      %mul3A_178 = arith.constant 8 : i32
      %mul3A_179 = arith.muli %while3A_78, %mul3A_178 : i32
      %add3A_180 = arith.constant 2 : i32
      %add3A_181 = arith.addi %mul3A_179, %add3A_180 : i32
      %dma_wait3A_182 = arith.constant 0 : i32
      %dma_wait3A_183 = tpu.memref_slice %arg4[%add3A_181, %dma_wait3A_182] : memref<96x128xi32, #tpu.memory_space<vmem>> -> memref<1x128xi32, #tpu.memory_space<vmem>>
      %dma_wait3A_184 = tpu.memref_squeeze %dma_wait3A_183 : memref<1x128xi32, #tpu.memory_space<vmem>> -> memref<128xi32, #tpu.memory_space<vmem>>
      %dma_wait3A_185 = arith.constant 0 : i32
      %dma_wait3A_186 = arith.constant 0 : i32
      %dma_wait3A_187 = tpu.memref_slice %arg7[%dma_wait3A_185, %dma_wait3A_186] : memref<10240x16xf32, #tpu.memory_space<vmem_shared>> -> memref<10240x16xf32, #tpu.memory_space<vmem_shared>>
      tpu.wait_indirect_dma semaphore(%arg8 : memref<!tpu.dma_semaphore, #tpu.memory_space<semaphore_mem>>) src(%arg5 : memref<128x16xf32, #tpu.memory_space<vmem>>) dst(%dma_wait3A_187 : memref<10240x16xf32, #tpu.memory_space<vmem_shared>>)
      %mul3A_188 = arith.constant 8 : i32
      %mul3A_189 = arith.muli %while3A_78, %mul3A_188 : i32
      %add3A_190 = arith.constant 3 : i32
      %add3A_191 = arith.addi %mul3A_189, %add3A_190 : i32
      %dma_wait3A_192 = arith.constant 0 : i32
      %dma_wait3A_193 = tpu.memref_slice %arg4[%add3A_191, %dma_wait3A_192] : memref<96x128xi32, #tpu.memory_space<vmem>> -> memref<1x128xi32, #tpu.memory_space<vmem>>
      %dma_wait3A_194 = tpu.memref_squeeze %dma_wait3A_193 : memref<1x128xi32, #tpu.memory_space<vmem>> -> memref<128xi32, #tpu.memory_space<vmem>>
      %dma_wait3A_195 = arith.constant 0 : i32
      %dma_wait3A_196 = arith.constant 0 : i32
      %dma_wait3A_197 = tpu.memref_slice %arg7[%dma_wait3A_195, %dma_wait3A_196] : memref<10240x16xf32, #tpu.memory_space<vmem_shared>> -> memref<10240x16xf32, #tpu.memory_space<vmem_shared>>
      tpu.wait_indirect_dma semaphore(%arg8 : memref<!tpu.dma_semaphore, #tpu.memory_space<semaphore_mem>>) src(%arg5 : memref<128x16xf32, #tpu.memory_space<vmem>>) dst(%dma_wait3A_197 : memref<10240x16xf32, #tpu.memory_space<vmem_shared>>)
      %mul3A_198 = arith.constant 8 : i32
      %mul3A_199 = arith.muli %while3A_78, %mul3A_198 : i32
      %add3A_200 = arith.constant 4 : i32
      %add3A_201 = arith.addi %mul3A_199, %add3A_200 : i32
      %dma_wait3A_202 = arith.constant 0 : i32
      %dma_wait3A_203 = tpu.memref_slice %arg4[%add3A_201, %dma_wait3A_202] : memref<96x128xi32, #tpu.memory_space<vmem>> -> memref<1x128xi32, #tpu.memory_space<vmem>>
      %dma_wait3A_204 = tpu.memref_squeeze %dma_wait3A_203 : memref<1x128xi32, #tpu.memory_space<vmem>> -> memref<128xi32, #tpu.memory_space<vmem>>
      %dma_wait3A_205 = arith.constant 0 : i32
      %dma_wait3A_206 = arith.constant 0 : i32
      %dma_wait3A_207 = tpu.memref_slice %arg7[%dma_wait3A_205, %dma_wait3A_206] : memref<10240x16xf32, #tpu.memory_space<vmem_shared>> -> memref<10240x16xf32, #tpu.memory_space<vmem_shared>>
      tpu.wait_indirect_dma semaphore(%arg8 : memref<!tpu.dma_semaphore, #tpu.memory_space<semaphore_mem>>) src(%arg5 : memref<128x16xf32, #tpu.memory_space<vmem>>) dst(%dma_wait3A_207 : memref<10240x16xf32, #tpu.memory_space<vmem_shared>>)
      %mul3A_208 = arith.constant 8 : i32
      %mul3A_209 = arith.muli %while3A_78, %mul3A_208 : i32
      %add3A_210 = arith.constant 5 : i32
      %add3A_211 = arith.addi %mul3A_209, %add3A_210 : i32
      %dma_wait3A_212 = arith.constant 0 : i32
      %dma_wait3A_213 = tpu.memref_slice %arg4[%add3A_211, %dma_wait3A_212] : memref<96x128xi32, #tpu.memory_space<vmem>> -> memref<1x128xi32, #tpu.memory_space<vmem>>
      %dma_wait3A_214 = tpu.memref_squeeze %dma_wait3A_213 : memref<1x128xi32, #tpu.memory_space<vmem>> -> memref<128xi32, #tpu.memory_space<vmem>>
      %dma_wait3A_215 = arith.constant 0 : i32
      %dma_wait3A_216 = arith.constant 0 : i32
      %dma_wait3A_217 = tpu.memref_slice %arg7[%dma_wait3A_215, %dma_wait3A_216] : memref<10240x16xf32, #tpu.memory_space<vmem_shared>> -> memref<10240x16xf32, #tpu.memory_space<vmem_shared>>
      tpu.wait_indirect_dma semaphore(%arg8 : memref<!tpu.dma_semaphore, #tpu.memory_space<semaphore_mem>>) src(%arg5 : memref<128x16xf32, #tpu.memory_space<vmem>>) dst(%dma_wait3A_217 : memref<10240x16xf32, #tpu.memory_space<vmem_shared>>)
      %mul3A_218 = arith.constant 8 : i32
      %mul3A_219 = arith.muli %while3A_78, %mul3A_218 : i32
      %add3A_220 = arith.constant 6 : i32
      %add3A_221 = arith.addi %mul3A_219, %add3A_220 : i32
      %dma_wait3A_222 = arith.constant 0 : i32
      %dma_wait3A_223 = tpu.memref_slice %arg4[%add3A_221, %dma_wait3A_222] : memref<96x128xi32, #tpu.memory_space<vmem>> -> memref<1x128xi32, #tpu.memory_space<vmem>>
      %dma_wait3A_224 = tpu.memref_squeeze %dma_wait3A_223 : memref<1x128xi32, #tpu.memory_space<vmem>> -> memref<128xi32, #tpu.memory_space<vmem>>
      %dma_wait3A_225 = arith.constant 0 : i32
      %dma_wait3A_226 = arith.constant 0 : i32
      %dma_wait3A_227 = tpu.memref_slice %arg7[%dma_wait3A_225, %dma_wait3A_226] : memref<10240x16xf32, #tpu.memory_space<vmem_shared>> -> memref<10240x16xf32, #tpu.memory_space<vmem_shared>>
      tpu.wait_indirect_dma semaphore(%arg8 : memref<!tpu.dma_semaphore, #tpu.memory_space<semaphore_mem>>) src(%arg5 : memref<128x16xf32, #tpu.memory_space<vmem>>) dst(%dma_wait3A_227 : memref<10240x16xf32, #tpu.memory_space<vmem_shared>>)
      %mul3A_228 = arith.constant 8 : i32
      %mul3A_229 = arith.muli %while3A_78, %mul3A_228 : i32
      %add3A_230 = arith.constant 7 : i32
      %add3A_231 = arith.addi %mul3A_229, %add3A_230 : i32
      %dma_wait3A_232 = arith.constant 0 : i32
      %dma_wait3A_233 = tpu.memref_slice %arg4[%add3A_231, %dma_wait3A_232] : memref<96x128xi32, #tpu.memory_space<vmem>> -> memref<1x128xi32, #tpu.memory_space<vmem>>
      %dma_wait3A_234 = tpu.memref_squeeze %dma_wait3A_233 : memref<1x128xi32, #tpu.memory_space<vmem>> -> memref<128xi32, #tpu.memory_space<vmem>>
      %dma_wait3A_235 = arith.constant 0 : i32
      %dma_wait3A_236 = arith.constant 0 : i32
      %dma_wait3A_237 = tpu.memref_slice %arg7[%dma_wait3A_235, %dma_wait3A_236] : memref<10240x16xf32, #tpu.memory_space<vmem_shared>> -> memref<10240x16xf32, #tpu.memory_space<vmem_shared>>
      tpu.wait_indirect_dma semaphore(%arg8 : memref<!tpu.dma_semaphore, #tpu.memory_space<semaphore_mem>>) src(%arg5 : memref<128x16xf32, #tpu.memory_space<vmem>>) dst(%dma_wait3A_237 : memref<10240x16xf32, #tpu.memory_space<vmem_shared>>)
      %while3A_238 = arith.constant 0 : i32
      scf.yield %while3A_238 : i32
    }
    %while3A_59 = arith.constant 1 : i32
    %while3A_60 = scf.for %while3A_78 = %while3A_56 to %while3A_52 step %while3A_59 iter_args(%while3A_79 = %while3A_58) -> (i32)  : i32 {
      %mul3A_80 = arith.constant 8 : i32
      %mul3A_81 = arith.muli %while3A_78, %mul3A_80 : i32
      %add3A_82 = arith.constant 0 : i32
      %add3A_83 = arith.addi %mul3A_81, %add3A_82 : i32
      %dma_start3A = arith.constant 0 : i32
      %dma_start3A_84 = tpu.memref_slice %arg4[%add3A_83, %dma_start3A] : memref<96x128xi32, #tpu.memory_space<vmem>> -> memref<1x128xi32, #tpu.memory_space<vmem>>
      %dma_start3A_85 = tpu.memref_squeeze %dma_start3A_84 : memref<1x128xi32, #tpu.memory_space<vmem>> -> memref<128xi32, #tpu.memory_space<vmem>>
      %dma_start3A_86 = arith.constant 0 : i32
      %dma_start3A_87 = arith.constant 0 : i32
      %dma_start3A_88 = tpu.memref_slice %arg7[%dma_start3A_86, %dma_start3A_87] : memref<10240x16xf32, #tpu.memory_space<vmem_shared>> -> memref<10240x16xf32, #tpu.memory_space<vmem_shared>>
      tpu.enqueue_indirect_dma source(%arg5 : memref<128x16xf32, #tpu.memory_space<vmem>>) target(%dma_start3A_88 : memref<10240x16xf32, #tpu.memory_space<vmem_shared>>) offsets(%dma_start3A_85 : memref<128xi32, #tpu.memory_space<vmem>>) semaphore(%arg8 : memref<!tpu.dma_semaphore, #tpu.memory_space<semaphore_mem>>) {add = true}
      %mul3A_89 = arith.constant 8 : i32
      %mul3A_90 = arith.muli %while3A_78, %mul3A_89 : i32
      %add3A_91 = arith.constant 1 : i32
      %add3A_92 = arith.addi %mul3A_90, %add3A_91 : i32
      %dma_start3A_93 = arith.constant 0 : i32
      %dma_start3A_94 = tpu.memref_slice %arg4[%add3A_92, %dma_start3A_93] : memref<96x128xi32, #tpu.memory_space<vmem>> -> memref<1x128xi32, #tpu.memory_space<vmem>>
      %dma_start3A_95 = tpu.memref_squeeze %dma_start3A_94 : memref<1x128xi32, #tpu.memory_space<vmem>> -> memref<128xi32, #tpu.memory_space<vmem>>
      %dma_start3A_96 = arith.constant 0 : i32
      %dma_start3A_97 = arith.constant 0 : i32
      %dma_start3A_98 = tpu.memref_slice %arg7[%dma_start3A_96, %dma_start3A_97] : memref<10240x16xf32, #tpu.memory_space<vmem_shared>> -> memref<10240x16xf32, #tpu.memory_space<vmem_shared>>
      tpu.enqueue_indirect_dma source(%arg5 : memref<128x16xf32, #tpu.memory_space<vmem>>) target(%dma_start3A_98 : memref<10240x16xf32, #tpu.memory_space<vmem_shared>>) offsets(%dma_start3A_95 : memref<128xi32, #tpu.memory_space<vmem>>) semaphore(%arg8 : memref<!tpu.dma_semaphore, #tpu.memory_space<semaphore_mem>>) {add = true}
      %mul3A_99 = arith.constant 8 : i32
      %mul3A_100 = arith.muli %while3A_78, %mul3A_99 : i32
      %add3A_101 = arith.constant 2 : i32
      %add3A_102 = arith.addi %mul3A_100, %add3A_101 : i32
      %dma_start3A_103 = arith.constant 0 : i32
      %dma_start3A_104 = tpu.memref_slice %arg4[%add3A_102, %dma_start3A_103] : memref<96x128xi32, #tpu.memory_space<vmem>> -> memref<1x128xi32, #tpu.memory_space<vmem>>
      %dma_start3A_105 = tpu.memref_squeeze %dma_start3A_104 : memref<1x128xi32, #tpu.memory_space<vmem>> -> memref<128xi32, #tpu.memory_space<vmem>>
      %dma_start3A_106 = arith.constant 0 : i32
      %dma_start3A_107 = arith.constant 0 : i32
      %dma_start3A_108 = tpu.memref_slice %arg7[%dma_start3A_106, %dma_start3A_107] : memref<10240x16xf32, #tpu.memory_space<vmem_shared>> -> memref<10240x16xf32, #tpu.memory_space<vmem_shared>>
      tpu.enqueue_indirect_dma source(%arg5 : memref<128x16xf32, #tpu.memory_space<vmem>>) target(%dma_start3A_108 : memref<10240x16xf32, #tpu.memory_space<vmem_shared>>) offsets(%dma_start3A_105 : memref<128xi32, #tpu.memory_space<vmem>>) semaphore(%arg8 : memref<!tpu.dma_semaphore, #tpu.memory_space<semaphore_mem>>) {add = true}
      %mul3A_109 = arith.constant 8 : i32
      %mul3A_110 = arith.muli %while3A_78, %mul3A_109 : i32
      %add3A_111 = arith.constant 3 : i32
      %add3A_112 = arith.addi %mul3A_110, %add3A_111 : i32
      %dma_start3A_113 = arith.constant 0 : i32
      %dma_start3A_114 = tpu.memref_slice %arg4[%add3A_112, %dma_start3A_113] : memref<96x128xi32, #tpu.memory_space<vmem>> -> memref<1x128xi32, #tpu.memory_space<vmem>>
      %dma_start3A_115 = tpu.memref_squeeze %dma_start3A_114 : memref<1x128xi32, #tpu.memory_space<vmem>> -> memref<128xi32, #tpu.memory_space<vmem>>
      %dma_start3A_116 = arith.constant 0 : i32
      %dma_start3A_117 = arith.constant 0 : i32
      %dma_start3A_118 = tpu.memref_slice %arg7[%dma_start3A_116, %dma_start3A_117] : memref<10240x16xf32, #tpu.memory_space<vmem_shared>> -> memref<10240x16xf32, #tpu.memory_space<vmem_shared>>
      tpu.enqueue_indirect_dma source(%arg5 : memref<128x16xf32, #tpu.memory_space<vmem>>) target(%dma_start3A_118 : memref<10240x16xf32, #tpu.memory_space<vmem_shared>>) offsets(%dma_start3A_115 : memref<128xi32, #tpu.memory_space<vmem>>) semaphore(%arg8 : memref<!tpu.dma_semaphore, #tpu.memory_space<semaphore_mem>>) {add = true}
      %mul3A_119 = arith.constant 8 : i32
      %mul3A_120 = arith.muli %while3A_78, %mul3A_119 : i32
      %add3A_121 = arith.constant 4 : i32
      %add3A_122 = arith.addi %mul3A_120, %add3A_121 : i32
      %dma_start3A_123 = arith.constant 0 : i32
      %dma_start3A_124 = tpu.memref_slice %arg4[%add3A_122, %dma_start3A_123] : memref<96x128xi32, #tpu.memory_space<vmem>> -> memref<1x128xi32, #tpu.memory_space<vmem>>
      %dma_start3A_125 = tpu.memref_squeeze %dma_start3A_124 : memref<1x128xi32, #tpu.memory_space<vmem>> -> memref<128xi32, #tpu.memory_space<vmem>>
      %dma_start3A_126 = arith.constant 0 : i32
      %dma_start3A_127 = arith.constant 0 : i32
      %dma_start3A_128 = tpu.memref_slice %arg7[%dma_start3A_126, %dma_start3A_127] : memref<10240x16xf32, #tpu.memory_space<vmem_shared>> -> memref<10240x16xf32, #tpu.memory_space<vmem_shared>>
      tpu.enqueue_indirect_dma source(%arg5 : memref<128x16xf32, #tpu.memory_space<vmem>>) target(%dma_start3A_128 : memref<10240x16xf32, #tpu.memory_space<vmem_shared>>) offsets(%dma_start3A_125 : memref<128xi32, #tpu.memory_space<vmem>>) semaphore(%arg8 : memref<!tpu.dma_semaphore, #tpu.memory_space<semaphore_mem>>) {add = true}
      %mul3A_129 = arith.constant 8 : i32
      %mul3A_130 = arith.muli %while3A_78, %mul3A_129 : i32
      %add3A_131 = arith.constant 5 : i32
      %add3A_132 = arith.addi %mul3A_130, %add3A_131 : i32
      %dma_start3A_133 = arith.constant 0 : i32
      %dma_start3A_134 = tpu.memref_slice %arg4[%add3A_132, %dma_start3A_133] : memref<96x128xi32, #tpu.memory_space<vmem>> -> memref<1x128xi32, #tpu.memory_space<vmem>>
      %dma_start3A_135 = tpu.memref_squeeze %dma_start3A_134 : memref<1x128xi32, #tpu.memory_space<vmem>> -> memref<128xi32, #tpu.memory_space<vmem>>
      %dma_start3A_136 = arith.constant 0 : i32
      %dma_start3A_137 = arith.constant 0 : i32
      %dma_start3A_138 = tpu.memref_slice %arg7[%dma_start3A_136, %dma_start3A_137] : memref<10240x16xf32, #tpu.memory_space<vmem_shared>> -> memref<10240x16xf32, #tpu.memory_space<vmem_shared>>
      tpu.enqueue_indirect_dma source(%arg5 : memref<128x16xf32, #tpu.memory_space<vmem>>) target(%dma_start3A_138 : memref<10240x16xf32, #tpu.memory_space<vmem_shared>>) offsets(%dma_start3A_135 : memref<128xi32, #tpu.memory_space<vmem>>) semaphore(%arg8 : memref<!tpu.dma_semaphore, #tpu.memory_space<semaphore_mem>>) {add = true}
      %mul3A_139 = arith.constant 8 : i32
      %mul3A_140 = arith.muli %while3A_78, %mul3A_139 : i32
      %add3A_141 = arith.constant 6 : i32
      %add3A_142 = arith.addi %mul3A_140, %add3A_141 : i32
      %dma_start3A_143 = arith.constant 0 : i32
      %dma_start3A_144 = tpu.memref_slice %arg4[%add3A_142, %dma_start3A_143] : memref<96x128xi32, #tpu.memory_space<vmem>> -> memref<1x128xi32, #tpu.memory_space<vmem>>
      %dma_start3A_145 = tpu.memref_squeeze %dma_start3A_144 : memref<1x128xi32, #tpu.memory_space<vmem>> -> memref<128xi32, #tpu.memory_space<vmem>>
      %dma_start3A_146 = arith.constant 0 : i32
      %dma_start3A_147 = arith.constant 0 : i32
      %dma_start3A_148 = tpu.memref_slice %arg7[%dma_start3A_146, %dma_start3A_147] : memref<10240x16xf32, #tpu.memory_space<vmem_shared>> -> memref<10240x16xf32, #tpu.memory_space<vmem_shared>>
      tpu.enqueue_indirect_dma source(%arg5 : memref<128x16xf32, #tpu.memory_space<vmem>>) target(%dma_start3A_148 : memref<10240x16xf32, #tpu.memory_space<vmem_shared>>) offsets(%dma_start3A_145 : memref<128xi32, #tpu.memory_space<vmem>>) semaphore(%arg8 : memref<!tpu.dma_semaphore, #tpu.memory_space<semaphore_mem>>) {add = true}
      %mul3A_149 = arith.constant 8 : i32
      %mul3A_150 = arith.muli %while3A_78, %mul3A_149 : i32
      %add3A_151 = arith.constant 7 : i32
      %add3A_152 = arith.addi %mul3A_150, %add3A_151 : i32
      %dma_start3A_153 = arith.constant 0 : i32
      %dma_start3A_154 = tpu.memref_slice %arg4[%add3A_152, %dma_start3A_153] : memref<96x128xi32, #tpu.memory_space<vmem>> -> memref<1x128xi32, #tpu.memory_space<vmem>>
      %dma_start3A_155 = tpu.memref_squeeze %dma_start3A_154 : memref<1x128xi32, #tpu.memory_space<vmem>> -> memref<128xi32, #tpu.memory_space<vmem>>
      %dma_start3A_156 = arith.constant 0 : i32
      %dma_start3A_157 = arith.constant 0 : i32
      %dma_start3A_158 = tpu.memref_slice %arg7[%dma_start3A_156, %dma_start3A_157] : memref<10240x16xf32, #tpu.memory_space<vmem_shared>> -> memref<10240x16xf32, #tpu.memory_space<vmem_shared>>
      tpu.enqueue_indirect_dma source(%arg5 : memref<128x16xf32, #tpu.memory_space<vmem>>) target(%dma_start3A_158 : memref<10240x16xf32, #tpu.memory_space<vmem_shared>>) offsets(%dma_start3A_155 : memref<128xi32, #tpu.memory_space<vmem>>) semaphore(%arg8 : memref<!tpu.dma_semaphore, #tpu.memory_space<semaphore_mem>>) {add = true}
      %mul3A_159 = arith.constant 8 : i32
      %mul3A_160 = arith.muli %while3A_78, %mul3A_159 : i32
      %add3A_161 = arith.constant 0 : i32
      %add3A_162 = arith.addi %mul3A_160, %add3A_161 : i32
      %dma_wait3A = arith.constant 0 : i32
      %dma_wait3A_163 = tpu.memref_slice %arg4[%add3A_162, %dma_wait3A] : memref<96x128xi32, #tpu.memory_space<vmem>> -> memref<1x128xi32, #tpu.memory_space<vmem>>
      %dma_wait3A_164 = tpu.memref_squeeze %dma_wait3A_163 : memref<1x128xi32, #tpu.memory_space<vmem>> -> memref<128xi32, #tpu.memory_space<vmem>>
      %dma_wait3A_165 = arith.constant 0 : i32
      %dma_wait3A_166 = arith.constant 0 : i32
      %dma_wait3A_167 = tpu.memref_slice %arg7[%dma_wait3A_165, %dma_wait3A_166] : memref<10240x16xf32, #tpu.memory_space<vmem_shared>> -> memref<10240x16xf32, #tpu.memory_space<vmem_shared>>
      tpu.wait_indirect_dma semaphore(%arg8 : memref<!tpu.dma_semaphore, #tpu.memory_space<semaphore_mem>>) src(%arg5 : memref<128x16xf32, #tpu.memory_space<vmem>>) dst(%dma_wait3A_167 : memref<10240x16xf32, #tpu.memory_space<vmem_shared>>)
      %mul3A_168 = arith.constant 8 : i32
      %mul3A_169 = arith.muli %while3A_78, %mul3A_168 : i32
      %add3A_170 = arith.constant 1 : i32
      %add3A_171 = arith.addi %mul3A_169, %add3A_170 : i32
      %dma_wait3A_172 = arith.constant 0 : i32
      %dma_wait3A_173 = tpu.memref_slice %arg4[%add3A_171, %dma_wait3A_172] : memref<96x128xi32, #tpu.memory_space<vmem>> -> memref<1x128xi32, #tpu.memory_space<vmem>>
      %dma_wait3A_174 = tpu.memref_squeeze %dma_wait3A_173 : memref<1x128xi32, #tpu.memory_space<vmem>> -> memref<128xi32, #tpu.memory_space<vmem>>
      %dma_wait3A_175 = arith.constant 0 : i32
      %dma_wait3A_176 = arith.constant 0 : i32
      %dma_wait3A_177 = tpu.memref_slice %arg7[%dma_wait3A_175, %dma_wait3A_176] : memref<10240x16xf32, #tpu.memory_space<vmem_shared>> -> memref<10240x16xf32, #tpu.memory_space<vmem_shared>>
      tpu.wait_indirect_dma semaphore(%arg8 : memref<!tpu.dma_semaphore, #tpu.memory_space<semaphore_mem>>) src(%arg5 : memref<128x16xf32, #tpu.memory_space<vmem>>) dst(%dma_wait3A_177 : memref<10240x16xf32, #tpu.memory_space<vmem_shared>>)
      %mul3A_178 = arith.constant 8 : i32
      %mul3A_179 = arith.muli %while3A_78, %mul3A_178 : i32
      %add3A_180 = arith.constant 2 : i32
      %add3A_181 = arith.addi %mul3A_179, %add3A_180 : i32
      %dma_wait3A_182 = arith.constant 0 : i32
      %dma_wait3A_183 = tpu.memref_slice %arg4[%add3A_181, %dma_wait3A_182] : memref<96x128xi32, #tpu.memory_space<vmem>> -> memref<1x128xi32, #tpu.memory_space<vmem>>
      %dma_wait3A_184 = tpu.memref_squeeze %dma_wait3A_183 : memref<1x128xi32, #tpu.memory_space<vmem>> -> memref<128xi32, #tpu.memory_space<vmem>>
      %dma_wait3A_185 = arith.constant 0 : i32
      %dma_wait3A_186 = arith.constant 0 : i32
      %dma_wait3A_187 = tpu.memref_slice %arg7[%dma_wait3A_185, %dma_wait3A_186] : memref<10240x16xf32, #tpu.memory_space<vmem_shared>> -> memref<10240x16xf32, #tpu.memory_space<vmem_shared>>
      tpu.wait_indirect_dma semaphore(%arg8 : memref<!tpu.dma_semaphore, #tpu.memory_space<semaphore_mem>>) src(%arg5 : memref<128x16xf32, #tpu.memory_space<vmem>>) dst(%dma_wait3A_187 : memref<10240x16xf32, #tpu.memory_space<vmem_shared>>)
      %mul3A_188 = arith.constant 8 : i32
      %mul3A_189 = arith.muli %while3A_78, %mul3A_188 : i32
      %add3A_190 = arith.constant 3 : i32
      %add3A_191 = arith.addi %mul3A_189, %add3A_190 : i32
      %dma_wait3A_192 = arith.constant 0 : i32
      %dma_wait3A_193 = tpu.memref_slice %arg4[%add3A_191, %dma_wait3A_192] : memref<96x128xi32, #tpu.memory_space<vmem>> -> memref<1x128xi32, #tpu.memory_space<vmem>>
      %dma_wait3A_194 = tpu.memref_squeeze %dma_wait3A_193 : memref<1x128xi32, #tpu.memory_space<vmem>> -> memref<128xi32, #tpu.memory_space<vmem>>
      %dma_wait3A_195 = arith.constant 0 : i32
      %dma_wait3A_196 = arith.constant 0 : i32
      %dma_wait3A_197 = tpu.memref_slice %arg7[%dma_wait3A_195, %dma_wait3A_196] : memref<10240x16xf32, #tpu.memory_space<vmem_shared>> -> memref<10240x16xf32, #tpu.memory_space<vmem_shared>>
      tpu.wait_indirect_dma semaphore(%arg8 : memref<!tpu.dma_semaphore, #tpu.memory_space<semaphore_mem>>) src(%arg5 : memref<128x16xf32, #tpu.memory_space<vmem>>) dst(%dma_wait3A_197 : memref<10240x16xf32, #tpu.memory_space<vmem_shared>>)
      %mul3A_198 = arith.constant 8 : i32
      %mul3A_199 = arith.muli %while3A_78, %mul3A_198 : i32
      %add3A_200 = arith.constant 4 : i32
      %add3A_201 = arith.addi %mul3A_199, %add3A_200 : i32
      %dma_wait3A_202 = arith.constant 0 : i32
      %dma_wait3A_203 = tpu.memref_slice %arg4[%add3A_201, %dma_wait3A_202] : memref<96x128xi32, #tpu.memory_space<vmem>> -> memref<1x128xi32, #tpu.memory_space<vmem>>
      %dma_wait3A_204 = tpu.memref_squeeze %dma_wait3A_203 : memref<1x128xi32, #tpu.memory_space<vmem>> -> memref<128xi32, #tpu.memory_space<vmem>>
      %dma_wait3A_205 = arith.constant 0 : i32
      %dma_wait3A_206 = arith.constant 0 : i32
      %dma_wait3A_207 = tpu.memref_slice %arg7[%dma_wait3A_205, %dma_wait3A_206] : memref<10240x16xf32, #tpu.memory_space<vmem_shared>> -> memref<10240x16xf32, #tpu.memory_space<vmem_shared>>
      tpu.wait_indirect_dma semaphore(%arg8 : memref<!tpu.dma_semaphore, #tpu.memory_space<semaphore_mem>>) src(%arg5 : memref<128x16xf32, #tpu.memory_space<vmem>>) dst(%dma_wait3A_207 : memref<10240x16xf32, #tpu.memory_space<vmem_shared>>)
      %mul3A_208 = arith.constant 8 : i32
      %mul3A_209 = arith.muli %while3A_78, %mul3A_208 : i32
      %add3A_210 = arith.constant 5 : i32
      %add3A_211 = arith.addi %mul3A_209, %add3A_210 : i32
      %dma_wait3A_212 = arith.constant 0 : i32
      %dma_wait3A_213 = tpu.memref_slice %arg4[%add3A_211, %dma_wait3A_212] : memref<96x128xi32, #tpu.memory_space<vmem>> -> memref<1x128xi32, #tpu.memory_space<vmem>>
      %dma_wait3A_214 = tpu.memref_squeeze %dma_wait3A_213 : memref<1x128xi32, #tpu.memory_space<vmem>> -> memref<128xi32, #tpu.memory_space<vmem>>
      %dma_wait3A_215 = arith.constant 0 : i32
      %dma_wait3A_216 = arith.constant 0 : i32
      %dma_wait3A_217 = tpu.memref_slice %arg7[%dma_wait3A_215, %dma_wait3A_216] : memref<10240x16xf32, #tpu.memory_space<vmem_shared>> -> memref<10240x16xf32, #tpu.memory_space<vmem_shared>>
      tpu.wait_indirect_dma semaphore(%arg8 : memref<!tpu.dma_semaphore, #tpu.memory_space<semaphore_mem>>) src(%arg5 : memref<128x16xf32, #tpu.memory_space<vmem>>) dst(%dma_wait3A_217 : memref<10240x16xf32, #tpu.memory_space<vmem_shared>>)
      %mul3A_218 = arith.constant 8 : i32
      %mul3A_219 = arith.muli %while3A_78, %mul3A_218 : i32
      %add3A_220 = arith.constant 6 : i32
      %add3A_221 = arith.addi %mul3A_219, %add3A_220 : i32
      %dma_wait3A_222 = arith.constant 0 : i32
      %dma_wait3A_223 = tpu.memref_slice %arg4[%add3A_221, %dma_wait3A_222] : memref<96x128xi32, #tpu.memory_space<vmem>> -> memref<1x128xi32, #tpu.memory_space<vmem>>
      %dma_wait3A_224 = tpu.memref_squeeze %dma_wait3A_223 : memref<1x128xi32, #tpu.memory_space<vmem>> -> memref<128xi32, #tpu.memory_space<vmem>>
      %dma_wait3A_225 = arith.constant 0 : i32
      %dma_wait3A_226 = arith.constant 0 : i32
      %dma_wait3A_227 = tpu.memref_slice %arg7[%dma_wait3A_225, %dma_wait3A_226] : memref<10240x16xf32, #tpu.memory_space<vmem_shared>> -> memref<10240x16xf32, #tpu.memory_space<vmem_shared>>
      tpu.wait_indirect_dma semaphore(%arg8 : memref<!tpu.dma_semaphore, #tpu.memory_space<semaphore_mem>>) src(%arg5 : memref<128x16xf32, #tpu.memory_space<vmem>>) dst(%dma_wait3A_227 : memref<10240x16xf32, #tpu.memory_space<vmem_shared>>)
      %mul3A_228 = arith.constant 8 : i32
      %mul3A_229 = arith.muli %while3A_78, %mul3A_228 : i32
      %add3A_230 = arith.constant 7 : i32
      %add3A_231 = arith.addi %mul3A_229, %add3A_230 : i32
      %dma_wait3A_232 = arith.constant 0 : i32
      %dma_wait3A_233 = tpu.memref_slice %arg4[%add3A_231, %dma_wait3A_232] : memref<96x128xi32, #tpu.memory_space<vmem>> -> memref<1x128xi32, #tpu.memory_space<vmem>>
      %dma_wait3A_234 = tpu.memref_squeeze %dma_wait3A_233 : memref<1x128xi32, #tpu.memory_space<vmem>> -> memref<128xi32, #tpu.memory_space<vmem>>
      %dma_wait3A_235 = arith.constant 0 : i32
      %dma_wait3A_236 = arith.constant 0 : i32
      %dma_wait3A_237 = tpu.memref_slice %arg7[%dma_wait3A_235, %dma_wait3A_236] : memref<10240x16xf32, #tpu.memory_space<vmem_shared>> -> memref<10240x16xf32, #tpu.memory_space<vmem_shared>>
      tpu.wait_indirect_dma semaphore(%arg8 : memref<!tpu.dma_semaphore, #tpu.memory_space<semaphore_mem>>) src(%arg5 : memref<128x16xf32, #tpu.memory_space<vmem>>) dst(%dma_wait3A_237 : memref<10240x16xf32, #tpu.memory_space<vmem_shared>>)
      %while3A_238 = arith.constant 0 : i32
      scf.yield %while3A_238 : i32
    }
    %barrier3A_61 = arith.constant 0 : index
    tpu.barrier barrier_id(%barrier3A_61)
    %mul3A_62 = arith.constant 640 : i32
    %mul3A_63 = arith.muli %arg1, %mul3A_62 : i32
    %add3A_64 = arith.constant 0 : i32
    %add3A_65 = arith.addi %mul3A_63, %add3A_64 : i32
    "tpu.region"() ({
      %run_scoped3A = tpu.sem_alloc : memref<!tpu.dma_semaphore, #tpu.memory_space<semaphore_mem>>
      %dma_start3A = arith.constant 0 : i32
      %dma_start3A_78 = tpu.memref_slice %arg3[%arg0, %add3A_65, %dma_start3A] : memref<2x10240x16xf32, #tpu.memory_space<hbm>> -> memref<1x160x16xf32, #tpu.memory_space<hbm>>
      %dma_start3A_79 = tpu.memref_squeeze %dma_start3A_78 : memref<1x160x16xf32, #tpu.memory_space<hbm>> -> memref<160x16xf32, #tpu.memory_space<hbm>>
      %dma_start3A_80 = arith.constant 0 : i32
      %dma_start3A_81 = tpu.memref_slice %arg7[%add3A_65, %dma_start3A_80] : memref<10240x16xf32, #tpu.memory_space<vmem_shared>> -> memref<160x16xf32, #tpu.memory_space<vmem_shared>>
      tpu.enqueue_dma source(%dma_start3A_81 : memref<160x16xf32, #tpu.memory_space<vmem_shared>>) target(%dma_start3A_79 : memref<160x16xf32, #tpu.memory_space<hbm>>) target_semaphore(%run_scoped3A : memref<!tpu.dma_semaphore, #tpu.memory_space<semaphore_mem>>)
      %dma_wait3A = arith.constant 0 : i32
      %dma_wait3A_82 = tpu.memref_slice %arg3[%arg0, %add3A_65, %dma_wait3A] : memref<2x10240x16xf32, #tpu.memory_space<hbm>> -> memref<1x160x16xf32, #tpu.memory_space<hbm>>
      %dma_wait3A_83 = tpu.memref_squeeze %dma_wait3A_82 : memref<1x160x16xf32, #tpu.memory_space<hbm>> -> memref<160x16xf32, #tpu.memory_space<hbm>>
      %dma_wait3A_84 = arith.constant 0 : i32
      %dma_wait3A_85 = tpu.memref_slice %arg7[%add3A_65, %dma_wait3A_84] : memref<10240x16xf32, #tpu.memory_space<vmem_shared>> -> memref<160x16xf32, #tpu.memory_space<vmem_shared>>
      tpu.wait_dma2 semaphore(%run_scoped3A : memref<!tpu.dma_semaphore, #tpu.memory_space<semaphore_mem>>) src(%dma_wait3A_85 : memref<160x16xf32, #tpu.memory_space<vmem_shared>>) dst(%dma_wait3A_83 : memref<160x16xf32, #tpu.memory_space<hbm>>)
      tpu.yield
    }) : () -> ()
    %mul3A_66 = arith.constant 640 : i32
    %mul3A_67 = arith.muli %arg1, %mul3A_66 : i32
    %add3A_68 = arith.constant 160 : i32
    %add3A_69 = arith.addi %mul3A_67, %add3A_68 : i32
    "tpu.region"() ({
      %run_scoped3A = tpu.sem_alloc : memref<!tpu.dma_semaphore, #tpu.memory_space<semaphore_mem>>
      %dma_start3A = arith.constant 0 : i32
      %dma_start3A_78 = tpu.memref_slice %arg3[%arg0, %add3A_69, %dma_start3A] : memref<2x10240x16xf32, #tpu.memory_space<hbm>> -> memref<1x160x16xf32, #tpu.memory_space<hbm>>
      %dma_start3A_79 = tpu.memref_squeeze %dma_start3A_78 : memref<1x160x16xf32, #tpu.memory_space<hbm>> -> memref<160x16xf32, #tpu.memory_space<hbm>>
      %dma_start3A_80 = arith.constant 0 : i32
      %dma_start3A_81 = tpu.memref_slice %arg7[%add3A_69, %dma_start3A_80] : memref<10240x16xf32, #tpu.memory_space<vmem_shared>> -> memref<160x16xf32, #tpu.memory_space<vmem_shared>>
      tpu.enqueue_dma source(%dma_start3A_81 : memref<160x16xf32, #tpu.memory_space<vmem_shared>>) target(%dma_start3A_79 : memref<160x16xf32, #tpu.memory_space<hbm>>) target_semaphore(%run_scoped3A : memref<!tpu.dma_semaphore, #tpu.memory_space<semaphore_mem>>)
      %dma_wait3A = arith.constant 0 : i32
      %dma_wait3A_82 = tpu.memref_slice %arg3[%arg0, %add3A_69, %dma_wait3A] : memref<2x10240x16xf32, #tpu.memory_space<hbm>> -> memref<1x160x16xf32, #tpu.memory_space<hbm>>
      %dma_wait3A_83 = tpu.memref_squeeze %dma_wait3A_82 : memref<1x160x16xf32, #tpu.memory_space<hbm>> -> memref<160x16xf32, #tpu.memory_space<hbm>>
      %dma_wait3A_84 = arith.constant 0 : i32
      %dma_wait3A_85 = tpu.memref_slice %arg7[%add3A_69, %dma_wait3A_84] : memref<10240x16xf32, #tpu.memory_space<vmem_shared>> -> memref<160x16xf32, #tpu.memory_space<vmem_shared>>
      tpu.wait_dma2 semaphore(%run_scoped3A : memref<!tpu.dma_semaphore, #tpu.memory_space<semaphore_mem>>) src(%dma_wait3A_85 : memref<160x16xf32, #tpu.memory_space<vmem_shared>>) dst(%dma_wait3A_83 : memref<160x16xf32, #tpu.memory_space<hbm>>)
      tpu.yield
    }) : () -> ()
    %mul3A_70 = arith.constant 640 : i32
    %mul3A_71 = arith.muli %arg1, %mul3A_70 : i32
    %add3A_72 = arith.constant 320 : i32
    %add3A_73 = arith.addi %mul3A_71, %add3A_72 : i32
    "tpu.region"() ({
      %run_scoped3A = tpu.sem_alloc : memref<!tpu.dma_semaphore, #tpu.memory_space<semaphore_mem>>
      %dma_start3A = arith.constant 0 : i32
      %dma_start3A_78 = tpu.memref_slice %arg3[%arg0, %add3A_73, %dma_start3A] : memref<2x10240x16xf32, #tpu.memory_space<hbm>> -> memref<1x160x16xf32, #tpu.memory_space<hbm>>
      %dma_start3A_79 = tpu.memref_squeeze %dma_start3A_78 : memref<1x160x16xf32, #tpu.memory_space<hbm>> -> memref<160x16xf32, #tpu.memory_space<hbm>>
      %dma_start3A_80 = arith.constant 0 : i32
      %dma_start3A_81 = tpu.memref_slice %arg7[%add3A_73, %dma_start3A_80] : memref<10240x16xf32, #tpu.memory_space<vmem_shared>> -> memref<160x16xf32, #tpu.memory_space<vmem_shared>>
      tpu.enqueue_dma source(%dma_start3A_81 : memref<160x16xf32, #tpu.memory_space<vmem_shared>>) target(%dma_start3A_79 : memref<160x16xf32, #tpu.memory_space<hbm>>) target_semaphore(%run_scoped3A : memref<!tpu.dma_semaphore, #tpu.memory_space<semaphore_mem>>)
      %dma_wait3A = arith.constant 0 : i32
      %dma_wait3A_82 = tpu.memref_slice %arg3[%arg0, %add3A_73, %dma_wait3A] : memref<2x10240x16xf32, #tpu.memory_space<hbm>> -> memref<1x160x16xf32, #tpu.memory_space<hbm>>
      %dma_wait3A_83 = tpu.memref_squeeze %dma_wait3A_82 : memref<1x160x16xf32, #tpu.memory_space<hbm>> -> memref<160x16xf32, #tpu.memory_space<hbm>>
      %dma_wait3A_84 = arith.constant 0 : i32
      %dma_wait3A_85 = tpu.memref_slice %arg7[%add3A_73, %dma_wait3A_84] : memref<10240x16xf32, #tpu.memory_space<vmem_shared>> -> memref<160x16xf32, #tpu.memory_space<vmem_shared>>
      tpu.wait_dma2 semaphore(%run_scoped3A : memref<!tpu.dma_semaphore, #tpu.memory_space<semaphore_mem>>) src(%dma_wait3A_85 : memref<160x16xf32, #tpu.memory_space<vmem_shared>>) dst(%dma_wait3A_83 : memref<160x16xf32, #tpu.memory_space<hbm>>)
      tpu.yield
    }) : () -> ()
    %mul3A_74 = arith.constant 640 : i32
    %mul3A_75 = arith.muli %arg1, %mul3A_74 : i32
    %add3A_76 = arith.constant 480 : i32
    %add3A_77 = arith.addi %mul3A_75, %add3A_76 : i32
    "tpu.region"() ({
      %run_scoped3A = tpu.sem_alloc : memref<!tpu.dma_semaphore, #tpu.memory_space<semaphore_mem>>
      %dma_start3A = arith.constant 0 : i32
      %dma_start3A_78 = tpu.memref_slice %arg3[%arg0, %add3A_77, %dma_start3A] : memref<2x10240x16xf32, #tpu.memory_space<hbm>> -> memref<1x160x16xf32, #tpu.memory_space<hbm>>
      %dma_start3A_79 = tpu.memref_squeeze %dma_start3A_78 : memref<1x160x16xf32, #tpu.memory_space<hbm>> -> memref<160x16xf32, #tpu.memory_space<hbm>>
      %dma_start3A_80 = arith.constant 0 : i32
      %dma_start3A_81 = tpu.memref_slice %arg7[%add3A_77, %dma_start3A_80] : memref<10240x16xf32, #tpu.memory_space<vmem_shared>> -> memref<160x16xf32, #tpu.memory_space<vmem_shared>>
      tpu.enqueue_dma source(%dma_start3A_81 : memref<160x16xf32, #tpu.memory_space<vmem_shared>>) target(%dma_start3A_79 : memref<160x16xf32, #tpu.memory_space<hbm>>) target_semaphore(%run_scoped3A : memref<!tpu.dma_semaphore, #tpu.memory_space<semaphore_mem>>)
      %dma_wait3A = arith.constant 0 : i32
      %dma_wait3A_82 = tpu.memref_slice %arg3[%arg0, %add3A_77, %dma_wait3A] : memref<2x10240x16xf32, #tpu.memory_space<hbm>> -> memref<1x160x16xf32, #tpu.memory_space<hbm>>
      %dma_wait3A_83 = tpu.memref_squeeze %dma_wait3A_82 : memref<1x160x16xf32, #tpu.memory_space<hbm>> -> memref<160x16xf32, #tpu.memory_space<hbm>>
      %dma_wait3A_84 = arith.constant 0 : i32
      %dma_wait3A_85 = tpu.memref_slice %arg7[%add3A_77, %dma_wait3A_84] : memref<10240x16xf32, #tpu.memory_space<vmem_shared>> -> memref<160x16xf32, #tpu.memory_space<vmem_shared>>
      tpu.wait_dma2 semaphore(%run_scoped3A : memref<!tpu.dma_semaphore, #tpu.memory_space<semaphore_mem>>) src(%dma_wait3A_85 : memref<160x16xf32, #tpu.memory_space<vmem_shared>>) dst(%dma_wait3A_83 : memref<160x16xf32, #tpu.memory_space<hbm>>)
      tpu.yield
    }) : () -> ()
    return
  }
}

#map = affine_map<(d0, d1) -> (0, 0)>
#map1 = affine_map<(d0, d1) -> (0, 0, 0)>
module attributes {stable_mosaic.version = 14 : i64} {
  func.func @_agg_kernel(%arg0: i32, %arg1: i32, %arg2: memref<10240x16xf32, #tpu.memory_space<hbm>>, %arg3: memref<32x96x128xi32, #tpu.memory_space<hbm>>, %arg4: memref<32x96x128xi32, #tpu.memory_space<hbm>>, %arg5: memref<2x10240x16xf32, #tpu.memory_space<hbm>>, %arg6: memref<96x128xi32, #tpu.memory_space<vmem>>, %arg7: memref<96x128xi32, #tpu.memory_space<vmem>>, %arg8: memref<128x16xf32, #tpu.memory_space<vmem>>, %arg9: memref<128x16xf32, #tpu.memory_space<vmem>>, %arg10: memref<128x16xf32, #tpu.memory_space<vmem>>, %arg11: memref<128x16xf32, #tpu.memory_space<vmem>>, %arg12: memref<160x16xf32, #tpu.memory_space<vmem>>, %arg13: memref<10240x16xf32, #tpu.memory_space<vmem_shared>>, %arg14: memref<!tpu.dma_semaphore, #tpu.memory_space<semaphore_mem>>, %arg15: memref<!tpu.dma_semaphore, #tpu.memory_space<semaphore_mem>>, %arg16: memref<!tpu.dma_semaphore, #tpu.memory_space<semaphore_mem>>, %arg17: memref<!tpu.dma_semaphore, #tpu.memory_space<semaphore_mem>>, %arg18: memref<!tpu.dma_semaphore, #tpu.memory_space<semaphore_mem>>, %arg19: memref<!tpu.dma_semaphore, #tpu.memory_space<semaphore_mem>>, %arg20: memref<!tpu.dma_semaphore, #tpu.memory_space<semaphore_mem>>, %arg21: memref<!tpu.dma_semaphore, #tpu.memory_space<semaphore_mem>>) attributes {dimension_semantics = [#tpu.dimension_semantics<core_parallel>, #tpu.dimension_semantics<subcore_parallel>], iteration_bounds = array<i64: 2, 16>, scalar_prefetch = 0 : i64, scratch_operands = 16 : i64, tpu.core_type = #tpu.core_type<sc_vector_subcore>, window_params = [{transform_indices = #map}, {transform_indices = #map1}, {transform_indices = #map1}, {transform_indices = #map1}]} {
    %mul3A = arith.constant 16 : i32
    %mul3A_0 = arith.muli %arg0, %mul3A : i32
    %add3A = arith.addi %mul3A_0, %arg1 : i32
    %eq3A = arith.constant 0 : i32
    %eq3A_1 = arith.cmpi eq, %arg0, %eq3A : i32
    %jit3A = arith.constant 64 : i32
    %jit3A_2 = arith.constant 96 : i32
    %select_n3A = arith.select %eq3A_1, %jit3A, %jit3A_2 : i32
    "tpu.region"() ({
      %run_scoped3A = tpu.sem_alloc : memref<!tpu.dma_semaphore, #tpu.memory_space<semaphore_mem>>
      %dma_start3A_123 = arith.constant 0 : i32
      %dma_start3A_124 = arith.constant 0 : i32
      %dma_start3A_125 = tpu.memref_slice %arg3[%add3A, %dma_start3A_123, %dma_start3A_124] : memref<32x96x128xi32, #tpu.memory_space<hbm>> -> memref<1x96x128xi32, #tpu.memory_space<hbm>>
      %dma_start3A_126 = tpu.memref_squeeze %dma_start3A_125 : memref<1x96x128xi32, #tpu.memory_space<hbm>> -> memref<96x128xi32, #tpu.memory_space<hbm>>
      %dma_start3A_127 = arith.constant 0 : i32
      %dma_start3A_128 = arith.constant 0 : i32
      %dma_start3A_129 = tpu.memref_slice %arg3[%add3A, %dma_start3A_127, %dma_start3A_128] : memref<32x96x128xi32, #tpu.memory_space<hbm>> -> memref<1x96x128xi32, #tpu.memory_space<hbm>>
      %dma_start3A_130 = tpu.memref_squeeze %dma_start3A_129 : memref<1x96x128xi32, #tpu.memory_space<hbm>> -> memref<96x128xi32, #tpu.memory_space<hbm>>
      tpu.enqueue_dma source(%dma_start3A_130 : memref<96x128xi32, #tpu.memory_space<hbm>>) target(%arg6 : memref<96x128xi32, #tpu.memory_space<vmem>>) target_semaphore(%run_scoped3A : memref<!tpu.dma_semaphore, #tpu.memory_space<semaphore_mem>>)
      %dma_wait3A_131 = arith.constant 0 : i32
      %dma_wait3A_132 = arith.constant 0 : i32
      %dma_wait3A_133 = tpu.memref_slice %arg3[%add3A, %dma_wait3A_131, %dma_wait3A_132] : memref<32x96x128xi32, #tpu.memory_space<hbm>> -> memref<1x96x128xi32, #tpu.memory_space<hbm>>
      %dma_wait3A_134 = tpu.memref_squeeze %dma_wait3A_133 : memref<1x96x128xi32, #tpu.memory_space<hbm>> -> memref<96x128xi32, #tpu.memory_space<hbm>>
      %dma_wait3A_135 = arith.constant 0 : i32
      %dma_wait3A_136 = arith.constant 0 : i32
      %dma_wait3A_137 = tpu.memref_slice %arg3[%add3A, %dma_wait3A_135, %dma_wait3A_136] : memref<32x96x128xi32, #tpu.memory_space<hbm>> -> memref<1x96x128xi32, #tpu.memory_space<hbm>>
      %dma_wait3A_138 = tpu.memref_squeeze %dma_wait3A_137 : memref<1x96x128xi32, #tpu.memory_space<hbm>> -> memref<96x128xi32, #tpu.memory_space<hbm>>
      tpu.wait_dma2 semaphore(%run_scoped3A : memref<!tpu.dma_semaphore, #tpu.memory_space<semaphore_mem>>) src(%dma_wait3A_138 : memref<96x128xi32, #tpu.memory_space<hbm>>) dst(%arg6 : memref<96x128xi32, #tpu.memory_space<vmem>>)
      tpu.yield
    }) : () -> ()
    "tpu.region"() ({
      %run_scoped3A = tpu.sem_alloc : memref<!tpu.dma_semaphore, #tpu.memory_space<semaphore_mem>>
      %dma_start3A_123 = arith.constant 0 : i32
      %dma_start3A_124 = arith.constant 0 : i32
      %dma_start3A_125 = tpu.memref_slice %arg4[%add3A, %dma_start3A_123, %dma_start3A_124] : memref<32x96x128xi32, #tpu.memory_space<hbm>> -> memref<1x96x128xi32, #tpu.memory_space<hbm>>
      %dma_start3A_126 = tpu.memref_squeeze %dma_start3A_125 : memref<1x96x128xi32, #tpu.memory_space<hbm>> -> memref<96x128xi32, #tpu.memory_space<hbm>>
      %dma_start3A_127 = arith.constant 0 : i32
      %dma_start3A_128 = arith.constant 0 : i32
      %dma_start3A_129 = tpu.memref_slice %arg4[%add3A, %dma_start3A_127, %dma_start3A_128] : memref<32x96x128xi32, #tpu.memory_space<hbm>> -> memref<1x96x128xi32, #tpu.memory_space<hbm>>
      %dma_start3A_130 = tpu.memref_squeeze %dma_start3A_129 : memref<1x96x128xi32, #tpu.memory_space<hbm>> -> memref<96x128xi32, #tpu.memory_space<hbm>>
      tpu.enqueue_dma source(%dma_start3A_130 : memref<96x128xi32, #tpu.memory_space<hbm>>) target(%arg7 : memref<96x128xi32, #tpu.memory_space<vmem>>) target_semaphore(%run_scoped3A : memref<!tpu.dma_semaphore, #tpu.memory_space<semaphore_mem>>)
      %dma_wait3A_131 = arith.constant 0 : i32
      %dma_wait3A_132 = arith.constant 0 : i32
      %dma_wait3A_133 = tpu.memref_slice %arg4[%add3A, %dma_wait3A_131, %dma_wait3A_132] : memref<32x96x128xi32, #tpu.memory_space<hbm>> -> memref<1x96x128xi32, #tpu.memory_space<hbm>>
      %dma_wait3A_134 = tpu.memref_squeeze %dma_wait3A_133 : memref<1x96x128xi32, #tpu.memory_space<hbm>> -> memref<96x128xi32, #tpu.memory_space<hbm>>
      %dma_wait3A_135 = arith.constant 0 : i32
      %dma_wait3A_136 = arith.constant 0 : i32
      %dma_wait3A_137 = tpu.memref_slice %arg4[%add3A, %dma_wait3A_135, %dma_wait3A_136] : memref<32x96x128xi32, #tpu.memory_space<hbm>> -> memref<1x96x128xi32, #tpu.memory_space<hbm>>
      %dma_wait3A_138 = tpu.memref_squeeze %dma_wait3A_137 : memref<1x96x128xi32, #tpu.memory_space<hbm>> -> memref<96x128xi32, #tpu.memory_space<hbm>>
      tpu.wait_dma2 semaphore(%run_scoped3A : memref<!tpu.dma_semaphore, #tpu.memory_space<semaphore_mem>>) src(%dma_wait3A_138 : memref<96x128xi32, #tpu.memory_space<hbm>>) dst(%arg7 : memref<96x128xi32, #tpu.memory_space<vmem>>)
      tpu.yield
    }) : () -> ()
    %scan3A = arith.constant 0 : i32
    %scan3A_3 = arith.constant 0 : i32
    %scan3A_4 = arith.constant 160 : i32
    %scan3A_5 = arith.addi %scan3A_3, %scan3A_4 : i32
    %scan3A_6 = arith.constant 1 : i32
    %scan3A_7 = scf.for %scan3A_123 = %scan3A_3 to %scan3A_5 step %scan3A_6 iter_args(%scan3A_124 = %scan3A) -> (i32)  : i32 {
      %broadcast_in_dim3A = arith.constant 0.000000e+00 : f32
      %broadcast_in_dim3A_125 = vector.broadcast %broadcast_in_dim3A : f32 to vector<16xf32>
      %swap3A = arith.index_cast %scan3A_123 : i32 to index
      %swap3A_126 = arith.constant 0 : index
      %swap3A_127 = tpu.vector_load %arg12[%swap3A, %swap3A_126] {strides = array<i32>} : memref<160x16xf32, #tpu.memory_space<vmem>>, vector<1x16xf32>,
      %swap3A_128 = vector.shape_cast %swap3A_127 : vector<1x16xf32> to vector<16xf32>
      %swap3A_129 = vector.shape_cast %broadcast_in_dim3A_125 : vector<16xf32> to vector<1x16xf32>
      tpu.vector_store %arg12[%swap3A, %swap3A_126], %swap3A_129 {strides = array<i32>} : memref<160x16xf32, #tpu.memory_space<vmem>>, vector<1x16xf32>,
      %scan3A_130 = arith.constant 0 : i32
      scf.yield %scan3A_130 : i32
    }
    %scan3A_8 = arith.constant 160 : i32
    %mul3A_9 = arith.constant 640 : i32
    %mul3A_10 = arith.muli %arg1, %mul3A_9 : i32
    %add3A_11 = arith.constant 0 : i32
    %add3A_12 = arith.addi %mul3A_10, %add3A_11 : i32
    "tpu.region"() ({
      %run_scoped3A = tpu.sem_alloc : memref<!tpu.dma_semaphore, #tpu.memory_space<semaphore_mem>>
      %dma_start3A_123 = arith.constant 0 : i32
      %dma_start3A_124 = tpu.memref_slice %arg13[%add3A_12, %dma_start3A_123] : memref<10240x16xf32, #tpu.memory_space<vmem_shared>> -> memref<160x16xf32, #tpu.memory_space<vmem_shared>>
      %dma_start3A_125 = arith.constant 0 : i32
      %dma_start3A_126 = tpu.memref_slice %arg13[%add3A_12, %dma_start3A_125] : memref<10240x16xf32, #tpu.memory_space<vmem_shared>> -> memref<160x16xf32, #tpu.memory_space<vmem_shared>>
      tpu.enqueue_dma source(%arg12 : memref<160x16xf32, #tpu.memory_space<vmem>>) target(%dma_start3A_126 : memref<160x16xf32, #tpu.memory_space<vmem_shared>>) target_semaphore(%run_scoped3A : memref<!tpu.dma_semaphore, #tpu.memory_space<semaphore_mem>>)
      %dma_wait3A_127 = arith.constant 0 : i32
      %dma_wait3A_128 = tpu.memref_slice %arg13[%add3A_12, %dma_wait3A_127] : memref<10240x16xf32, #tpu.memory_space<vmem_shared>> -> memref<160x16xf32, #tpu.memory_space<vmem_shared>>
      %dma_wait3A_129 = arith.constant 0 : i32
      %dma_wait3A_130 = tpu.memref_slice %arg13[%add3A_12, %dma_wait3A_129] : memref<10240x16xf32, #tpu.memory_space<vmem_shared>> -> memref<160x16xf32, #tpu.memory_space<vmem_shared>>
      tpu.wait_dma2 semaphore(%run_scoped3A : memref<!tpu.dma_semaphore, #tpu.memory_space<semaphore_mem>>) src(%arg12 : memref<160x16xf32, #tpu.memory_space<vmem>>) dst(%dma_wait3A_130 : memref<160x16xf32, #tpu.memory_space<vmem_shared>>)
      tpu.yield
    }) : () -> ()
    %mul3A_13 = arith.constant 640 : i32
    %mul3A_14 = arith.muli %arg1, %mul3A_13 : i32
    %add3A_15 = arith.constant 160 : i32
    %add3A_16 = arith.addi %mul3A_14, %add3A_15 : i32
    "tpu.region"() ({
      %run_scoped3A = tpu.sem_alloc : memref<!tpu.dma_semaphore, #tpu.memory_space<semaphore_mem>>
      %dma_start3A_123 = arith.constant 0 : i32
      %dma_start3A_124 = tpu.memref_slice %arg13[%add3A_16, %dma_start3A_123] : memref<10240x16xf32, #tpu.memory_space<vmem_shared>> -> memref<160x16xf32, #tpu.memory_space<vmem_shared>>
      %dma_start3A_125 = arith.constant 0 : i32
      %dma_start3A_126 = tpu.memref_slice %arg13[%add3A_16, %dma_start3A_125] : memref<10240x16xf32, #tpu.memory_space<vmem_shared>> -> memref<160x16xf32, #tpu.memory_space<vmem_shared>>
      tpu.enqueue_dma source(%arg12 : memref<160x16xf32, #tpu.memory_space<vmem>>) target(%dma_start3A_126 : memref<160x16xf32, #tpu.memory_space<vmem_shared>>) target_semaphore(%run_scoped3A : memref<!tpu.dma_semaphore, #tpu.memory_space<semaphore_mem>>)
      %dma_wait3A_127 = arith.constant 0 : i32
      %dma_wait3A_128 = tpu.memref_slice %arg13[%add3A_16, %dma_wait3A_127] : memref<10240x16xf32, #tpu.memory_space<vmem_shared>> -> memref<160x16xf32, #tpu.memory_space<vmem_shared>>
      %dma_wait3A_129 = arith.constant 0 : i32
      %dma_wait3A_130 = tpu.memref_slice %arg13[%add3A_16, %dma_wait3A_129] : memref<10240x16xf32, #tpu.memory_space<vmem_shared>> -> memref<160x16xf32, #tpu.memory_space<vmem_shared>>
      tpu.wait_dma2 semaphore(%run_scoped3A : memref<!tpu.dma_semaphore, #tpu.memory_space<semaphore_mem>>) src(%arg12 : memref<160x16xf32, #tpu.memory_space<vmem>>) dst(%dma_wait3A_130 : memref<160x16xf32, #tpu.memory_space<vmem_shared>>)
      tpu.yield
    }) : () -> ()
    %mul3A_17 = arith.constant 640 : i32
    %mul3A_18 = arith.muli %arg1, %mul3A_17 : i32
    %add3A_19 = arith.constant 320 : i32
    %add3A_20 = arith.addi %mul3A_18, %add3A_19 : i32
    "tpu.region"() ({
      %run_scoped3A = tpu.sem_alloc : memref<!tpu.dma_semaphore, #tpu.memory_space<semaphore_mem>>
      %dma_start3A_123 = arith.constant 0 : i32
      %dma_start3A_124 = tpu.memref_slice %arg13[%add3A_20, %dma_start3A_123] : memref<10240x16xf32, #tpu.memory_space<vmem_shared>> -> memref<160x16xf32, #tpu.memory_space<vmem_shared>>
      %dma_start3A_125 = arith.constant 0 : i32
      %dma_start3A_126 = tpu.memref_slice %arg13[%add3A_20, %dma_start3A_125] : memref<10240x16xf32, #tpu.memory_space<vmem_shared>> -> memref<160x16xf32, #tpu.memory_space<vmem_shared>>
      tpu.enqueue_dma source(%arg12 : memref<160x16xf32, #tpu.memory_space<vmem>>) target(%dma_start3A_126 : memref<160x16xf32, #tpu.memory_space<vmem_shared>>) target_semaphore(%run_scoped3A : memref<!tpu.dma_semaphore, #tpu.memory_space<semaphore_mem>>)
      %dma_wait3A_127 = arith.constant 0 : i32
      %dma_wait3A_128 = tpu.memref_slice %arg13[%add3A_20, %dma_wait3A_127] : memref<10240x16xf32, #tpu.memory_space<vmem_shared>> -> memref<160x16xf32, #tpu.memory_space<vmem_shared>>
      %dma_wait3A_129 = arith.constant 0 : i32
      %dma_wait3A_130 = tpu.memref_slice %arg13[%add3A_20, %dma_wait3A_129] : memref<10240x16xf32, #tpu.memory_space<vmem_shared>> -> memref<160x16xf32, #tpu.memory_space<vmem_shared>>
      tpu.wait_dma2 semaphore(%run_scoped3A : memref<!tpu.dma_semaphore, #tpu.memory_space<semaphore_mem>>) src(%arg12 : memref<160x16xf32, #tpu.memory_space<vmem>>) dst(%dma_wait3A_130 : memref<160x16xf32, #tpu.memory_space<vmem_shared>>)
      tpu.yield
    }) : () -> ()
    %mul3A_21 = arith.constant 640 : i32
    %mul3A_22 = arith.muli %arg1, %mul3A_21 : i32
    %add3A_23 = arith.constant 480 : i32
    %add3A_24 = arith.addi %mul3A_22, %add3A_23 : i32
    "tpu.region"() ({
      %run_scoped3A = tpu.sem_alloc : memref<!tpu.dma_semaphore, #tpu.memory_space<semaphore_mem>>
      %dma_start3A_123 = arith.constant 0 : i32
      %dma_start3A_124 = tpu.memref_slice %arg13[%add3A_24, %dma_start3A_123] : memref<10240x16xf32, #tpu.memory_space<vmem_shared>> -> memref<160x16xf32, #tpu.memory_space<vmem_shared>>
      %dma_start3A_125 = arith.constant 0 : i32
      %dma_start3A_126 = tpu.memref_slice %arg13[%add3A_24, %dma_start3A_125] : memref<10240x16xf32, #tpu.memory_space<vmem_shared>> -> memref<160x16xf32, #tpu.memory_space<vmem_shared>>
      tpu.enqueue_dma source(%arg12 : memref<160x16xf32, #tpu.memory_space<vmem>>) target(%dma_start3A_126 : memref<160x16xf32, #tpu.memory_space<vmem_shared>>) target_semaphore(%run_scoped3A : memref<!tpu.dma_semaphore, #tpu.memory_space<semaphore_mem>>)
      %dma_wait3A_127 = arith.constant 0 : i32
      %dma_wait3A_128 = tpu.memref_slice %arg13[%add3A_24, %dma_wait3A_127] : memref<10240x16xf32, #tpu.memory_space<vmem_shared>> -> memref<160x16xf32, #tpu.memory_space<vmem_shared>>
      %dma_wait3A_129 = arith.constant 0 : i32
      %dma_wait3A_130 = tpu.memref_slice %arg13[%add3A_24, %dma_wait3A_129] : memref<10240x16xf32, #tpu.memory_space<vmem_shared>> -> memref<160x16xf32, #tpu.memory_space<vmem_shared>>
      tpu.wait_dma2 semaphore(%run_scoped3A : memref<!tpu.dma_semaphore, #tpu.memory_space<semaphore_mem>>) src(%arg12 : memref<160x16xf32, #tpu.memory_space<vmem>>) dst(%dma_wait3A_130 : memref<160x16xf32, #tpu.memory_space<vmem_shared>>)
      tpu.yield
    }) : () -> ()
    %barrier3A = arith.constant 0 : index
    tpu.barrier barrier_id(%barrier3A)
    %dma_start3A = arith.constant 0 : i32
    %dma_start3A_25 = arith.constant 0 : i32
    %dma_start3A_26 = tpu.memref_slice %arg6[%dma_start3A, %dma_start3A_25] : memref<96x128xi32, #tpu.memory_space<vmem>> -> memref<1x128xi32, #tpu.memory_space<vmem>>
    %dma_start3A_27 = tpu.memref_squeeze %dma_start3A_26 : memref<1x128xi32, #tpu.memory_space<vmem>> -> memref<128xi32, #tpu.memory_space<vmem>>
    %dma_start3A_28 = arith.constant 0 : i32
    %dma_start3A_29 = arith.constant 0 : i32
    %dma_start3A_30 = tpu.memref_slice %arg2[%dma_start3A_28, %dma_start3A_29] : memref<10240x16xf32, #tpu.memory_space<hbm>> -> memref<10240x16xf32, #tpu.memory_space<hbm>>
    tpu.enqueue_indirect_dma source(%dma_start3A_30 : memref<10240x16xf32, #tpu.memory_space<hbm>>) target(%arg8 : memref<128x16xf32, #tpu.memory_space<vmem>>) offsets(%dma_start3A_27 : memref<128xi32, #tpu.memory_space<vmem>>) semaphore(%arg14 : memref<!tpu.dma_semaphore, #tpu.memory_space<semaphore_mem>>)
    %dma_start3A_31 = arith.constant 1 : i32
    %dma_start3A_32 = arith.constant 0 : i32
    %dma_start3A_33 = tpu.memref_slice %arg6[%dma_start3A_31, %dma_start3A_32] : memref<96x128xi32, #tpu.memory_space<vmem>> -> memref<1x128xi32, #tpu.memory_space<vmem>>
    %dma_start3A_34 = tpu.memref_squeeze %dma_start3A_33 : memref<1x128xi32, #tpu.memory_space<vmem>> -> memref<128xi32, #tpu.memory_space<vmem>>
    %dma_start3A_35 = arith.constant 0 : i32
    %dma_start3A_36 = arith.constant 0 : i32
    %dma_start3A_37 = tpu.memref_slice %arg2[%dma_start3A_35, %dma_start3A_36] : memref<10240x16xf32, #tpu.memory_space<hbm>> -> memref<10240x16xf32, #tpu.memory_space<hbm>>
    tpu.enqueue_indirect_dma source(%dma_start3A_37 : memref<10240x16xf32, #tpu.memory_space<hbm>>) target(%arg9 : memref<128x16xf32, #tpu.memory_space<vmem>>) offsets(%dma_start3A_34 : memref<128xi32, #tpu.memory_space<vmem>>) semaphore(%arg15 : memref<!tpu.dma_semaphore, #tpu.memory_space<semaphore_mem>>)
    %jit3A_38 = arith.constant 4 : i32
    %div3A = arith.divsi %select_n3A, %jit3A_38 : i32
    %sign3A = arith.constant 0 : i32
    %sign3A_39 = arith.cmpi sgt, %select_n3A, %sign3A : i32
    %sign3A_40 = arith.extui %sign3A_39 : i1 to i32
    %sign3A_41 = arith.constant 0 : i32
    %sign3A_42 = arith.cmpi slt, %select_n3A, %sign3A_41 : i32
    %sign3A_43 = arith.extui %sign3A_42 : i1 to i32
    %sign3A_44 = arith.subi %sign3A_40, %sign3A_43 : i32
    %sign3A_45 = arith.constant 0 : i32
    %sign3A_46 = arith.cmpi sgt, %jit3A_38, %sign3A_45 : i32
    %sign3A_47 = arith.extui %sign3A_46 : i1 to i32
    %sign3A_48 = arith.constant 0 : i32
    %sign3A_49 = arith.cmpi slt, %jit3A_38, %sign3A_48 : i32
    %sign3A_50 = arith.extui %sign3A_49 : i1 to i32
    %sign3A_51 = arith.subi %sign3A_47, %sign3A_50 : i32
    %ne3A = arith.cmpi ne, %sign3A_44, %sign3A_51 : i32
    %rem3A = arith.remsi %select_n3A, %jit3A_38 : i32
    %ne3A_52 = arith.constant 0 : i32
    %ne3A_53 = arith.cmpi ne, %rem3A, %ne3A_52 : i32
    %and3A = arith.andi %ne3A, %ne3A_53 : i1
    %sub3A = arith.constant 1 : i32
    %sub3A_54 = arith.subi %div3A, %sub3A : i32
    %select_n3A_55 = arith.select %and3A, %sub3A_54, %div3A : i32
    %while3A = arith.constant 0 : i32
    %while3A_56 = arith.constant 0 : i32
    %while3A_57 = arith.subi %select_n3A_55, %while3A : i32
    %while3A_58 = arith.addi %while3A, %while3A_57 : i32
    %while3A_59 = arith.constant 1 : i32
    %while3A_60 = arith.divsi %while3A_57, %while3A_59 : i32
    %while3A_61 = arith.muli %while3A_60, %while3A_59 : i32
    %while3A_62 = arith.addi %while3A, %while3A_61 : i32
    %while3A_63 = arith.constant 1 : i32
    %while3A_64 = scf.for %while3A_123 = %while3A to %while3A_62 step %while3A_63 iter_args(%while3A_124 = %while3A_56) -> (i32)  : i32 {
      %mul3A_125 = arith.constant 4 : i32
      %mul3A_126 = arith.muli %while3A_123, %mul3A_125 : i32
      %add3A_127 = arith.constant 0 : i32
      %add3A_128 = arith.addi %mul3A_126, %add3A_127 : i32
      %add3A_129 = arith.constant 2 : i32
      %add3A_130 = arith.addi %add3A_128, %add3A_129 : i32
      %dma_wait3A_131 = arith.constant 0 : i32
      %dma_wait3A_132 = tpu.memref_slice %arg6[%add3A_128, %dma_wait3A_131] : memref<96x128xi32, #tpu.memory_space<vmem>> -> memref<1x128xi32, #tpu.memory_space<vmem>>
      %dma_wait3A_133 = tpu.memref_squeeze %dma_wait3A_132 : memref<1x128xi32, #tpu.memory_space<vmem>> -> memref<128xi32, #tpu.memory_space<vmem>>
      %dma_wait3A_134 = arith.constant 0 : i32
      %dma_wait3A_135 = arith.constant 0 : i32
      %dma_wait3A_136 = tpu.memref_slice %arg2[%dma_wait3A_134, %dma_wait3A_135] : memref<10240x16xf32, #tpu.memory_space<hbm>> -> memref<10240x16xf32, #tpu.memory_space<hbm>>
      tpu.wait_indirect_dma semaphore(%arg14 : memref<!tpu.dma_semaphore, #tpu.memory_space<semaphore_mem>>) src(%dma_wait3A_136 : memref<10240x16xf32, #tpu.memory_space<hbm>>) dst(%arg8 : memref<128x16xf32, #tpu.memory_space<vmem>>)
      %dma_start3A_137 = arith.constant 0 : i32
      %dma_start3A_138 = tpu.memref_slice %arg7[%add3A_128, %dma_start3A_137] : memref<96x128xi32, #tpu.memory_space<vmem>> -> memref<1x128xi32, #tpu.memory_space<vmem>>
      %dma_start3A_139 = tpu.memref_squeeze %dma_start3A_138 : memref<1x128xi32, #tpu.memory_space<vmem>> -> memref<128xi32, #tpu.memory_space<vmem>>
      %dma_start3A_140 = arith.constant 0 : i32
      %dma_start3A_141 = arith.constant 0 : i32
      %dma_start3A_142 = tpu.memref_slice %arg13[%dma_start3A_140, %dma_start3A_141] : memref<10240x16xf32, #tpu.memory_space<vmem_shared>> -> memref<10240x16xf32, #tpu.memory_space<vmem_shared>>
      tpu.enqueue_indirect_dma source(%arg8 : memref<128x16xf32, #tpu.memory_space<vmem>>) target(%dma_start3A_142 : memref<10240x16xf32, #tpu.memory_space<vmem_shared>>) offsets(%dma_start3A_139 : memref<128xi32, #tpu.memory_space<vmem>>) semaphore(%arg18 : memref<!tpu.dma_semaphore, #tpu.memory_space<semaphore_mem>>) {add = true}
      %gt3A = arith.constant 0 : i32
      %gt3A_143 = arith.cmpi sgt, %while3A_123, %gt3A : i32
      %convert_element_type3A = arith.extui %gt3A_143 : i1 to i32
      %cond3A = arith.constant 0 : i32
      %cond3A_144 = arith.cmpi ne, %convert_element_type3A, %cond3A : i32
      scf.if %cond3A_144 {
        %sub3A_276 = arith.constant 4 : i32
        %sub3A_277 = arith.subi %add3A_130, %sub3A_276 : i32
        %dma_wait3A_278 = arith.constant 0 : i32
        %dma_wait3A_279 = tpu.memref_slice %arg7[%sub3A_277, %dma_wait3A_278] : memref<96x128xi32, #tpu.memory_space<vmem>> -> memref<1x128xi32, #tpu.memory_space<vmem>>
        %dma_wait3A_280 = tpu.memref_squeeze %dma_wait3A_279 : memref<1x128xi32, #tpu.memory_space<vmem>> -> memref<128xi32, #tpu.memory_space<vmem>>
        %dma_wait3A_281 = arith.constant 0 : i32
        %dma_wait3A_282 = arith.constant 0 : i32
        %dma_wait3A_283 = tpu.memref_slice %arg13[%dma_wait3A_281, %dma_wait3A_282] : memref<10240x16xf32, #tpu.memory_space<vmem_shared>> -> memref<10240x16xf32, #tpu.memory_space<vmem_shared>>
        tpu.wait_indirect_dma semaphore(%arg20 : memref<!tpu.dma_semaphore, #tpu.memory_space<semaphore_mem>>) src(%arg10 : memref<128x16xf32, #tpu.memory_space<vmem>>) dst(%dma_wait3A_283 : memref<10240x16xf32, #tpu.memory_space<vmem_shared>>)
      } else {
      }
      %dma_start3A_145 = arith.constant 0 : i32
      %dma_start3A_146 = tpu.memref_slice %arg6[%add3A_130, %dma_start3A_145] : memref<96x128xi32, #tpu.memory_space<vmem>> -> memref<1x128xi32, #tpu.memory_space<vmem>>
      %dma_start3A_147 = tpu.memref_squeeze %dma_start3A_146 : memref<1x128xi32, #tpu.memory_space<vmem>> -> memref<128xi32, #tpu.memory_space<vmem>>
      %dma_start3A_148 = arith.constant 0 : i32
      %dma_start3A_149 = arith.constant 0 : i32
      %dma_start3A_150 = tpu.memref_slice %arg2[%dma_start3A_148, %dma_start3A_149] : memref<10240x16xf32, #tpu.memory_space<hbm>> -> memref<10240x16xf32, #tpu.memory_space<hbm>>
      tpu.enqueue_indirect_dma source(%dma_start3A_150 : memref<10240x16xf32, #tpu.memory_space<hbm>>) target(%arg10 : memref<128x16xf32, #tpu.memory_space<vmem>>) offsets(%dma_start3A_147 : memref<128xi32, #tpu.memory_space<vmem>>) semaphore(%arg16 : memref<!tpu.dma_semaphore, #tpu.memory_space<semaphore_mem>>)
      %mul3A_151 = arith.constant 4 : i32
      %mul3A_152 = arith.muli %while3A_123, %mul3A_151 : i32
      %add3A_153 = arith.constant 1 : i32
      %add3A_154 = arith.addi %mul3A_152, %add3A_153 : i32
      %add3A_155 = arith.constant 2 : i32
      %add3A_156 = arith.addi %add3A_154, %add3A_155 : i32
      %dma_wait3A_157 = arith.constant 0 : i32
      %dma_wait3A_158 = tpu.memref_slice %arg6[%add3A_154, %dma_wait3A_157] : memref<96x128xi32, #tpu.memory_space<vmem>> -> memref<1x128xi32, #tpu.memory_space<vmem>>
      %dma_wait3A_159 = tpu.memref_squeeze %dma_wait3A_158 : memref<1x128xi32, #tpu.memory_space<vmem>> -> memref<128xi32, #tpu.memory_space<vmem>>
      %dma_wait3A_160 = arith.constant 0 : i32
      %dma_wait3A_161 = arith.constant 0 : i32
      %dma_wait3A_162 = tpu.memref_slice %arg2[%dma_wait3A_160, %dma_wait3A_161] : memref<10240x16xf32, #tpu.memory_space<hbm>> -> memref<10240x16xf32, #tpu.memory_space<hbm>>
      tpu.wait_indirect_dma semaphore(%arg15 : memref<!tpu.dma_semaphore, #tpu.memory_space<semaphore_mem>>) src(%dma_wait3A_162 : memref<10240x16xf32, #tpu.memory_space<hbm>>) dst(%arg9 : memref<128x16xf32, #tpu.memory_space<vmem>>)
      %dma_start3A_163 = arith.constant 0 : i32
      %dma_start3A_164 = tpu.memref_slice %arg7[%add3A_154, %dma_start3A_163] : memref<96x128xi32, #tpu.memory_space<vmem>> -> memref<1x128xi32, #tpu.memory_space<vmem>>
      %dma_start3A_165 = tpu.memref_squeeze %dma_start3A_164 : memref<1x128xi32, #tpu.memory_space<vmem>> -> memref<128xi32, #tpu.memory_space<vmem>>
      %dma_start3A_166 = arith.constant 0 : i32
      %dma_start3A_167 = arith.constant 0 : i32
      %dma_start3A_168 = tpu.memref_slice %arg13[%dma_start3A_166, %dma_start3A_167] : memref<10240x16xf32, #tpu.memory_space<vmem_shared>> -> memref<10240x16xf32, #tpu.memory_space<vmem_shared>>
      tpu.enqueue_indirect_dma source(%arg9 : memref<128x16xf32, #tpu.memory_space<vmem>>) target(%dma_start3A_168 : memref<10240x16xf32, #tpu.memory_space<vmem_shared>>) offsets(%dma_start3A_165 : memref<128xi32, #tpu.memory_space<vmem>>) semaphore(%arg19 : memref<!tpu.dma_semaphore, #tpu.memory_space<semaphore_mem>>) {add = true}
      %gt3A_169 = arith.constant 0 : i32
      %gt3A_170 = arith.cmpi sgt, %while3A_123, %gt3A_169 : i32
      %convert_element_type3A_171 = arith.extui %gt3A_170 : i1 to i32
      %cond3A_172 = arith.constant 0 : i32
      %cond3A_173 = arith.cmpi ne, %convert_element_type3A_171, %cond3A_172 : i32
      scf.if %cond3A_173 {
        %sub3A_276 = arith.constant 4 : i32
        %sub3A_277 = arith.subi %add3A_156, %sub3A_276 : i32
        %dma_wait3A_278 = arith.constant 0 : i32
        %dma_wait3A_279 = tpu.memref_slice %arg7[%sub3A_277, %dma_wait3A_278] : memref<96x128xi32, #tpu.memory_space<vmem>> -> memref<1x128xi32, #tpu.memory_space<vmem>>
        %dma_wait3A_280 = tpu.memref_squeeze %dma_wait3A_279 : memref<1x128xi32, #tpu.memory_space<vmem>> -> memref<128xi32, #tpu.memory_space<vmem>>
        %dma_wait3A_281 = arith.constant 0 : i32
        %dma_wait3A_282 = arith.constant 0 : i32
        %dma_wait3A_283 = tpu.memref_slice %arg13[%dma_wait3A_281, %dma_wait3A_282] : memref<10240x16xf32, #tpu.memory_space<vmem_shared>> -> memref<10240x16xf32, #tpu.memory_space<vmem_shared>>
        tpu.wait_indirect_dma semaphore(%arg21 : memref<!tpu.dma_semaphore, #tpu.memory_space<semaphore_mem>>) src(%arg11 : memref<128x16xf32, #tpu.memory_space<vmem>>) dst(%dma_wait3A_283 : memref<10240x16xf32, #tpu.memory_space<vmem_shared>>)
      } else {
      }
      %dma_start3A_174 = arith.constant 0 : i32
      %dma_start3A_175 = tpu.memref_slice %arg6[%add3A_156, %dma_start3A_174] : memref<96x128xi32, #tpu.memory_space<vmem>> -> memref<1x128xi32, #tpu.memory_space<vmem>>
      %dma_start3A_176 = tpu.memref_squeeze %dma_start3A_175 : memref<1x128xi32, #tpu.memory_space<vmem>> -> memref<128xi32, #tpu.memory_space<vmem>>
      %dma_start3A_177 = arith.constant 0 : i32
      %dma_start3A_178 = arith.constant 0 : i32
      %dma_start3A_179 = tpu.memref_slice %arg2[%dma_start3A_177, %dma_start3A_178] : memref<10240x16xf32, #tpu.memory_space<hbm>> -> memref<10240x16xf32, #tpu.memory_space<hbm>>
      tpu.enqueue_indirect_dma source(%dma_start3A_179 : memref<10240x16xf32, #tpu.memory_space<hbm>>) target(%arg11 : memref<128x16xf32, #tpu.memory_space<vmem>>) offsets(%dma_start3A_176 : memref<128xi32, #tpu.memory_space<vmem>>) semaphore(%arg17 : memref<!tpu.dma_semaphore, #tpu.memory_space<semaphore_mem>>)
      %mul3A_180 = arith.constant 4 : i32
      %mul3A_181 = arith.muli %while3A_123, %mul3A_180 : i32
      %add3A_182 = arith.constant 2 : i32
      %add3A_183 = arith.addi %mul3A_181, %add3A_182 : i32
      %add3A_184 = arith.constant 2 : i32
      %add3A_185 = arith.addi %add3A_183, %add3A_184 : i32
      %dma_wait3A_186 = arith.constant 0 : i32
      %dma_wait3A_187 = tpu.memref_slice %arg6[%add3A_183, %dma_wait3A_186] : memref<96x128xi32, #tpu.memory_space<vmem>> -> memref<1x128xi32, #tpu.memory_space<vmem>>
      %dma_wait3A_188 = tpu.memref_squeeze %dma_wait3A_187 : memref<1x128xi32, #tpu.memory_space<vmem>> -> memref<128xi32, #tpu.memory_space<vmem>>
      %dma_wait3A_189 = arith.constant 0 : i32
      %dma_wait3A_190 = arith.constant 0 : i32
      %dma_wait3A_191 = tpu.memref_slice %arg2[%dma_wait3A_189, %dma_wait3A_190] : memref<10240x16xf32, #tpu.memory_space<hbm>> -> memref<10240x16xf32, #tpu.memory_space<hbm>>
      tpu.wait_indirect_dma semaphore(%arg16 : memref<!tpu.dma_semaphore, #tpu.memory_space<semaphore_mem>>) src(%dma_wait3A_191 : memref<10240x16xf32, #tpu.memory_space<hbm>>) dst(%arg10 : memref<128x16xf32, #tpu.memory_space<vmem>>)
      %dma_start3A_192 = arith.constant 0 : i32
      %dma_start3A_193 = tpu.memref_slice %arg7[%add3A_183, %dma_start3A_192] : memref<96x128xi32, #tpu.memory_space<vmem>> -> memref<1x128xi32, #tpu.memory_space<vmem>>
      %dma_start3A_194 = tpu.memref_squeeze %dma_start3A_193 : memref<1x128xi32, #tpu.memory_space<vmem>> -> memref<128xi32, #tpu.memory_space<vmem>>
      %dma_start3A_195 = arith.constant 0 : i32
      %dma_start3A_196 = arith.constant 0 : i32
      %dma_start3A_197 = tpu.memref_slice %arg13[%dma_start3A_195, %dma_start3A_196] : memref<10240x16xf32, #tpu.memory_space<vmem_shared>> -> memref<10240x16xf32, #tpu.memory_space<vmem_shared>>
      tpu.enqueue_indirect_dma source(%arg10 : memref<128x16xf32, #tpu.memory_space<vmem>>) target(%dma_start3A_197 : memref<10240x16xf32, #tpu.memory_space<vmem_shared>>) offsets(%dma_start3A_194 : memref<128xi32, #tpu.memory_space<vmem>>) semaphore(%arg20 : memref<!tpu.dma_semaphore, #tpu.memory_space<semaphore_mem>>) {add = true}
      %jit3A_198 = arith.constant 4 : i32
      %div3A_199 = arith.divsi %select_n3A, %jit3A_198 : i32
      %sign3A_200 = arith.constant 0 : i32
      %sign3A_201 = arith.cmpi sgt, %select_n3A, %sign3A_200 : i32
      %sign3A_202 = arith.extui %sign3A_201 : i1 to i32
      %sign3A_203 = arith.constant 0 : i32
      %sign3A_204 = arith.cmpi slt, %select_n3A, %sign3A_203 : i32
      %sign3A_205 = arith.extui %sign3A_204 : i1 to i32
      %sign3A_206 = arith.subi %sign3A_202, %sign3A_205 : i32
      %sign3A_207 = arith.constant 0 : i32
      %sign3A_208 = arith.cmpi sgt, %jit3A_198, %sign3A_207 : i32
      %sign3A_209 = arith.extui %sign3A_208 : i1 to i32
      %sign3A_210 = arith.constant 0 : i32
      %sign3A_211 = arith.cmpi slt, %jit3A_198, %sign3A_210 : i32
      %sign3A_212 = arith.extui %sign3A_211 : i1 to i32
      %sign3A_213 = arith.subi %sign3A_209, %sign3A_212 : i32
      %ne3A_214 = arith.cmpi ne, %sign3A_206, %sign3A_213 : i32
      %rem3A_215 = arith.remsi %select_n3A, %jit3A_198 : i32
      %ne3A_216 = arith.constant 0 : i32
      %ne3A_217 = arith.cmpi ne, %rem3A_215, %ne3A_216 : i32
      %and3A_218 = arith.andi %ne3A_214, %ne3A_217 : i1
      %sub3A_219 = arith.constant 1 : i32
      %sub3A_220 = arith.subi %div3A_199, %sub3A_219 : i32
      %select_n3A_221 = arith.select %and3A_218, %sub3A_220, %div3A_199 : i32
      %sub3A_222 = arith.constant 1 : i32
      %sub3A_223 = arith.subi %select_n3A_221, %sub3A_222 : i32
      %lt3A = arith.cmpi slt, %while3A_123, %sub3A_223 : i32
      %convert_element_type3A_224 = arith.extui %lt3A : i1 to i32
      %cond3A_225 = arith.constant 0 : i32
      %cond3A_226 = arith.cmpi ne, %convert_element_type3A_224, %cond3A_225 : i32
      scf.if %cond3A_226 {
        %sub3A_276 = arith.constant 4 : i32
        %sub3A_277 = arith.subi %add3A_185, %sub3A_276 : i32
        %dma_wait3A_278 = arith.constant 0 : i32
        %dma_wait3A_279 = tpu.memref_slice %arg7[%sub3A_277, %dma_wait3A_278] : memref<96x128xi32, #tpu.memory_space<vmem>> -> memref<1x128xi32, #tpu.memory_space<vmem>>
        %dma_wait3A_280 = tpu.memref_squeeze %dma_wait3A_279 : memref<1x128xi32, #tpu.memory_space<vmem>> -> memref<128xi32, #tpu.memory_space<vmem>>
        %dma_wait3A_281 = arith.constant 0 : i32
        %dma_wait3A_282 = arith.constant 0 : i32
        %dma_wait3A_283 = tpu.memref_slice %arg13[%dma_wait3A_281, %dma_wait3A_282] : memref<10240x16xf32, #tpu.memory_space<vmem_shared>> -> memref<10240x16xf32, #tpu.memory_space<vmem_shared>>
        tpu.wait_indirect_dma semaphore(%arg18 : memref<!tpu.dma_semaphore, #tpu.memory_space<semaphore_mem>>) src(%arg8 : memref<128x16xf32, #tpu.memory_space<vmem>>) dst(%dma_wait3A_283 : memref<10240x16xf32, #tpu.memory_space<vmem_shared>>)
        %dma_start3A_284 = arith.constant 0 : i32
        %dma_start3A_285 = tpu.memref_slice %arg6[%add3A_185, %dma_start3A_284] : memref<96x128xi32, #tpu.memory_space<vmem>> -> memref<1x128xi32, #tpu.memory_space<vmem>>
        %dma_start3A_286 = tpu.memref_squeeze %dma_start3A_285 : memref<1x128xi32, #tpu.memory_space<vmem>> -> memref<128xi32, #tpu.memory_space<vmem>>
        %dma_start3A_287 = arith.constant 0 : i32
        %dma_start3A_288 = arith.constant 0 : i32
        %dma_start3A_289 = tpu.memref_slice %arg2[%dma_start3A_287, %dma_start3A_288] : memref<10240x16xf32, #tpu.memory_space<hbm>> -> memref<10240x16xf32, #tpu.memory_space<hbm>>
        tpu.enqueue_indirect_dma source(%dma_start3A_289 : memref<10240x16xf32, #tpu.memory_space<hbm>>) target(%arg8 : memref<128x16xf32, #tpu.memory_space<vmem>>) offsets(%dma_start3A_286 : memref<128xi32, #tpu.memory_space<vmem>>) semaphore(%arg14 : memref<!tpu.dma_semaphore, #tpu.memory_space<semaphore_mem>>)
      } else {
      }
      %mul3A_227 = arith.constant 4 : i32
      %mul3A_228 = arith.muli %while3A_123, %mul3A_227 : i32
      %add3A_229 = arith.constant 3 : i32
      %add3A_230 = arith.addi %mul3A_228, %add3A_229 : i32
      %add3A_231 = arith.constant 2 : i32
      %add3A_232 = arith.addi %add3A_230, %add3A_231 : i32
      %dma_wait3A_233 = arith.constant 0 : i32
      %dma_wait3A_234 = tpu.memref_slice %arg6[%add3A_230, %dma_wait3A_233] : memref<96x128xi32, #tpu.memory_space<vmem>> -> memref<1x128xi32, #tpu.memory_space<vmem>>
      %dma_wait3A_235 = tpu.memref_squeeze %dma_wait3A_234 : memref<1x128xi32, #tpu.memory_space<vmem>> -> memref<128xi32, #tpu.memory_space<vmem>>
      %dma_wait3A_236 = arith.constant 0 : i32
      %dma_wait3A_237 = arith.constant 0 : i32
      %dma_wait3A_238 = tpu.memref_slice %arg2[%dma_wait3A_236, %dma_wait3A_237] : memref<10240x16xf32, #tpu.memory_space<hbm>> -> memref<10240x16xf32, #tpu.memory_space<hbm>>
      tpu.wait_indirect_dma semaphore(%arg17 : memref<!tpu.dma_semaphore, #tpu.memory_space<semaphore_mem>>) src(%dma_wait3A_238 : memref<10240x16xf32, #tpu.memory_space<hbm>>) dst(%arg11 : memref<128x16xf32, #tpu.memory_space<vmem>>)
      %dma_start3A_239 = arith.constant 0 : i32
      %dma_start3A_240 = tpu.memref_slice %arg7[%add3A_230, %dma_start3A_239] : memref<96x128xi32, #tpu.memory_space<vmem>> -> memref<1x128xi32, #tpu.memory_space<vmem>>
      %dma_start3A_241 = tpu.memref_squeeze %dma_start3A_240 : memref<1x128xi32, #tpu.memory_space<vmem>> -> memref<128xi32, #tpu.memory_space<vmem>>
      %dma_start3A_242 = arith.constant 0 : i32
      %dma_start3A_243 = arith.constant 0 : i32
      %dma_start3A_244 = tpu.memref_slice %arg13[%dma_start3A_242, %dma_start3A_243] : memref<10240x16xf32, #tpu.memory_space<vmem_shared>> -> memref<10240x16xf32, #tpu.memory_space<vmem_shared>>
      tpu.enqueue_indirect_dma source(%arg11 : memref<128x16xf32, #tpu.memory_space<vmem>>) target(%dma_start3A_244 : memref<10240x16xf32, #tpu.memory_space<vmem_shared>>) offsets(%dma_start3A_241 : memref<128xi32, #tpu.memory_space<vmem>>) semaphore(%arg21 : memref<!tpu.dma_semaphore, #tpu.memory_space<semaphore_mem>>) {add = true}
      %jit3A_245 = arith.constant 4 : i32
      %div3A_246 = arith.divsi %select_n3A, %jit3A_245 : i32
      %sign3A_247 = arith.constant 0 : i32
      %sign3A_248 = arith.cmpi sgt, %select_n3A, %sign3A_247 : i32
      %sign3A_249 = arith.extui %sign3A_248 : i1 to i32
      %sign3A_250 = arith.constant 0 : i32
      %sign3A_251 = arith.cmpi slt, %select_n3A, %sign3A_250 : i32
      %sign3A_252 = arith.extui %sign3A_251 : i1 to i32
      %sign3A_253 = arith.subi %sign3A_249, %sign3A_252 : i32
      %sign3A_254 = arith.constant 0 : i32
      %sign3A_255 = arith.cmpi sgt, %jit3A_245, %sign3A_254 : i32
      %sign3A_256 = arith.extui %sign3A_255 : i1 to i32
      %sign3A_257 = arith.constant 0 : i32
      %sign3A_258 = arith.cmpi slt, %jit3A_245, %sign3A_257 : i32
      %sign3A_259 = arith.extui %sign3A_258 : i1 to i32
      %sign3A_260 = arith.subi %sign3A_256, %sign3A_259 : i32
      %ne3A_261 = arith.cmpi ne, %sign3A_253, %sign3A_260 : i32
      %rem3A_262 = arith.remsi %select_n3A, %jit3A_245 : i32
      %ne3A_263 = arith.constant 0 : i32
      %ne3A_264 = arith.cmpi ne, %rem3A_262, %ne3A_263 : i32
      %and3A_265 = arith.andi %ne3A_261, %ne3A_264 : i1
      %sub3A_266 = arith.constant 1 : i32
      %sub3A_267 = arith.subi %div3A_246, %sub3A_266 : i32
      %select_n3A_268 = arith.select %and3A_265, %sub3A_267, %div3A_246 : i32
      %sub3A_269 = arith.constant 1 : i32
      %sub3A_270 = arith.subi %select_n3A_268, %sub3A_269 : i32
      %lt3A_271 = arith.cmpi slt, %while3A_123, %sub3A_270 : i32
      %convert_element_type3A_272 = arith.extui %lt3A_271 : i1 to i32
      %cond3A_273 = arith.constant 0 : i32
      %cond3A_274 = arith.cmpi ne, %convert_element_type3A_272, %cond3A_273 : i32
      scf.if %cond3A_274 {
        %sub3A_276 = arith.constant 4 : i32
        %sub3A_277 = arith.subi %add3A_232, %sub3A_276 : i32
        %dma_wait3A_278 = arith.constant 0 : i32
        %dma_wait3A_279 = tpu.memref_slice %arg7[%sub3A_277, %dma_wait3A_278] : memref<96x128xi32, #tpu.memory_space<vmem>> -> memref<1x128xi32, #tpu.memory_space<vmem>>
        %dma_wait3A_280 = tpu.memref_squeeze %dma_wait3A_279 : memref<1x128xi32, #tpu.memory_space<vmem>> -> memref<128xi32, #tpu.memory_space<vmem>>
        %dma_wait3A_281 = arith.constant 0 : i32
        %dma_wait3A_282 = arith.constant 0 : i32
        %dma_wait3A_283 = tpu.memref_slice %arg13[%dma_wait3A_281, %dma_wait3A_282] : memref<10240x16xf32, #tpu.memory_space<vmem_shared>> -> memref<10240x16xf32, #tpu.memory_space<vmem_shared>>
        tpu.wait_indirect_dma semaphore(%arg19 : memref<!tpu.dma_semaphore, #tpu.memory_space<semaphore_mem>>) src(%arg9 : memref<128x16xf32, #tpu.memory_space<vmem>>) dst(%dma_wait3A_283 : memref<10240x16xf32, #tpu.memory_space<vmem_shared>>)
        %dma_start3A_284 = arith.constant 0 : i32
        %dma_start3A_285 = tpu.memref_slice %arg6[%add3A_232, %dma_start3A_284] : memref<96x128xi32, #tpu.memory_space<vmem>> -> memref<1x128xi32, #tpu.memory_space<vmem>>
        %dma_start3A_286 = tpu.memref_squeeze %dma_start3A_285 : memref<1x128xi32, #tpu.memory_space<vmem>> -> memref<128xi32, #tpu.memory_space<vmem>>
        %dma_start3A_287 = arith.constant 0 : i32
        %dma_start3A_288 = arith.constant 0 : i32
        %dma_start3A_289 = tpu.memref_slice %arg2[%dma_start3A_287, %dma_start3A_288] : memref<10240x16xf32, #tpu.memory_space<hbm>> -> memref<10240x16xf32, #tpu.memory_space<hbm>>
        tpu.enqueue_indirect_dma source(%dma_start3A_289 : memref<10240x16xf32, #tpu.memory_space<hbm>>) target(%arg9 : memref<128x16xf32, #tpu.memory_space<vmem>>) offsets(%dma_start3A_286 : memref<128xi32, #tpu.memory_space<vmem>>) semaphore(%arg15 : memref<!tpu.dma_semaphore, #tpu.memory_space<semaphore_mem>>)
      } else {
      }
      %while3A_275 = arith.constant 0 : i32
      scf.yield %while3A_275 : i32
    }
    %while3A_65 = arith.constant 1 : i32
    %while3A_66 = scf.for %while3A_123 = %while3A_62 to %while3A_58 step %while3A_65 iter_args(%while3A_124 = %while3A_64) -> (i32)  : i32 {
      %mul3A_125 = arith.constant 4 : i32
      %mul3A_126 = arith.muli %while3A_123, %mul3A_125 : i32
      %add3A_127 = arith.constant 0 : i32
      %add3A_128 = arith.addi %mul3A_126, %add3A_127 : i32
      %add3A_129 = arith.constant 2 : i32
      %add3A_130 = arith.addi %add3A_128, %add3A_129 : i32
      %dma_wait3A_131 = arith.constant 0 : i32
      %dma_wait3A_132 = tpu.memref_slice %arg6[%add3A_128, %dma_wait3A_131] : memref<96x128xi32, #tpu.memory_space<vmem>> -> memref<1x128xi32, #tpu.memory_space<vmem>>
      %dma_wait3A_133 = tpu.memref_squeeze %dma_wait3A_132 : memref<1x128xi32, #tpu.memory_space<vmem>> -> memref<128xi32, #tpu.memory_space<vmem>>
      %dma_wait3A_134 = arith.constant 0 : i32
      %dma_wait3A_135 = arith.constant 0 : i32
      %dma_wait3A_136 = tpu.memref_slice %arg2[%dma_wait3A_134, %dma_wait3A_135] : memref<10240x16xf32, #tpu.memory_space<hbm>> -> memref<10240x16xf32, #tpu.memory_space<hbm>>
      tpu.wait_indirect_dma semaphore(%arg14 : memref<!tpu.dma_semaphore, #tpu.memory_space<semaphore_mem>>) src(%dma_wait3A_136 : memref<10240x16xf32, #tpu.memory_space<hbm>>) dst(%arg8 : memref<128x16xf32, #tpu.memory_space<vmem>>)
      %dma_start3A_137 = arith.constant 0 : i32
      %dma_start3A_138 = tpu.memref_slice %arg7[%add3A_128, %dma_start3A_137] : memref<96x128xi32, #tpu.memory_space<vmem>> -> memref<1x128xi32, #tpu.memory_space<vmem>>
      %dma_start3A_139 = tpu.memref_squeeze %dma_start3A_138 : memref<1x128xi32, #tpu.memory_space<vmem>> -> memref<128xi32, #tpu.memory_space<vmem>>
      %dma_start3A_140 = arith.constant 0 : i32
      %dma_start3A_141 = arith.constant 0 : i32
      %dma_start3A_142 = tpu.memref_slice %arg13[%dma_start3A_140, %dma_start3A_141] : memref<10240x16xf32, #tpu.memory_space<vmem_shared>> -> memref<10240x16xf32, #tpu.memory_space<vmem_shared>>
      tpu.enqueue_indirect_dma source(%arg8 : memref<128x16xf32, #tpu.memory_space<vmem>>) target(%dma_start3A_142 : memref<10240x16xf32, #tpu.memory_space<vmem_shared>>) offsets(%dma_start3A_139 : memref<128xi32, #tpu.memory_space<vmem>>) semaphore(%arg18 : memref<!tpu.dma_semaphore, #tpu.memory_space<semaphore_mem>>) {add = true}
      %gt3A = arith.constant 0 : i32
      %gt3A_143 = arith.cmpi sgt, %while3A_123, %gt3A : i32
      %convert_element_type3A = arith.extui %gt3A_143 : i1 to i32
      %cond3A = arith.constant 0 : i32
      %cond3A_144 = arith.cmpi ne, %convert_element_type3A, %cond3A : i32
      scf.if %cond3A_144 {
        %sub3A_276 = arith.constant 4 : i32
        %sub3A_277 = arith.subi %add3A_130, %sub3A_276 : i32
        %dma_wait3A_278 = arith.constant 0 : i32
        %dma_wait3A_279 = tpu.memref_slice %arg7[%sub3A_277, %dma_wait3A_278] : memref<96x128xi32, #tpu.memory_space<vmem>> -> memref<1x128xi32, #tpu.memory_space<vmem>>
        %dma_wait3A_280 = tpu.memref_squeeze %dma_wait3A_279 : memref<1x128xi32, #tpu.memory_space<vmem>> -> memref<128xi32, #tpu.memory_space<vmem>>
        %dma_wait3A_281 = arith.constant 0 : i32
        %dma_wait3A_282 = arith.constant 0 : i32
        %dma_wait3A_283 = tpu.memref_slice %arg13[%dma_wait3A_281, %dma_wait3A_282] : memref<10240x16xf32, #tpu.memory_space<vmem_shared>> -> memref<10240x16xf32, #tpu.memory_space<vmem_shared>>
        tpu.wait_indirect_dma semaphore(%arg20 : memref<!tpu.dma_semaphore, #tpu.memory_space<semaphore_mem>>) src(%arg10 : memref<128x16xf32, #tpu.memory_space<vmem>>) dst(%dma_wait3A_283 : memref<10240x16xf32, #tpu.memory_space<vmem_shared>>)
      } else {
      }
      %dma_start3A_145 = arith.constant 0 : i32
      %dma_start3A_146 = tpu.memref_slice %arg6[%add3A_130, %dma_start3A_145] : memref<96x128xi32, #tpu.memory_space<vmem>> -> memref<1x128xi32, #tpu.memory_space<vmem>>
      %dma_start3A_147 = tpu.memref_squeeze %dma_start3A_146 : memref<1x128xi32, #tpu.memory_space<vmem>> -> memref<128xi32, #tpu.memory_space<vmem>>
      %dma_start3A_148 = arith.constant 0 : i32
      %dma_start3A_149 = arith.constant 0 : i32
      %dma_start3A_150 = tpu.memref_slice %arg2[%dma_start3A_148, %dma_start3A_149] : memref<10240x16xf32, #tpu.memory_space<hbm>> -> memref<10240x16xf32, #tpu.memory_space<hbm>>
      tpu.enqueue_indirect_dma source(%dma_start3A_150 : memref<10240x16xf32, #tpu.memory_space<hbm>>) target(%arg10 : memref<128x16xf32, #tpu.memory_space<vmem>>) offsets(%dma_start3A_147 : memref<128xi32, #tpu.memory_space<vmem>>) semaphore(%arg16 : memref<!tpu.dma_semaphore, #tpu.memory_space<semaphore_mem>>)
      %mul3A_151 = arith.constant 4 : i32
      %mul3A_152 = arith.muli %while3A_123, %mul3A_151 : i32
      %add3A_153 = arith.constant 1 : i32
      %add3A_154 = arith.addi %mul3A_152, %add3A_153 : i32
      %add3A_155 = arith.constant 2 : i32
      %add3A_156 = arith.addi %add3A_154, %add3A_155 : i32
      %dma_wait3A_157 = arith.constant 0 : i32
      %dma_wait3A_158 = tpu.memref_slice %arg6[%add3A_154, %dma_wait3A_157] : memref<96x128xi32, #tpu.memory_space<vmem>> -> memref<1x128xi32, #tpu.memory_space<vmem>>
      %dma_wait3A_159 = tpu.memref_squeeze %dma_wait3A_158 : memref<1x128xi32, #tpu.memory_space<vmem>> -> memref<128xi32, #tpu.memory_space<vmem>>
      %dma_wait3A_160 = arith.constant 0 : i32
      %dma_wait3A_161 = arith.constant 0 : i32
      %dma_wait3A_162 = tpu.memref_slice %arg2[%dma_wait3A_160, %dma_wait3A_161] : memref<10240x16xf32, #tpu.memory_space<hbm>> -> memref<10240x16xf32, #tpu.memory_space<hbm>>
      tpu.wait_indirect_dma semaphore(%arg15 : memref<!tpu.dma_semaphore, #tpu.memory_space<semaphore_mem>>) src(%dma_wait3A_162 : memref<10240x16xf32, #tpu.memory_space<hbm>>) dst(%arg9 : memref<128x16xf32, #tpu.memory_space<vmem>>)
      %dma_start3A_163 = arith.constant 0 : i32
      %dma_start3A_164 = tpu.memref_slice %arg7[%add3A_154, %dma_start3A_163] : memref<96x128xi32, #tpu.memory_space<vmem>> -> memref<1x128xi32, #tpu.memory_space<vmem>>
      %dma_start3A_165 = tpu.memref_squeeze %dma_start3A_164 : memref<1x128xi32, #tpu.memory_space<vmem>> -> memref<128xi32, #tpu.memory_space<vmem>>
      %dma_start3A_166 = arith.constant 0 : i32
      %dma_start3A_167 = arith.constant 0 : i32
      %dma_start3A_168 = tpu.memref_slice %arg13[%dma_start3A_166, %dma_start3A_167] : memref<10240x16xf32, #tpu.memory_space<vmem_shared>> -> memref<10240x16xf32, #tpu.memory_space<vmem_shared>>
      tpu.enqueue_indirect_dma source(%arg9 : memref<128x16xf32, #tpu.memory_space<vmem>>) target(%dma_start3A_168 : memref<10240x16xf32, #tpu.memory_space<vmem_shared>>) offsets(%dma_start3A_165 : memref<128xi32, #tpu.memory_space<vmem>>) semaphore(%arg19 : memref<!tpu.dma_semaphore, #tpu.memory_space<semaphore_mem>>) {add = true}
      %gt3A_169 = arith.constant 0 : i32
      %gt3A_170 = arith.cmpi sgt, %while3A_123, %gt3A_169 : i32
      %convert_element_type3A_171 = arith.extui %gt3A_170 : i1 to i32
      %cond3A_172 = arith.constant 0 : i32
      %cond3A_173 = arith.cmpi ne, %convert_element_type3A_171, %cond3A_172 : i32
      scf.if %cond3A_173 {
        %sub3A_276 = arith.constant 4 : i32
        %sub3A_277 = arith.subi %add3A_156, %sub3A_276 : i32
        %dma_wait3A_278 = arith.constant 0 : i32
        %dma_wait3A_279 = tpu.memref_slice %arg7[%sub3A_277, %dma_wait3A_278] : memref<96x128xi32, #tpu.memory_space<vmem>> -> memref<1x128xi32, #tpu.memory_space<vmem>>
        %dma_wait3A_280 = tpu.memref_squeeze %dma_wait3A_279 : memref<1x128xi32, #tpu.memory_space<vmem>> -> memref<128xi32, #tpu.memory_space<vmem>>
        %dma_wait3A_281 = arith.constant 0 : i32
        %dma_wait3A_282 = arith.constant 0 : i32
        %dma_wait3A_283 = tpu.memref_slice %arg13[%dma_wait3A_281, %dma_wait3A_282] : memref<10240x16xf32, #tpu.memory_space<vmem_shared>> -> memref<10240x16xf32, #tpu.memory_space<vmem_shared>>
        tpu.wait_indirect_dma semaphore(%arg21 : memref<!tpu.dma_semaphore, #tpu.memory_space<semaphore_mem>>) src(%arg11 : memref<128x16xf32, #tpu.memory_space<vmem>>) dst(%dma_wait3A_283 : memref<10240x16xf32, #tpu.memory_space<vmem_shared>>)
      } else {
      }
      %dma_start3A_174 = arith.constant 0 : i32
      %dma_start3A_175 = tpu.memref_slice %arg6[%add3A_156, %dma_start3A_174] : memref<96x128xi32, #tpu.memory_space<vmem>> -> memref<1x128xi32, #tpu.memory_space<vmem>>
      %dma_start3A_176 = tpu.memref_squeeze %dma_start3A_175 : memref<1x128xi32, #tpu.memory_space<vmem>> -> memref<128xi32, #tpu.memory_space<vmem>>
      %dma_start3A_177 = arith.constant 0 : i32
      %dma_start3A_178 = arith.constant 0 : i32
      %dma_start3A_179 = tpu.memref_slice %arg2[%dma_start3A_177, %dma_start3A_178] : memref<10240x16xf32, #tpu.memory_space<hbm>> -> memref<10240x16xf32, #tpu.memory_space<hbm>>
      tpu.enqueue_indirect_dma source(%dma_start3A_179 : memref<10240x16xf32, #tpu.memory_space<hbm>>) target(%arg11 : memref<128x16xf32, #tpu.memory_space<vmem>>) offsets(%dma_start3A_176 : memref<128xi32, #tpu.memory_space<vmem>>) semaphore(%arg17 : memref<!tpu.dma_semaphore, #tpu.memory_space<semaphore_mem>>)
      %mul3A_180 = arith.constant 4 : i32
      %mul3A_181 = arith.muli %while3A_123, %mul3A_180 : i32
      %add3A_182 = arith.constant 2 : i32
      %add3A_183 = arith.addi %mul3A_181, %add3A_182 : i32
      %add3A_184 = arith.constant 2 : i32
      %add3A_185 = arith.addi %add3A_183, %add3A_184 : i32
      %dma_wait3A_186 = arith.constant 0 : i32
      %dma_wait3A_187 = tpu.memref_slice %arg6[%add3A_183, %dma_wait3A_186] : memref<96x128xi32, #tpu.memory_space<vmem>> -> memref<1x128xi32, #tpu.memory_space<vmem>>
      %dma_wait3A_188 = tpu.memref_squeeze %dma_wait3A_187 : memref<1x128xi32, #tpu.memory_space<vmem>> -> memref<128xi32, #tpu.memory_space<vmem>>
      %dma_wait3A_189 = arith.constant 0 : i32
      %dma_wait3A_190 = arith.constant 0 : i32
      %dma_wait3A_191 = tpu.memref_slice %arg2[%dma_wait3A_189, %dma_wait3A_190] : memref<10240x16xf32, #tpu.memory_space<hbm>> -> memref<10240x16xf32, #tpu.memory_space<hbm>>
      tpu.wait_indirect_dma semaphore(%arg16 : memref<!tpu.dma_semaphore, #tpu.memory_space<semaphore_mem>>) src(%dma_wait3A_191 : memref<10240x16xf32, #tpu.memory_space<hbm>>) dst(%arg10 : memref<128x16xf32, #tpu.memory_space<vmem>>)
      %dma_start3A_192 = arith.constant 0 : i32
      %dma_start3A_193 = tpu.memref_slice %arg7[%add3A_183, %dma_start3A_192] : memref<96x128xi32, #tpu.memory_space<vmem>> -> memref<1x128xi32, #tpu.memory_space<vmem>>
      %dma_start3A_194 = tpu.memref_squeeze %dma_start3A_193 : memref<1x128xi32, #tpu.memory_space<vmem>> -> memref<128xi32, #tpu.memory_space<vmem>>
      %dma_start3A_195 = arith.constant 0 : i32
      %dma_start3A_196 = arith.constant 0 : i32
      %dma_start3A_197 = tpu.memref_slice %arg13[%dma_start3A_195, %dma_start3A_196] : memref<10240x16xf32, #tpu.memory_space<vmem_shared>> -> memref<10240x16xf32, #tpu.memory_space<vmem_shared>>
      tpu.enqueue_indirect_dma source(%arg10 : memref<128x16xf32, #tpu.memory_space<vmem>>) target(%dma_start3A_197 : memref<10240x16xf32, #tpu.memory_space<vmem_shared>>) offsets(%dma_start3A_194 : memref<128xi32, #tpu.memory_space<vmem>>) semaphore(%arg20 : memref<!tpu.dma_semaphore, #tpu.memory_space<semaphore_mem>>) {add = true}
      %jit3A_198 = arith.constant 4 : i32
      %div3A_199 = arith.divsi %select_n3A, %jit3A_198 : i32
      %sign3A_200 = arith.constant 0 : i32
      %sign3A_201 = arith.cmpi sgt, %select_n3A, %sign3A_200 : i32
      %sign3A_202 = arith.extui %sign3A_201 : i1 to i32
      %sign3A_203 = arith.constant 0 : i32
      %sign3A_204 = arith.cmpi slt, %select_n3A, %sign3A_203 : i32
      %sign3A_205 = arith.extui %sign3A_204 : i1 to i32
      %sign3A_206 = arith.subi %sign3A_202, %sign3A_205 : i32
      %sign3A_207 = arith.constant 0 : i32
      %sign3A_208 = arith.cmpi sgt, %jit3A_198, %sign3A_207 : i32
      %sign3A_209 = arith.extui %sign3A_208 : i1 to i32
      %sign3A_210 = arith.constant 0 : i32
      %sign3A_211 = arith.cmpi slt, %jit3A_198, %sign3A_210 : i32
      %sign3A_212 = arith.extui %sign3A_211 : i1 to i32
      %sign3A_213 = arith.subi %sign3A_209, %sign3A_212 : i32
      %ne3A_214 = arith.cmpi ne, %sign3A_206, %sign3A_213 : i32
      %rem3A_215 = arith.remsi %select_n3A, %jit3A_198 : i32
      %ne3A_216 = arith.constant 0 : i32
      %ne3A_217 = arith.cmpi ne, %rem3A_215, %ne3A_216 : i32
      %and3A_218 = arith.andi %ne3A_214, %ne3A_217 : i1
      %sub3A_219 = arith.constant 1 : i32
      %sub3A_220 = arith.subi %div3A_199, %sub3A_219 : i32
      %select_n3A_221 = arith.select %and3A_218, %sub3A_220, %div3A_199 : i32
      %sub3A_222 = arith.constant 1 : i32
      %sub3A_223 = arith.subi %select_n3A_221, %sub3A_222 : i32
      %lt3A = arith.cmpi slt, %while3A_123, %sub3A_223 : i32
      %convert_element_type3A_224 = arith.extui %lt3A : i1 to i32
      %cond3A_225 = arith.constant 0 : i32
      %cond3A_226 = arith.cmpi ne, %convert_element_type3A_224, %cond3A_225 : i32
      scf.if %cond3A_226 {
        %sub3A_276 = arith.constant 4 : i32
        %sub3A_277 = arith.subi %add3A_185, %sub3A_276 : i32
        %dma_wait3A_278 = arith.constant 0 : i32
        %dma_wait3A_279 = tpu.memref_slice %arg7[%sub3A_277, %dma_wait3A_278] : memref<96x128xi32, #tpu.memory_space<vmem>> -> memref<1x128xi32, #tpu.memory_space<vmem>>
        %dma_wait3A_280 = tpu.memref_squeeze %dma_wait3A_279 : memref<1x128xi32, #tpu.memory_space<vmem>> -> memref<128xi32, #tpu.memory_space<vmem>>
        %dma_wait3A_281 = arith.constant 0 : i32
        %dma_wait3A_282 = arith.constant 0 : i32
        %dma_wait3A_283 = tpu.memref_slice %arg13[%dma_wait3A_281, %dma_wait3A_282] : memref<10240x16xf32, #tpu.memory_space<vmem_shared>> -> memref<10240x16xf32, #tpu.memory_space<vmem_shared>>
        tpu.wait_indirect_dma semaphore(%arg18 : memref<!tpu.dma_semaphore, #tpu.memory_space<semaphore_mem>>) src(%arg8 : memref<128x16xf32, #tpu.memory_space<vmem>>) dst(%dma_wait3A_283 : memref<10240x16xf32, #tpu.memory_space<vmem_shared>>)
        %dma_start3A_284 = arith.constant 0 : i32
        %dma_start3A_285 = tpu.memref_slice %arg6[%add3A_185, %dma_start3A_284] : memref<96x128xi32, #tpu.memory_space<vmem>> -> memref<1x128xi32, #tpu.memory_space<vmem>>
        %dma_start3A_286 = tpu.memref_squeeze %dma_start3A_285 : memref<1x128xi32, #tpu.memory_space<vmem>> -> memref<128xi32, #tpu.memory_space<vmem>>
        %dma_start3A_287 = arith.constant 0 : i32
        %dma_start3A_288 = arith.constant 0 : i32
        %dma_start3A_289 = tpu.memref_slice %arg2[%dma_start3A_287, %dma_start3A_288] : memref<10240x16xf32, #tpu.memory_space<hbm>> -> memref<10240x16xf32, #tpu.memory_space<hbm>>
        tpu.enqueue_indirect_dma source(%dma_start3A_289 : memref<10240x16xf32, #tpu.memory_space<hbm>>) target(%arg8 : memref<128x16xf32, #tpu.memory_space<vmem>>) offsets(%dma_start3A_286 : memref<128xi32, #tpu.memory_space<vmem>>) semaphore(%arg14 : memref<!tpu.dma_semaphore, #tpu.memory_space<semaphore_mem>>)
      } else {
      }
      %mul3A_227 = arith.constant 4 : i32
      %mul3A_228 = arith.muli %while3A_123, %mul3A_227 : i32
      %add3A_229 = arith.constant 3 : i32
      %add3A_230 = arith.addi %mul3A_228, %add3A_229 : i32
      %add3A_231 = arith.constant 2 : i32
      %add3A_232 = arith.addi %add3A_230, %add3A_231 : i32
      %dma_wait3A_233 = arith.constant 0 : i32
      %dma_wait3A_234 = tpu.memref_slice %arg6[%add3A_230, %dma_wait3A_233] : memref<96x128xi32, #tpu.memory_space<vmem>> -> memref<1x128xi32, #tpu.memory_space<vmem>>
      %dma_wait3A_235 = tpu.memref_squeeze %dma_wait3A_234 : memref<1x128xi32, #tpu.memory_space<vmem>> -> memref<128xi32, #tpu.memory_space<vmem>>
      %dma_wait3A_236 = arith.constant 0 : i32
      %dma_wait3A_237 = arith.constant 0 : i32
      %dma_wait3A_238 = tpu.memref_slice %arg2[%dma_wait3A_236, %dma_wait3A_237] : memref<10240x16xf32, #tpu.memory_space<hbm>> -> memref<10240x16xf32, #tpu.memory_space<hbm>>
      tpu.wait_indirect_dma semaphore(%arg17 : memref<!tpu.dma_semaphore, #tpu.memory_space<semaphore_mem>>) src(%dma_wait3A_238 : memref<10240x16xf32, #tpu.memory_space<hbm>>) dst(%arg11 : memref<128x16xf32, #tpu.memory_space<vmem>>)
      %dma_start3A_239 = arith.constant 0 : i32
      %dma_start3A_240 = tpu.memref_slice %arg7[%add3A_230, %dma_start3A_239] : memref<96x128xi32, #tpu.memory_space<vmem>> -> memref<1x128xi32, #tpu.memory_space<vmem>>
      %dma_start3A_241 = tpu.memref_squeeze %dma_start3A_240 : memref<1x128xi32, #tpu.memory_space<vmem>> -> memref<128xi32, #tpu.memory_space<vmem>>
      %dma_start3A_242 = arith.constant 0 : i32
      %dma_start3A_243 = arith.constant 0 : i32
      %dma_start3A_244 = tpu.memref_slice %arg13[%dma_start3A_242, %dma_start3A_243] : memref<10240x16xf32, #tpu.memory_space<vmem_shared>> -> memref<10240x16xf32, #tpu.memory_space<vmem_shared>>
      tpu.enqueue_indirect_dma source(%arg11 : memref<128x16xf32, #tpu.memory_space<vmem>>) target(%dma_start3A_244 : memref<10240x16xf32, #tpu.memory_space<vmem_shared>>) offsets(%dma_start3A_241 : memref<128xi32, #tpu.memory_space<vmem>>) semaphore(%arg21 : memref<!tpu.dma_semaphore, #tpu.memory_space<semaphore_mem>>) {add = true}
      %jit3A_245 = arith.constant 4 : i32
      %div3A_246 = arith.divsi %select_n3A, %jit3A_245 : i32
      %sign3A_247 = arith.constant 0 : i32
      %sign3A_248 = arith.cmpi sgt, %select_n3A, %sign3A_247 : i32
      %sign3A_249 = arith.extui %sign3A_248 : i1 to i32
      %sign3A_250 = arith.constant 0 : i32
      %sign3A_251 = arith.cmpi slt, %select_n3A, %sign3A_250 : i32
      %sign3A_252 = arith.extui %sign3A_251 : i1 to i32
      %sign3A_253 = arith.subi %sign3A_249, %sign3A_252 : i32
      %sign3A_254 = arith.constant 0 : i32
      %sign3A_255 = arith.cmpi sgt, %jit3A_245, %sign3A_254 : i32
      %sign3A_256 = arith.extui %sign3A_255 : i1 to i32
      %sign3A_257 = arith.constant 0 : i32
      %sign3A_258 = arith.cmpi slt, %jit3A_245, %sign3A_257 : i32
      %sign3A_259 = arith.extui %sign3A_258 : i1 to i32
      %sign3A_260 = arith.subi %sign3A_256, %sign3A_259 : i32
      %ne3A_261 = arith.cmpi ne, %sign3A_253, %sign3A_260 : i32
      %rem3A_262 = arith.remsi %select_n3A, %jit3A_245 : i32
      %ne3A_263 = arith.constant 0 : i32
      %ne3A_264 = arith.cmpi ne, %rem3A_262, %ne3A_263 : i32
      %and3A_265 = arith.andi %ne3A_261, %ne3A_264 : i1
      %sub3A_266 = arith.constant 1 : i32
      %sub3A_267 = arith.subi %div3A_246, %sub3A_266 : i32
      %select_n3A_268 = arith.select %and3A_265, %sub3A_267, %div3A_246 : i32
      %sub3A_269 = arith.constant 1 : i32
      %sub3A_270 = arith.subi %select_n3A_268, %sub3A_269 : i32
      %lt3A_271 = arith.cmpi slt, %while3A_123, %sub3A_270 : i32
      %convert_element_type3A_272 = arith.extui %lt3A_271 : i1 to i32
      %cond3A_273 = arith.constant 0 : i32
      %cond3A_274 = arith.cmpi ne, %convert_element_type3A_272, %cond3A_273 : i32
      scf.if %cond3A_274 {
        %sub3A_276 = arith.constant 4 : i32
        %sub3A_277 = arith.subi %add3A_232, %sub3A_276 : i32
        %dma_wait3A_278 = arith.constant 0 : i32
        %dma_wait3A_279 = tpu.memref_slice %arg7[%sub3A_277, %dma_wait3A_278] : memref<96x128xi32, #tpu.memory_space<vmem>> -> memref<1x128xi32, #tpu.memory_space<vmem>>
        %dma_wait3A_280 = tpu.memref_squeeze %dma_wait3A_279 : memref<1x128xi32, #tpu.memory_space<vmem>> -> memref<128xi32, #tpu.memory_space<vmem>>
        %dma_wait3A_281 = arith.constant 0 : i32
        %dma_wait3A_282 = arith.constant 0 : i32
        %dma_wait3A_283 = tpu.memref_slice %arg13[%dma_wait3A_281, %dma_wait3A_282] : memref<10240x16xf32, #tpu.memory_space<vmem_shared>> -> memref<10240x16xf32, #tpu.memory_space<vmem_shared>>
        tpu.wait_indirect_dma semaphore(%arg19 : memref<!tpu.dma_semaphore, #tpu.memory_space<semaphore_mem>>) src(%arg9 : memref<128x16xf32, #tpu.memory_space<vmem>>) dst(%dma_wait3A_283 : memref<10240x16xf32, #tpu.memory_space<vmem_shared>>)
        %dma_start3A_284 = arith.constant 0 : i32
        %dma_start3A_285 = tpu.memref_slice %arg6[%add3A_232, %dma_start3A_284] : memref<96x128xi32, #tpu.memory_space<vmem>> -> memref<1x128xi32, #tpu.memory_space<vmem>>
        %dma_start3A_286 = tpu.memref_squeeze %dma_start3A_285 : memref<1x128xi32, #tpu.memory_space<vmem>> -> memref<128xi32, #tpu.memory_space<vmem>>
        %dma_start3A_287 = arith.constant 0 : i32
        %dma_start3A_288 = arith.constant 0 : i32
        %dma_start3A_289 = tpu.memref_slice %arg2[%dma_start3A_287, %dma_start3A_288] : memref<10240x16xf32, #tpu.memory_space<hbm>> -> memref<10240x16xf32, #tpu.memory_space<hbm>>
        tpu.enqueue_indirect_dma source(%dma_start3A_289 : memref<10240x16xf32, #tpu.memory_space<hbm>>) target(%arg9 : memref<128x16xf32, #tpu.memory_space<vmem>>) offsets(%dma_start3A_286 : memref<128xi32, #tpu.memory_space<vmem>>) semaphore(%arg15 : memref<!tpu.dma_semaphore, #tpu.memory_space<semaphore_mem>>)
      } else {
      }
      %while3A_275 = arith.constant 0 : i32
      scf.yield %while3A_275 : i32
    }
    %sub3A_67 = arith.constant 4 : i32
    %sub3A_68 = arith.subi %select_n3A, %sub3A_67 : i32
    %add3A_69 = arith.constant 0 : i32
    %add3A_70 = arith.addi %sub3A_68, %add3A_69 : i32
    %dma_wait3A = arith.constant 0 : i32
    %dma_wait3A_71 = tpu.memref_slice %arg7[%add3A_70, %dma_wait3A] : memref<96x128xi32, #tpu.memory_space<vmem>> -> memref<1x128xi32, #tpu.memory_space<vmem>>
    %dma_wait3A_72 = tpu.memref_squeeze %dma_wait3A_71 : memref<1x128xi32, #tpu.memory_space<vmem>> -> memref<128xi32, #tpu.memory_space<vmem>>
    %dma_wait3A_73 = arith.constant 0 : i32
    %dma_wait3A_74 = arith.constant 0 : i32
    %dma_wait3A_75 = tpu.memref_slice %arg13[%dma_wait3A_73, %dma_wait3A_74] : memref<10240x16xf32, #tpu.memory_space<vmem_shared>> -> memref<10240x16xf32, #tpu.memory_space<vmem_shared>>
    tpu.wait_indirect_dma semaphore(%arg18 : memref<!tpu.dma_semaphore, #tpu.memory_space<semaphore_mem>>) src(%arg8 : memref<128x16xf32, #tpu.memory_space<vmem>>) dst(%dma_wait3A_75 : memref<10240x16xf32, #tpu.memory_space<vmem_shared>>)
    %sub3A_76 = arith.constant 4 : i32
    %sub3A_77 = arith.subi %select_n3A, %sub3A_76 : i32
    %add3A_78 = arith.constant 1 : i32
    %add3A_79 = arith.addi %sub3A_77, %add3A_78 : i32
    %dma_wait3A_80 = arith.constant 0 : i32
    %dma_wait3A_81 = tpu.memref_slice %arg7[%add3A_79, %dma_wait3A_80] : memref<96x128xi32, #tpu.memory_space<vmem>> -> memref<1x128xi32, #tpu.memory_space<vmem>>
    %dma_wait3A_82 = tpu.memref_squeeze %dma_wait3A_81 : memref<1x128xi32, #tpu.memory_space<vmem>> -> memref<128xi32, #tpu.memory_space<vmem>>
    %dma_wait3A_83 = arith.constant 0 : i32
    %dma_wait3A_84 = arith.constant 0 : i32
    %dma_wait3A_85 = tpu.memref_slice %arg13[%dma_wait3A_83, %dma_wait3A_84] : memref<10240x16xf32, #tpu.memory_space<vmem_shared>> -> memref<10240x16xf32, #tpu.memory_space<vmem_shared>>
    tpu.wait_indirect_dma semaphore(%arg19 : memref<!tpu.dma_semaphore, #tpu.memory_space<semaphore_mem>>) src(%arg9 : memref<128x16xf32, #tpu.memory_space<vmem>>) dst(%dma_wait3A_85 : memref<10240x16xf32, #tpu.memory_space<vmem_shared>>)
    %sub3A_86 = arith.constant 4 : i32
    %sub3A_87 = arith.subi %select_n3A, %sub3A_86 : i32
    %add3A_88 = arith.constant 2 : i32
    %add3A_89 = arith.addi %sub3A_87, %add3A_88 : i32
    %dma_wait3A_90 = arith.constant 0 : i32
    %dma_wait3A_91 = tpu.memref_slice %arg7[%add3A_89, %dma_wait3A_90] : memref<96x128xi32, #tpu.memory_space<vmem>> -> memref<1x128xi32, #tpu.memory_space<vmem>>
    %dma_wait3A_92 = tpu.memref_squeeze %dma_wait3A_91 : memref<1x128xi32, #tpu.memory_space<vmem>> -> memref<128xi32, #tpu.memory_space<vmem>>
    %dma_wait3A_93 = arith.constant 0 : i32
    %dma_wait3A_94 = arith.constant 0 : i32
    %dma_wait3A_95 = tpu.memref_slice %arg13[%dma_wait3A_93, %dma_wait3A_94] : memref<10240x16xf32, #tpu.memory_space<vmem_shared>> -> memref<10240x16xf32, #tpu.memory_space<vmem_shared>>
    tpu.wait_indirect_dma semaphore(%arg20 : memref<!tpu.dma_semaphore, #tpu.memory_space<semaphore_mem>>) src(%arg10 : memref<128x16xf32, #tpu.memory_space<vmem>>) dst(%dma_wait3A_95 : memref<10240x16xf32, #tpu.memory_space<vmem_shared>>)
    %sub3A_96 = arith.constant 4 : i32
    %sub3A_97 = arith.subi %select_n3A, %sub3A_96 : i32
    %add3A_98 = arith.constant 3 : i32
    %add3A_99 = arith.addi %sub3A_97, %add3A_98 : i32
    %dma_wait3A_100 = arith.constant 0 : i32
    %dma_wait3A_101 = tpu.memref_slice %arg7[%add3A_99, %dma_wait3A_100] : memref<96x128xi32, #tpu.memory_space<vmem>> -> memref<1x128xi32, #tpu.memory_space<vmem>>
    %dma_wait3A_102 = tpu.memref_squeeze %dma_wait3A_101 : memref<1x128xi32, #tpu.memory_space<vmem>> -> memref<128xi32, #tpu.memory_space<vmem>>
    %dma_wait3A_103 = arith.constant 0 : i32
    %dma_wait3A_104 = arith.constant 0 : i32
    %dma_wait3A_105 = tpu.memref_slice %arg13[%dma_wait3A_103, %dma_wait3A_104] : memref<10240x16xf32, #tpu.memory_space<vmem_shared>> -> memref<10240x16xf32, #tpu.memory_space<vmem_shared>>
    tpu.wait_indirect_dma semaphore(%arg21 : memref<!tpu.dma_semaphore, #tpu.memory_space<semaphore_mem>>) src(%arg11 : memref<128x16xf32, #tpu.memory_space<vmem>>) dst(%dma_wait3A_105 : memref<10240x16xf32, #tpu.memory_space<vmem_shared>>)
    %barrier3A_106 = arith.constant 0 : index
    tpu.barrier barrier_id(%barrier3A_106)
    %mul3A_107 = arith.constant 640 : i32
    %mul3A_108 = arith.muli %arg1, %mul3A_107 : i32
    %add3A_109 = arith.constant 0 : i32
    %add3A_110 = arith.addi %mul3A_108, %add3A_109 : i32
    "tpu.region"() ({
      %run_scoped3A = tpu.sem_alloc : memref<!tpu.dma_semaphore, #tpu.memory_space<semaphore_mem>>
      %dma_start3A_123 = arith.constant 0 : i32
      %dma_start3A_124 = tpu.memref_slice %arg5[%arg0, %add3A_110, %dma_start3A_123] : memref<2x10240x16xf32, #tpu.memory_space<hbm>> -> memref<1x160x16xf32, #tpu.memory_space<hbm>>
      %dma_start3A_125 = tpu.memref_squeeze %dma_start3A_124 : memref<1x160x16xf32, #tpu.memory_space<hbm>> -> memref<160x16xf32, #tpu.memory_space<hbm>>
      %dma_start3A_126 = arith.constant 0 : i32
      %dma_start3A_127 = tpu.memref_slice %arg13[%add3A_110, %dma_start3A_126] : memref<10240x16xf32, #tpu.memory_space<vmem_shared>> -> memref<160x16xf32, #tpu.memory_space<vmem_shared>>
      tpu.enqueue_dma source(%dma_start3A_127 : memref<160x16xf32, #tpu.memory_space<vmem_shared>>) target(%dma_start3A_125 : memref<160x16xf32, #tpu.memory_space<hbm>>) target_semaphore(%run_scoped3A : memref<!tpu.dma_semaphore, #tpu.memory_space<semaphore_mem>>)
      %dma_wait3A_128 = arith.constant 0 : i32
      %dma_wait3A_129 = tpu.memref_slice %arg5[%arg0, %add3A_110, %dma_wait3A_128] : memref<2x10240x16xf32, #tpu.memory_space<hbm>> -> memref<1x160x16xf32, #tpu.memory_space<hbm>>
      %dma_wait3A_130 = tpu.memref_squeeze %dma_wait3A_129 : memref<1x160x16xf32, #tpu.memory_space<hbm>> -> memref<160x16xf32, #tpu.memory_space<hbm>>
      %dma_wait3A_131 = arith.constant 0 : i32
      %dma_wait3A_132 = tpu.memref_slice %arg13[%add3A_110, %dma_wait3A_131] : memref<10240x16xf32, #tpu.memory_space<vmem_shared>> -> memref<160x16xf32, #tpu.memory_space<vmem_shared>>
      tpu.wait_dma2 semaphore(%run_scoped3A : memref<!tpu.dma_semaphore, #tpu.memory_space<semaphore_mem>>) src(%dma_wait3A_132 : memref<160x16xf32, #tpu.memory_space<vmem_shared>>) dst(%dma_wait3A_130 : memref<160x16xf32, #tpu.memory_space<hbm>>)
      tpu.yield
    }) : () -> ()
    %mul3A_111 = arith.constant 640 : i32
    %mul3A_112 = arith.muli %arg1, %mul3A_111 : i32
    %add3A_113 = arith.constant 160 : i32
    %add3A_114 = arith.addi %mul3A_112, %add3A_113 : i32
    "tpu.region"() ({
      %run_scoped3A = tpu.sem_alloc : memref<!tpu.dma_semaphore, #tpu.memory_space<semaphore_mem>>
      %dma_start3A_123 = arith.constant 0 : i32
      %dma_start3A_124 = tpu.memref_slice %arg5[%arg0, %add3A_114, %dma_start3A_123] : memref<2x10240x16xf32, #tpu.memory_space<hbm>> -> memref<1x160x16xf32, #tpu.memory_space<hbm>>
      %dma_start3A_125 = tpu.memref_squeeze %dma_start3A_124 : memref<1x160x16xf32, #tpu.memory_space<hbm>> -> memref<160x16xf32, #tpu.memory_space<hbm>>
      %dma_start3A_126 = arith.constant 0 : i32
      %dma_start3A_127 = tpu.memref_slice %arg13[%add3A_114, %dma_start3A_126] : memref<10240x16xf32, #tpu.memory_space<vmem_shared>> -> memref<160x16xf32, #tpu.memory_space<vmem_shared>>
      tpu.enqueue_dma source(%dma_start3A_127 : memref<160x16xf32, #tpu.memory_space<vmem_shared>>) target(%dma_start3A_125 : memref<160x16xf32, #tpu.memory_space<hbm>>) target_semaphore(%run_scoped3A : memref<!tpu.dma_semaphore, #tpu.memory_space<semaphore_mem>>)
      %dma_wait3A_128 = arith.constant 0 : i32
      %dma_wait3A_129 = tpu.memref_slice %arg5[%arg0, %add3A_114, %dma_wait3A_128] : memref<2x10240x16xf32, #tpu.memory_space<hbm>> -> memref<1x160x16xf32, #tpu.memory_space<hbm>>
      %dma_wait3A_130 = tpu.memref_squeeze %dma_wait3A_129 : memref<1x160x16xf32, #tpu.memory_space<hbm>> -> memref<160x16xf32, #tpu.memory_space<hbm>>
      %dma_wait3A_131 = arith.constant 0 : i32
      %dma_wait3A_132 = tpu.memref_slice %arg13[%add3A_114, %dma_wait3A_131] : memref<10240x16xf32, #tpu.memory_space<vmem_shared>> -> memref<160x16xf32, #tpu.memory_space<vmem_shared>>
      tpu.wait_dma2 semaphore(%run_scoped3A : memref<!tpu.dma_semaphore, #tpu.memory_space<semaphore_mem>>) src(%dma_wait3A_132 : memref<160x16xf32, #tpu.memory_space<vmem_shared>>) dst(%dma_wait3A_130 : memref<160x16xf32, #tpu.memory_space<hbm>>)
      tpu.yield
    }) : () -> ()
    %mul3A_115 = arith.constant 640 : i32
    %mul3A_116 = arith.muli %arg1, %mul3A_115 : i32
    %add3A_117 = arith.constant 320 : i32
    %add3A_118 = arith.addi %mul3A_116, %add3A_117 : i32
    "tpu.region"() ({
      %run_scoped3A = tpu.sem_alloc : memref<!tpu.dma_semaphore, #tpu.memory_space<semaphore_mem>>
      %dma_start3A_123 = arith.constant 0 : i32
      %dma_start3A_124 = tpu.memref_slice %arg5[%arg0, %add3A_118, %dma_start3A_123] : memref<2x10240x16xf32, #tpu.memory_space<hbm>> -> memref<1x160x16xf32, #tpu.memory_space<hbm>>
      %dma_start3A_125 = tpu.memref_squeeze %dma_start3A_124 : memref<1x160x16xf32, #tpu.memory_space<hbm>> -> memref<160x16xf32, #tpu.memory_space<hbm>>
      %dma_start3A_126 = arith.constant 0 : i32
      %dma_start3A_127 = tpu.memref_slice %arg13[%add3A_118, %dma_start3A_126] : memref<10240x16xf32, #tpu.memory_space<vmem_shared>> -> memref<160x16xf32, #tpu.memory_space<vmem_shared>>
      tpu.enqueue_dma source(%dma_start3A_127 : memref<160x16xf32, #tpu.memory_space<vmem_shared>>) target(%dma_start3A_125 : memref<160x16xf32, #tpu.memory_space<hbm>>) target_semaphore(%run_scoped3A : memref<!tpu.dma_semaphore, #tpu.memory_space<semaphore_mem>>)
      %dma_wait3A_128 = arith.constant 0 : i32
      %dma_wait3A_129 = tpu.memref_slice %arg5[%arg0, %add3A_118, %dma_wait3A_128] : memref<2x10240x16xf32, #tpu.memory_space<hbm>> -> memref<1x160x16xf32, #tpu.memory_space<hbm>>
      %dma_wait3A_130 = tpu.memref_squeeze %dma_wait3A_129 : memref<1x160x16xf32, #tpu.memory_space<hbm>> -> memref<160x16xf32, #tpu.memory_space<hbm>>
      %dma_wait3A_131 = arith.constant 0 : i32
      %dma_wait3A_132 = tpu.memref_slice %arg13[%add3A_118, %dma_wait3A_131] : memref<10240x16xf32, #tpu.memory_space<vmem_shared>> -> memref<160x16xf32, #tpu.memory_space<vmem_shared>>
      tpu.wait_dma2 semaphore(%run_scoped3A : memref<!tpu.dma_semaphore, #tpu.memory_space<semaphore_mem>>) src(%dma_wait3A_132 : memref<160x16xf32, #tpu.memory_space<vmem_shared>>) dst(%dma_wait3A_130 : memref<160x16xf32, #tpu.memory_space<hbm>>)
      tpu.yield
    }) : () -> ()
    %mul3A_119 = arith.constant 640 : i32
    %mul3A_120 = arith.muli %arg1, %mul3A_119 : i32
    %add3A_121 = arith.constant 480 : i32
    %add3A_122 = arith.addi %mul3A_120, %add3A_121 : i32
    "tpu.region"() ({
      %run_scoped3A = tpu.sem_alloc : memref<!tpu.dma_semaphore, #tpu.memory_space<semaphore_mem>>
      %dma_start3A_123 = arith.constant 0 : i32
      %dma_start3A_124 = tpu.memref_slice %arg5[%arg0, %add3A_122, %dma_start3A_123] : memref<2x10240x16xf32, #tpu.memory_space<hbm>> -> memref<1x160x16xf32, #tpu.memory_space<hbm>>
      %dma_start3A_125 = tpu.memref_squeeze %dma_start3A_124 : memref<1x160x16xf32, #tpu.memory_space<hbm>> -> memref<160x16xf32, #tpu.memory_space<hbm>>
      %dma_start3A_126 = arith.constant 0 : i32
      %dma_start3A_127 = tpu.memref_slice %arg13[%add3A_122, %dma_start3A_126] : memref<10240x16xf32, #tpu.memory_space<vmem_shared>> -> memref<160x16xf32, #tpu.memory_space<vmem_shared>>
      tpu.enqueue_dma source(%dma_start3A_127 : memref<160x16xf32, #tpu.memory_space<vmem_shared>>) target(%dma_start3A_125 : memref<160x16xf32, #tpu.memory_space<hbm>>) target_semaphore(%run_scoped3A : memref<!tpu.dma_semaphore, #tpu.memory_space<semaphore_mem>>)
      %dma_wait3A_128 = arith.constant 0 : i32
      %dma_wait3A_129 = tpu.memref_slice %arg5[%arg0, %add3A_122, %dma_wait3A_128] : memref<2x10240x16xf32, #tpu.memory_space<hbm>> -> memref<1x160x16xf32, #tpu.memory_space<hbm>>
      %dma_wait3A_130 = tpu.memref_squeeze %dma_wait3A_129 : memref<1x160x16xf32, #tpu.memory_space<hbm>> -> memref<160x16xf32, #tpu.memory_space<hbm>>
      %dma_wait3A_131 = arith.constant 0 : i32
      %dma_wait3A_132 = tpu.memref_slice %arg13[%add3A_122, %dma_wait3A_131] : memref<10240x16xf32, #tpu.memory_space<vmem_shared>> -> memref<160x16xf32, #tpu.memory_space<vmem_shared>>
      tpu.wait_dma2 semaphore(%run_scoped3A : memref<!tpu.dma_semaphore, #tpu.memory_space<semaphore_mem>>) src(%dma_wait3A_132 : memref<160x16xf32, #tpu.memory_space<vmem_shared>>) dst(%dma_wait3A_130 : memref<160x16xf32, #tpu.memory_space<hbm>>)
      tpu.yield
    }) : () -> ()
    return
  }
}

module attributes {stable_mosaic.version = 14 : i64} {
  func.func @_tc_a_body(%arg0: i32, %arg1: memref<1024x128xf32, #tpu.memory_space<vmem>>, %arg2: memref<16x128xf32, #tpu.memory_space<vmem>>, %arg3: memref<2x1024x16xf32, #tpu.memory_space<vmem>>, %arg4: memref<1024x16xf32, #tpu.memory_space<vmem>>, %arg5: memref<1024x16xf32, #tpu.memory_space<vmem>>) attributes {dimension_semantics = [#tpu.dimension_semantics<arbitrary>], iteration_bounds = array<i64: 10>, scalar_prefetch = 0 : i64, scratch_operands = 0 : i64, tpu.core_type = #tpu.core_type<tc>, window_params = [{transform_indices = @transform_0, window_bounds = array<i64: 1024, 128>}, {pipeline_mode = #tpu.pipeline_mode<synchronous>, transform_indices = @transform_1, window_bounds = array<i64: 16, 128>}, {transform_indices = @transform_2, window_bounds = array<i64: 2, 1024, 16>}, {transform_indices = @transform_3, window_bounds = array<i64: 1024, 16>}, {transform_indices = @transform_4, window_bounds = array<i64: 1024, 16>}]} {
    %get3A = arith.constant 0 : index
    %get3A_0 = arith.constant 0 : index
    %get3A_1 = arith.constant 0 : index
    %get3A_2 = vector.load %arg3[%get3A, %get3A_0, %get3A_1] : memref<2x1024x16xf32, #tpu.memory_space<vmem>>, vector<1x1024x16xf32>
    %get3A_3 = vector.shape_cast %get3A_2 : vector<1x1024x16xf32> to vector<1024x16xf32>
    %get3A_4 = arith.constant 1 : index
    %get3A_5 = arith.constant 0 : index
    %get3A_6 = arith.constant 0 : index
    %get3A_7 = vector.load %arg3[%get3A_4, %get3A_5, %get3A_6] : memref<2x1024x16xf32, #tpu.memory_space<vmem>>, vector<1x1024x16xf32>
    %get3A_8 = vector.shape_cast %get3A_7 : vector<1x1024x16xf32> to vector<1024x16xf32>
    %add3A = arith.addf %get3A_3, %get3A_8 : vector<1024x16xf32>
    %add3A_9 = arith.constant 1.000000e+00 : f32
    %add3A_10 = vector.broadcast %add3A_9 : f32 to vector<1024x16xf32>
    %add3A_11 = arith.addf %add3A, %add3A_10 : vector<1024x16xf32>
    %rsqrt3A = math.rsqrt %add3A_11 : vector<1024x16xf32>
    %get3A_12 = arith.constant 0 : index
    %get3A_13 = arith.constant 0 : index
    %get3A_14 = vector.load %arg1[%get3A_12, %get3A_13] : memref<1024x128xf32, #tpu.memory_space<vmem>>, vector<1024x128xf32>
    %get3A_15 = arith.constant 0 : index
    %get3A_16 = arith.constant 0 : index
    %get3A_17 = vector.load %arg2[%get3A_15, %get3A_16] : memref<16x128xf32, #tpu.memory_space<vmem>>, vector<16x128xf32>
    %dot_general3A = arith.constant dense<0.000000e+00> : vector<1024x16xf32>
    %dot_general3A_18 = tpu.matmul %get3A_14, %get3A_17, %dot_general3A {dimension_numbers = #tpu.dot_dimension_numbers<[1], [1], [0], [0], [0, 0, 1, 0], [], []>, transpose_lhs_hint = false} : vector<1024x128xf32>, vector<16x128xf32>, vector<1024x16xf32> -> vector<1024x16xf32>
    %mul3A = arith.mulf %dot_general3A_18, %rsqrt3A : vector<1024x16xf32>
    %swap3A = arith.constant 0 : index
    %swap3A_19 = arith.constant 0 : index
    %swap3A_20 = vector.load %arg4[%swap3A, %swap3A_19] : memref<1024x16xf32, #tpu.memory_space<vmem>>, vector<1024x16xf32>
    tpu.vector_store %arg4[%swap3A, %swap3A_19], %mul3A {strides = array<i32>} : memref<1024x16xf32, #tpu.memory_space<vmem>>, vector<1024x16xf32>,
    %swap3A_21 = arith.constant 0 : index
    %swap3A_22 = arith.constant 0 : index
    %swap3A_23 = vector.load %arg5[%swap3A_21, %swap3A_22] : memref<1024x16xf32, #tpu.memory_space<vmem>>, vector<1024x16xf32>
    tpu.vector_store %arg5[%swap3A_21, %swap3A_22], %rsqrt3A {strides = array<i32>} : memref<1024x16xf32, #tpu.memory_space<vmem>>, vector<1024x16xf32>,
    return
  }
  func.func @transform_0(%arg0: i32) -> (i32, i32) {
    %c0_i32 = arith.constant 0 : i32
    %c0_i32_0 = arith.constant 0 : i32
    return %arg0, %c0_i32 : i32, i32
  }
  func.func @transform_1(%arg0: i32) -> (i32, i32) {
    %c0_i32 = arith.constant 0 : i32
    %c0_i32_0 = arith.constant 0 : i32
    %c0_i32_1 = arith.constant 0 : i32
    return %c0_i32, %c0_i32_0 : i32, i32
  }
  func.func @transform_2(%arg0: i32) -> (i32, i32, i32) {
    %c0_i32 = arith.constant 0 : i32
    %c0_i32_0 = arith.constant 0 : i32
    %c0_i32_1 = arith.constant 0 : i32
    return %c0_i32, %arg0, %c0_i32_0 : i32, i32, i32
  }
  func.func @transform_3(%arg0: i32) -> (i32, i32) {
    %c0_i32 = arith.constant 0 : i32
    %c0_i32_0 = arith.constant 0 : i32
    return %arg0, %c0_i32 : i32, i32
  }
  func.func @transform_4(%arg0: i32) -> (i32, i32) {
    %c0_i32 = arith.constant 0 : i32
    %c0_i32_0 = arith.constant 0 : i32
    return %arg0, %c0_i32 : i32, i32
  }
}

module attributes {stable_mosaic.version = 14 : i64} {
  func.func @_tc_b_body(%arg0: i32, %arg1: memref<2x1024x16xf32, #tpu.memory_space<vmem>>, %arg2: memref<1024x16xf32, #tpu.memory_space<vmem>>, %arg3: memref<1024x16xf32, #tpu.memory_space<vmem>>, %arg4: memref<8x16xf32, #tpu.memory_space<vmem>>, %arg5: memref<16x16xf32, #tpu.memory_space<vmem>>, %arg6: memref<1024x16xf32, #tpu.memory_space<vmem>>) attributes {dimension_semantics = [#tpu.dimension_semantics<arbitrary>], iteration_bounds = array<i64: 10>, scalar_prefetch = 0 : i64, scratch_operands = 0 : i64, tpu.core_type = #tpu.core_type<tc>, window_params = [{transform_indices = @transform_0, window_bounds = array<i64: 2, 1024, 16>}, {transform_indices = @transform_1, window_bounds = array<i64: 1024, 16>}, {transform_indices = @transform_2, window_bounds = array<i64: 1024, 16>}, {pipeline_mode = #tpu.pipeline_mode<synchronous>, transform_indices = @transform_3, window_bounds = array<i64: 8, 16>}, {pipeline_mode = #tpu.pipeline_mode<synchronous>, transform_indices = @transform_4, window_bounds = array<i64: 16, 16>}, {transform_indices = @transform_5, window_bounds = array<i64: 1024, 16>}]} {
    %get3A = arith.constant 0 : index
    %get3A_0 = arith.constant 0 : index
    %get3A_1 = arith.constant 0 : index
    %get3A_2 = vector.load %arg1[%get3A, %get3A_0, %get3A_1] : memref<2x1024x16xf32, #tpu.memory_space<vmem>>, vector<1x1024x16xf32>
    %get3A_3 = vector.shape_cast %get3A_2 : vector<1x1024x16xf32> to vector<1024x16xf32>
    %get3A_4 = arith.constant 1 : index
    %get3A_5 = arith.constant 0 : index
    %get3A_6 = arith.constant 0 : index
    %get3A_7 = vector.load %arg1[%get3A_4, %get3A_5, %get3A_6] : memref<2x1024x16xf32, #tpu.memory_space<vmem>>, vector<1x1024x16xf32>
    %get3A_8 = vector.shape_cast %get3A_7 : vector<1x1024x16xf32> to vector<1024x16xf32>
    %add3A = arith.addf %get3A_3, %get3A_8 : vector<1024x16xf32>
    %get3A_9 = arith.constant 0 : index
    %get3A_10 = arith.constant 0 : index
    %get3A_11 = vector.load %arg2[%get3A_9, %get3A_10] : memref<1024x16xf32, #tpu.memory_space<vmem>>, vector<1024x16xf32>
    %add3A_12 = arith.addf %add3A, %get3A_11 : vector<1024x16xf32>
    %get3A_13 = arith.constant 0 : index
    %get3A_14 = arith.constant 0 : index
    %get3A_15 = vector.load %arg3[%get3A_13, %get3A_14] : memref<1024x16xf32, #tpu.memory_space<vmem>>, vector<1024x16xf32>
    %mul3A = arith.mulf %add3A_12, %get3A_15 : vector<1024x16xf32>
    %get3A_16 = arith.constant 0 : index
    %get3A_17 = arith.constant 0 : index
    %get3A_18 = vector.load %arg4[%get3A_16, %get3A_17] : memref<8x16xf32, #tpu.memory_space<vmem>>, vector<1x16xf32>
    %add3A_19 = vector.broadcast %get3A_18 : vector<1x16xf32> to vector<1024x16xf32>
    %add3A_20 = arith.addf %mul3A, %add3A_19 : vector<1024x16xf32>
    %max3A = arith.constant 0.000000e+00 : f32
    %max3A_21 = vector.broadcast %max3A : f32 to vector<1024x16xf32>
    %max3A_22 = arith.maximumf %add3A_20, %max3A_21 : vector<1024x16xf32>
    %get3A_23 = arith.constant 0 : index
    %get3A_24 = arith.constant 0 : index
    %get3A_25 = vector.load %arg5[%get3A_23, %get3A_24] : memref<16x16xf32, #tpu.memory_space<vmem>>, vector<16x16xf32>
    %dot_general3A = arith.constant dense<0.000000e+00> : vector<1024x16xf32>
    %dot_general3A_26 = tpu.matmul %max3A_22, %get3A_25, %dot_general3A {dimension_numbers = #tpu.dot_dimension_numbers<[1], [1], [0], [0], [0, 0, 1, 0], [], []>, transpose_lhs_hint = false} : vector<1024x16xf32>, vector<16x16xf32>, vector<1024x16xf32> -> vector<1024x16xf32>
    %get3A_27 = arith.constant 0 : index
    %get3A_28 = arith.constant 0 : index
    %get3A_29 = vector.load %arg3[%get3A_27, %get3A_28] : memref<1024x16xf32, #tpu.memory_space<vmem>>, vector<1024x16xf32>
    %mul3A_30 = arith.mulf %dot_general3A_26, %get3A_29 : vector<1024x16xf32>
    %swap3A = arith.constant 0 : index
    %swap3A_31 = arith.constant 0 : index
    %swap3A_32 = vector.load %arg6[%swap3A, %swap3A_31] : memref<1024x16xf32, #tpu.memory_space<vmem>>, vector<1024x16xf32>
    tpu.vector_store %arg6[%swap3A, %swap3A_31], %mul3A_30 {strides = array<i32>} : memref<1024x16xf32, #tpu.memory_space<vmem>>, vector<1024x16xf32>,
    return
  }
  func.func @transform_0(%arg0: i32) -> (i32, i32, i32) {
    %c0_i32 = arith.constant 0 : i32
    %c0_i32_0 = arith.constant 0 : i32
    %c0_i32_1 = arith.constant 0 : i32
    return %c0_i32, %arg0, %c0_i32_0 : i32, i32, i32
  }
  func.func @transform_1(%arg0: i32) -> (i32, i32) {
    %c0_i32 = arith.constant 0 : i32
    %c0_i32_0 = arith.constant 0 : i32
    return %arg0, %c0_i32 : i32, i32
  }
  func.func @transform_2(%arg0: i32) -> (i32, i32) {
    %c0_i32 = arith.constant 0 : i32
    %c0_i32_0 = arith.constant 0 : i32
    return %arg0, %c0_i32 : i32, i32
  }
  func.func @transform_3(%arg0: i32) -> (i32, i32) {
    %c0_i32 = arith.constant 0 : i32
    %c0_i32_0 = arith.constant 0 : i32
    %c0_i32_1 = arith.constant 0 : i32
    return %c0_i32, %c0_i32_0 : i32, i32
  }
  func.func @transform_4(%arg0: i32) -> (i32, i32) {
    %c0_i32 = arith.constant 0 : i32
    %c0_i32_0 = arith.constant 0 : i32
    %c0_i32_1 = arith.constant 0 : i32
    return %c0_i32, %c0_i32_0 : i32, i32
  }
  func.func @transform_5(%arg0: i32) -> (i32, i32) {
    %c0_i32 = arith.constant 0 : i32
    %c0_i32_0 = arith.constant 0 : i32
    return %arg0, %c0_i32 : i32, i32
  }
}

module attributes {stable_mosaic.version = 14 : i64} {
  func.func @_tc_c_body(%arg0: i32, %arg1: memref<2x1024x16xf32, #tpu.memory_space<vmem>>, %arg2: memref<1024x16xf32, #tpu.memory_space<vmem>>, %arg3: memref<1024x16xf32, #tpu.memory_space<vmem>>, %arg4: memref<8x16xf32, #tpu.memory_space<vmem>>, %arg5: memref<1024x16xf32, #tpu.memory_space<vmem>>) attributes {dimension_semantics = [#tpu.dimension_semantics<arbitrary>], iteration_bounds = array<i64: 10>, scalar_prefetch = 0 : i64, scratch_operands = 0 : i64, tpu.core_type = #tpu.core_type<tc>, window_params = [{transform_indices = @transform_0, window_bounds = array<i64: 2, 1024, 16>}, {transform_indices = @transform_1, window_bounds = array<i64: 1024, 16>}, {transform_indices = @transform_2, window_bounds = array<i64: 1024, 16>}, {pipeline_mode = #tpu.pipeline_mode<synchronous>, transform_indices = @transform_3, window_bounds = array<i64: 8, 16>}, {transform_indices = @transform_4, window_bounds = array<i64: 1024, 16>}]} {
    %get3A = arith.constant 0 : index
    %get3A_0 = arith.constant 0 : index
    %get3A_1 = arith.constant 0 : index
    %get3A_2 = vector.load %arg1[%get3A, %get3A_0, %get3A_1] : memref<2x1024x16xf32, #tpu.memory_space<vmem>>, vector<1x1024x16xf32>
    %get3A_3 = vector.shape_cast %get3A_2 : vector<1x1024x16xf32> to vector<1024x16xf32>
    %get3A_4 = arith.constant 1 : index
    %get3A_5 = arith.constant 0 : index
    %get3A_6 = arith.constant 0 : index
    %get3A_7 = vector.load %arg1[%get3A_4, %get3A_5, %get3A_6] : memref<2x1024x16xf32, #tpu.memory_space<vmem>>, vector<1x1024x16xf32>
    %get3A_8 = vector.shape_cast %get3A_7 : vector<1x1024x16xf32> to vector<1024x16xf32>
    %add3A = arith.addf %get3A_3, %get3A_8 : vector<1024x16xf32>
    %get3A_9 = arith.constant 0 : index
    %get3A_10 = arith.constant 0 : index
    %get3A_11 = vector.load %arg2[%get3A_9, %get3A_10] : memref<1024x16xf32, #tpu.memory_space<vmem>>, vector<1024x16xf32>
    %add3A_12 = arith.addf %add3A, %get3A_11 : vector<1024x16xf32>
    %get3A_13 = arith.constant 0 : index
    %get3A_14 = arith.constant 0 : index
    %get3A_15 = vector.load %arg3[%get3A_13, %get3A_14] : memref<1024x16xf32, #tpu.memory_space<vmem>>, vector<1024x16xf32>
    %mul3A = arith.mulf %add3A_12, %get3A_15 : vector<1024x16xf32>
    %get3A_16 = arith.constant 0 : index
    %get3A_17 = arith.constant 0 : index
    %get3A_18 = vector.load %arg4[%get3A_16, %get3A_17] : memref<8x16xf32, #tpu.memory_space<vmem>>, vector<1x16xf32>
    %add3A_19 = vector.broadcast %get3A_18 : vector<1x16xf32> to vector<1024x16xf32>
    %add3A_20 = arith.addf %mul3A, %add3A_19 : vector<1024x16xf32>
    %swap3A = arith.constant 0 : index
    %swap3A_21 = arith.constant 0 : index
    %swap3A_22 = vector.load %arg5[%swap3A, %swap3A_21] : memref<1024x16xf32, #tpu.memory_space<vmem>>, vector<1024x16xf32>
    tpu.vector_store %arg5[%swap3A, %swap3A_21], %add3A_20 {strides = array<i32>} : memref<1024x16xf32, #tpu.memory_space<vmem>>, vector<1024x16xf32>,
    return
  }
  func.func @transform_0(%arg0: i32) -> (i32, i32, i32) {
    %c0_i32 = arith.constant 0 : i32
    %c0_i32_0 = arith.constant 0 : i32
    %c0_i32_1 = arith.constant 0 : i32
    return %c0_i32, %arg0, %c0_i32_0 : i32, i32, i32
  }
  func.func @transform_1(%arg0: i32) -> (i32, i32) {
    %c0_i32 = arith.constant 0 : i32
    %c0_i32_0 = arith.constant 0 : i32
    return %arg0, %c0_i32 : i32, i32
  }
  func.func @transform_2(%arg0: i32) -> (i32, i32) {
    %c0_i32 = arith.constant 0 : i32
    %c0_i32_0 = arith.constant 0 : i32
    return %arg0, %c0_i32 : i32, i32
  }
  func.func @transform_3(%arg0: i32) -> (i32, i32) {
    %c0_i32 = arith.constant 0 : i32
    %c0_i32_0 = arith.constant 0 : i32
    %c0_i32_1 = arith.constant 0 : i32
    return %c0_i32, %c0_i32_0 : i32, i32
  }
  func.func @transform_4(%arg0: i32) -> (i32, i32) {
    %c0_i32 = arith.constant 0 : i32
    %c0_i32_0 = arith.constant 0 : i32
    return %arg0, %c0_i32 : i32, i32
  }
}

</mosaic_0001>

<sc_bundles>
// kernel: kernel.11.cloned.1.call-start
scs
__scs_entry_jumppad:
0x0: {  	(pc) =	sbr.rel $0x88, $3  }
0x1: {  	(tag) =	ssettag $0x0;
	lr =	simm.s32 $0x1  }
0x2: {  	[smem:$0x3F9B] =	sst lr;
	_ =	strace $0xD0000000  }
0x3: {  	_ = 	snop  }
0x4: {  	_ = 	snop  }
0x5: {  	_ = 	snop  }
0x6: {  	_ = 	snop  }
0x7: {  	_ = 	snop  }
__scs_overlays_trampoline_lowered:
0x8: {  	[smem:$0x3FAA] =	sst s0  }
0x9: {  	[smem:$0x3FAB] =	sst s1  }
0xa: {  	[smem:$0x3FAC] =	sst s2  }
0xb: {  	[smem:$0x3FAD] =	sst s3  }
0xc: {  	[smem:$0x3FAE] =	sst s4  }
0xd: {  	[smem:$0x3FAF] =	sst s5  }
0xe: {  	[smem:$0x3FB0] =	sst s6  }
0xf: {  	[smem:$0x3FB1] =	sst s7  }
0x10: {  	[smem:$0x3FB2] =	sst s8  }
0x11: {  	[smem:$0x3FB3] =	sst s9;
	s0 =	simm.s32 @!p0 $0x0  }
0x12: {  	s1 =	sld [smem:$0x3F99];
	s0 =	simm.s32 @p0 $0x1  }
0x13: {  	[smem:$0x3FB4] =	sst s0;
	s0 =	simm.s32 @!p1 $0x0  }
0x14: {  	s2 =	sld [smem:$0x3F98];
	s0 =	simm.s32 @p1 $0x1  }
0x15: {  	[smem:$0x3FB5] =	sst s0;
	s0 =	simm.s32 @!p2 $0x0  }
0x16: {  	s3 =	sld [smem:$0x3FDB];
	s0 =	simm.s32 @p2 $0x1  }
0x17: {  	s4 =	simm.s32 $0x1BF5;
	[smem:$0x3FB7] =	sst s0  }
0x18: {  	s0 =	sld [smem:$0x3F9A];
	_ =	swait.ge [sflag:s4], $0x0  }
0x19: {  	s7 =	sld [smem:$0x3F9B]  }
0x1a: {  	s8 =	sadd.s32 $0xFFFFE003, lr  }
0x1b: {  	s9 =	sadd.s32 $0xFFFFFEF7, lr;
	s5 =	simm.s32 $0xFFFFFFFF;
	p2 =	slt.u32 s8, $0xFFFFF086  }
0x1c: {  	p1 =	slt.u32 s9, $0xF7A;
	s5 =	simm.s32 @!p2 $0x0  }
0x1d: {  	s5 =	simm.s32 @p1 $0x1;
	p0 =	seq.s32 s7, s2  }
0x1e: {  	s7 =	smul.u32 @!p0 $0xF7A, s2;
	p2 =	seq.s32 @!p0 s5, $0x0  }
0x1f: {  	s9 =	smul.u32 $0xF7A, s1;
	s8 =	simm.s32 @!p0 $0x1BF5;
	p2 =	por !p2, p0  }
0x20: {  	[sflag:s8] =	ssyncset.s32 @!p0 $0xFFFFF086;
	s6 =	sadd.s32 @!p0 s3, s7;
	s7 =	simm.s32 @!p0 $0x108  }
0x21: {  	s3 =	sadd.s32 s3, s9;
	s6 =	sadd.s32 @!p0 $0x88, s6;
	s7 =	simm.s32 @p2 $0x1082  }
0x22: {  	[simem:s7], [sflag:s8] =	dma.local @!p0 [hbm:s6], $0xF7A  }
0x23: {  	s9 =	sor.u32 $0xD0000000, s2;
	s6 =	simm.s32 $0x108;
	_ =	swait.ge @!p0 [sflag:s8], $0x0  }
0x24: {  	s3 =	sadd.s32 $0x88, s3;
	s6 =	simm.s32 @!p1 $0x1082;
	[sflag:s4] =	ssyncset.s32 $0xFFFFF086  }
0x25: {  	[simem:s6], [sflag:s4] =	dma.local [hbm:s3], $0xF7A  }
0x26: {  	[smem:$0x3F9B] =	sst s1;
	(tag) =	ssettag s2;
	_ =	strace s9  }
0x27: {  	s1 =	sld [smem:$0x3FAB]  }
0x28: {  	s2 =	sld [smem:$0x3FAC]  }
0x29: {  	s4 =	sld [smem:$0x3FAE]  }
0x2a: {  	p0 =	seq.s32 s5, $0x0;
	s5 =	sld [smem:$0x3FAF]  }
0x2b: {  	s6 =	sld [smem:$0x3FB0]  }
0x2c: {  	s7 =	sld [smem:$0x3FB1]  }
0x2d: {  	s3 =	simm.s32 $0x108;
	s8 =	sld [smem:$0x3FB2]  }
0x2e: {  	s3 =	simm.s32 @!p0 $0x1082;
	s9 =	sld [smem:$0x3FB3]  }
0x2f: {  	lr =	sadd.s32 s0, s3;
	s0 =	sld [smem:$0x3FAA]  }
0x30: {  	s3 =	sld [smem:$0x3FAD]  }
0x31: {  	[smem:$0x3FB6] =	sst s10  }
0x32: {  	s10 =	sld [smem:$0x3FB4];
	_ =	sdelay $0x3  }
0x33: {  	p0 =	seq.s32 s10, $0x1;
	s10 =	sld [smem:$0x3FB6];
	_ =	sdelay $0x3  }
0x34: {  	[smem:$0x3FB6] =	sst s10  }
0x35: {  	s10 =	sld [smem:$0x3FB5];
	_ =	sdelay $0x3  }
0x36: {  	p1 =	seq.s32 s10, $0x1;
	s10 =	sld [smem:$0x3FB6];
	_ =	sdelay $0x3  }
0x37: {  	[smem:$0x3FB6] =	sst s10  }
0x38: {  	s10 =	sld [smem:$0x3FB7]  }
0x39: {  	_ = 	snop;
	(pc) =	sbr.ind lr, $3  }
0x3a: {  	_ = 	snop  }
0x3b: {  	_ = 	snop  }
0x3c: {  	p2 =	seq.s32 s10, $0x1;
	s10 =	sld [smem:$0x3FB6]  }
0x3d: {  	_ =	shalt  }
0x3e: {  	_ =	shalt  }
0x3f: {  	_ =	shalt  }
0x40: {  	_ =	shalt  }
0x41: {  	_ =	shalt  }
0x42: {  	_ =	shalt  }
0x43: {  	_ =	shalt  }
0x44: {  	_ =	shalt  }
0x45: {  	_ =	shalt  }
0x46: {  	_ =	shalt  }
0x47: {  	_ =	shalt  }
0x48: {  	_ =	shalt  }
0x49: {  	_ =	shalt  }
0x4a: {  	_ =	shalt  }
0x4b: {  	_ =	shalt  }
0x4c: {  	_ =	shalt  }
0x4d: {  	_ =	shalt  }
0x4e: {  	_ =	shalt  }
0x4f: {  	_ =	shalt  }
0x50: {  	_ =	shalt  }
0x51: {  	_ =	shalt  }
0x52: {  	_ =	shalt  }
0x53: {  	_ =	shalt  }
0x54: {  	_ =	shalt  }
0x55: {  	_ =	shalt  }
0x56: {  	_ =	shalt  }
0x57: {  	_ =	shalt  }
0x58: {  	_ =	shalt  }
0x59: {  	_ =	shalt  }
0x5a: {  	_ =	shalt  }
0x5b: {  	_ =	shalt  }
0x5c: {  	_ =	shalt  }
0x5d: {  	_ =	shalt  }
0x5e: {  	_ =	shalt  }
0x5f: {  	_ =	shalt  }
0x60: {  	_ =	shalt  }
0x61: {  	_ =	shalt  }
0x62: {  	_ =	shalt  }
0x63: {  	_ =	shalt  }
0x64: {  	_ =	shalt  }
0x65: {  	_ =	shalt  }
0x66: {  	_ =	shalt  }
0x67: {  	_ =	shalt  }
0x68: {  	_ =	shalt  }
0x69: {  	_ =	shalt  }
0x6a: {  	_ =	shalt  }
0x6b: {  	_ =	shalt  }
0x6c: {  	_ =	shalt  }
0x6d: {  	_ =	shalt  }
0x6e: {  	_ =	shalt  }
0x6f: {  	_ =	shalt  }
0x70: {  	_ =	shalt  }
0x71: {  	_ =	shalt  }
0x72: {  	_ =	shalt  }
0x73: {  	_ =	shalt  }
0x74: {  	_ =	shalt  }
0x75: {  	_ =	shalt  }
0x76: {  	_ =	shalt  }
0x77: {  	_ =	shalt  }
0x78: {  	_ =	shalt  }
0x79: {  	_ =	shalt  }
0x7a: {  	_ =	shalt  }
0x7b: {  	_ =	shalt  }
0x7c: {  	_ =	shalt  }
0x7d: {  	_ =	shalt  }
0x7e: {  	_ =	shalt  }
0x7f: {  	_ =	shalt  }
0x80: {  	_ =	shalt  }
0x81: {  	_ =	shalt  }
0x82: {  	_ =	shalt  }
0x83: {  	_ =	shalt  }
0x84: {  	_ =	shalt  }
0x85: {  	_ =	shalt  }
0x86: {  	_ =	shalt  }
0x87: {  	_ =	shalt  }
.Lfunc_end0:
.L_simem_size_0:
called_computation.1_lowered:
.L_overlay_start_0:
0x88: {  	s2 =	sld [smem:$0x3FD9]  }
0x89: {  	s3 =	sld [smem:$0x3FFE];
	_ =	sdelay $0x1  }
0x8a: {  	s1 =	srdreg.scid  }
0x8b: {  	s0 =	sand.u32 $0x1, s1  }
0x8c: {  	s16 =	sshll.u32 s0, $0xA;
	s2 =	sadd.s32 s3, s2  }
0x8d: {  	s2 =	sadd.s32 s2, s16  }
0x8e: {  	[smem:$0x3FC2] =	sst s2  }
0x8f: {  	_ = 	snop  }
0x90: {  	(tm) =	ssettm $0x1  }
0x91: {  	s17 =	sld [smem:$0x3FFB];
	_ =	sdelay $0x3  }
0x92: {  	_ =	strace s17  }
0x93: {  	s2 =	sld [smem:$0x3FFC];
	_ =	sdelay $0x3  }
0x94: {  	_ =	strace s2  }
0x95: {  	s2 =	sld [smem:$0x3FFD];
	_ =	sdelay $0x3  }
0x96: {  	_ =	strace s2  }
0x97: {  	_ =	strace $0x8FFFFFFF  }
0x98: {  	s18 =	sld [smem:$0x3FDB];
	_ =	sdelay $0x1  }
0x99: {  	s19 =	simm.s32 $_scs_section_size  }
0x9a: {  	s4 =	simm.s32 $_size__tile_overlayer_lowered;
	s5 =	simm.s32 $_tile_overlayer_lowered  }
0x9b: {  	s22 =	simm.s32 $0x1BFF;
	s21 =	sshll.u32 s5, $0x1;
	s2 =	sadd.s32 s19, s18  }
0x9c: {  	s6 =	simm.s32 $0x0;
	s20 =	sshll.u32 s4, $0x1;
	s4 =	sadd.s32 s21, s2  }
0x9d: {  	[timem:s6], [sflag:s22] =	dma.local [hbm:s4], s20  }
0x9e: {  	_ =	swait.ge [sflag:s22], s20  }
0x9f: {  	s3 =	ssub.s32 $0x0, s20;
	[sflag:s22] =	ssyncset.done $0x0  }
0xa0: {  	[sflag:s22] =	ssyncadd.s32 s3;
	_ =	sdelay $0x1  }
0xa1: {  	s23 =	simm.s32 $0x1B8B  }
0xa2: {  	_ =	swait.ge [sflag:s23], $0x1  }
0xa3: {  	[sflag:s23] =	ssyncset.done $0x0  }
0xa4: {  	s25 =	simm.s32 $0x1B8E;
	s24 =	sld [smem:$0x3FFE];
	[sflag:s23] =	ssyncadd.s32 $0xFFFFFFFF  }
0xa5: {  	s26 =	simm.s32 $execute0_lowered;
	[smem:$0x3FD2] =	sst s25  }
0xa6: {  	s4 =	sshll.u32 s26, $0x1;
	_ =	strace $0x80000049;
	[dreg:$0x1] =	wrdreg $0xFFFFFFFF  }
0xa7: {  	s28 =	simm.s32 $_size_execute0_lowered;
	s2 =	sadd.s32 s2, s4;
	[dreg:$0x0] =	wrdreg $0x0  }
0xa8: {  	s4 =	sshll.u32 s28, $0x1;
	[dreg:$0x2] =	wrdreg s2  }
0xa9: {  	[dreg:$0x3] =	wrdreg s4  }
0xaa: {  	[dreg:$0x4] =	wrdreg $0xC0  }
0xab: {  	_ =	task [dreg:s6], $0x5FFFF  }
0xac: {  	[dreg:$0x1] =	wrdreg $0xFFFFFFFF  }
0xad: {  	[dreg:$0x0] =	wrdreg $0x60  }
0xae: {  	[dreg:$0x2] =	wrdreg s24  }
0xaf: {  	[dreg:$0x3] =	wrdreg $0x8A000  }
0xb0: {  	[dreg:$0x4] =	wrdreg $0x9  }
0xb1: {  	_ =	task.clear_ibuf [dreg:s6], $0x5FFFF;
	_ =	strace $0x90000049  }
0xb2: {  	s29 =	simm.s32 $0x9;
	_ =	strace $0x8000004B  }
0xb3: {  	_ =	swait.ge [sflag:s29], $0x1  }
0xb4: {  	[sflag:s29] =	ssyncadd.s32 $0xFFFFFFFF  }
0xb5: {  	_ =	strace $0x9000004B  }
0xb6: {  	_ =	sfence  }
0xb7: {  	s30 =	sld [smem:$0x0];
	_ =	sdelay $0x2  }
0xb8: {  	s31 =	sshll.u32 s1, $0xD;
	s1 =	sshrl.u32 s1, $0x2  }
0xb9: {  	s3 =	sand.u32 $0x4000, s31;
	s1 =	sadd.s32 s1, s30  }
0xba: {  	s0 =	sor.u32 s3, s0;
	s1 =	sshll.u32 s1, $0x11  }
0xbb: {  	s0 =	sor.u32 s1, s0  }
0xbc: {  	s0 =	sadd.s32 $0x8F2B, s0  }
0xbd: {  	[sflag:s0] =	ssyncadd.remote.s32 $0x1  }
0xbe: {  	_ =	sfence.sel $0xFFFF  }
0xbf: {  	[dreg:$0x0] =	wrdreg $0xFFFFFFFF;
	(pc) =	sbr.abs _section_cstart, $3  }
0xc0: {  	[dreg:$0x1] =	wrdreg $0xFFFFFFFF  }
0xc1: {  	_ =	task.clear_ibuf [dreg:s6], $0x2FFFF;
	_ =	strace $0x9FFFFFFF  }
0xc2: {  	(tm) =	ssettm $0x7FFFFFFF  }
0xc3: {  	_ =	shalt  }
tec
execute0_lowered:
.L_overlay_start_1:
0x0: {  	(tag) =	ssettag $0x1  }
0x1: {  	s0 =	srdreg.scid;
	s1 =	rddreg [dreg:$0x0]  }
0x2: {  	s2 =	rddreg [dreg:$0x1];
	s7 =	stileid.u32  }
0x3: {  	s4 =	simm.s32 $0x0;
	s15 =	simm.s32 $0x10;
	s18 =	simm.s32 $0x9  }
0x4: {  	s19 =	simm.s32 $0x3000;
	s20 =	simm.s32 $0x8000;
	s21 =	simm.s32 $0x80  }
0x5: {  	s30 =	simm.s32 $0x7800;
	s31 =	simm.s32 $0x3;
	s28 =	simm.s32 $0x4  }
0x6: {  	s29 =	simm.s32 $0x1;
	s0 =	sand.u32 $0x1, s0;
	[smem:$0x7FF] =	sst s4  }
0x7: {  	s4 =	sadd.s32 $0xDA00, s1;
	s11 =	smul.u32 $0x2800, s7;
	s3 =	sshll.u32 s0, $0x4  }
0x8: {  	_ =	strace $0x8000004A;
	s5 =	ssub.s32 $0x2, s0;
	p0 =	seq.s32 s0, $0x0  }
0x9: {  	s0 =	smul.u32 $0x28000, s0;
	s3 =	sor.u32 s7, s3;
	s6 =	sshrl.u32 s5, $0x1  }
0xa: {  	s7 =	sadd.s32 s11, s2;
	s23 =	sadd.s32 $0xA00, s11;
	s24 =	sadd.s32 $0x1400, s11  }
0xb: {  	s12 =	sadd.s32 $0x1E00, s11;
	s15 =	simm.s32 @!p0 $0x18;
	s3 =	smul.u32 $0x600, s3  }
0xc: {  	s5 =	ssub.s32 s5, s6;
	s8 =	sadd.s32 s23, s2;
	s9 =	sadd.s32 s24, s2  }
0xd: {  	s10 =	sadd.s32 s12, s2;
	s11 =	sadd.s32 s11, s0;
	s13 =	sadd.s32 $0xFFFFFFFF, s15  }
0xe: {  	s6 =	sadd.s32 s0, s24;
	s26 =	sshll.u32 s15, $0xB;
	s24 =	simm.s32 $0x7  }
0xf: {  	[dreg:$0x5] =	wrdreg s13;
	s11 =	sshrl.u32 s11, $0x3;
	s25 =	sshrl.u32 s6, $0x3  }
0x10: {  	s16 =	smax.u32 s5, $0x1;
	s17 =	sadd.s32 $0xFFFFF000, s26;
	s3 =	sadd.s32 s3, s1  }
0x11: {  	s26 =	simm.s32 $0x2;
	s5 =	simm.s32 $0x0;
	s22 =	sadd.s32 $0x17A00, s3  }
0x12: {  	s1 =	sadd.s32 $0x23A00, s1;
	s3 =	sadd.s32 $0x1A00, s3;
	[dreg:$0x3] =	wrdreg s22  }
0x13: {  	s11 =	sadd.s32 s1, s11;
	[dreg:$0x4] =	wrdreg s3;
	s3 =	sadd.s32 s0, s23  }
0x14: {  	[dreg:$0x6] =	wrdreg s11;
	s0 =	sadd.s32 s0, s12;
	s22 =	simm.s32 $0x6000  }
0x15: {  	s23 =	simm.s32 $0x6800;
	s3 =	sshrl.u32 s3, $0x3;
	s0 =	sshrl.u32 s0, $0x3  }
0x16: {  	s3 =	sadd.s32 s1, s3;
	s15 =	sadd.s32 s1, s0;
	s0 =	simm.s32 $0x6  }
0x17: {  	[dreg:$0x7] =	wrdreg s3;
	s3 =	sadd.s32 s1, s25;
	s25 =	simm.s32 $0x7000  }
0x18: {  	v0 =	vimm.f32 $0.0e+00;
	s1 =	simm.s32 $0x5;
	[dreg:$0x8] =	wrdreg s3;
	s3 =	simm.s32 $0x8  }
.LBB2_1:
0x19: {  	s6 =	simm.s32 $0x0;
	s11 =	rddreg [dreg:$0x3]  }
0x1a: {  	[tilespmem:s6], [sflag:$0x9] =	stream.linear.gather [hbm4b:s11+s6], $0x3000, $0x38;
	[tilespmem:$0xB200] =	vst v63  }
0x1b: {  	_ =	swait.ge [sflag:s18], $0x3000  }
0x1c: {  	[sflag:s18] =	ssyncset.done $0x0  }
0x1d: {  	s14 =	rddreg [dreg:$0x4];
	[sflag:s18] =	ssyncadd.s32 $0xFFFFD000  }
0x1e: {  	[tilespmem:s19], [sflag:$0x9] =	stream.linear.gather [hbm4b:s14+s6], $0x3000, $0x38;
	[tilespmem:$0xB200] =	vst v63  }
0x1f: {  	_ =	swait.ge [sflag:s18], $0x3000  }
0x20: {  	[sflag:s18] =	ssyncset.done $0x0  }
0x21: {  	s11 =	simm.s32 $0x0;
	s6 =	simm.s32 $0x40;
	[sflag:s18] =	ssyncadd.s32 $0xFFFFD000  }
.LBB2_2:
0x22: {  	p0 =	sne.s32 s6, $0x27C0;
	[tilespmem:s11+$0x8000] =	vst v0;
	s11 =	smov.u32 s6;
	s6 =	sadd.s32 $0x40, s6  }
.Ltmp0:
0x23: {  	(pc) =	sbr.rel @p0 .LBB2_2-.Ltmp0, $2  }
0x24: {  	_ =	sdelay $0x2  }
0x25: {  	s11 =	sshra.s32 s11, $0x2  }
0x26: {  	[tilespmem:s11+$0x8000] =	vst v0  }
0x27: {  	[spmem:s7] =	stream.linear.scatter [tilespmem:s20], [sflag:$0x9], $0xA00, $0x38;
	[tilespmem:$0xB200] =	vst v63  }
0x28: {  	_ =	swait.ge [sflag:s18], $0xA00  }
0x29: {  	[sflag:s18] =	ssyncset.done $0x0  }
0x2a: {  	[sflag:s18] =	ssyncadd.s32 $0xFFFFF600  }
0x2b: {  	[spmem:s8] =	stream.linear.scatter [tilespmem:s20], [sflag:$0x9], $0xA00, $0x38;
	[tilespmem:$0xB200] =	vst v63  }
0x2c: {  	_ =	swait.ge [sflag:s18], $0xA00  }
0x2d: {  	[sflag:s18] =	ssyncset.done $0x0  }
0x2e: {  	[sflag:s18] =	ssyncadd.s32 $0xFFFFF600  }
0x2f: {  	[spmem:s9] =	stream.linear.scatter [tilespmem:s20], [sflag:$0x9], $0xA00, $0x38;
	[tilespmem:$0xB200] =	vst v63  }
0x30: {  	_ =	swait.ge [sflag:s18], $0xA00  }
0x31: {  	[sflag:s18] =	ssyncset.done $0x0  }
0x32: {  	[sflag:s18] =	ssyncadd.s32 $0xFFFFF600  }
0x33: {  	[spmem:s10] =	stream.linear.scatter [tilespmem:s20], [sflag:$0x9], $0xA00, $0x38;
	[tilespmem:$0xB200] =	vst v63  }
0x34: {  	_ =	swait.ge [sflag:s18], $0xA00  }
0x35: {  	[sflag:s18] =	ssyncset.done $0x0  }
0x36: {  	[sflag:s18] =	ssyncadd.s32 $0xFFFFF600  }
0x37: {  	s6 =	simm.s32 $0x0;
	[bflag:$0x0] =	sbarrier.arrive $0xFFFF  }
0x38: {  	[tilespmem:s22], [sflag:$0x1] =	stream.indirect.gather [hbm4b:s4+s21], $0x10, s6, s21, $0xb8;
	[tilespmem:$0xB200] =	vst v63  }
0x39: {  	s12 =	simm.s32 $0x1  }
0x3a: {  	[tilespmem:s23], [sflag:$0x2] =	stream.indirect.gather [hbm4b:s4+s21], $0x10, s21, s21, $0xb8;
	[tilespmem:$0xB200] =	vst v63  }
0x3b: {  	_ =	swait.ge [sflag:s12], $0x800  }
0x3c: {  	[sflag:s12] =	ssyncset.done $0x0  }
0x3d: {  	[sflag:s12] =	ssyncadd.s32 $0xFFFFF800  }
0x3e: {  	[spmem:s2] =	stream.indirect.scatter.add.f32 [tilespmem:s22], [sflag:$0x5], $0x10, s19, s21, $0xb8;
	[tilespmem:$0xB200] =	vst v63  }
0x3f: {  	s13 =	simm.s32 $0x100  }
0x40: {  	[tilespmem:s25], [sflag:$0x3] =	stream.indirect.gather [hbm4b:s4+s21], $0x10, s13, s21, $0xb8;
	[tilespmem:$0xB200] =	vst v63  }
0x41: {  	_ =	swait.ge [sflag:s26], $0x800  }
0x42: {  	[sflag:s26] =	ssyncset.done $0x0  }
0x43: {  	s14 =	simm.s32 $0x3080;
	[sflag:s26] =	ssyncadd.s32 $0xFFFFF800  }
0x44: {  	[spmem:s2] =	stream.indirect.scatter.add.f32 [tilespmem:s23], [sflag:$0x6], $0x10, s14, s21, $0xb8;
	[tilespmem:$0xB200] =	vst v63  }
0x45: {  	s11 =	simm.s32 $0x180  }
0x46: {  	[tilespmem:s30], [sflag:$0x4] =	stream.indirect.gather [hbm4b:s4+s21], $0x10, s11, s21, $0xb8;
	[tilespmem:$0xB200] =	vst v63  }
0x47: {  	_ =	swait.ge [sflag:s31], $0x800  }
0x48: {  	[sflag:s31] =	ssyncset.done $0x0  }
0x49: {  	s12 =	simm.s32 $0x3100;
	[sflag:s31] =	ssyncadd.s32 $0xFFFFF800  }
0x4a: {  	[spmem:s2] =	stream.indirect.scatter.add.f32 [tilespmem:s25], [sflag:$0x7], $0x10, s12, s21, $0xb8;
	[tilespmem:$0xB200] =	vst v63  }
0x4b: {  	_ =	swait.ge [sflag:s1], $0x800  }
0x4c: {  	[sflag:s1] =	ssyncset.done $0x0  }
0x4d: {  	s13 =	simm.s32 $0x200;
	[sflag:s1] =	ssyncadd.s32 $0xFFFFF800  }
0x4e: {  	[tilespmem:s22], [sflag:$0x1] =	stream.indirect.gather [hbm4b:s4+s21], $0x10, s13, s21, $0xb8;
	[tilespmem:$0xB200] =	vst v63  }
0x4f: {  	_ =	swait.ge [sflag:s28], $0x800  }
0x50: {  	[sflag:s28] =	ssyncset.done $0x0  }
0x51: {  	s14 =	simm.s32 $0x3180;
	[sflag:s28] =	ssyncadd.s32 $0xFFFFF800  }
0x52: {  	[spmem:s2] =	stream.indirect.scatter.add.f32 [tilespmem:s30], [sflag:$0x8], $0x10, s14, s21, $0xb8;
	[tilespmem:$0xB200] =	vst v63  }
0x53: {  	_ =	swait.ge [sflag:s0], $0x800  }
0x54: {  	[sflag:s0] =	ssyncset.done $0x0  }
0x55: {  	s11 =	simm.s32 $0x280;
	[sflag:s0] =	ssyncadd.s32 $0xFFFFF800  }
0x56: {  	[tilespmem:s23], [sflag:$0x2] =	stream.indirect.gather [hbm4b:s4+s21], $0x10, s11, s21, $0xb8;
	[tilespmem:$0xB200] =	vst v63  }
0x57: {  	_ =	swait.ge [sflag:s29], $0x800  }
0x58: {  	[sflag:s29] =	ssyncset.done $0x0  }
0x59: {  	s12 =	simm.s32 $0x3200;
	[sflag:s29] =	ssyncadd.s32 $0xFFFFF800  }
0x5a: {  	[spmem:s2] =	stream.indirect.scatter.add.f32 [tilespmem:s22], [sflag:$0x5], $0x10, s12, s21, $0xb8;
	[tilespmem:$0xB200] =	vst v63  }
0x5b: {  	_ =	swait.ge [sflag:s24], $0x800  }
0x5c: {  	[sflag:s24] =	ssyncset.done $0x0  }
0x5d: {  	s13 =	simm.s32 $0x300;
	[sflag:s24] =	ssyncadd.s32 $0xFFFFF800  }
0x5e: {  	[tilespmem:s25], [sflag:$0x3] =	stream.indirect.gather [hbm4b:s4+s21], $0x10, s13, s21, $0xb8;
	[tilespmem:$0xB200] =	vst v63  }
0x5f: {  	_ =	swait.ge [sflag:s26], $0x800  }
0x60: {  	[sflag:s26] =	ssyncset.done $0x0  }
0x61: {  	s14 =	simm.s32 $0x3280;
	[sflag:s26] =	ssyncadd.s32 $0xFFFFF800  }
0x62: {  	[spmem:s2] =	stream.indirect.scatter.add.f32 [tilespmem:s23], [sflag:$0x6], $0x10, s14, s21, $0xb8;
	[tilespmem:$0xB200] =	vst v63  }
0x63: {  	_ =	swait.ge [sflag:s3], $0x800  }
0x64: {  	[sflag:s3] =	ssyncset.done $0x0  }
0x65: {  	s11 =	simm.s32 $0x380;
	[sflag:s3] =	ssyncadd.s32 $0xFFFFF800  }
0x66: {  	[tilespmem:s30], [sflag:$0x4] =	stream.indirect.gather [hbm4b:s4+s21], $0x10, s11, s21, $0xb8;
	[tilespmem:$0xB200] =	vst v63  }
0x67: {  	_ =	swait.ge [sflag:s31], $0x800  }
0x68: {  	[sflag:s31] =	ssyncset.done $0x0  }
0x69: {  	s12 =	simm.s32 $0x3300;
	[sflag:s31] =	ssyncadd.s32 $0xFFFFF800  }
0x6a: {  	[spmem:s2] =	stream.indirect.scatter.add.f32 [tilespmem:s25], [sflag:$0x7], $0x10, s12, s21, $0xb8;
	[tilespmem:$0xB200] =	vst v63  }
0x6b: {  	_ =	swait.ge [sflag:s1], $0x800  }
0x6c: {  	[sflag:s1] =	ssyncset.done $0x0  }
0x6d: {  	s13 =	simm.s32 $0x400;
	[sflag:s1] =	ssyncadd.s32 $0xFFFFF800  }
0x6e: {  	[tilespmem:s22], [sflag:$0x1] =	stream.indirect.gather [hbm4b:s4+s21], $0x10, s13, s21, $0xb8;
	[tilespmem:$0xB200] =	vst v63  }
0x6f: {  	_ =	swait.ge [sflag:s28], $0x800  }
0x70: {  	p0 =	sne.s32 s17, $0x800;
	[sflag:s28] =	ssyncset.done $0x0  }
.Ltmp1:
0x71: {  	s14 =	simm.s32 $0x3380;
	[sflag:s28] =	ssyncadd.s32 $0xFFFFF800;
	(pc) =	sbr.rel @!p0 .LBB2_5-.Ltmp1, $4  }
0x72: {  	[spmem:s2] =	stream.indirect.scatter.add.f32 [tilespmem:s30], [sflag:$0x8], $0x10, s14, s21, $0xb8;
	[tilespmem:$0xB200] =	vst v63  }
0x73: {  	_ =	swait.ge [sflag:s0], $0x800  }
0x74: {  	s6 =	simm.s32 $0x800;
	[sflag:s0] =	ssyncset.done $0x0  }
0x75: {  	s11 =	simm.s32 $0x2;
	s12 =	simm.s32 $0x480;
	[sflag:s0] =	ssyncadd.s32 $0xFFFFF800  }
.LBB2_4:
0x76: {  	[tilespmem:s23], [sflag:$0x2] =	stream.indirect.gather [hbm4b:s4+s21], $0x10, s12, s21, $0xb8;
	[tilespmem:$0xB200] =	vst v63  }
0x77: {  	s12 =	smov.u32 s6;
	s6 =	sadd.s32 $0x800, s6;
	_ =	swait.ge [sflag:s29], $0x800  }
0x78: {  	s12 =	sshra.s32 s12, $0x2;
	p0 =	sne.s32 s17, s6;
	[sflag:s29] =	ssyncset.done $0x0  }
0x79: {  	s13 =	sadd.s32 $0x3200, s12;
	[sflag:s29] =	ssyncadd.s32 $0xFFFFF800  }
0x7a: {  	[spmem:s2] =	stream.indirect.scatter.add.f32 [tilespmem:s22], [sflag:$0x5], $0x10, s13, s21, $0xb8;
	[tilespmem:$0xB200] =	vst v63  }
0x7b: {  	_ =	swait.ge [sflag:s24], $0x800  }
0x7c: {  	[sflag:s24] =	ssyncset.done $0x0  }
0x7d: {  	s13 =	sadd.s32 $0x300, s12;
	[sflag:s24] =	ssyncadd.s32 $0xFFFFF800  }
0x7e: {  	[tilespmem:s25], [sflag:$0x3] =	stream.indirect.gather [hbm4b:s4+s21], $0x10, s13, s21, $0xb8;
	[tilespmem:$0xB200] =	vst v63  }
0x7f: {  	_ =	swait.ge [sflag:s26], $0x800  }
0x80: {  	[sflag:s26] =	ssyncset.done $0x0  }
0x81: {  	s13 =	sadd.s32 $0x3280, s12;
	[sflag:s26] =	ssyncadd.s32 $0xFFFFF800  }
0x82: {  	[spmem:s2] =	stream.indirect.scatter.add.f32 [tilespmem:s23], [sflag:$0x6], $0x10, s13, s21, $0xb8;
	[tilespmem:$0xB200] =	vst v63  }
0x83: {  	_ =	swait.ge [sflag:s3], $0x800  }
0x84: {  	[sflag:s3] =	ssyncset.done $0x0  }
0x85: {  	s13 =	sadd.s32 $0x380, s12;
	[sflag:s3] =	ssyncadd.s32 $0xFFFFF800  }
0x86: {  	[tilespmem:s30], [sflag:$0x4] =	stream.indirect.gather [hbm4b:s4+s21], $0x10, s13, s21, $0xb8;
	[tilespmem:$0xB200] =	vst v63  }
0x87: {  	_ =	swait.ge [sflag:s31], $0x800  }
0x88: {  	[sflag:s31] =	ssyncset.done $0x0  }
0x89: {  	s13 =	sadd.s32 $0x3300, s12;
	[sflag:s31] =	ssyncadd.s32 $0xFFFFF800  }
0x8a: {  	[spmem:s2] =	stream.indirect.scatter.add.f32 [tilespmem:s25], [sflag:$0x7], $0x10, s13, s21, $0xb8;
	[tilespmem:$0xB200] =	vst v63  }
0x8b: {  	_ =	swait.ge [sflag:s1], $0x800  }
0x8c: {  	[sflag:s1] =	ssyncset.done $0x0  }
0x8d: {  	s13 =	sadd.s32 $0x400, s12;
	[sflag:s1] =	ssyncadd.s32 $0xFFFFF800  }
0x8e: {  	[tilespmem:s22], [sflag:$0x1] =	stream.indirect.gather [hbm4b:s4+s21], $0x10, s13, s21, $0xb8;
	[tilespmem:$0xB200] =	vst v63  }
0x8f: {  	_ =	swait.ge [sflag:s28], $0x800  }
0x90: {  	[sflag:s28] =	ssyncset.done $0x0  }
.Ltmp2:
0x91: {  	s13 =	sadd.s32 $0x3380, s12;
	[sflag:s28] =	ssyncadd.s32 $0xFFFFF800;
	(pc) =	sbr.rel @p0 .LBB2_4-.Ltmp2, $4  }
0x92: {  	[spmem:s2] =	stream.indirect.scatter.add.f32 [tilespmem:s30], [sflag:$0x8], $0x10, s13, s21, $0xb8;
	[tilespmem:$0xB200] =	vst v63  }
0x93: {  	_ =	swait.ge [sflag:s0], $0x800  }
0x94: {  	[sflag:s0] =	ssyncset.done $0x0  }
0x95: {  	s11 =	sadd.s32 $0x1, s11;
	s12 =	sadd.s32 $0x480, s12;
	[sflag:s0] =	ssyncadd.s32 $0xFFFFF800  }
.LBB2_5:
0x96: {  	[tilespmem:s23], [sflag:$0x2] =	stream.indirect.gather [hbm4b:s4+s21], $0x10, s12, s21, $0xb8;
	[tilespmem:$0xB200] =	vst v63  }
0x97: {  	_ =	swait.ge [sflag:s29], $0x800  }
0x98: {  	s12 =	sshra.s32 s6, $0x2;
	[sflag:s29] =	ssyncset.done $0x0  }
0x99: {  	s13 =	sadd.s32 $0x3200, s12;
	[sflag:s29] =	ssyncadd.s32 $0xFFFFF800  }
0x9a: {  	[spmem:s2] =	stream.indirect.scatter.add.f32 [tilespmem:s22], [sflag:$0x5], $0x10, s13, s21, $0xb8;
	[tilespmem:$0xB200] =	vst v63  }
0x9b: {  	_ =	swait.ge [sflag:s24], $0x800  }
0x9c: {  	[sflag:s24] =	ssyncset.done $0x0  }
0x9d: {  	s14 =	sadd.s32 $0x300, s12;
	[sflag:s24] =	ssyncadd.s32 $0xFFFFF800  }
0x9e: {  	[tilespmem:s25], [sflag:$0x3] =	stream.indirect.gather [hbm4b:s4+s21], $0x10, s14, s21, $0xb8;
	[tilespmem:$0xB200] =	vst v63  }
0x9f: {  	_ =	swait.ge [sflag:s26], $0x800  }
0xa0: {  	[sflag:s26] =	ssyncset.done $0x0  }
0xa1: {  	s14 =	sadd.s32 $0x3280, s12;
	[sflag:s26] =	ssyncadd.s32 $0xFFFFF800  }
0xa2: {  	[spmem:s2] =	stream.indirect.scatter.add.f32 [tilespmem:s23], [sflag:$0x6], $0x10, s14, s21, $0xb8;
	[tilespmem:$0xB200] =	vst v63  }
0xa3: {  	_ =	swait.ge [sflag:s3], $0x800  }
0xa4: {  	[sflag:s3] =	ssyncset.done $0x0  }
0xa5: {  	s14 =	sadd.s32 $0x380, s12;
	[sflag:s3] =	ssyncadd.s32 $0xFFFFF800  }
0xa6: {  	[tilespmem:s30], [sflag:$0x4] =	stream.indirect.gather [hbm4b:s4+s21], $0x10, s14, s21, $0xb8;
	[tilespmem:$0xB200] =	vst v63  }
0xa7: {  	_ =	swait.ge [sflag:s31], $0x800  }
0xa8: {  	[sflag:s31] =	ssyncset.done $0x0;
	s14 =	rddreg [dreg:$0x5]  }
0xa9: {  	s12 =	sadd.s32 $0x3300, s12;
	[sflag:s31] =	ssyncadd.s32 $0xFFFFF800;
	p0 =	slt.u32 s11, s14  }
0xaa: {  	[spmem:s2] =	stream.indirect.scatter.add.f32 [tilespmem:s25], [sflag:$0x7], $0x10, s12, s21, $0xb8;
	[tilespmem:$0xB200] =	vst v63  }
0xab: {  	s11 =	simm.s32 @p0 $0x5  }
0xac: {  	_ =	swait.ge @p0 [sflag:s11], $0x800  }
0xad: {  	[sflag:s11] =	ssyncset.done @p0 $0x0  }
0xae: {  	[sflag:s11] =	ssyncadd.s32 @p0 $0xFFFFF800;
	s11 =	sshra.s32 @p0 s6, $0x2  }
0xaf: {  	s13 =	simm.s32 @p0 $0x80;
	s14 =	simm.s32 @p0 $0x6000;
	s12 =	sadd.s32 @p0 $0x400, s11  }
0xb0: {  	[tilespmem:s14], [sflag:$0x1] =	stream.indirect.gather @p0 [hbm4b:s4+s13], $0x10, s12, s13, $0xb8;
	[tilespmem:$0xB200] =	vst v63  }
0xb1: {  	s12 =	simm.s32 @p0 $0x4  }
0xb2: {  	_ =	swait.ge @p0 [sflag:s12], $0x800  }
0xb3: {  	[sflag:s12] =	ssyncset.done @p0 $0x0  }
0xb4: {  	s14 =	simm.s32 @p0 $0x7800;
	[sflag:s12] =	ssyncadd.s32 @p0 $0xFFFFF800;
	s12 =	sadd.s32 @p0 $0x3380, s11  }
0xb5: {  	[spmem:s2] =	stream.indirect.scatter.add.f32 @p0 [tilespmem:s14], [sflag:$0x8], $0x10, s12, s13, $0xb8;
	[tilespmem:$0xB200] =	vst v63  }
0xb6: {  	s12 =	simm.s32 @p0 $0x6  }
0xb7: {  	_ =	swait.ge @p0 [sflag:s12], $0x800  }
0xb8: {  	[sflag:s12] =	ssyncset.done @p0 $0x0  }
0xb9: {  	s11 =	sadd.s32 @p0 $0x480, s11;
	[sflag:s12] =	ssyncadd.s32 @p0 $0xFFFFF800;
	s12 =	simm.s32 @p0 $0x6800  }
0xba: {  	[tilespmem:s12], [sflag:$0x2] =	stream.indirect.gather @p0 [hbm4b:s4+s13], $0x10, s11, s13, $0xb8;
	[tilespmem:$0xB200] =	vst v63  }
0xbb: {  	s11 =	simm.s32 @!p0 $0x4  }
0xbc: {  	s6 =	sshra.s32 @!p0 s6, $0x2;
	_ =	swait.ge @!p0 [sflag:s11], $0x800  }
0xbd: {  	s6 =	sadd.s32 @!p0 $0x3380, s6;
	[sflag:s11] =	ssyncset.done @!p0 $0x0  }
0xbe: {  	s12 =	simm.s32 @!p0 $0x7800;
	[sflag:s11] =	ssyncadd.s32 @!p0 $0xFFFFF800;
	s11 =	simm.s32 @!p0 $0x80  }
0xbf: {  	[spmem:s2] =	stream.indirect.scatter.add.f32 @!p0 [tilespmem:s12], [sflag:$0x8], $0x10, s6, s11, $0xb8;
	[tilespmem:$0xB200] =	vst v63  }
0xc0: {  	_ =	swait.ge [sflag:s1], $0x800  }
0xc1: {  	[sflag:s1] =	ssyncset.done $0x0  }
0xc2: {  	[sflag:s1] =	ssyncadd.s32 $0xFFFFF800  }
0xc3: {  	_ =	swait.ge [sflag:s0], $0x800  }
0xc4: {  	[sflag:s0] =	ssyncset.done $0x0  }
0xc5: {  	[sflag:s0] =	ssyncadd.s32 $0xFFFFF800  }
0xc6: {  	_ =	swait.ge [sflag:s24], $0x800  }
0xc7: {  	[sflag:s24] =	ssyncset.done $0x0  }
0xc8: {  	[sflag:s24] =	ssyncadd.s32 $0xFFFFF800  }
0xc9: {  	_ =	swait.ge [sflag:s3], $0x800  }
0xca: {  	[sflag:s3] =	ssyncset.done $0x0  }
0xcb: {  	s12 =	stileid.u32;
	[sflag:s3] =	ssyncadd.s32 $0xFFFFF800  }
0xcc: {  	s6 =	sshll.u32 s12, $0x6;
	[bflag:$0x0] =	sbarrier.arrive $0xFFFF  }
0xcd: {  	s13 =	sshrl.u32 s7, $0x3;
	s6 =	sor.u32 $0x1C09, s6;
	s14 =	rddreg [dreg:$0x6]  }
0xce: {  	[hbm:s14], [sflag:s6] =	dma.local [spmem:s13], $0x140  }
0xcf: {  	_ =	swait.ge [sflag:s18], $0x140  }
0xd0: {  	[sflag:s18] =	ssyncset.done $0x0  }
0xd1: {  	s13 =	sshrl.u32 s8, $0x3;
	s14 =	rddreg [dreg:$0x7];
	[sflag:s18] =	ssyncadd.s32 $0xFFFFFEC0  }
0xd2: {  	[hbm:s14], [sflag:s6] =	dma.local [spmem:s13], $0x140  }
0xd3: {  	_ =	swait.ge [sflag:s18], $0x140  }
0xd4: {  	[sflag:s18] =	ssyncset.done $0x0  }
0xd5: {  	s12 =	sshrl.u32 s9, $0x3;
	s13 =	rddreg [dreg:$0x8];
	[sflag:s18] =	ssyncadd.s32 $0xFFFFFEC0  }
0xd6: {  	[hbm:s13], [sflag:s6] =	dma.local [spmem:s12], $0x140  }
0xd7: {  	s5 =	sadd.s32 $0x1, s5;
	_ =	swait.ge [sflag:s18], $0x140  }
0xd8: {  	p0 =	sne.s32 s5, s16;
	[sflag:s18] =	ssyncset.done $0x0  }
.Ltmp3:
0xd9: {  	s14 =	sshrl.u32 s10, $0x3;
	[sflag:s18] =	ssyncadd.s32 $0xFFFFFEC0;
	(pc) =	sbr.rel @p0 .LBB2_1-.Ltmp3, $4  }
0xda: {  	[hbm:s15], [sflag:s6] =	dma.local [spmem:s14], $0x140  }
0xdb: {  	_ =	swait.ge [sflag:s18], $0x140  }
0xdc: {  	[sflag:s18] =	ssyncset.done $0x0  }
0xdd: {  	[sflag:s18] =	ssyncadd.s32 $0xFFFFFEC0  }
0xde: {  	_ =	sfence.sel $0x180000  }
0xdf: {  	[bflag:$0x0] =	sbarrier.arrive $0xFFFF  }
0xe0: {  	_ =	strace $0x9000004A  }
0xe1: {  	s0 =	stileid.u32;
	[bflag:$0x2] =	sbarrier.arrive $0xFFFF  }
0xe2: {  	p0 =	sne.s32 s0, $0x0;
	s0 =	rddreg [dreg:$0x2]  }
0xe3: {  	s0 =	sadd.s32 @!p0 $0x100000, s0  }
0xe4: {  	[sflag:s0] =	ssyncadd.tile.s32 @!p0 $0x1;
	_ =	shalt  }
.Lfunc_end2:
_tile_overlayer_lowered:
.L_overlay_start_2:
0xe5: {  	(tag) =	ssettag $0x2  }
0xe6: {  	s0 =	rddreg [dreg:$0x0];
	s2 =	stileid.u32  }
0xe7: {  	s1 =	rddreg [dreg:$0x1];
	p0 =	sne.s32 s2, $0x0  }
0xe8: {  	s3 =	rddreg [dreg:$0x2];
	[bflag:$0x3] =	sbarrier.arrive $0xFFFF;
	s2 =	simm.s32 @!p0 $0x1C09  }
0xe9: {  	[timem:s3], [sflag:s2] =	dma.local @!p0 [hbm:s0], s1  }
0xea: {  	s0 =	simm.s32 @!p0 $0x9  }
0xeb: {  	_ =	swait.ge @!p0 [sflag:s0], s1  }
0xec: {  	s1 =	ssub.s32 @!p0 $0x0, s1;
	[sflag:s0] =	ssyncset.done @!p0 $0x0  }
0xed: {  	[sflag:s0] =	ssyncadd.s32 @!p0 s1  }
0xee: {  	[bflag:$0x3] =	sbarrier.arrive $0xFFFF  }
0xef: {  	_ =	shalt  }

// kernel: kernel.14.cloned.1.call-start
scs
__scs_entry_jumppad:
0x0: {  	(pc) =	sbr.rel $0x88, $3  }
0x1: {  	(tag) =	ssettag $0x0;
	lr =	simm.s32 $0x1  }
0x2: {  	[smem:$0x3F9B] =	sst lr;
	_ =	strace $0xD0000000  }
0x3: {  	_ = 	snop  }
0x4: {  	_ = 	snop  }
0x5: {  	_ = 	snop  }
0x6: {  	_ = 	snop  }
0x7: {  	_ = 	snop  }
__scs_overlays_trampoline_lowered:
0x8: {  	[smem:$0x3FAA] =	sst s0  }
0x9: {  	[smem:$0x3FAB] =	sst s1  }
0xa: {  	[smem:$0x3FAC] =	sst s2  }
0xb: {  	[smem:$0x3FAD] =	sst s3  }
0xc: {  	[smem:$0x3FAE] =	sst s4  }
0xd: {  	[smem:$0x3FAF] =	sst s5  }
0xe: {  	[smem:$0x3FB0] =	sst s6  }
0xf: {  	[smem:$0x3FB1] =	sst s7  }
0x10: {  	[smem:$0x3FB2] =	sst s8  }
0x11: {  	[smem:$0x3FB3] =	sst s9;
	s0 =	simm.s32 @!p0 $0x0  }
0x12: {  	s1 =	sld [smem:$0x3F99];
	s0 =	simm.s32 @p0 $0x1  }
0x13: {  	[smem:$0x3FB4] =	sst s0;
	s0 =	simm.s32 @!p1 $0x0  }
0x14: {  	s2 =	sld [smem:$0x3F98];
	s0 =	simm.s32 @p1 $0x1  }
0x15: {  	[smem:$0x3FB5] =	sst s0;
	s0 =	simm.s32 @!p2 $0x0  }
0x16: {  	s3 =	sld [smem:$0x3FDB];
	s0 =	simm.s32 @p2 $0x1  }
0x17: {  	s4 =	simm.s32 $0x1BF5;
	[smem:$0x3FB7] =	sst s0  }
0x18: {  	s0 =	sld [smem:$0x3F9A];
	_ =	swait.ge [sflag:s4], $0x0  }
0x19: {  	s7 =	sld [smem:$0x3F9B]  }
0x1a: {  	s8 =	sadd.s32 $0xFFFFE003, lr  }
0x1b: {  	s9 =	sadd.s32 $0xFFFFFEF7, lr;
	s5 =	simm.s32 $0xFFFFFFFF;
	p2 =	slt.u32 s8, $0xFFFFF086  }
0x1c: {  	p1 =	slt.u32 s9, $0xF7A;
	s5 =	simm.s32 @!p2 $0x0  }
0x1d: {  	s5 =	simm.s32 @p1 $0x1;
	p0 =	seq.s32 s7, s2  }
0x1e: {  	s7 =	smul.u32 @!p0 $0xF7A, s2;
	p2 =	seq.s32 @!p0 s5, $0x0  }
0x1f: {  	s9 =	smul.u32 $0xF7A, s1;
	s8 =	simm.s32 @!p0 $0x1BF5;
	p2 =	por !p2, p0  }
0x20: {  	[sflag:s8] =	ssyncset.s32 @!p0 $0xFFFFF086;
	s6 =	sadd.s32 @!p0 s3, s7;
	s7 =	simm.s32 @!p0 $0x108  }
0x21: {  	s3 =	sadd.s32 s3, s9;
	s6 =	sadd.s32 @!p0 $0x88, s6;
	s7 =	simm.s32 @p2 $0x1082  }
0x22: {  	[simem:s7], [sflag:s8] =	dma.local @!p0 [hbm:s6], $0xF7A  }
0x23: {  	s9 =	sor.u32 $0xD0000000, s2;
	s6 =	simm.s32 $0x108;
	_ =	swait.ge @!p0 [sflag:s8], $0x0  }
0x24: {  	s3 =	sadd.s32 $0x88, s3;
	s6 =	simm.s32 @!p1 $0x1082;
	[sflag:s4] =	ssyncset.s32 $0xFFFFF086  }
0x25: {  	[simem:s6], [sflag:s4] =	dma.local [hbm:s3], $0xF7A  }
0x26: {  	[smem:$0x3F9B] =	sst s1;
	(tag) =	ssettag s2;
	_ =	strace s9  }
0x27: {  	s1 =	sld [smem:$0x3FAB]  }
0x28: {  	s2 =	sld [smem:$0x3FAC]  }
0x29: {  	s4 =	sld [smem:$0x3FAE]  }
0x2a: {  	p0 =	seq.s32 s5, $0x0;
	s5 =	sld [smem:$0x3FAF]  }
0x2b: {  	s6 =	sld [smem:$0x3FB0]  }
0x2c: {  	s7 =	sld [smem:$0x3FB1]  }
0x2d: {  	s3 =	simm.s32 $0x108;
	s8 =	sld [smem:$0x3FB2]  }
0x2e: {  	s3 =	simm.s32 @!p0 $0x1082;
	s9 =	sld [smem:$0x3FB3]  }
0x2f: {  	lr =	sadd.s32 s0, s3;
	s0 =	sld [smem:$0x3FAA]  }
0x30: {  	s3 =	sld [smem:$0x3FAD]  }
0x31: {  	[smem:$0x3FB6] =	sst s10  }
0x32: {  	s10 =	sld [smem:$0x3FB4];
	_ =	sdelay $0x3  }
0x33: {  	p0 =	seq.s32 s10, $0x1;
	s10 =	sld [smem:$0x3FB6];
	_ =	sdelay $0x3  }
0x34: {  	[smem:$0x3FB6] =	sst s10  }
0x35: {  	s10 =	sld [smem:$0x3FB5];
	_ =	sdelay $0x3  }
0x36: {  	p1 =	seq.s32 s10, $0x1;
	s10 =	sld [smem:$0x3FB6];
	_ =	sdelay $0x3  }
0x37: {  	[smem:$0x3FB6] =	sst s10  }
0x38: {  	s10 =	sld [smem:$0x3FB7]  }
0x39: {  	_ = 	snop;
	(pc) =	sbr.ind lr, $3  }
0x3a: {  	_ = 	snop  }
0x3b: {  	_ = 	snop  }
0x3c: {  	p2 =	seq.s32 s10, $0x1;
	s10 =	sld [smem:$0x3FB6]  }
0x3d: {  	_ =	shalt  }
0x3e: {  	_ =	shalt  }
0x3f: {  	_ =	shalt  }
0x40: {  	_ =	shalt  }
0x41: {  	_ =	shalt  }
0x42: {  	_ =	shalt  }
0x43: {  	_ =	shalt  }
0x44: {  	_ =	shalt  }
0x45: {  	_ =	shalt  }
0x46: {  	_ =	shalt  }
0x47: {  	_ =	shalt  }
0x48: {  	_ =	shalt  }
0x49: {  	_ =	shalt  }
0x4a: {  	_ =	shalt  }
0x4b: {  	_ =	shalt  }
0x4c: {  	_ =	shalt  }
0x4d: {  	_ =	shalt  }
0x4e: {  	_ =	shalt  }
0x4f: {  	_ =	shalt  }
0x50: {  	_ =	shalt  }
0x51: {  	_ =	shalt  }
0x52: {  	_ =	shalt  }
0x53: {  	_ =	shalt  }
0x54: {  	_ =	shalt  }
0x55: {  	_ =	shalt  }
0x56: {  	_ =	shalt  }
0x57: {  	_ =	shalt  }
0x58: {  	_ =	shalt  }
0x59: {  	_ =	shalt  }
0x5a: {  	_ =	shalt  }
0x5b: {  	_ =	shalt  }
0x5c: {  	_ =	shalt  }
0x5d: {  	_ =	shalt  }
0x5e: {  	_ =	shalt  }
0x5f: {  	_ =	shalt  }
0x60: {  	_ =	shalt  }
0x61: {  	_ =	shalt  }
0x62: {  	_ =	shalt  }
0x63: {  	_ =	shalt  }
0x64: {  	_ =	shalt  }
0x65: {  	_ =	shalt  }
0x66: {  	_ =	shalt  }
0x67: {  	_ =	shalt  }
0x68: {  	_ =	shalt  }
0x69: {  	_ =	shalt  }
0x6a: {  	_ =	shalt  }
0x6b: {  	_ =	shalt  }
0x6c: {  	_ =	shalt  }
0x6d: {  	_ =	shalt  }
0x6e: {  	_ =	shalt  }
0x6f: {  	_ =	shalt  }
0x70: {  	_ =	shalt  }
0x71: {  	_ =	shalt  }
0x72: {  	_ =	shalt  }
0x73: {  	_ =	shalt  }
0x74: {  	_ =	shalt  }
0x75: {  	_ =	shalt  }
0x76: {  	_ =	shalt  }
0x77: {  	_ =	shalt  }
0x78: {  	_ =	shalt  }
0x79: {  	_ =	shalt  }
0x7a: {  	_ =	shalt  }
0x7b: {  	_ =	shalt  }
0x7c: {  	_ =	shalt  }
0x7d: {  	_ =	shalt  }
0x7e: {  	_ =	shalt  }
0x7f: {  	_ =	shalt  }
0x80: {  	_ =	shalt  }
0x81: {  	_ =	shalt  }
0x82: {  	_ =	shalt  }
0x83: {  	_ =	shalt  }
0x84: {  	_ =	shalt  }
0x85: {  	_ =	shalt  }
0x86: {  	_ =	shalt  }
0x87: {  	_ =	shalt  }
.Lfunc_end0:
.L_simem_size_0:
called_computation.2_lowered:
.L_overlay_start_0:
0x88: {  	s2 =	sld [smem:$0x3FD9]  }
0x89: {  	s3 =	sld [smem:$0x3FFE];
	_ =	sdelay $0x1  }
0x8a: {  	s1 =	srdreg.scid  }
0x8b: {  	s0 =	sand.u32 $0x1, s1  }
0x8c: {  	s16 =	sshll.u32 s0, $0xA;
	s2 =	sadd.s32 s3, s2  }
0x8d: {  	s2 =	sadd.s32 s2, s16  }
0x8e: {  	[smem:$0x3FC2] =	sst s2  }
0x8f: {  	_ = 	snop  }
0x90: {  	(tm) =	ssettm $0x1  }
0x91: {  	s17 =	sld [smem:$0x3FFB];
	_ =	sdelay $0x3  }
0x92: {  	_ =	strace s17  }
0x93: {  	s2 =	sld [smem:$0x3FFC];
	_ =	sdelay $0x3  }
0x94: {  	_ =	strace s2  }
0x95: {  	s2 =	sld [smem:$0x3FFD];
	_ =	sdelay $0x3  }
0x96: {  	_ =	strace s2  }
0x97: {  	_ =	strace $0x8FFFFFFF  }
0x98: {  	s18 =	sld [smem:$0x3FDB];
	_ =	sdelay $0x1  }
0x99: {  	s19 =	simm.s32 $_scs_section_size  }
0x9a: {  	s4 =	simm.s32 $_size__tile_overlayer_lowered;
	s5 =	simm.s32 $_tile_overlayer_lowered  }
0x9b: {  	s22 =	simm.s32 $0x1BFF;
	s21 =	sshll.u32 s5, $0x1;
	s2 =	sadd.s32 s19, s18  }
0x9c: {  	s6 =	simm.s32 $0x0;
	s20 =	sshll.u32 s4, $0x1;
	s4 =	sadd.s32 s21, s2  }
0x9d: {  	[timem:s6], [sflag:s22] =	dma.local [hbm:s4], s20  }
0x9e: {  	_ =	swait.ge [sflag:s22], s20  }
0x9f: {  	s3 =	ssub.s32 $0x0, s20;
	[sflag:s22] =	ssyncset.done $0x0  }
0xa0: {  	[sflag:s22] =	ssyncadd.s32 s3;
	_ =	sdelay $0x1  }
0xa1: {  	s23 =	simm.s32 $0x1B8B  }
0xa2: {  	_ =	swait.ge [sflag:s23], $0x1  }
0xa3: {  	[sflag:s23] =	ssyncset.done $0x0  }
0xa4: {  	s25 =	simm.s32 $0x1B8E;
	s24 =	sld [smem:$0x3FFE];
	[sflag:s23] =	ssyncadd.s32 $0xFFFFFFFF  }
0xa5: {  	s26 =	simm.s32 $execute0_lowered;
	[smem:$0x3FD2] =	sst s25  }
0xa6: {  	s4 =	sshll.u32 s26, $0x1;
	_ =	strace $0x8000004C;
	[dreg:$0x1] =	wrdreg $0xFFFFFFFF  }
0xa7: {  	s28 =	simm.s32 $_size_execute0_lowered;
	s2 =	sadd.s32 s2, s4;
	[dreg:$0x0] =	wrdreg $0x0  }
0xa8: {  	s4 =	sshll.u32 s28, $0x1;
	[dreg:$0x2] =	wrdreg s2  }
0xa9: {  	[dreg:$0x3] =	wrdreg s4  }
0xaa: {  	[dreg:$0x4] =	wrdreg $0xC0  }
0xab: {  	_ =	task [dreg:s6], $0x5FFFF  }
0xac: {  	[dreg:$0x1] =	wrdreg $0xFFFFFFFF  }
0xad: {  	[dreg:$0x0] =	wrdreg $0x60  }
0xae: {  	[dreg:$0x2] =	wrdreg s24  }
0xaf: {  	[dreg:$0x3] =	wrdreg $0x8A000  }
0xb0: {  	[dreg:$0x4] =	wrdreg $0x9  }
0xb1: {  	_ =	task.clear_ibuf [dreg:s6], $0x5FFFF;
	_ =	strace $0x9000004C  }
0xb2: {  	s29 =	simm.s32 $0x9;
	_ =	strace $0x8000004E  }
0xb3: {  	_ =	swait.ge [sflag:s29], $0x1  }
0xb4: {  	[sflag:s29] =	ssyncadd.s32 $0xFFFFFFFF  }
0xb5: {  	_ =	strace $0x9000004E  }
0xb6: {  	_ =	sfence  }
0xb7: {  	s30 =	sld [smem:$0x0];
	_ =	sdelay $0x2  }
0xb8: {  	s31 =	sshll.u32 s1, $0xD;
	s1 =	sshrl.u32 s1, $0x2  }
0xb9: {  	s3 =	sand.u32 $0x4000, s31;
	s1 =	sadd.s32 s1, s30  }
0xba: {  	s0 =	sor.u32 s3, s0;
	s1 =	sshll.u32 s1, $0x11  }
0xbb: {  	s0 =	sor.u32 s1, s0  }
0xbc: {  	s0 =	sadd.s32 $0x8F2B, s0  }
0xbd: {  	[sflag:s0] =	ssyncadd.remote.s32 $0x1  }
0xbe: {  	_ =	sfence.sel $0xFFFF  }
0xbf: {  	[dreg:$0x0] =	wrdreg $0xFFFFFFFF;
	(pc) =	sbr.abs _section_cstart, $3  }
0xc0: {  	[dreg:$0x1] =	wrdreg $0xFFFFFFFF  }
0xc1: {  	_ =	task.clear_ibuf [dreg:s6], $0x2FFFF;
	_ =	strace $0x9FFFFFFF  }
0xc2: {  	(tm) =	ssettm $0x7FFFFFFF  }
0xc3: {  	_ =	shalt  }
tec
execute0_lowered:
.L_overlay_start_1:
0x0: {  	(tag) =	ssettag $0x1  }
0x1: {  	s0 =	srdreg.scid;
	s1 =	rddreg [dreg:$0x0]  }
0x2: {  	s2 =	rddreg [dreg:$0x1];
	s7 =	stileid.u32  }
0x3: {  	s4 =	simm.s32 $0x0;
	s15 =	simm.s32 $0x10;
	s18 =	simm.s32 $0x9  }
0x4: {  	s19 =	simm.s32 $0x3000;
	s20 =	simm.s32 $0x8000;
	s21 =	simm.s32 $0x80  }
0x5: {  	s30 =	simm.s32 $0x7800;
	s31 =	simm.s32 $0x3;
	s28 =	simm.s32 $0x4  }
0x6: {  	s29 =	simm.s32 $0x1;
	s0 =	sand.u32 $0x1, s0;
	[smem:$0x7FF] =	sst s4  }
0x7: {  	s4 =	sadd.s32 $0xDA00, s1;
	s11 =	smul.u32 $0x2800, s7;
	s3 =	sshll.u32 s0, $0x4  }
0x8: {  	_ =	strace $0x8000004D;
	s5 =	ssub.s32 $0x2, s0;
	p0 =	seq.s32 s0, $0x0  }
0x9: {  	s0 =	smul.u32 $0x28000, s0;
	s3 =	sor.u32 s7, s3;
	s6 =	sshrl.u32 s5, $0x1  }
0xa: {  	s7 =	sadd.s32 s11, s2;
	s23 =	sadd.s32 $0xA00, s11;
	s24 =	sadd.s32 $0x1400, s11  }
0xb: {  	s12 =	sadd.s32 $0x1E00, s11;
	s15 =	simm.s32 @!p0 $0x18;
	s3 =	smul.u32 $0x600, s3  }
0xc: {  	s5 =	ssub.s32 s5, s6;
	s8 =	sadd.s32 s23, s2;
	s9 =	sadd.s32 s24, s2  }
0xd: {  	s10 =	sadd.s32 s12, s2;
	s11 =	sadd.s32 s11, s0;
	s13 =	sadd.s32 $0xFFFFFFFF, s15  }
0xe: {  	s6 =	sadd.s32 s0, s24;
	s26 =	sshll.u32 s15, $0xB;
	s24 =	simm.s32 $0x7  }
0xf: {  	[dreg:$0x5] =	wrdreg s13;
	s11 =	sshrl.u32 s11, $0x3;
	s25 =	sshrl.u32 s6, $0x3  }
0x10: {  	s16 =	smax.u32 s5, $0x1;
	s17 =	sadd.s32 $0xFFFFF000, s26;
	s3 =	sadd.s32 s3, s1  }
0x11: {  	s26 =	simm.s32 $0x2;
	s5 =	simm.s32 $0x0;
	s22 =	sadd.s32 $0x17A00, s3  }
0x12: {  	s1 =	sadd.s32 $0x23A00, s1;
	s3 =	sadd.s32 $0x1A00, s3;
	[dreg:$0x3] =	wrdreg s22  }
0x13: {  	s11 =	sadd.s32 s1, s11;
	[dreg:$0x4] =	wrdreg s3;
	s3 =	sadd.s32 s0, s23  }
0x14: {  	[dreg:$0x6] =	wrdreg s11;
	s0 =	sadd.s32 s0, s12;
	s22 =	simm.s32 $0x6000  }
0x15: {  	s23 =	simm.s32 $0x6800;
	s3 =	sshrl.u32 s3, $0x3;
	s0 =	sshrl.u32 s0, $0x3  }
0x16: {  	s3 =	sadd.s32 s1, s3;
	s15 =	sadd.s32 s1, s0;
	s0 =	simm.s32 $0x6  }
0x17: {  	[dreg:$0x7] =	wrdreg s3;
	s3 =	sadd.s32 s1, s25;
	s25 =	simm.s32 $0x7000  }
0x18: {  	v0 =	vimm.f32 $0.0e+00;
	s1 =	simm.s32 $0x5;
	[dreg:$0x8] =	wrdreg s3;
	s3 =	simm.s32 $0x8  }
.LBB2_1:
0x19: {  	s6 =	simm.s32 $0x0;
	s11 =	rddreg [dreg:$0x3]  }
0x1a: {  	[tilespmem:s6], [sflag:$0x9] =	stream.linear.gather [hbm4b:s11+s6], $0x3000, $0x38;
	[tilespmem:$0xB200] =	vst v63  }
0x1b: {  	_ =	swait.ge [sflag:s18], $0x3000  }
0x1c: {  	[sflag:s18] =	ssyncset.done $0x0  }
0x1d: {  	s14 =	rddreg [dreg:$0x4];
	[sflag:s18] =	ssyncadd.s32 $0xFFFFD000  }
0x1e: {  	[tilespmem:s19], [sflag:$0x9] =	stream.linear.gather [hbm4b:s14+s6], $0x3000, $0x38;
	[tilespmem:$0xB200] =	vst v63  }
0x1f: {  	_ =	swait.ge [sflag:s18], $0x3000  }
0x20: {  	[sflag:s18] =	ssyncset.done $0x0  }
0x21: {  	s11 =	simm.s32 $0x0;
	s6 =	simm.s32 $0x40;
	[sflag:s18] =	ssyncadd.s32 $0xFFFFD000  }
.LBB2_2:
0x22: {  	p0 =	sne.s32 s6, $0x27C0;
	[tilespmem:s11+$0x8000] =	vst v0;
	s11 =	smov.u32 s6;
	s6 =	sadd.s32 $0x40, s6  }
.Ltmp0:
0x23: {  	(pc) =	sbr.rel @p0 .LBB2_2-.Ltmp0, $2  }
0x24: {  	_ =	sdelay $0x2  }
0x25: {  	s11 =	sshra.s32 s11, $0x2  }
0x26: {  	[tilespmem:s11+$0x8000] =	vst v0  }
0x27: {  	[spmem:s7] =	stream.linear.scatter [tilespmem:s20], [sflag:$0x9], $0xA00, $0x38;
	[tilespmem:$0xB200] =	vst v63  }
0x28: {  	_ =	swait.ge [sflag:s18], $0xA00  }
0x29: {  	[sflag:s18] =	ssyncset.done $0x0  }
0x2a: {  	[sflag:s18] =	ssyncadd.s32 $0xFFFFF600  }
0x2b: {  	[spmem:s8] =	stream.linear.scatter [tilespmem:s20], [sflag:$0x9], $0xA00, $0x38;
	[tilespmem:$0xB200] =	vst v63  }
0x2c: {  	_ =	swait.ge [sflag:s18], $0xA00  }
0x2d: {  	[sflag:s18] =	ssyncset.done $0x0  }
0x2e: {  	[sflag:s18] =	ssyncadd.s32 $0xFFFFF600  }
0x2f: {  	[spmem:s9] =	stream.linear.scatter [tilespmem:s20], [sflag:$0x9], $0xA00, $0x38;
	[tilespmem:$0xB200] =	vst v63  }
0x30: {  	_ =	swait.ge [sflag:s18], $0xA00  }
0x31: {  	[sflag:s18] =	ssyncset.done $0x0  }
0x32: {  	[sflag:s18] =	ssyncadd.s32 $0xFFFFF600  }
0x33: {  	[spmem:s10] =	stream.linear.scatter [tilespmem:s20], [sflag:$0x9], $0xA00, $0x38;
	[tilespmem:$0xB200] =	vst v63  }
0x34: {  	_ =	swait.ge [sflag:s18], $0xA00  }
0x35: {  	[sflag:s18] =	ssyncset.done $0x0  }
0x36: {  	[sflag:s18] =	ssyncadd.s32 $0xFFFFF600  }
0x37: {  	s6 =	simm.s32 $0x0;
	[bflag:$0x0] =	sbarrier.arrive $0xFFFF  }
0x38: {  	[tilespmem:s22], [sflag:$0x1] =	stream.indirect.gather [hbm4b:s4+s21], $0x10, s6, s21, $0xb8;
	[tilespmem:$0xB200] =	vst v63  }
0x39: {  	s12 =	simm.s32 $0x1  }
0x3a: {  	[tilespmem:s23], [sflag:$0x2] =	stream.indirect.gather [hbm4b:s4+s21], $0x10, s21, s21, $0xb8;
	[tilespmem:$0xB200] =	vst v63  }
0x3b: {  	_ =	swait.ge [sflag:s12], $0x800  }
0x3c: {  	[sflag:s12] =	ssyncset.done $0x0  }
0x3d: {  	[sflag:s12] =	ssyncadd.s32 $0xFFFFF800  }
0x3e: {  	[spmem:s2] =	stream.indirect.scatter.add.f32 [tilespmem:s22], [sflag:$0x5], $0x10, s19, s21, $0xb8;
	[tilespmem:$0xB200] =	vst v63  }
0x3f: {  	s13 =	simm.s32 $0x100  }
0x40: {  	[tilespmem:s25], [sflag:$0x3] =	stream.indirect.gather [hbm4b:s4+s21], $0x10, s13, s21, $0xb8;
	[tilespmem:$0xB200] =	vst v63  }
0x41: {  	_ =	swait.ge [sflag:s26], $0x800  }
0x42: {  	[sflag:s26] =	ssyncset.done $0x0  }
0x43: {  	s14 =	simm.s32 $0x3080;
	[sflag:s26] =	ssyncadd.s32 $0xFFFFF800  }
0x44: {  	[spmem:s2] =	stream.indirect.scatter.add.f32 [tilespmem:s23], [sflag:$0x6], $0x10, s14, s21, $0xb8;
	[tilespmem:$0xB200] =	vst v63  }
0x45: {  	s11 =	simm.s32 $0x180  }
0x46: {  	[tilespmem:s30], [sflag:$0x4] =	stream.indirect.gather [hbm4b:s4+s21], $0x10, s11, s21, $0xb8;
	[tilespmem:$0xB200] =	vst v63  }
0x47: {  	_ =	swait.ge [sflag:s31], $0x800  }
0x48: {  	[sflag:s31] =	ssyncset.done $0x0  }
0x49: {  	s12 =	simm.s32 $0x3100;
	[sflag:s31] =	ssyncadd.s32 $0xFFFFF800  }
0x4a: {  	[spmem:s2] =	stream.indirect.scatter.add.f32 [tilespmem:s25], [sflag:$0x7], $0x10, s12, s21, $0xb8;
	[tilespmem:$0xB200] =	vst v63  }
0x4b: {  	_ =	swait.ge [sflag:s1], $0x800  }
0x4c: {  	[sflag:s1] =	ssyncset.done $0x0  }
0x4d: {  	s13 =	simm.s32 $0x200;
	[sflag:s1] =	ssyncadd.s32 $0xFFFFF800  }
0x4e: {  	[tilespmem:s22], [sflag:$0x1] =	stream.indirect.gather [hbm4b:s4+s21], $0x10, s13, s21, $0xb8;
	[tilespmem:$0xB200] =	vst v63  }
0x4f: {  	_ =	swait.ge [sflag:s28], $0x800  }
0x50: {  	[sflag:s28] =	ssyncset.done $0x0  }
0x51: {  	s14 =	simm.s32 $0x3180;
	[sflag:s28] =	ssyncadd.s32 $0xFFFFF800  }
0x52: {  	[spmem:s2] =	stream.indirect.scatter.add.f32 [tilespmem:s30], [sflag:$0x8], $0x10, s14, s21, $0xb8;
	[tilespmem:$0xB200] =	vst v63  }
0x53: {  	_ =	swait.ge [sflag:s0], $0x800  }
0x54: {  	[sflag:s0] =	ssyncset.done $0x0  }
0x55: {  	s11 =	simm.s32 $0x280;
	[sflag:s0] =	ssyncadd.s32 $0xFFFFF800  }
0x56: {  	[tilespmem:s23], [sflag:$0x2] =	stream.indirect.gather [hbm4b:s4+s21], $0x10, s11, s21, $0xb8;
	[tilespmem:$0xB200] =	vst v63  }
0x57: {  	_ =	swait.ge [sflag:s29], $0x800  }
0x58: {  	[sflag:s29] =	ssyncset.done $0x0  }
0x59: {  	s12 =	simm.s32 $0x3200;
	[sflag:s29] =	ssyncadd.s32 $0xFFFFF800  }
0x5a: {  	[spmem:s2] =	stream.indirect.scatter.add.f32 [tilespmem:s22], [sflag:$0x5], $0x10, s12, s21, $0xb8;
	[tilespmem:$0xB200] =	vst v63  }
0x5b: {  	_ =	swait.ge [sflag:s24], $0x800  }
0x5c: {  	[sflag:s24] =	ssyncset.done $0x0  }
0x5d: {  	s13 =	simm.s32 $0x300;
	[sflag:s24] =	ssyncadd.s32 $0xFFFFF800  }
0x5e: {  	[tilespmem:s25], [sflag:$0x3] =	stream.indirect.gather [hbm4b:s4+s21], $0x10, s13, s21, $0xb8;
	[tilespmem:$0xB200] =	vst v63  }
0x5f: {  	_ =	swait.ge [sflag:s26], $0x800  }
0x60: {  	[sflag:s26] =	ssyncset.done $0x0  }
0x61: {  	s14 =	simm.s32 $0x3280;
	[sflag:s26] =	ssyncadd.s32 $0xFFFFF800  }
0x62: {  	[spmem:s2] =	stream.indirect.scatter.add.f32 [tilespmem:s23], [sflag:$0x6], $0x10, s14, s21, $0xb8;
	[tilespmem:$0xB200] =	vst v63  }
0x63: {  	_ =	swait.ge [sflag:s3], $0x800  }
0x64: {  	[sflag:s3] =	ssyncset.done $0x0  }
0x65: {  	s11 =	simm.s32 $0x380;
	[sflag:s3] =	ssyncadd.s32 $0xFFFFF800  }
0x66: {  	[tilespmem:s30], [sflag:$0x4] =	stream.indirect.gather [hbm4b:s4+s21], $0x10, s11, s21, $0xb8;
	[tilespmem:$0xB200] =	vst v63  }
0x67: {  	_ =	swait.ge [sflag:s31], $0x800  }
0x68: {  	[sflag:s31] =	ssyncset.done $0x0  }
0x69: {  	s12 =	simm.s32 $0x3300;
	[sflag:s31] =	ssyncadd.s32 $0xFFFFF800  }
0x6a: {  	[spmem:s2] =	stream.indirect.scatter.add.f32 [tilespmem:s25], [sflag:$0x7], $0x10, s12, s21, $0xb8;
	[tilespmem:$0xB200] =	vst v63  }
0x6b: {  	_ =	swait.ge [sflag:s1], $0x800  }
0x6c: {  	[sflag:s1] =	ssyncset.done $0x0  }
0x6d: {  	s13 =	simm.s32 $0x400;
	[sflag:s1] =	ssyncadd.s32 $0xFFFFF800  }
0x6e: {  	[tilespmem:s22], [sflag:$0x1] =	stream.indirect.gather [hbm4b:s4+s21], $0x10, s13, s21, $0xb8;
	[tilespmem:$0xB200] =	vst v63  }
0x6f: {  	_ =	swait.ge [sflag:s28], $0x800  }
0x70: {  	p0 =	sne.s32 s17, $0x800;
	[sflag:s28] =	ssyncset.done $0x0  }
.Ltmp1:
0x71: {  	s14 =	simm.s32 $0x3380;
	[sflag:s28] =	ssyncadd.s32 $0xFFFFF800;
	(pc) =	sbr.rel @!p0 .LBB2_5-.Ltmp1, $4  }
0x72: {  	[spmem:s2] =	stream.indirect.scatter.add.f32 [tilespmem:s30], [sflag:$0x8], $0x10, s14, s21, $0xb8;
	[tilespmem:$0xB200] =	vst v63  }
0x73: {  	_ =	swait.ge [sflag:s0], $0x800  }
0x74: {  	s6 =	simm.s32 $0x800;
	[sflag:s0] =	ssyncset.done $0x0  }
0x75: {  	s11 =	simm.s32 $0x2;
	s12 =	simm.s32 $0x480;
	[sflag:s0] =	ssyncadd.s32 $0xFFFFF800  }
.LBB2_4:
0x76: {  	[tilespmem:s23], [sflag:$0x2] =	stream.indirect.gather [hbm4b:s4+s21], $0x10, s12, s21, $0xb8;
	[tilespmem:$0xB200] =	vst v63  }
0x77: {  	s12 =	smov.u32 s6;
	s6 =	sadd.s32 $0x800, s6;
	_ =	swait.ge [sflag:s29], $0x800  }
0x78: {  	s12 =	sshra.s32 s12, $0x2;
	p0 =	sne.s32 s17, s6;
	[sflag:s29] =	ssyncset.done $0x0  }
0x79: {  	s13 =	sadd.s32 $0x3200, s12;
	[sflag:s29] =	ssyncadd.s32 $0xFFFFF800  }
0x7a: {  	[spmem:s2] =	stream.indirect.scatter.add.f32 [tilespmem:s22], [sflag:$0x5], $0x10, s13, s21, $0xb8;
	[tilespmem:$0xB200] =	vst v63  }
0x7b: {  	_ =	swait.ge [sflag:s24], $0x800  }
0x7c: {  	[sflag:s24] =	ssyncset.done $0x0  }
0x7d: {  	s13 =	sadd.s32 $0x300, s12;
	[sflag:s24] =	ssyncadd.s32 $0xFFFFF800  }
0x7e: {  	[tilespmem:s25], [sflag:$0x3] =	stream.indirect.gather [hbm4b:s4+s21], $0x10, s13, s21, $0xb8;
	[tilespmem:$0xB200] =	vst v63  }
0x7f: {  	_ =	swait.ge [sflag:s26], $0x800  }
0x80: {  	[sflag:s26] =	ssyncset.done $0x0  }
0x81: {  	s13 =	sadd.s32 $0x3280, s12;
	[sflag:s26] =	ssyncadd.s32 $0xFFFFF800  }
0x82: {  	[spmem:s2] =	stream.indirect.scatter.add.f32 [tilespmem:s23], [sflag:$0x6], $0x10, s13, s21, $0xb8;
	[tilespmem:$0xB200] =	vst v63  }
0x83: {  	_ =	swait.ge [sflag:s3], $0x800  }
0x84: {  	[sflag:s3] =	ssyncset.done $0x0  }
0x85: {  	s13 =	sadd.s32 $0x380, s12;
	[sflag:s3] =	ssyncadd.s32 $0xFFFFF800  }
0x86: {  	[tilespmem:s30], [sflag:$0x4] =	stream.indirect.gather [hbm4b:s4+s21], $0x10, s13, s21, $0xb8;
	[tilespmem:$0xB200] =	vst v63  }
0x87: {  	_ =	swait.ge [sflag:s31], $0x800  }
0x88: {  	[sflag:s31] =	ssyncset.done $0x0  }
0x89: {  	s13 =	sadd.s32 $0x3300, s12;
	[sflag:s31] =	ssyncadd.s32 $0xFFFFF800  }
0x8a: {  	[spmem:s2] =	stream.indirect.scatter.add.f32 [tilespmem:s25], [sflag:$0x7], $0x10, s13, s21, $0xb8;
	[tilespmem:$0xB200] =	vst v63  }
0x8b: {  	_ =	swait.ge [sflag:s1], $0x800  }
0x8c: {  	[sflag:s1] =	ssyncset.done $0x0  }
0x8d: {  	s13 =	sadd.s32 $0x400, s12;
	[sflag:s1] =	ssyncadd.s32 $0xFFFFF800  }
0x8e: {  	[tilespmem:s22], [sflag:$0x1] =	stream.indirect.gather [hbm4b:s4+s21], $0x10, s13, s21, $0xb8;
	[tilespmem:$0xB200] =	vst v63  }
0x8f: {  	_ =	swait.ge [sflag:s28], $0x800  }
0x90: {  	[sflag:s28] =	ssyncset.done $0x0  }
.Ltmp2:
0x91: {  	s13 =	sadd.s32 $0x3380, s12;
	[sflag:s28] =	ssyncadd.s32 $0xFFFFF800;
	(pc) =	sbr.rel @p0 .LBB2_4-.Ltmp2, $4  }
0x92: {  	[spmem:s2] =	stream.indirect.scatter.add.f32 [tilespmem:s30], [sflag:$0x8], $0x10, s13, s21, $0xb8;
	[tilespmem:$0xB200] =	vst v63  }
0x93: {  	_ =	swait.ge [sflag:s0], $0x800  }
0x94: {  	[sflag:s0] =	ssyncset.done $0x0  }
0x95: {  	s11 =	sadd.s32 $0x1, s11;
	s12 =	sadd.s32 $0x480, s12;
	[sflag:s0] =	ssyncadd.s32 $0xFFFFF800  }
.LBB2_5:
0x96: {  	[tilespmem:s23], [sflag:$0x2] =	stream.indirect.gather [hbm4b:s4+s21], $0x10, s12, s21, $0xb8;
	[tilespmem:$0xB200] =	vst v63  }
0x97: {  	_ =	swait.ge [sflag:s29], $0x800  }
0x98: {  	s12 =	sshra.s32 s6, $0x2;
	[sflag:s29] =	ssyncset.done $0x0  }
0x99: {  	s13 =	sadd.s32 $0x3200, s12;
	[sflag:s29] =	ssyncadd.s32 $0xFFFFF800  }
0x9a: {  	[spmem:s2] =	stream.indirect.scatter.add.f32 [tilespmem:s22], [sflag:$0x5], $0x10, s13, s21, $0xb8;
	[tilespmem:$0xB200] =	vst v63  }
0x9b: {  	_ =	swait.ge [sflag:s24], $0x800  }
0x9c: {  	[sflag:s24] =	ssyncset.done $0x0  }
0x9d: {  	s14 =	sadd.s32 $0x300, s12;
	[sflag:s24] =	ssyncadd.s32 $0xFFFFF800  }
0x9e: {  	[tilespmem:s25], [sflag:$0x3] =	stream.indirect.gather [hbm4b:s4+s21], $0x10, s14, s21, $0xb8;
	[tilespmem:$0xB200] =	vst v63  }
0x9f: {  	_ =	swait.ge [sflag:s26], $0x800  }
0xa0: {  	[sflag:s26] =	ssyncset.done $0x0  }
0xa1: {  	s14 =	sadd.s32 $0x3280, s12;
	[sflag:s26] =	ssyncadd.s32 $0xFFFFF800  }
0xa2: {  	[spmem:s2] =	stream.indirect.scatter.add.f32 [tilespmem:s23], [sflag:$0x6], $0x10, s14, s21, $0xb8;
	[tilespmem:$0xB200] =	vst v63  }
0xa3: {  	_ =	swait.ge [sflag:s3], $0x800  }
0xa4: {  	[sflag:s3] =	ssyncset.done $0x0  }
0xa5: {  	s14 =	sadd.s32 $0x380, s12;
	[sflag:s3] =	ssyncadd.s32 $0xFFFFF800  }
0xa6: {  	[tilespmem:s30], [sflag:$0x4] =	stream.indirect.gather [hbm4b:s4+s21], $0x10, s14, s21, $0xb8;
	[tilespmem:$0xB200] =	vst v63  }
0xa7: {  	_ =	swait.ge [sflag:s31], $0x800  }
0xa8: {  	[sflag:s31] =	ssyncset.done $0x0;
	s14 =	rddreg [dreg:$0x5]  }
0xa9: {  	s12 =	sadd.s32 $0x3300, s12;
	[sflag:s31] =	ssyncadd.s32 $0xFFFFF800;
	p0 =	slt.u32 s11, s14  }
0xaa: {  	[spmem:s2] =	stream.indirect.scatter.add.f32 [tilespmem:s25], [sflag:$0x7], $0x10, s12, s21, $0xb8;
	[tilespmem:$0xB200] =	vst v63  }
0xab: {  	s11 =	simm.s32 @p0 $0x5  }
0xac: {  	_ =	swait.ge @p0 [sflag:s11], $0x800  }
0xad: {  	[sflag:s11] =	ssyncset.done @p0 $0x0  }
0xae: {  	[sflag:s11] =	ssyncadd.s32 @p0 $0xFFFFF800;
	s11 =	sshra.s32 @p0 s6, $0x2  }
0xaf: {  	s13 =	simm.s32 @p0 $0x80;
	s14 =	simm.s32 @p0 $0x6000;
	s12 =	sadd.s32 @p0 $0x400, s11  }
0xb0: {  	[tilespmem:s14], [sflag:$0x1] =	stream.indirect.gather @p0 [hbm4b:s4+s13], $0x10, s12, s13, $0xb8;
	[tilespmem:$0xB200] =	vst v63  }
0xb1: {  	s12 =	simm.s32 @p0 $0x4  }
0xb2: {  	_ =	swait.ge @p0 [sflag:s12], $0x800  }
0xb3: {  	[sflag:s12] =	ssyncset.done @p0 $0x0  }
0xb4: {  	s14 =	simm.s32 @p0 $0x7800;
	[sflag:s12] =	ssyncadd.s32 @p0 $0xFFFFF800;
	s12 =	sadd.s32 @p0 $0x3380, s11  }
0xb5: {  	[spmem:s2] =	stream.indirect.scatter.add.f32 @p0 [tilespmem:s14], [sflag:$0x8], $0x10, s12, s13, $0xb8;
	[tilespmem:$0xB200] =	vst v63  }
0xb6: {  	s12 =	simm.s32 @p0 $0x6  }
0xb7: {  	_ =	swait.ge @p0 [sflag:s12], $0x800  }
0xb8: {  	[sflag:s12] =	ssyncset.done @p0 $0x0  }
0xb9: {  	s11 =	sadd.s32 @p0 $0x480, s11;
	[sflag:s12] =	ssyncadd.s32 @p0 $0xFFFFF800;
	s12 =	simm.s32 @p0 $0x6800  }
0xba: {  	[tilespmem:s12], [sflag:$0x2] =	stream.indirect.gather @p0 [hbm4b:s4+s13], $0x10, s11, s13, $0xb8;
	[tilespmem:$0xB200] =	vst v63  }
0xbb: {  	s11 =	simm.s32 @!p0 $0x4  }
0xbc: {  	s6 =	sshra.s32 @!p0 s6, $0x2;
	_ =	swait.ge @!p0 [sflag:s11], $0x800  }
0xbd: {  	s6 =	sadd.s32 @!p0 $0x3380, s6;
	[sflag:s11] =	ssyncset.done @!p0 $0x0  }
0xbe: {  	s12 =	simm.s32 @!p0 $0x7800;
	[sflag:s11] =	ssyncadd.s32 @!p0 $0xFFFFF800;
	s11 =	simm.s32 @!p0 $0x80  }
0xbf: {  	[spmem:s2] =	stream.indirect.scatter.add.f32 @!p0 [tilespmem:s12], [sflag:$0x8], $0x10, s6, s11, $0xb8;
	[tilespmem:$0xB200] =	vst v63  }
0xc0: {  	_ =	swait.ge [sflag:s1], $0x800  }
0xc1: {  	[sflag:s1] =	ssyncset.done $0x0  }
0xc2: {  	[sflag:s1] =	ssyncadd.s32 $0xFFFFF800  }
0xc3: {  	_ =	swait.ge [sflag:s0], $0x800  }
0xc4: {  	[sflag:s0] =	ssyncset.done $0x0  }
0xc5: {  	[sflag:s0] =	ssyncadd.s32 $0xFFFFF800  }
0xc6: {  	_ =	swait.ge [sflag:s24], $0x800  }
0xc7: {  	[sflag:s24] =	ssyncset.done $0x0  }
0xc8: {  	[sflag:s24] =	ssyncadd.s32 $0xFFFFF800  }
0xc9: {  	_ =	swait.ge [sflag:s3], $0x800  }
0xca: {  	[sflag:s3] =	ssyncset.done $0x0  }
0xcb: {  	s12 =	stileid.u32;
	[sflag:s3] =	ssyncadd.s32 $0xFFFFF800  }
0xcc: {  	s6 =	sshll.u32 s12, $0x6;
	[bflag:$0x0] =	sbarrier.arrive $0xFFFF  }
0xcd: {  	s13 =	sshrl.u32 s7, $0x3;
	s6 =	sor.u32 $0x1C09, s6;
	s14 =	rddreg [dreg:$0x6]  }
0xce: {  	[hbm:s14], [sflag:s6] =	dma.local [spmem:s13], $0x140  }
0xcf: {  	_ =	swait.ge [sflag:s18], $0x140  }
0xd0: {  	[sflag:s18] =	ssyncset.done $0x0  }
0xd1: {  	s13 =	sshrl.u32 s8, $0x3;
	s14 =	rddreg [dreg:$0x7];
	[sflag:s18] =	ssyncadd.s32 $0xFFFFFEC0  }
0xd2: {  	[hbm:s14], [sflag:s6] =	dma.local [spmem:s13], $0x140  }
0xd3: {  	_ =	swait.ge [sflag:s18], $0x140  }
0xd4: {  	[sflag:s18] =	ssyncset.done $0x0  }
0xd5: {  	s12 =	sshrl.u32 s9, $0x3;
	s13 =	rddreg [dreg:$0x8];
	[sflag:s18] =	ssyncadd.s32 $0xFFFFFEC0  }
0xd6: {  	[hbm:s13], [sflag:s6] =	dma.local [spmem:s12], $0x140  }
0xd7: {  	s5 =	sadd.s32 $0x1, s5;
	_ =	swait.ge [sflag:s18], $0x140  }
0xd8: {  	p0 =	sne.s32 s5, s16;
	[sflag:s18] =	ssyncset.done $0x0  }
.Ltmp3:
0xd9: {  	s14 =	sshrl.u32 s10, $0x3;
	[sflag:s18] =	ssyncadd.s32 $0xFFFFFEC0;
	(pc) =	sbr.rel @p0 .LBB2_1-.Ltmp3, $4  }
0xda: {  	[hbm:s15], [sflag:s6] =	dma.local [spmem:s14], $0x140  }
0xdb: {  	_ =	swait.ge [sflag:s18], $0x140  }
0xdc: {  	[sflag:s18] =	ssyncset.done $0x0  }
0xdd: {  	[sflag:s18] =	ssyncadd.s32 $0xFFFFFEC0  }
0xde: {  	_ =	sfence.sel $0x180000  }
0xdf: {  	[bflag:$0x0] =	sbarrier.arrive $0xFFFF  }
0xe0: {  	_ =	strace $0x9000004D  }
0xe1: {  	s0 =	stileid.u32;
	[bflag:$0x2] =	sbarrier.arrive $0xFFFF  }
0xe2: {  	p0 =	sne.s32 s0, $0x0;
	s0 =	rddreg [dreg:$0x2]  }
0xe3: {  	s0 =	sadd.s32 @!p0 $0x100000, s0  }
0xe4: {  	[sflag:s0] =	ssyncadd.tile.s32 @!p0 $0x1;
	_ =	shalt  }
.Lfunc_end2:
_tile_overlayer_lowered:
.L_overlay_start_2:
0xe5: {  	(tag) =	ssettag $0x2  }
0xe6: {  	s0 =	rddreg [dreg:$0x0];
	s2 =	stileid.u32  }
0xe7: {  	s1 =	rddreg [dreg:$0x1];
	p0 =	sne.s32 s2, $0x0  }
0xe8: {  	s3 =	rddreg [dreg:$0x2];
	[bflag:$0x3] =	sbarrier.arrive $0xFFFF;
	s2 =	simm.s32 @!p0 $0x1C09  }
0xe9: {  	[timem:s3], [sflag:s2] =	dma.local @!p0 [hbm:s0], s1  }
0xea: {  	s0 =	simm.s32 @!p0 $0x9  }
0xeb: {  	_ =	swait.ge @!p0 [sflag:s0], s1  }
0xec: {  	s1 =	ssub.s32 @!p0 $0x0, s1;
	[sflag:s0] =	ssyncset.done @!p0 $0x0  }
0xed: {  	[sflag:s0] =	ssyncadd.s32 @!p0 s1  }
0xee: {  	[bflag:$0x3] =	sbarrier.arrive $0xFFFF  }
0xef: {  	_ =	shalt  }

// kernel: kernel.8.cloned.1.call-start
scs
__scs_entry_jumppad:
0x0: {  	(pc) =	sbr.rel $0x88, $3  }
0x1: {  	(tag) =	ssettag $0x0;
	lr =	simm.s32 $0x1  }
0x2: {  	[smem:$0x3F9B] =	sst lr;
	_ =	strace $0xD0000000  }
0x3: {  	_ = 	snop  }
0x4: {  	_ = 	snop  }
0x5: {  	_ = 	snop  }
0x6: {  	_ = 	snop  }
0x7: {  	_ = 	snop  }
__scs_overlays_trampoline_lowered:
0x8: {  	[smem:$0x3FAA] =	sst s0  }
0x9: {  	[smem:$0x3FAB] =	sst s1  }
0xa: {  	[smem:$0x3FAC] =	sst s2  }
0xb: {  	[smem:$0x3FAD] =	sst s3  }
0xc: {  	[smem:$0x3FAE] =	sst s4  }
0xd: {  	[smem:$0x3FAF] =	sst s5  }
0xe: {  	[smem:$0x3FB0] =	sst s6  }
0xf: {  	[smem:$0x3FB1] =	sst s7  }
0x10: {  	[smem:$0x3FB2] =	sst s8  }
0x11: {  	[smem:$0x3FB3] =	sst s9;
	s0 =	simm.s32 @!p0 $0x0  }
0x12: {  	s1 =	sld [smem:$0x3F99];
	s0 =	simm.s32 @p0 $0x1  }
0x13: {  	[smem:$0x3FB4] =	sst s0;
	s0 =	simm.s32 @!p1 $0x0  }
0x14: {  	s2 =	sld [smem:$0x3F98];
	s0 =	simm.s32 @p1 $0x1  }
0x15: {  	[smem:$0x3FB5] =	sst s0;
	s0 =	simm.s32 @!p2 $0x0  }
0x16: {  	s3 =	sld [smem:$0x3FDB];
	s0 =	simm.s32 @p2 $0x1  }
0x17: {  	s4 =	simm.s32 $0x1BF5;
	[smem:$0x3FB7] =	sst s0  }
0x18: {  	s0 =	sld [smem:$0x3F9A];
	_ =	swait.ge [sflag:s4], $0x0  }
0x19: {  	s7 =	sld [smem:$0x3F9B]  }
0x1a: {  	s8 =	sadd.s32 $0xFFFFE003, lr  }
0x1b: {  	s9 =	sadd.s32 $0xFFFFFEF7, lr;
	s5 =	simm.s32 $0xFFFFFFFF;
	p2 =	slt.u32 s8, $0xFFFFF086  }
0x1c: {  	p1 =	slt.u32 s9, $0xF7A;
	s5 =	simm.s32 @!p2 $0x0  }
0x1d: {  	s5 =	simm.s32 @p1 $0x1;
	p0 =	seq.s32 s7, s2  }
0x1e: {  	s7 =	smul.u32 @!p0 $0xF7A, s2;
	p2 =	seq.s32 @!p0 s5, $0x0  }
0x1f: {  	s9 =	smul.u32 $0xF7A, s1;
	s8 =	simm.s32 @!p0 $0x1BF5;
	p2 =	por !p2, p0  }
0x20: {  	[sflag:s8] =	ssyncset.s32 @!p0 $0xFFFFF086;
	s6 =	sadd.s32 @!p0 s3, s7;
	s7 =	simm.s32 @!p0 $0x108  }
0x21: {  	s3 =	sadd.s32 s3, s9;
	s6 =	sadd.s32 @!p0 $0x88, s6;
	s7 =	simm.s32 @p2 $0x1082  }
0x22: {  	[simem:s7], [sflag:s8] =	dma.local @!p0 [hbm:s6], $0xF7A  }
0x23: {  	s9 =	sor.u32 $0xD0000000, s2;
	s6 =	simm.s32 $0x108;
	_ =	swait.ge @!p0 [sflag:s8], $0x0  }
0x24: {  	s3 =	sadd.s32 $0x88, s3;
	s6 =	simm.s32 @!p1 $0x1082;
	[sflag:s4] =	ssyncset.s32 $0xFFFFF086  }
0x25: {  	[simem:s6], [sflag:s4] =	dma.local [hbm:s3], $0xF7A  }
0x26: {  	[smem:$0x3F9B] =	sst s1;
	(tag) =	ssettag s2;
	_ =	strace s9  }
0x27: {  	s1 =	sld [smem:$0x3FAB]  }
0x28: {  	s2 =	sld [smem:$0x3FAC]  }
0x29: {  	s4 =	sld [smem:$0x3FAE]  }
0x2a: {  	p0 =	seq.s32 s5, $0x0;
	s5 =	sld [smem:$0x3FAF]  }
0x2b: {  	s6 =	sld [smem:$0x3FB0]  }
0x2c: {  	s7 =	sld [smem:$0x3FB1]  }
0x2d: {  	s3 =	simm.s32 $0x108;
	s8 =	sld [smem:$0x3FB2]  }
0x2e: {  	s3 =	simm.s32 @!p0 $0x1082;
	s9 =	sld [smem:$0x3FB3]  }
0x2f: {  	lr =	sadd.s32 s0, s3;
	s0 =	sld [smem:$0x3FAA]  }
0x30: {  	s3 =	sld [smem:$0x3FAD]  }
0x31: {  	[smem:$0x3FB6] =	sst s10  }
0x32: {  	s10 =	sld [smem:$0x3FB4];
	_ =	sdelay $0x3  }
0x33: {  	p0 =	seq.s32 s10, $0x1;
	s10 =	sld [smem:$0x3FB6];
	_ =	sdelay $0x3  }
0x34: {  	[smem:$0x3FB6] =	sst s10  }
0x35: {  	s10 =	sld [smem:$0x3FB5];
	_ =	sdelay $0x3  }
0x36: {  	p1 =	seq.s32 s10, $0x1;
	s10 =	sld [smem:$0x3FB6];
	_ =	sdelay $0x3  }
0x37: {  	[smem:$0x3FB6] =	sst s10  }
0x38: {  	s10 =	sld [smem:$0x3FB7]  }
0x39: {  	_ = 	snop;
	(pc) =	sbr.ind lr, $3  }
0x3a: {  	_ = 	snop  }
0x3b: {  	_ = 	snop  }
0x3c: {  	p2 =	seq.s32 s10, $0x1;
	s10 =	sld [smem:$0x3FB6]  }
0x3d: {  	_ =	shalt  }
0x3e: {  	_ =	shalt  }
0x3f: {  	_ =	shalt  }
0x40: {  	_ =	shalt  }
0x41: {  	_ =	shalt  }
0x42: {  	_ =	shalt  }
0x43: {  	_ =	shalt  }
0x44: {  	_ =	shalt  }
0x45: {  	_ =	shalt  }
0x46: {  	_ =	shalt  }
0x47: {  	_ =	shalt  }
0x48: {  	_ =	shalt  }
0x49: {  	_ =	shalt  }
0x4a: {  	_ =	shalt  }
0x4b: {  	_ =	shalt  }
0x4c: {  	_ =	shalt  }
0x4d: {  	_ =	shalt  }
0x4e: {  	_ =	shalt  }
0x4f: {  	_ =	shalt  }
0x50: {  	_ =	shalt  }
0x51: {  	_ =	shalt  }
0x52: {  	_ =	shalt  }
0x53: {  	_ =	shalt  }
0x54: {  	_ =	shalt  }
0x55: {  	_ =	shalt  }
0x56: {  	_ =	shalt  }
0x57: {  	_ =	shalt  }
0x58: {  	_ =	shalt  }
0x59: {  	_ =	shalt  }
0x5a: {  	_ =	shalt  }
0x5b: {  	_ =	shalt  }
0x5c: {  	_ =	shalt  }
0x5d: {  	_ =	shalt  }
0x5e: {  	_ =	shalt  }
0x5f: {  	_ =	shalt  }
0x60: {  	_ =	shalt  }
0x61: {  	_ =	shalt  }
0x62: {  	_ =	shalt  }
0x63: {  	_ =	shalt  }
0x64: {  	_ =	shalt  }
0x65: {  	_ =	shalt  }
0x66: {  	_ =	shalt  }
0x67: {  	_ =	shalt  }
0x68: {  	_ =	shalt  }
0x69: {  	_ =	shalt  }
0x6a: {  	_ =	shalt  }
0x6b: {  	_ =	shalt  }
0x6c: {  	_ =	shalt  }
0x6d: {  	_ =	shalt  }
0x6e: {  	_ =	shalt  }
0x6f: {  	_ =	shalt  }
0x70: {  	_ =	shalt  }
0x71: {  	_ =	shalt  }
0x72: {  	_ =	shalt  }
0x73: {  	_ =	shalt  }
0x74: {  	_ =	shalt  }
0x75: {  	_ =	shalt  }
0x76: {  	_ =	shalt  }
0x77: {  	_ =	shalt  }
0x78: {  	_ =	shalt  }
0x79: {  	_ =	shalt  }
0x7a: {  	_ =	shalt  }
0x7b: {  	_ =	shalt  }
0x7c: {  	_ =	shalt  }
0x7d: {  	_ =	shalt  }
0x7e: {  	_ =	shalt  }
0x7f: {  	_ =	shalt  }
0x80: {  	_ =	shalt  }
0x81: {  	_ =	shalt  }
0x82: {  	_ =	shalt  }
0x83: {  	_ =	shalt  }
0x84: {  	_ =	shalt  }
0x85: {  	_ =	shalt  }
0x86: {  	_ =	shalt  }
0x87: {  	_ =	shalt  }
.Lfunc_end0:
.L_simem_size_0:
called_computation_lowered:
.L_overlay_start_0:
0x88: {  	s2 =	sld [smem:$0x3FD9]  }
0x89: {  	s3 =	sld [smem:$0x3FFE];
	_ =	sdelay $0x1  }
0x8a: {  	s1 =	srdreg.scid  }
0x8b: {  	s0 =	sand.u32 $0x1, s1  }
0x8c: {  	s16 =	sshll.u32 s0, $0xA;
	s2 =	sadd.s32 s3, s2  }
0x8d: {  	s2 =	sadd.s32 s2, s16  }
0x8e: {  	[smem:$0x3FC2] =	sst s2  }
0x8f: {  	_ = 	snop  }
0x90: {  	(tm) =	ssettm $0x1  }
0x91: {  	s17 =	sld [smem:$0x3FFB];
	_ =	sdelay $0x3  }
0x92: {  	_ =	strace s17  }
0x93: {  	s2 =	sld [smem:$0x3FFC];
	_ =	sdelay $0x3  }
0x94: {  	_ =	strace s2  }
0x95: {  	s2 =	sld [smem:$0x3FFD];
	_ =	sdelay $0x3  }
0x96: {  	_ =	strace s2  }
0x97: {  	_ =	strace $0x8FFFFFFF  }
0x98: {  	s18 =	sld [smem:$0x3FDB];
	_ =	sdelay $0x1  }
0x99: {  	s19 =	simm.s32 $_scs_section_size  }
0x9a: {  	s4 =	simm.s32 $_size__tile_overlayer_lowered;
	s5 =	simm.s32 $_tile_overlayer_lowered  }
0x9b: {  	s22 =	simm.s32 $0x1BFF;
	s21 =	sshll.u32 s5, $0x1;
	s2 =	sadd.s32 s19, s18  }
0x9c: {  	s6 =	simm.s32 $0x0;
	s20 =	sshll.u32 s4, $0x1;
	s4 =	sadd.s32 s21, s2  }
0x9d: {  	[timem:s6], [sflag:s22] =	dma.local [hbm:s4], s20  }
0x9e: {  	_ =	swait.ge [sflag:s22], s20  }
0x9f: {  	s3 =	ssub.s32 $0x0, s20;
	[sflag:s22] =	ssyncset.done $0x0  }
0xa0: {  	[sflag:s22] =	ssyncadd.s32 s3;
	_ =	sdelay $0x1  }
0xa1: {  	s23 =	simm.s32 $0x1B8B  }
0xa2: {  	_ =	swait.ge [sflag:s23], $0x1  }
0xa3: {  	[sflag:s23] =	ssyncset.done $0x0  }
0xa4: {  	s25 =	simm.s32 $0x1B8E;
	s24 =	sld [smem:$0x3FFE];
	[sflag:s23] =	ssyncadd.s32 $0xFFFFFFFF  }
0xa5: {  	s26 =	simm.s32 $execute0_lowered;
	[smem:$0x3FD2] =	sst s25  }
0xa6: {  	s4 =	sshll.u32 s26, $0x1;
	_ =	strace $0x80000046;
	[dreg:$0x1] =	wrdreg $0xFFFFFFFF  }
0xa7: {  	s28 =	simm.s32 $_size_execute0_lowered;
	s2 =	sadd.s32 s2, s4;
	[dreg:$0x0] =	wrdreg $0x0  }
0xa8: {  	s4 =	sshll.u32 s28, $0x1;
	[dreg:$0x2] =	wrdreg s2  }
0xa9: {  	[dreg:$0x3] =	wrdreg s4  }
0xaa: {  	[dreg:$0x4] =	wrdreg $0xC0  }
0xab: {  	_ =	task [dreg:s6], $0x5FFFF  }
0xac: {  	[dreg:$0x1] =	wrdreg $0xFFFFFFFF  }
0xad: {  	[dreg:$0x0] =	wrdreg $0x60  }
0xae: {  	[dreg:$0x2] =	wrdreg s24  }
0xaf: {  	[dreg:$0x3] =	wrdreg $0x42000  }
0xb0: {  	[dreg:$0x4] =	wrdreg $0x9  }
0xb1: {  	_ =	task.clear_ibuf [dreg:s6], $0x5FFFF;
	_ =	strace $0x90000046  }
0xb2: {  	s29 =	simm.s32 $0x9;
	_ =	strace $0x80000048  }
0xb3: {  	_ =	swait.ge [sflag:s29], $0x1  }
0xb4: {  	[sflag:s29] =	ssyncadd.s32 $0xFFFFFFFF  }
0xb5: {  	_ =	strace $0x90000048  }
0xb6: {  	_ =	sfence  }
0xb7: {  	s30 =	sld [smem:$0x0];
	_ =	sdelay $0x2  }
0xb8: {  	s31 =	sshll.u32 s1, $0xD;
	s1 =	sshrl.u32 s1, $0x2  }
0xb9: {  	s3 =	sand.u32 $0x4000, s31;
	s1 =	sadd.s32 s1, s30  }
0xba: {  	s0 =	sor.u32 s3, s0;
	s1 =	sshll.u32 s1, $0x11  }
0xbb: {  	s0 =	sor.u32 s1, s0  }
0xbc: {  	s0 =	sadd.s32 $0x8F2B, s0  }
0xbd: {  	[sflag:s0] =	ssyncadd.remote.s32 $0x1  }
0xbe: {  	_ =	sfence.sel $0xFFFF  }
0xbf: {  	[dreg:$0x0] =	wrdreg $0xFFFFFFFF;
	(pc) =	sbr.abs _section_cstart, $3  }
0xc0: {  	[dreg:$0x1] =	wrdreg $0xFFFFFFFF  }
0xc1: {  	_ =	task.clear_ibuf [dreg:s6], $0x2FFFF;
	_ =	strace $0x9FFFFFFF  }
0xc2: {  	(tm) =	ssettm $0x7FFFFFFF  }
0xc3: {  	_ =	shalt  }
tec
execute0_lowered:
.L_overlay_start_1:
0x0: {  	(tag) =	ssettag $0x1  }
0x1: {  	s4 =	rddreg [dreg:$0x0]  }
0x2: {  	s0 =	srdreg.scid;
	s2 =	rddreg [dreg:$0x1]  }
0x3: {  	s3 =	simm.s32 $0x0;
	s17 =	simm.s32 $0x80;
	s18 =	simm.s32 $0x3000  }
0x4: {  	s19 =	simm.s32 $0x1;
	s5 =	sand.u32 $0x1, s0;
	s0 =	stileid.u32  }
0x5: {  	[smem:$0x7FF] =	sst s3;
	s13 =	sadd.s32 $0xDA00, s4;
	s1 =	sshll.u32 s5, $0x4  }
0x6: {  	s7 =	ssub.s32 $0x2, s5;
	s31 =	smul.u32 $0x2800, s0;
	p0 =	seq.s32 s5, $0x0  }
0x7: {  	s11 =	smul.u32 $0x28000, s5;
	s6 =	sor.u32 s0, s1;
	s1 =	rddreg [dreg:$0x2]  }
0x8: {  	_ =	strace $0x80000047;
	s8 =	sshrl.u32 s7, $0x1;
	s6 =	smul.u32 $0x600, s6  }
0x9: {  	s14 =	ssub.s32 s7, s8;
	s5 =	sadd.s32 s31, s2;
	s12 =	sadd.s32 $0xA00, s31  }
0xa: {  	s15 =	sadd.s32 $0x1400, s31;
	s9 =	sadd.s32 s31, s11;
	s16 =	sadd.s32 $0x1E00, s31  }
0xb: {  	s8 =	simm.s32 $0x8000;
	s7 =	sadd.s32 s15, s2;
	s10 =	sshrl.u32 s9, $0x3  }
0xc: {  	s9 =	sadd.s32 s16, s2;
	s8 =	simm.s32 @!p0 $0xC000;
	s15 =	sadd.s32 s11, s15  }
0xd: {  	s14 =	smax.u32 s14, $0x1;
	s6 =	sadd.s32 s6, s4;
	s10 =	sadd.s32 s13, s10  }
0xe: {  	s4 =	sadd.s32 $0x1A00, s6;
	s6 =	sadd.s32 s12, s2;
	s12 =	sadd.s32 s11, s12  }
0xf: {  	s15 =	sshrl.u32 s15, $0x3;
	s11 =	sadd.s32 s11, s16;
	s12 =	sshrl.u32 s12, $0x3  }
0x10: {  	s16 =	sshrl.u32 s11, $0x3;
	s11 =	sadd.s32 s13, s12;
	s12 =	sadd.s32 s13, s15  }
0x11: {  	v0 =	vimm.f32 $1.000000000e+00;
	v1 =	vimm.f32 $0.0e+00;
	s13 =	sadd.s32 s13, s16;
	s15 =	simm.s32 $0x2;
	s16 =	simm.s32 $0x3800  }
.LBB2_1:
0x12: {  	s20 =	simm.s32 $0x0  }
.LBB2_2:
0x13: {  	p0 =	sne.s32 s20, $0x1FC0  }
.Ltmp0:
0x14: {  	_ = 	snop;
	(pc) =	sbr.rel @p0 .LBB2_2-.Ltmp0, $3  }
0x15: {  	_ =	sdelay $0x1  }
0x16: {  	s21 =	sshra.s32 s20, $0x2  }
0x17: {  	s20 =	sadd.s32 $0x40, s20;
	[tilespmem:s21+$0x3000] =	vst v0  }
0x18: {  	s20 =	simm.s32 $0x40;
	s21 =	simm.s32 $0x0  }
.LBB2_4:
0x19: {  	p0 =	sne.s32 s20, $0x27C0;
	[tilespmem:s21+$0x3800] =	vst v1;
	s21 =	smov.u32 s20;
	s20 =	sadd.s32 $0x40, s20  }
.Ltmp1:
0x1a: {  	(pc) =	sbr.rel @p0 .LBB2_4-.Ltmp1, $2  }
0x1b: {  	_ =	sdelay $0x2  }
0x1c: {  	s21 =	sshra.s32 s21, $0x2  }
0x1d: {  	[tilespmem:s21+$0x3800] =	vst v1;
	s21 =	simm.s32 $0x0  }
0x1e: {  	[tilespmem:s21], [sflag:$0x2] =	stream.linear.gather [hbm4b:s4+s21], $0x3000, $0x38;
	[tilespmem:$0x6A00] =	vst v63  }
0x1f: {  	_ =	swait.ge [sflag:s15], $0x3000  }
0x20: {  	[sflag:s15] =	ssyncset.done $0x0  }
0x21: {  	[sflag:s15] =	ssyncadd.s32 $0xFFFFD000  }
0x22: {  	[spmem:s5] =	stream.linear.scatter [tilespmem:s16], [sflag:$0x2], $0xA00, $0x38;
	[tilespmem:$0x6A00] =	vst v63  }
0x23: {  	_ =	swait.ge [sflag:s15], $0xA00  }
0x24: {  	[sflag:s15] =	ssyncset.done $0x0  }
0x25: {  	[sflag:s15] =	ssyncadd.s32 $0xFFFFF600  }
0x26: {  	[spmem:s6] =	stream.linear.scatter [tilespmem:s16], [sflag:$0x2], $0xA00, $0x38;
	[tilespmem:$0x6A00] =	vst v63  }
0x27: {  	_ =	swait.ge [sflag:s15], $0xA00  }
0x28: {  	[sflag:s15] =	ssyncset.done $0x0  }
0x29: {  	[sflag:s15] =	ssyncadd.s32 $0xFFFFF600  }
0x2a: {  	[spmem:s7] =	stream.linear.scatter [tilespmem:s16], [sflag:$0x2], $0xA00, $0x38;
	[tilespmem:$0x6A00] =	vst v63  }
0x2b: {  	_ =	swait.ge [sflag:s15], $0xA00  }
0x2c: {  	[sflag:s15] =	ssyncset.done $0x0  }
0x2d: {  	p1 =	sne.s32 s8, $0x1000;
	[sflag:s15] =	ssyncadd.s32 $0xFFFFF600  }
0x2e: {  	[spmem:s9] =	stream.linear.scatter [tilespmem:s16], [sflag:$0x2], $0xA00, $0x38;
	[tilespmem:$0x6A00] =	vst v63  }
.Ltmp2:
0x2f: {  	_ =	swait.ge [sflag:s15], $0xA00;
	(pc) =	sbr.rel @!p1 .LBB2_10-.Ltmp2, $4  }
0x30: {  	[sflag:s15] =	ssyncset.done $0x0  }
0x31: {  	[sflag:s15] =	ssyncadd.s32 $0xFFFFF600  }
0x32: {  	[bflag:$0x0] =	sbarrier.arrive $0xFFFF  }
0x33: {  	s20 =	simm.s32 $0x1000;
	p0 =	por $0x0, $0x0  }
0x34: {  	s21 =	simm.s32 $0x0  }
0x35: {  	[spmem:s2] =	stream.indirect.scatter.add.f32 [tilespmem:s18], [sflag:$0x1], $0x10, s21, s17, $0xb8;
	[tilespmem:$0x6A00] =	vst v63  }
0x36: {  	s24 =	simm.s32 $0x80  }
0x37: {  	[spmem:s2] =	stream.indirect.scatter.add.f32 [tilespmem:s18], [sflag:$0x1], $0x10, s24, s17, $0xb8;
	[tilespmem:$0x6A00] =	vst v63  }
0x38: {  	s25 =	simm.s32 $0x100  }
0x39: {  	[spmem:s2] =	stream.indirect.scatter.add.f32 [tilespmem:s18], [sflag:$0x1], $0x10, s25, s17, $0xb8;
	[tilespmem:$0x6A00] =	vst v63  }
0x3a: {  	s26 =	simm.s32 $0x180  }
0x3b: {  	[spmem:s2] =	stream.indirect.scatter.add.f32 [tilespmem:s18], [sflag:$0x1], $0x10, s26, s17, $0xb8;
	[tilespmem:$0x6A00] =	vst v63  }
0x3c: {  	s28 =	simm.s32 $0x200  }
0x3d: {  	[spmem:s2] =	stream.indirect.scatter.add.f32 [tilespmem:s18], [sflag:$0x1], $0x10, s28, s17, $0xb8;
	[tilespmem:$0x6A00] =	vst v63  }
0x3e: {  	s29 =	simm.s32 $0x280  }
0x3f: {  	[spmem:s2] =	stream.indirect.scatter.add.f32 [tilespmem:s18], [sflag:$0x1], $0x10, s29, s17, $0xb8;
	[tilespmem:$0x6A00] =	vst v63  }
0x40: {  	s30 =	simm.s32 $0x300  }
0x41: {  	[spmem:s2] =	stream.indirect.scatter.add.f32 [tilespmem:s18], [sflag:$0x1], $0x10, s30, s17, $0xb8;
	[tilespmem:$0x6A00] =	vst v63  }
0x42: {  	s31 =	simm.s32 $0x380  }
0x43: {  	[spmem:s2] =	stream.indirect.scatter.add.f32 [tilespmem:s18], [sflag:$0x1], $0x10, s31, s17, $0xb8;
	[tilespmem:$0x6A00] =	vst v63  }
0x44: {  	_ =	swait.ge [sflag:s19], $0x800  }
0x45: {  	[sflag:s19] =	ssyncset.done $0x0  }
0x46: {  	[sflag:s19] =	ssyncadd.s32 $0xFFFFF800  }
0x47: {  	_ =	swait.ge [sflag:s19], $0x800  }
0x48: {  	[sflag:s19] =	ssyncset.done $0x0  }
0x49: {  	[sflag:s19] =	ssyncadd.s32 $0xFFFFF800  }
0x4a: {  	_ =	swait.ge [sflag:s19], $0x800  }
0x4b: {  	[sflag:s19] =	ssyncset.done $0x0  }
0x4c: {  	[sflag:s19] =	ssyncadd.s32 $0xFFFFF800  }
0x4d: {  	_ =	swait.ge [sflag:s19], $0x800  }
0x4e: {  	[sflag:s19] =	ssyncset.done $0x0  }
0x4f: {  	[sflag:s19] =	ssyncadd.s32 $0xFFFFF800  }
0x50: {  	_ =	swait.ge [sflag:s19], $0x800  }
0x51: {  	[sflag:s19] =	ssyncset.done $0x0  }
0x52: {  	[sflag:s19] =	ssyncadd.s32 $0xFFFFF800  }
0x53: {  	_ =	swait.ge [sflag:s19], $0x800  }
0x54: {  	[sflag:s19] =	ssyncset.done $0x0  }
0x55: {  	p1 =	sne.s32 s8, $0x2000;
	[sflag:s19] =	ssyncadd.s32 $0xFFFFF800  }
.Ltmp3:
0x56: {  	_ =	swait.ge [sflag:s19], $0x800;
	(pc) =	sbr.rel @!p1 .LBB2_7-.Ltmp3, $4  }
0x57: {  	[sflag:s19] =	ssyncset.done $0x0  }
0x58: {  	[sflag:s19] =	ssyncadd.s32 $0xFFFFF800  }
0x59: {  	_ =	swait.ge [sflag:s19], $0x800  }
0x5a: {  	p0 =	por $0x1, $0x1;
	s21 =	simm.s32 $0x2000;
	[sflag:s19] =	ssyncset.done $0x0  }
.LBB2_8:
0x5b: {  	s22 =	sshra.s32 s20, $0x2  }
0x5c: {  	[sflag:s19] =	ssyncadd.s32 $0xFFFFF800;
	s20 =	smov.u32 s21;
	s21 =	sadd.s32 $0x1000, s21  }
0x5d: {  	[spmem:s2] =	stream.indirect.scatter.add.f32 [tilespmem:s18], [sflag:$0x1], $0x10, s22, s17, $0xb8;
	[tilespmem:$0x6A00] =	vst v63  }
0x5e: {  	p1 =	sne.s32 s8, s21;
	s23 =	sadd.s32 $0x80, s22  }
0x5f: {  	[spmem:s2] =	stream.indirect.scatter.add.f32 [tilespmem:s18], [sflag:$0x1], $0x10, s23, s17, $0xb8;
	[tilespmem:$0x6A00] =	vst v63  }
0x60: {  	s23 =	sadd.s32 $0x100, s22  }
0x61: {  	[spmem:s2] =	stream.indirect.scatter.add.f32 [tilespmem:s18], [sflag:$0x1], $0x10, s23, s17, $0xb8;
	[tilespmem:$0x6A00] =	vst v63  }
0x62: {  	s23 =	sadd.s32 $0x180, s22  }
0x63: {  	[spmem:s2] =	stream.indirect.scatter.add.f32 [tilespmem:s18], [sflag:$0x1], $0x10, s23, s17, $0xb8;
	[tilespmem:$0x6A00] =	vst v63  }
0x64: {  	s23 =	sadd.s32 $0x200, s22  }
0x65: {  	[spmem:s2] =	stream.indirect.scatter.add.f32 [tilespmem:s18], [sflag:$0x1], $0x10, s23, s17, $0xb8;
	[tilespmem:$0x6A00] =	vst v63  }
0x66: {  	s23 =	sadd.s32 $0x280, s22  }
0x67: {  	[spmem:s2] =	stream.indirect.scatter.add.f32 [tilespmem:s18], [sflag:$0x1], $0x10, s23, s17, $0xb8;
	[tilespmem:$0x6A00] =	vst v63  }
0x68: {  	s23 =	sadd.s32 $0x300, s22  }
0x69: {  	[spmem:s2] =	stream.indirect.scatter.add.f32 [tilespmem:s18], [sflag:$0x1], $0x10, s23, s17, $0xb8;
	[tilespmem:$0x6A00] =	vst v63  }
0x6a: {  	s22 =	sadd.s32 $0x380, s22  }
0x6b: {  	[spmem:s2] =	stream.indirect.scatter.add.f32 [tilespmem:s18], [sflag:$0x1], $0x10, s22, s17, $0xb8;
	[tilespmem:$0x6A00] =	vst v63  }
0x6c: {  	_ =	swait.ge [sflag:s19], $0x800  }
0x6d: {  	[sflag:s19] =	ssyncset.done $0x0  }
0x6e: {  	[sflag:s19] =	ssyncadd.s32 $0xFFFFF800  }
0x6f: {  	_ =	swait.ge [sflag:s19], $0x800  }
0x70: {  	[sflag:s19] =	ssyncset.done $0x0  }
0x71: {  	[sflag:s19] =	ssyncadd.s32 $0xFFFFF800  }
0x72: {  	_ =	swait.ge [sflag:s19], $0x800  }
0x73: {  	[sflag:s19] =	ssyncset.done $0x0  }
0x74: {  	[sflag:s19] =	ssyncadd.s32 $0xFFFFF800  }
0x75: {  	_ =	swait.ge [sflag:s19], $0x800  }
0x76: {  	[sflag:s19] =	ssyncset.done $0x0  }
0x77: {  	[sflag:s19] =	ssyncadd.s32 $0xFFFFF800  }
0x78: {  	_ =	swait.ge [sflag:s19], $0x800  }
0x79: {  	[sflag:s19] =	ssyncset.done $0x0  }
0x7a: {  	[sflag:s19] =	ssyncadd.s32 $0xFFFFF800  }
0x7b: {  	_ =	swait.ge [sflag:s19], $0x800  }
0x7c: {  	[sflag:s19] =	ssyncset.done $0x0  }
0x7d: {  	[sflag:s19] =	ssyncadd.s32 $0xFFFFF800  }
.Ltmp4:
0x7e: {  	_ =	swait.ge [sflag:s19], $0x800;
	(pc) =	sbr.rel @p1 .LBB2_8-.Ltmp4, $4  }
0x7f: {  	[sflag:s19] =	ssyncset.done $0x0  }
0x80: {  	[sflag:s19] =	ssyncadd.s32 $0xFFFFF800  }
0x81: {  	_ =	swait.ge [sflag:s19], $0x800  }
0x82: {  	[sflag:s19] =	ssyncset.done $0x0  }
0x83: {  	s21 =	smov.u32 s20  }
.LBB2_10:
0x84: {  	s20 =	sshra.s32 s21, $0x2;
	[sflag:s19] =	ssyncadd.s32 @p0 $0xFFFFF800  }
0x85: {  	[spmem:s2] =	stream.indirect.scatter.add.f32 [tilespmem:s18], [sflag:$0x1], $0x10, s20, s17, $0xb8;
	[tilespmem:$0x6A00] =	vst v63  }
0x86: {  	s21 =	sadd.s32 $0x80, s20  }
0x87: {  	[spmem:s2] =	stream.indirect.scatter.add.f32 [tilespmem:s18], [sflag:$0x1], $0x10, s21, s17, $0xb8;
	[tilespmem:$0x6A00] =	vst v63  }
0x88: {  	s31 =	sadd.s32 $0x100, s20  }
0x89: {  	[spmem:s2] =	stream.indirect.scatter.add.f32 [tilespmem:s18], [sflag:$0x1], $0x10, s31, s17, $0xb8;
	[tilespmem:$0x6A00] =	vst v63  }
0x8a: {  	s22 =	sadd.s32 $0x180, s20  }
0x8b: {  	[spmem:s2] =	stream.indirect.scatter.add.f32 [tilespmem:s18], [sflag:$0x1], $0x10, s22, s17, $0xb8;
	[tilespmem:$0x6A00] =	vst v63  }
0x8c: {  	s23 =	sadd.s32 $0x200, s20  }
0x8d: {  	[spmem:s2] =	stream.indirect.scatter.add.f32 [tilespmem:s18], [sflag:$0x1], $0x10, s23, s17, $0xb8;
	[tilespmem:$0x6A00] =	vst v63  }
0x8e: {  	s24 =	sadd.s32 $0x280, s20  }
0x8f: {  	[spmem:s2] =	stream.indirect.scatter.add.f32 [tilespmem:s18], [sflag:$0x1], $0x10, s24, s17, $0xb8;
	[tilespmem:$0x6A00] =	vst v63  }
0x90: {  	s25 =	sadd.s32 $0x300, s20  }
0x91: {  	[spmem:s2] =	stream.indirect.scatter.add.f32 [tilespmem:s18], [sflag:$0x1], $0x10, s25, s17, $0xb8;
	[tilespmem:$0x6A00] =	vst v63  }
0x92: {  	s20 =	sadd.s32 $0x380, s20  }
0x93: {  	[spmem:s2] =	stream.indirect.scatter.add.f32 [tilespmem:s18], [sflag:$0x1], $0x10, s20, s17, $0xb8;
	[tilespmem:$0x6A00] =	vst v63  }
0x94: {  	_ =	swait.ge [sflag:s19], $0x800  }
0x95: {  	[sflag:s19] =	ssyncset.done $0x0  }
0x96: {  	[sflag:s19] =	ssyncadd.s32 $0xFFFFF800  }
0x97: {  	_ =	swait.ge [sflag:s19], $0x800  }
0x98: {  	[sflag:s19] =	ssyncset.done $0x0  }
0x99: {  	[sflag:s19] =	ssyncadd.s32 $0xFFFFF800  }
0x9a: {  	_ =	swait.ge [sflag:s19], $0x800  }
0x9b: {  	[sflag:s19] =	ssyncset.done $0x0  }
0x9c: {  	[sflag:s19] =	ssyncadd.s32 $0xFFFFF800  }
0x9d: {  	_ =	swait.ge [sflag:s19], $0x800  }
0x9e: {  	[sflag:s19] =	ssyncset.done $0x0  }
0x9f: {  	[sflag:s19] =	ssyncadd.s32 $0xFFFFF800  }
0xa0: {  	_ =	swait.ge [sflag:s19], $0x800  }
0xa1: {  	[sflag:s19] =	ssyncset.done $0x0  }
0xa2: {  	[sflag:s19] =	ssyncadd.s32 $0xFFFFF800  }
0xa3: {  	_ =	swait.ge [sflag:s19], $0x800  }
0xa4: {  	[sflag:s19] =	ssyncset.done $0x0  }
0xa5: {  	[sflag:s19] =	ssyncadd.s32 $0xFFFFF800  }
0xa6: {  	_ =	swait.ge [sflag:s19], $0x800  }
0xa7: {  	[sflag:s19] =	ssyncset.done $0x0  }
0xa8: {  	[sflag:s19] =	ssyncadd.s32 $0xFFFFF800  }
0xa9: {  	_ =	swait.ge [sflag:s19], $0x800  }
0xaa: {  	[sflag:s19] =	ssyncset.done $0x0  }
0xab: {  	s26 =	sshll.u32 s0, $0x6;
	[sflag:s19] =	ssyncadd.s32 $0xFFFFF800  }
0xac: {  	s28 =	sshrl.u32 s5, $0x3;
	s20 =	sor.u32 $0x1C02, s26;
	[bflag:$0x0] =	sbarrier.arrive $0xFFFF  }
0xad: {  	[hbm:s10], [sflag:s20] =	dma.local [spmem:s28], $0x140  }
0xae: {  	_ =	swait.ge [sflag:s15], $0x140  }
0xaf: {  	[sflag:s15] =	ssyncset.done $0x0  }
0xb0: {  	s29 =	sshrl.u32 s6, $0x3;
	[sflag:s15] =	ssyncadd.s32 $0xFFFFFEC0  }
0xb1: {  	[hbm:s11], [sflag:s20] =	dma.local [spmem:s29], $0x140  }
0xb2: {  	_ =	swait.ge [sflag:s15], $0x140  }
0xb3: {  	[sflag:s15] =	ssyncset.done $0x0  }
0xb4: {  	s30 =	sshrl.u32 s7, $0x3;
	[sflag:s15] =	ssyncadd.s32 $0xFFFFFEC0  }
0xb5: {  	[hbm:s12], [sflag:s20] =	dma.local [spmem:s30], $0x140  }
0xb6: {  	_ =	swait.ge [sflag:s15], $0x140  }
0xb7: {  	s3 =	sadd.s32 $0x1, s3;
	[sflag:s15] =	ssyncset.done $0x0  }
0xb8: {  	p0 =	sne.s32 s3, s14;
	s31 =	sshrl.u32 s9, $0x3;
	[sflag:s15] =	ssyncadd.s32 $0xFFFFFEC0  }
0xb9: {  	[hbm:s13], [sflag:s20] =	dma.local [spmem:s31], $0x140  }
.Ltmp5:
0xba: {  	_ = 	snop;
	(pc) =	sbr.rel @p0 .LBB2_1-.Ltmp5, $4  }
.Ltmp6:
0xbb: {  	_ = 	snop;
	(pc) =	sbr.rel @!p0 .LBB2_11-.Ltmp6, $4  }
0xbc: {  	_ =	swait.ge [sflag:s15], $0x140  }
0xbd: {  	[sflag:s15] =	ssyncset.done $0x0  }
0xbe: {  	[sflag:s15] =	ssyncadd.s32 $0xFFFFFEC0  }
0xbf: {  	_ = 	snop  }
.LBB2_7:
.Ltmp7:
0xc0: {  	(pc) =	sbr.rel .LBB2_10-.Ltmp7, $2  }
0xc1: {  	_ =	sdelay $0x2  }
0xc2: {  	s21 =	simm.s32 $0x1000  }
.LBB2_11:
0xc3: {  	_ =	sfence.sel $0x180000  }
0xc4: {  	[bflag:$0x0] =	sbarrier.arrive $0xFFFF  }
0xc5: {  	p0 =	sne.s32 s0, $0x0;
	_ =	strace $0x90000047  }
0xc6: {  	s0 =	sadd.s32 @!p0 $0x100000, s1;
	[bflag:$0x2] =	sbarrier.arrive $0xFFFF  }
0xc7: {  	[sflag:s0] =	ssyncadd.tile.s32 @!p0 $0x1;
	_ =	shalt  }
.Lfunc_end2:
_tile_overlayer_lowered:
.L_overlay_start_2:
0xc8: {  	(tag) =	ssettag $0x2  }
0xc9: {  	s0 =	rddreg [dreg:$0x0];
	s2 =	stileid.u32  }
0xca: {  	s1 =	rddreg [dreg:$0x1];
	p0 =	sne.s32 s2, $0x0  }
0xcb: {  	s3 =	rddreg [dreg:$0x2];
	[bflag:$0x3] =	sbarrier.arrive $0xFFFF;
	s2 =	simm.s32 @!p0 $0x1C02  }
0xcc: {  	[timem:s3], [sflag:s2] =	dma.local @!p0 [hbm:s0], s1  }
0xcd: {  	s0 =	simm.s32 @!p0 $0x2  }
0xce: {  	_ =	swait.ge @!p0 [sflag:s0], s1  }
0xcf: {  	s1 =	ssub.s32 @!p0 $0x0, s1;
	[sflag:s0] =	ssyncset.done @!p0 $0x0  }
0xd0: {  	[sflag:s0] =	ssyncadd.s32 @!p0 s1  }
0xd1: {  	[bflag:$0x3] =	sbarrier.arrive $0xFFFF  }
0xd2: {  	_ =	shalt  }

</sc_bundles>
